<compile_context>
chip_gen: v7x
topology: tpu7x:2x2x1
jax: 0.10.2.dev20260603
libtpu: 0.0.44.dev20260713+nightly
codegen_flags: <defaults>
</compile_context>

<pallas_src>
import functools

import jax
import jax.numpy as jnp
from jax import lax
from jax.experimental import pallas as pl
from jax.experimental.pallas import tpu as pltpu
from jax.experimental.pallas import tpu_sc as plsc

_N = 10000
_D_IN = 128
_DH = 64
_N_PAD = 10240
_STRIPE = _N_PAD // 16
_HSH = 10016
_NW = 32
_CL = 128
_CH = 80
_CHA = 88
_CHB = 72
_EP = _NW * _CH * _CL
_EA = 16 * _CHA * _CL
_BLK = 1024
_GRID = _N_PAD // _BLK
_NBUF = 4

_mesh = plsc.VectorSubcoreMesh(core_axis_name="c", subcore_axis_name="s")



@functools.partial(
    pl.kernel,
    out_type=jax.ShapeDtypeStruct((2, _N_PAD, 16), jnp.float32),
    mesh=_mesh,
    scratch_types=[
        pltpu.VMEM((_CH, _CL), jnp.int32),
        pltpu.VMEM((_CL, 16), jnp.float32),
        pltpu.VMEM_SHARED((_N_PAD, 16), jnp.float32),
    ],
    compiler_params=pltpu.CompilerParams(use_tc_tiling_on_sc=False),
)
def _sc_degree(dst3, ones_h, zeros16, out, dst_idx, ones_v, deg_sh):
    c = lax.axis_index("c")
    s = lax.axis_index("s")
    wid = c * 16 + s
    pltpu.sync_copy(dst3.at[wid], dst_idx)
    pltpu.sync_copy(ones_h, ones_v)
    r0 = s * _STRIPE
    pltpu.sync_copy(zeros16.at[pl.ds(r0, _STRIPE)], deg_sh.at[pl.ds(r0, _STRIPE)])
    plsc.subcore_barrier()

    def body(j, carry):
        pltpu.sync_copy(ones_v, deg_sh.at[dst_idx.at[j]], add=True)
        return carry

    lax.fori_loop(0, _CH, body, 0)
    plsc.subcore_barrier()
    pltpu.sync_copy(deg_sh.at[pl.ds(r0, _STRIPE)], out.at[c, pl.ds(r0, _STRIPE)])


@functools.partial(
    pl.kernel,
    out_type=jax.ShapeDtypeStruct((2, _N_PAD, _DH), jnp.float32),
    mesh=_mesh,
    scratch_types=[
        pltpu.VMEM((2 * _NBUF, _CL), jnp.int32),
        pltpu.VMEM((2 * _NBUF, _CL), jnp.int32),
        pltpu.VMEM((_NBUF, _CL, _DH), jnp.float32),
        pltpu.VMEM_SHARED((_N_PAD, _DH), jnp.float32),
        pltpu.VMEM_SHARED((_HSH, _DH), jnp.float32),
        pltpu.SemaphoreType.DMA((_NBUF,)),
        pltpu.SemaphoreType.DMA((_NBUF,)),
        pltpu.SemaphoreType.DMA((2,)),
    ],
    compiler_params=pltpu.CompilerParams(use_tc_tiling_on_sc=False),
)
def _sc_segment_sum(srcA, dstA, srcB, dstB, hp, zeros64, out, src_ib, dst_ib,
                    rows, acc_sh, hp_sh, gsem, ssem, isem):
    c = lax.axis_index("c")
    s = lax.axis_index("s")
    h0 = s * (_HSH // 16)
    pltpu.sync_copy(hp.at[pl.ds(h0, _HSH // 16)], hp_sh.at[pl.ds(h0, _HSH // 16)])
    r0 = s * _STRIPE
    pltpu.sync_copy(zeros64.at[pl.ds(r0, _STRIPE)],
                    acc_sh.at[pl.ds(r0, _STRIPE)])
    plsc.subcore_barrier()

    def _run_chunks(src3, dst3, ch):
        nb = ch // _NBUF

        def _idx_copies(i, h):
            return (
                pltpu.make_async_copy(src3.at[s, pl.ds(i * _NBUF, _NBUF)],
                                      src_ib.at[pl.ds(h * _NBUF, _NBUF)],
                                      isem.at[0]),
                pltpu.make_async_copy(dst3.at[s, pl.ds(i * _NBUF, _NBUF)],
                                      dst_ib.at[pl.ds(h * _NBUF, _NBUF)],
                                      isem.at[1]),
            )

        def _istart(i, h):
            for cp in _idx_copies(i, h):
                cp.start()

        def _iwait(i, h):
            for cp in _idx_copies(i, h):
                cp.wait()

        def _gather(b, idx_row):
            return pltpu.async_copy(hp_sh.at[src_ib.at[idx_row]], rows.at[b],
                                    gsem.at[b])

        _istart(0, 0)
        _iwait(0, 0)
        for b in range(_NBUF):
            _gather(b, b)
        _istart(1, 1)

        def body(i, carry):
            p = lax.rem(i, 2)
            q = lax.rem(i + 1, 2)
            scat = []
            for b in range(_NBUF):
                pltpu.make_async_copy(hp_sh.at[src_ib.at[p * _NBUF + b]],
                                      rows.at[b], gsem.at[b]).wait()
                scat.append(pltpu.async_copy(
                    rows.at[b], acc_sh.at[dst_ib.at[p * _NBUF + b]],
                    ssem.at[b], add=True))

            for b in range(_NBUF):
                scat[b].wait()

            @pl.when(i < nb - 1)
            def _():
                _iwait(i + 1, q)
                for b in range(_NBUF):
                    _gather(b, q * _NBUF + b)

                @pl.when(i < nb - 2)
                def _():
                    _istart(i + 2, p)

            return carry

        lax.fori_loop(0, nb, body, 0)

    @pl.when(c == 0)
    def _():
        _run_chunks(srcA, dstA, _CHA)

    @pl.when(c == 1)
    def _():
        _run_chunks(srcB, dstB, _CHB)

    plsc.subcore_barrier()
    pltpu.sync_copy(acc_sh.at[pl.ds(r0, _STRIPE)], out.at[c, pl.ds(r0, _STRIPE)])



def _dinv_of(deg_ref):
    deg = deg_ref[0, :, 0:1] + deg_ref[1, :, 0:1] + 1.0
    return lax.rsqrt(deg)


def _tc_mm_body(x_ref, w1_ref, o_ref):
    o_ref[...] = jnp.dot(x_ref[...], w1_ref[...],
                         preferred_element_type=jnp.float32)


def _tc_scale_body(xw_ref, deg_ref, o_ref):
    o_ref[...] = xw_ref[...] * _dinv_of(deg_ref)


def _tc2_body(acc_ref, hp_ref, deg_ref, b_ref, w_ref, o_ref):
    dinv = _dinv_of(deg_ref)
    ssum = acc_ref[0] + acc_ref[1] + hp_ref[...]
    h = jnp.maximum(ssum * dinv + b_ref[...], 0.0)
    o_ref[...] = jnp.dot(h, w_ref[...],
                         preferred_element_type=jnp.float32) * dinv


def _tc3_body(acc_ref, hp_ref, deg_ref, b2_ref, wc1_ref, bc1_ref, wc2_ref,
              bc2_ref, o_ref):
    dinv = _dinv_of(deg_ref)
    ssum = acc_ref[0] + acc_ref[1] + hp_ref[...]
    h2 = jnp.maximum(ssum * dinv + b2_ref[...], 0.0)
    t = jnp.maximum(jnp.dot(h2, wc1_ref[...],
                            preferred_element_type=jnp.float32) + bc1_ref[...],
                    0.0)
    o_ref[...] = jnp.sum(t * wc2_ref[...], axis=1, keepdims=True) + bc2_ref[...]


_deg_spec = pl.BlockSpec((2, _BLK, 16), lambda i: (0, i, 0))
_acc_spec = pl.BlockSpec((2, _BLK, _DH), lambda i: (0, i, 0))
_row_spec = pl.BlockSpec((_BLK, _DH), lambda i: (i, 0))

_tc_mm = pl.pallas_call(
    _tc_mm_body,
    grid=(_GRID,),
    in_specs=[
        pl.BlockSpec((_BLK, _D_IN), lambda i: (i, 0)),
        pl.BlockSpec((_D_IN, _DH), lambda i: (0, 0)),
    ],
    out_specs=_row_spec,
    out_shape=jax.ShapeDtypeStruct((_N_PAD, _DH), jnp.float32),
)

_tc_scale = pl.pallas_call(
    _tc_scale_body,
    grid=(_GRID,),
    in_specs=[
        _row_spec,
        _deg_spec,
    ],
    out_specs=_row_spec,
    out_shape=jax.ShapeDtypeStruct((_N_PAD, _DH), jnp.float32),
)

_tc2 = pl.pallas_call(
    _tc2_body,
    grid=(_GRID,),
    in_specs=[
        _acc_spec,
        _row_spec,
        _deg_spec,
        pl.BlockSpec((1, _DH), lambda i: (0, 0)),
        pl.BlockSpec((_DH, _DH), lambda i: (0, 0)),
    ],
    out_specs=_row_spec,
    out_shape=jax.ShapeDtypeStruct((_N_PAD, _DH), jnp.float32),
)

_tc3 = pl.pallas_call(
    _tc3_body,
    grid=(_GRID,),
    in_specs=[
        _acc_spec,
        _row_spec,
        _deg_spec,
        pl.BlockSpec((1, _DH), lambda i: (0, 0)),
        pl.BlockSpec((_DH, _DH // 2), lambda i: (0, 0)),
        pl.BlockSpec((1, _DH // 2), lambda i: (0, 0)),
        pl.BlockSpec((1, _DH // 2), lambda i: (0, 0)),
        pl.BlockSpec((1, 1), lambda i: (0, 0)),
    ],
    out_specs=pl.BlockSpec((_BLK, 1), lambda i: (i, 0)),
    out_shape=jax.ShapeDtypeStruct((_N_PAD, 1), jnp.float32),
)


def kernel(x, edge_index, W1, b1, W2, b2, Wc1, bc1, Wc2, bc2):
    n = x.shape[0]
    src = edge_index[0]
    dst = edge_index[1]
    pad_e = _EP - src.shape[0]
    src_p = jnp.concatenate([src, jnp.zeros((pad_e,), jnp.int32)])
    dst_p = jnp.concatenate([dst, jnp.full((pad_e,), n, jnp.int32)])
    dst3 = dst_p.reshape(_NW, _CH, _CL)
    ones16 = jnp.ones((_CL, 16), jnp.float32)
    zeros16 = jnp.zeros((_N_PAD, 16), jnp.float32)
    zeros64 = jnp.zeros((_N_PAD, _DH), jnp.float32)

    srcA = src_p[:_EA].reshape(16, _CHA, _CL)
    dstA = dst_p[:_EA].reshape(16, _CHA, _CL)
    srcB = src_p[_EA:].reshape(16, _CHB, _CL)
    dstB = dst_p[_EA:].reshape(16, _CHB, _CL)

    deg2 = _sc_degree(dst3, ones16, zeros16)
    xw1 = _tc_mm(x, W1)
    h1p = _tc_scale(xw1, deg2)
    acc1 = _sc_segment_sum(srcA, dstA, srcB, dstB, h1p, zeros64)
    h2p = _tc2(acc1, h1p, deg2, b1.reshape(1, _DH), W2)
    acc2 = _sc_segment_sum(srcA, dstA, srcB, dstB, h2p, zeros64)
    outp = _tc3(acc2, h2p, deg2, b2.reshape(1, _DH), Wc1,
                bc1.reshape(1, _DH // 2), Wc2.reshape(1, _DH // 2),
                bc2.reshape(1, 1))
    return outp[:n]

# --- scband reference (transcript-rebuilt; emitter-appended) ---
"""Pipeline reference for scband-circuit-gnn-59596966199647 (READ-ONLY COPY).

The authoritative reference and input builder live on the scoring server;
editing this copy changes nothing except your own understanding.
"""

import jax, jax.numpy as jnp
import numpy as np

N = 10000
E = 320000
D_IN = 128
D_H = 64


def setup_inputs(seed: int = 0) -> dict:
    key = jax.random.key(seed)
    ks = jax.random.split(key, 12)
    x = jax.random.normal(ks[0], (N, D_IN), dtype=jnp.float32)
    edge_index = jax.random.randint(ks[1], (2, E), 0, N, dtype=jnp.int32)
    W1 = jax.random.normal(ks[2], (D_IN, D_H), dtype=jnp.float32) * (1.0 / np.sqrt(D_IN))
    b1 = jnp.zeros((D_H,), dtype=jnp.float32)
    W2 = jax.random.normal(ks[3], (D_H, D_H), dtype=jnp.float32) * (1.0 / np.sqrt(D_H))
    b2 = jnp.zeros((D_H,), dtype=jnp.float32)
    Wc1 = jax.random.normal(ks[4], (D_H, D_H // 2), dtype=jnp.float32) * (1.0 / np.sqrt(D_H))
    bc1 = jnp.zeros((D_H // 2,), dtype=jnp.float32)
    Wc2 = jax.random.normal(ks[5], (D_H // 2, 1), dtype=jnp.float32) * (1.0 / np.sqrt(D_H // 2))
    bc2 = jnp.zeros((1,), dtype=jnp.float32)
    return {"x": x, "edge_index": edge_index, "W1": W1, "b1": b1, "W2": W2, "b2": b2,
            "Wc1": Wc1, "bc1": bc1, "Wc2": Wc2, "bc2": bc2}


def _gcn_conv(x, edge_index, W, b):
    # PyG GCNConv: linear transform, add self-loops, symmetric normalization, scatter-add
    num_nodes = x.shape[0]
    loop = jnp.arange(num_nodes, dtype=edge_index.dtype)
    src = jnp.concatenate([edge_index[0], loop])
    dst = jnp.concatenate([edge_index[1], loop])
    h = x @ W
    deg = jnp.zeros((num_nodes,), dtype=h.dtype).at[dst].add(1.0)
    deg_inv_sqrt = jnp.where(deg > 0, deg ** -0.5, 0.0)
    norm = deg_inv_sqrt[src] * deg_inv_sqrt[dst]
    msgs = h[src] * norm[:, None]
    out = jnp.zeros((num_nodes, h.shape[1]), dtype=h.dtype).at[dst].add(msgs)
    return out + b


def reference(x, edge_index, W1, b1, W2, b2, Wc1, bc1, Wc2, bc2):
    # eval mode: dropout layers are identity
    h = jax.nn.relu(_gcn_conv(x, edge_index, W1, b1))
    h = jax.nn.relu(_gcn_conv(h, edge_index, W2, b2))
    # batch is None -> per-node prediction through classifier MLP
    h = jax.nn.relu(h @ Wc1 + bc1)
    out = h @ Wc2 + bc2
    return out

if __name__ == "__main__":
    import jax
    _d = setup_inputs()
    print(jax.jit(kernel)(*tuple(_d.values())))

</pallas_src>

<mosaic_0001>
#map = affine_map<(d0, d1) -> (0, 0, 0)>
#map1 = affine_map<(d0, d1) -> (0, 0)>
module attributes {stable_mosaic.version = 14 : i64} {
  func.func @_sc_segment_sum(%arg0: i32, %arg1: i32, %arg2: memref<16x88x128xi32, #tpu.memory_space<hbm>>, %arg3: memref<16x88x128xi32, #tpu.memory_space<hbm>>, %arg4: memref<16x72x128xi32, #tpu.memory_space<hbm>>, %arg5: memref<16x72x128xi32, #tpu.memory_space<hbm>>, %arg6: memref<10240x64xf32, #tpu.memory_space<hbm>>, %arg7: memref<10240x64xf32, #tpu.memory_space<hbm>>, %arg8: memref<2x10240x64xf32, #tpu.memory_space<hbm>>, %arg9: memref<8x128xi32, #tpu.memory_space<vmem>>, %arg10: memref<8x128xi32, #tpu.memory_space<vmem>>, %arg11: memref<4x128x64xf32, #tpu.memory_space<vmem>>, %arg12: memref<10240x64xf32, #tpu.memory_space<vmem_shared>>, %arg13: memref<10016x64xf32, #tpu.memory_space<vmem_shared>>, %arg14: memref<4x!tpu.dma_semaphore, #tpu.memory_space<semaphore_mem>>, %arg15: memref<4x!tpu.dma_semaphore, #tpu.memory_space<semaphore_mem>>, %arg16: memref<2x!tpu.dma_semaphore, #tpu.memory_space<semaphore_mem>>) attributes {dimension_semantics = [#tpu.dimension_semantics<core_parallel>, #tpu.dimension_semantics<subcore_parallel>], iteration_bounds = array<i64: 2, 16>, scalar_prefetch = 0 : i64, scratch_operands = 8 : i64, tpu.core_type = #tpu.core_type<sc_vector_subcore>, window_params = [{transform_indices = #map}, {transform_indices = #map}, {transform_indices = #map}, {transform_indices = #map}, {transform_indices = #map1}, {transform_indices = #map1}, {transform_indices = #map}]} {
    %mul3A = arith.constant 626 : i32
    %mul3A_0 = arith.muli %arg1, %mul3A : i32
    "tpu.region"() ({
      %run_scoped3A = tpu.sem_alloc : memref<!tpu.dma_semaphore, #tpu.memory_space<semaphore_mem>>
      %dma_start3A = arith.constant 0 : i32
      %dma_start3A_11 = tpu.memref_slice %arg13[%mul3A_0, %dma_start3A] : memref<10016x64xf32, #tpu.memory_space<vmem_shared>> -> memref<626x64xf32, #tpu.memory_space<vmem_shared>>
      %dma_start3A_12 = arith.constant 0 : i32
      %dma_start3A_13 = tpu.memref_slice %arg6[%mul3A_0, %dma_start3A_12] : memref<10240x64xf32, #tpu.memory_space<hbm>> -> memref<626x64xf32, #tpu.memory_space<hbm>>
      tpu.enqueue_dma source(%dma_start3A_13 : memref<626x64xf32, #tpu.memory_space<hbm>>) target(%dma_start3A_11 : memref<626x64xf32, #tpu.memory_space<vmem_shared>>) target_semaphore(%run_scoped3A : memref<!tpu.dma_semaphore, #tpu.memory_space<semaphore_mem>>)
      %dma_wait3A = arith.constant 0 : i32
      %dma_wait3A_14 = tpu.memref_slice %arg13[%mul3A_0, %dma_wait3A] : memref<10016x64xf32, #tpu.memory_space<vmem_shared>> -> memref<626x64xf32, #tpu.memory_space<vmem_shared>>
      %dma_wait3A_15 = arith.constant 0 : i32
      %dma_wait3A_16 = tpu.memref_slice %arg6[%mul3A_0, %dma_wait3A_15] : memref<10240x64xf32, #tpu.memory_space<hbm>> -> memref<626x64xf32, #tpu.memory_space<hbm>>
      tpu.wait_dma2 semaphore(%run_scoped3A : memref<!tpu.dma_semaphore, #tpu.memory_space<semaphore_mem>>) src(%dma_wait3A_16 : memref<626x64xf32, #tpu.memory_space<hbm>>) dst(%dma_wait3A_14 : memref<626x64xf32, #tpu.memory_space<vmem_shared>>)
      tpu.yield
    }) : () -> ()
    %mul3A_1 = arith.constant 640 : i32
    %mul3A_2 = arith.muli %arg1, %mul3A_1 : i32
    "tpu.region"() ({
      %run_scoped3A = tpu.sem_alloc : memref<!tpu.dma_semaphore, #tpu.memory_space<semaphore_mem>>
      %dma_start3A = arith.constant 0 : i32
      %dma_start3A_11 = tpu.memref_slice %arg12[%mul3A_2, %dma_start3A] : memref<10240x64xf32, #tpu.memory_space<vmem_shared>> -> memref<640x64xf32, #tpu.memory_space<vmem_shared>>
      %dma_start3A_12 = arith.constant 0 : i32
      %dma_start3A_13 = tpu.memref_slice %arg7[%mul3A_2, %dma_start3A_12] : memref<10240x64xf32, #tpu.memory_space<hbm>> -> memref<640x64xf32, #tpu.memory_space<hbm>>
      tpu.enqueue_dma source(%dma_start3A_13 : memref<640x64xf32, #tpu.memory_space<hbm>>) target(%dma_start3A_11 : memref<640x64xf32, #tpu.memory_space<vmem_shared>>) target_semaphore(%run_scoped3A : memref<!tpu.dma_semaphore, #tpu.memory_space<semaphore_mem>>)
      %dma_wait3A = arith.constant 0 : i32
      %dma_wait3A_14 = tpu.memref_slice %arg12[%mul3A_2, %dma_wait3A] : memref<10240x64xf32, #tpu.memory_space<vmem_shared>> -> memref<640x64xf32, #tpu.memory_space<vmem_shared>>
      %dma_wait3A_15 = arith.constant 0 : i32
      %dma_wait3A_16 = tpu.memref_slice %arg7[%mul3A_2, %dma_wait3A_15] : memref<10240x64xf32, #tpu.memory_space<hbm>> -> memref<640x64xf32, #tpu.memory_space<hbm>>
      tpu.wait_dma2 semaphore(%run_scoped3A : memref<!tpu.dma_semaphore, #tpu.memory_space<semaphore_mem>>) src(%dma_wait3A_16 : memref<640x64xf32, #tpu.memory_space<hbm>>) dst(%dma_wait3A_14 : memref<640x64xf32, #tpu.memory_space<vmem_shared>>)
      tpu.yield
    }) : () -> ()
    %barrier3A = arith.constant 0 : index
    tpu.barrier barrier_id(%barrier3A)
    %eq3A = arith.constant 0 : i32
    %eq3A_3 = arith.cmpi eq, %arg0, %eq3A : i32
    %convert_element_type3A = arith.extui %eq3A_3 : i1 to i32
    %cond3A = arith.constant 0 : i32
    %cond3A_4 = arith.cmpi ne, %convert_element_type3A, %cond3A : i32
    scf.if %cond3A_4 {
      %dma_start3A = arith.constant 0 : i32
      %dma_start3A_11 = arith.constant 0 : i32
      %dma_start3A_12 = arith.constant 0 : i32
      %dma_start3A_13 = tpu.memref_slice %arg9[%dma_start3A_11, %dma_start3A_12] : memref<8x128xi32, #tpu.memory_space<vmem>> -> memref<4x128xi32, #tpu.memory_space<vmem>>
      %dma_start3A_14 = arith.constant 0 : i32
      %dma_start3A_15 = arith.constant 0 : i32
      %dma_start3A_16 = tpu.memref_slice %arg2[%arg1, %dma_start3A_14, %dma_start3A_15] : memref<16x88x128xi32, #tpu.memory_space<hbm>> -> memref<1x4x128xi32, #tpu.memory_space<hbm>>
      %dma_start3A_17 = tpu.memref_squeeze %dma_start3A_16 : memref<1x4x128xi32, #tpu.memory_space<hbm>> -> memref<4x128xi32, #tpu.memory_space<hbm>>
      %dma_start3A_18 = tpu.memref_slice %arg16[%dma_start3A] : memref<2x!tpu.dma_semaphore, #tpu.memory_space<semaphore_mem>> -> memref<1x!tpu.dma_semaphore, #tpu.memory_space<semaphore_mem>>
      %dma_start3A_19 = tpu.memref_squeeze %dma_start3A_18 : memref<1x!tpu.dma_semaphore, #tpu.memory_space<semaphore_mem>> -> memref<!tpu.dma_semaphore, #tpu.memory_space<semaphore_mem>>
      %dma_start3A_20 = arith.constant 0 : i32
      %dma_start3A_21 = arith.constant 0 : i32
      %dma_start3A_22 = tpu.memref_slice %arg9[%dma_start3A_20, %dma_start3A_21] : memref<8x128xi32, #tpu.memory_space<vmem>> -> memref<4x128xi32, #tpu.memory_space<vmem>>
      %dma_start3A_23 = arith.constant 0 : i32
      %dma_start3A_24 = arith.constant 0 : i32
      %dma_start3A_25 = tpu.memref_slice %arg2[%arg1, %dma_start3A_23, %dma_start3A_24] : memref<16x88x128xi32, #tpu.memory_space<hbm>> -> memref<1x4x128xi32, #tpu.memory_space<hbm>>
      %dma_start3A_26 = tpu.memref_squeeze %dma_start3A_25 : memref<1x4x128xi32, #tpu.memory_space<hbm>> -> memref<4x128xi32, #tpu.memory_space<hbm>>
      tpu.enqueue_dma source(%dma_start3A_26 : memref<4x128xi32, #tpu.memory_space<hbm>>) target(%dma_start3A_22 : memref<4x128xi32, #tpu.memory_space<vmem>>) target_semaphore(%dma_start3A_19 : memref<!tpu.dma_semaphore, #tpu.memory_space<semaphore_mem>>)
      %dma_start3A_27 = arith.constant 1 : i32
      %dma_start3A_28 = arith.constant 0 : i32
      %dma_start3A_29 = arith.constant 0 : i32
      %dma_start3A_30 = tpu.memref_slice %arg10[%dma_start3A_28, %dma_start3A_29] : memref<8x128xi32, #tpu.memory_space<vmem>> -> memref<4x128xi32, #tpu.memory_space<vmem>>
      %dma_start3A_31 = arith.constant 0 : i32
      %dma_start3A_32 = arith.constant 0 : i32
      %dma_start3A_33 = tpu.memref_slice %arg3[%arg1, %dma_start3A_31, %dma_start3A_32] : memref<16x88x128xi32, #tpu.memory_space<hbm>> -> memref<1x4x128xi32, #tpu.memory_space<hbm>>
      %dma_start3A_34 = tpu.memref_squeeze %dma_start3A_33 : memref<1x4x128xi32, #tpu.memory_space<hbm>> -> memref<4x128xi32, #tpu.memory_space<hbm>>
      %dma_start3A_35 = tpu.memref_slice %arg16[%dma_start3A_27] : memref<2x!tpu.dma_semaphore, #tpu.memory_space<semaphore_mem>> -> memref<1x!tpu.dma_semaphore, #tpu.memory_space<semaphore_mem>>
      %dma_start3A_36 = tpu.memref_squeeze %dma_start3A_35 : memref<1x!tpu.dma_semaphore, #tpu.memory_space<semaphore_mem>> -> memref<!tpu.dma_semaphore, #tpu.memory_space<semaphore_mem>>
      %dma_start3A_37 = arith.constant 0 : i32
      %dma_start3A_38 = arith.constant 0 : i32
      %dma_start3A_39 = tpu.memref_slice %arg10[%dma_start3A_37, %dma_start3A_38] : memref<8x128xi32, #tpu.memory_space<vmem>> -> memref<4x128xi32, #tpu.memory_space<vmem>>
      %dma_start3A_40 = arith.constant 0 : i32
      %dma_start3A_41 = arith.constant 0 : i32
      %dma_start3A_42 = tpu.memref_slice %arg3[%arg1, %dma_start3A_40, %dma_start3A_41] : memref<16x88x128xi32, #tpu.memory_space<hbm>> -> memref<1x4x128xi32, #tpu.memory_space<hbm>>
      %dma_start3A_43 = tpu.memref_squeeze %dma_start3A_42 : memref<1x4x128xi32, #tpu.memory_space<hbm>> -> memref<4x128xi32, #tpu.memory_space<hbm>>
      tpu.enqueue_dma source(%dma_start3A_43 : memref<4x128xi32, #tpu.memory_space<hbm>>) target(%dma_start3A_39 : memref<4x128xi32, #tpu.memory_space<vmem>>) target_semaphore(%dma_start3A_36 : memref<!tpu.dma_semaphore, #tpu.memory_space<semaphore_mem>>)
      %dma_wait3A = arith.constant 0 : i32
      %dma_wait3A_44 = arith.constant 0 : i32
      %dma_wait3A_45 = arith.constant 0 : i32
      %dma_wait3A_46 = tpu.memref_slice %arg9[%dma_wait3A_44, %dma_wait3A_45] : memref<8x128xi32, #tpu.memory_space<vmem>> -> memref<4x128xi32, #tpu.memory_space<vmem>>
      %dma_wait3A_47 = arith.constant 0 : i32
      %dma_wait3A_48 = arith.constant 0 : i32
      %dma_wait3A_49 = tpu.memref_slice %arg2[%arg1, %dma_wait3A_47, %dma_wait3A_48] : memref<16x88x128xi32, #tpu.memory_space<hbm>> -> memref<1x4x128xi32, #tpu.memory_space<hbm>>
      %dma_wait3A_50 = tpu.memref_squeeze %dma_wait3A_49 : memref<1x4x128xi32, #tpu.memory_space<hbm>> -> memref<4x128xi32, #tpu.memory_space<hbm>>
      %dma_wait3A_51 = tpu.memref_slice %arg16[%dma_wait3A] : memref<2x!tpu.dma_semaphore, #tpu.memory_space<semaphore_mem>> -> memref<1x!tpu.dma_semaphore, #tpu.memory_space<semaphore_mem>>
      %dma_wait3A_52 = tpu.memref_squeeze %dma_wait3A_51 : memref<1x!tpu.dma_semaphore, #tpu.memory_space<semaphore_mem>> -> memref<!tpu.dma_semaphore, #tpu.memory_space<semaphore_mem>>
      %dma_wait3A_53 = arith.constant 0 : i32
      %dma_wait3A_54 = arith.constant 0 : i32
      %dma_wait3A_55 = tpu.memref_slice %arg9[%dma_wait3A_53, %dma_wait3A_54] : memref<8x128xi32, #tpu.memory_space<vmem>> -> memref<4x128xi32, #tpu.memory_space<vmem>>
      %dma_wait3A_56 = arith.constant 0 : i32
      %dma_wait3A_57 = arith.constant 0 : i32
      %dma_wait3A_58 = tpu.memref_slice %arg2[%arg1, %dma_wait3A_56, %dma_wait3A_57] : memref<16x88x128xi32, #tpu.memory_space<hbm>> -> memref<1x4x128xi32, #tpu.memory_space<hbm>>
      %dma_wait3A_59 = tpu.memref_squeeze %dma_wait3A_58 : memref<1x4x128xi32, #tpu.memory_space<hbm>> -> memref<4x128xi32, #tpu.memory_space<hbm>>
      tpu.wait_dma2 semaphore(%dma_wait3A_52 : memref<!tpu.dma_semaphore, #tpu.memory_space<semaphore_mem>>) src(%dma_wait3A_59 : memref<4x128xi32, #tpu.memory_space<hbm>>) dst(%dma_wait3A_55 : memref<4x128xi32, #tpu.memory_space<vmem>>)
      %dma_wait3A_60 = arith.constant 1 : i32
      %dma_wait3A_61 = arith.constant 0 : i32
      %dma_wait3A_62 = arith.constant 0 : i32
      %dma_wait3A_63 = tpu.memref_slice %arg10[%dma_wait3A_61, %dma_wait3A_62] : memref<8x128xi32, #tpu.memory_space<vmem>> -> memref<4x128xi32, #tpu.memory_space<vmem>>
      %dma_wait3A_64 = arith.constant 0 : i32
      %dma_wait3A_65 = arith.constant 0 : i32
      %dma_wait3A_66 = tpu.memref_slice %arg3[%arg1, %dma_wait3A_64, %dma_wait3A_65] : memref<16x88x128xi32, #tpu.memory_space<hbm>> -> memref<1x4x128xi32, #tpu.memory_space<hbm>>
      %dma_wait3A_67 = tpu.memref_squeeze %dma_wait3A_66 : memref<1x4x128xi32, #tpu.memory_space<hbm>> -> memref<4x128xi32, #tpu.memory_space<hbm>>
      %dma_wait3A_68 = tpu.memref_slice %arg16[%dma_wait3A_60] : memref<2x!tpu.dma_semaphore, #tpu.memory_space<semaphore_mem>> -> memref<1x!tpu.dma_semaphore, #tpu.memory_space<semaphore_mem>>
      %dma_wait3A_69 = tpu.memref_squeeze %dma_wait3A_68 : memref<1x!tpu.dma_semaphore, #tpu.memory_space<semaphore_mem>> -> memref<!tpu.dma_semaphore, #tpu.memory_space<semaphore_mem>>
      %dma_wait3A_70 = arith.constant 0 : i32
      %dma_wait3A_71 = arith.constant 0 : i32
      %dma_wait3A_72 = tpu.memref_slice %arg10[%dma_wait3A_70, %dma_wait3A_71] : memref<8x128xi32, #tpu.memory_space<vmem>> -> memref<4x128xi32, #tpu.memory_space<vmem>>
      %dma_wait3A_73 = arith.constant 0 : i32
      %dma_wait3A_74 = arith.constant 0 : i32
      %dma_wait3A_75 = tpu.memref_slice %arg3[%arg1, %dma_wait3A_73, %dma_wait3A_74] : memref<16x88x128xi32, #tpu.memory_space<hbm>> -> memref<1x4x128xi32, #tpu.memory_space<hbm>>
      %dma_wait3A_76 = tpu.memref_squeeze %dma_wait3A_75 : memref<1x4x128xi32, #tpu.memory_space<hbm>> -> memref<4x128xi32, #tpu.memory_space<hbm>>
      tpu.wait_dma2 semaphore(%dma_wait3A_69 : memref<!tpu.dma_semaphore, #tpu.memory_space<semaphore_mem>>) src(%dma_wait3A_76 : memref<4x128xi32, #tpu.memory_space<hbm>>) dst(%dma_wait3A_72 : memref<4x128xi32, #tpu.memory_space<vmem>>)
      %dma_start3A_77 = arith.constant 0 : i32
      %dma_start3A_78 = arith.constant 0 : i32
      %dma_start3A_79 = arith.constant 0 : i32
      %dma_start3A_80 = arith.constant 0 : i32
      %dma_start3A_81 = arith.constant 0 : i32
      %dma_start3A_82 = tpu.memref_slice %arg11[%dma_start3A_78, %dma_start3A_80, %dma_start3A_81] : memref<4x128x64xf32, #tpu.memory_space<vmem>> -> memref<1x128x64xf32, #tpu.memory_space<vmem>>
      %dma_start3A_83 = tpu.memref_squeeze %dma_start3A_82 : memref<1x128x64xf32, #tpu.memory_space<vmem>> -> memref<128x64xf32, #tpu.memory_space<vmem>>
      %dma_start3A_84 = arith.constant 0 : i32
      %dma_start3A_85 = tpu.memref_slice %arg9[%dma_start3A_77, %dma_start3A_84] : memref<8x128xi32, #tpu.memory_space<vmem>> -> memref<1x128xi32, #tpu.memory_space<vmem>>
      %dma_start3A_86 = tpu.memref_squeeze %dma_start3A_85 : memref<1x128xi32, #tpu.memory_space<vmem>> -> memref<128xi32, #tpu.memory_space<vmem>>
      %dma_start3A_87 = arith.constant 0 : i32
      %dma_start3A_88 = arith.constant 0 : i32
      %dma_start3A_89 = tpu.memref_slice %arg13[%dma_start3A_87, %dma_start3A_88] : memref<10016x64xf32, #tpu.memory_space<vmem_shared>> -> memref<10016x64xf32, #tpu.memory_space<vmem_shared>>
      %dma_start3A_90 = tpu.memref_slice %arg14[%dma_start3A_79] : memref<4x!tpu.dma_semaphore, #tpu.memory_space<semaphore_mem>> -> memref<1x!tpu.dma_semaphore, #tpu.memory_space<semaphore_mem>>
      %dma_start3A_91 = tpu.memref_squeeze %dma_start3A_90 : memref<1x!tpu.dma_semaphore, #tpu.memory_space<semaphore_mem>> -> memref<!tpu.dma_semaphore, #tpu.memory_space<semaphore_mem>>
      tpu.enqueue_indirect_dma source(%dma_start3A_89 : memref<10016x64xf32, #tpu.memory_space<vmem_shared>>) target(%dma_start3A_83 : memref<128x64xf32, #tpu.memory_space<vmem>>) offsets(%dma_start3A_86 : memref<128xi32, #tpu.memory_space<vmem>>) semaphore(%dma_start3A_91 : memref<!tpu.dma_semaphore, #tpu.memory_space<semaphore_mem>>)
      %dma_start3A_92 = arith.constant 1 : i32
      %dma_start3A_93 = arith.constant 1 : i32
      %dma_start3A_94 = arith.constant 1 : i32
      %dma_start3A_95 = arith.constant 0 : i32
      %dma_start3A_96 = arith.constant 0 : i32
      %dma_start3A_97 = tpu.memref_slice %arg11[%dma_start3A_93, %dma_start3A_95, %dma_start3A_96] : memref<4x128x64xf32, #tpu.memory_space<vmem>> -> memref<1x128x64xf32, #tpu.memory_space<vmem>>
      %dma_start3A_98 = tpu.memref_squeeze %dma_start3A_97 : memref<1x128x64xf32, #tpu.memory_space<vmem>> -> memref<128x64xf32, #tpu.memory_space<vmem>>
      %dma_start3A_99 = arith.constant 0 : i32
      %dma_start3A_100 = tpu.memref_slice %arg9[%dma_start3A_92, %dma_start3A_99] : memref<8x128xi32, #tpu.memory_space<vmem>> -> memref<1x128xi32, #tpu.memory_space<vmem>>
      %dma_start3A_101 = tpu.memref_squeeze %dma_start3A_100 : memref<1x128xi32, #tpu.memory_space<vmem>> -> memref<128xi32, #tpu.memory_space<vmem>>
      %dma_start3A_102 = arith.constant 0 : i32
      %dma_start3A_103 = arith.constant 0 : i32
      %dma_start3A_104 = tpu.memref_slice %arg13[%dma_start3A_102, %dma_start3A_103] : memref<10016x64xf32, #tpu.memory_space<vmem_shared>> -> memref<10016x64xf32, #tpu.memory_space<vmem_shared>>
      %dma_start3A_105 = tpu.memref_slice %arg14[%dma_start3A_94] : memref<4x!tpu.dma_semaphore, #tpu.memory_space<semaphore_mem>> -> memref<1x!tpu.dma_semaphore, #tpu.memory_space<semaphore_mem>>
      %dma_start3A_106 = tpu.memref_squeeze %dma_start3A_105 : memref<1x!tpu.dma_semaphore, #tpu.memory_space<semaphore_mem>> -> memref<!tpu.dma_semaphore, #tpu.memory_space<semaphore_mem>>
      tpu.enqueue_indirect_dma source(%dma_start3A_104 : memref<10016x64xf32, #tpu.memory_space<vmem_shared>>) target(%dma_start3A_98 : memref<128x64xf32, #tpu.memory_space<vmem>>) offsets(%dma_start3A_101 : memref<128xi32, #tpu.memory_space<vmem>>) semaphore(%dma_start3A_106 : memref<!tpu.dma_semaphore, #tpu.memory_space<semaphore_mem>>)
      %dma_start3A_107 = arith.constant 2 : i32
      %dma_start3A_108 = arith.constant 2 : i32
      %dma_start3A_109 = arith.constant 2 : i32
      %dma_start3A_110 = arith.constant 0 : i32
      %dma_start3A_111 = arith.constant 0 : i32
      %dma_start3A_112 = tpu.memref_slice %arg11[%dma_start3A_108, %dma_start3A_110, %dma_start3A_111] : memref<4x128x64xf32, #tpu.memory_space<vmem>> -> memref<1x128x64xf32, #tpu.memory_space<vmem>>
      %dma_start3A_113 = tpu.memref_squeeze %dma_start3A_112 : memref<1x128x64xf32, #tpu.memory_space<vmem>> -> memref<128x64xf32, #tpu.memory_space<vmem>>
      %dma_start3A_114 = arith.constant 0 : i32
      %dma_start3A_115 = tpu.memref_slice %arg9[%dma_start3A_107, %dma_start3A_114] : memref<8x128xi32, #tpu.memory_space<vmem>> -> memref<1x128xi32, #tpu.memory_space<vmem>>
      %dma_start3A_116 = tpu.memref_squeeze %dma_start3A_115 : memref<1x128xi32, #tpu.memory_space<vmem>> -> memref<128xi32, #tpu.memory_space<vmem>>
      %dma_start3A_117 = arith.constant 0 : i32
      %dma_start3A_118 = arith.constant 0 : i32
      %dma_start3A_119 = tpu.memref_slice %arg13[%dma_start3A_117, %dma_start3A_118] : memref<10016x64xf32, #tpu.memory_space<vmem_shared>> -> memref<10016x64xf32, #tpu.memory_space<vmem_shared>>
      %dma_start3A_120 = tpu.memref_slice %arg14[%dma_start3A_109] : memref<4x!tpu.dma_semaphore, #tpu.memory_space<semaphore_mem>> -> memref<1x!tpu.dma_semaphore, #tpu.memory_space<semaphore_mem>>
      %dma_start3A_121 = tpu.memref_squeeze %dma_start3A_120 : memref<1x!tpu.dma_semaphore, #tpu.memory_space<semaphore_mem>> -> memref<!tpu.dma_semaphore, #tpu.memory_space<semaphore_mem>>
      tpu.enqueue_indirect_dma source(%dma_start3A_119 : memref<10016x64xf32, #tpu.memory_space<vmem_shared>>) target(%dma_start3A_113 : memref<128x64xf32, #tpu.memory_space<vmem>>) offsets(%dma_start3A_116 : memref<128xi32, #tpu.memory_space<vmem>>) semaphore(%dma_start3A_121 : memref<!tpu.dma_semaphore, #tpu.memory_space<semaphore_mem>>)
      %dma_start3A_122 = arith.constant 3 : i32
      %dma_start3A_123 = arith.constant 3 : i32
      %dma_start3A_124 = arith.constant 3 : i32
      %dma_start3A_125 = arith.constant 0 : i32
      %dma_start3A_126 = arith.constant 0 : i32
      %dma_start3A_127 = tpu.memref_slice %arg11[%dma_start3A_123, %dma_start3A_125, %dma_start3A_126] : memref<4x128x64xf32, #tpu.memory_space<vmem>> -> memref<1x128x64xf32, #tpu.memory_space<vmem>>
      %dma_start3A_128 = tpu.memref_squeeze %dma_start3A_127 : memref<1x128x64xf32, #tpu.memory_space<vmem>> -> memref<128x64xf32, #tpu.memory_space<vmem>>
      %dma_start3A_129 = arith.constant 0 : i32
      %dma_start3A_130 = tpu.memref_slice %arg9[%dma_start3A_122, %dma_start3A_129] : memref<8x128xi32, #tpu.memory_space<vmem>> -> memref<1x128xi32, #tpu.memory_space<vmem>>
      %dma_start3A_131 = tpu.memref_squeeze %dma_start3A_130 : memref<1x128xi32, #tpu.memory_space<vmem>> -> memref<128xi32, #tpu.memory_space<vmem>>
      %dma_start3A_132 = arith.constant 0 : i32
      %dma_start3A_133 = arith.constant 0 : i32
      %dma_start3A_134 = tpu.memref_slice %arg13[%dma_start3A_132, %dma_start3A_133] : memref<10016x64xf32, #tpu.memory_space<vmem_shared>> -> memref<10016x64xf32, #tpu.memory_space<vmem_shared>>
      %dma_start3A_135 = tpu.memref_slice %arg14[%dma_start3A_124] : memref<4x!tpu.dma_semaphore, #tpu.memory_space<semaphore_mem>> -> memref<1x!tpu.dma_semaphore, #tpu.memory_space<semaphore_mem>>
      %dma_start3A_136 = tpu.memref_squeeze %dma_start3A_135 : memref<1x!tpu.dma_semaphore, #tpu.memory_space<semaphore_mem>> -> memref<!tpu.dma_semaphore, #tpu.memory_space<semaphore_mem>>
      tpu.enqueue_indirect_dma source(%dma_start3A_134 : memref<10016x64xf32, #tpu.memory_space<vmem_shared>>) target(%dma_start3A_128 : memref<128x64xf32, #tpu.memory_space<vmem>>) offsets(%dma_start3A_131 : memref<128xi32, #tpu.memory_space<vmem>>) semaphore(%dma_start3A_136 : memref<!tpu.dma_semaphore, #tpu.memory_space<semaphore_mem>>)
      %dma_start3A_137 = arith.constant 0 : i32
      %dma_start3A_138 = arith.constant 4 : i32
      %dma_start3A_139 = arith.constant 0 : i32
      %dma_start3A_140 = tpu.memref_slice %arg9[%dma_start3A_138, %dma_start3A_139] : memref<8x128xi32, #tpu.memory_space<vmem>> -> memref<4x128xi32, #tpu.memory_space<vmem>>
      %dma_start3A_141 = arith.constant 4 : i32
      %dma_start3A_142 = arith.constant 0 : i32
      %dma_start3A_143 = tpu.memref_slice %arg2[%arg1, %dma_start3A_141, %dma_start3A_142] : memref<16x88x128xi32, #tpu.memory_space<hbm>> -> memref<1x4x128xi32, #tpu.memory_space<hbm>>
      %dma_start3A_144 = tpu.memref_squeeze %dma_start3A_143 : memref<1x4x128xi32, #tpu.memory_space<hbm>> -> memref<4x128xi32, #tpu.memory_space<hbm>>
      %dma_start3A_145 = tpu.memref_slice %arg16[%dma_start3A_137] : memref<2x!tpu.dma_semaphore, #tpu.memory_space<semaphore_mem>> -> memref<1x!tpu.dma_semaphore, #tpu.memory_space<semaphore_mem>>
      %dma_start3A_146 = tpu.memref_squeeze %dma_start3A_145 : memref<1x!tpu.dma_semaphore, #tpu.memory_space<semaphore_mem>> -> memref<!tpu.dma_semaphore, #tpu.memory_space<semaphore_mem>>
      %dma_start3A_147 = arith.constant 4 : i32
      %dma_start3A_148 = arith.constant 0 : i32
      %dma_start3A_149 = tpu.memref_slice %arg9[%dma_start3A_147, %dma_start3A_148] : memref<8x128xi32, #tpu.memory_space<vmem>> -> memref<4x128xi32, #tpu.memory_space<vmem>>
      %dma_start3A_150 = arith.constant 4 : i32
      %dma_start3A_151 = arith.constant 0 : i32
      %dma_start3A_152 = tpu.memref_slice %arg2[%arg1, %dma_start3A_150, %dma_start3A_151] : memref<16x88x128xi32, #tpu.memory_space<hbm>> -> memref<1x4x128xi32, #tpu.memory_space<hbm>>
      %dma_start3A_153 = tpu.memref_squeeze %dma_start3A_152 : memref<1x4x128xi32, #tpu.memory_space<hbm>> -> memref<4x128xi32, #tpu.memory_space<hbm>>
      tpu.enqueue_dma source(%dma_start3A_153 : memref<4x128xi32, #tpu.memory_space<hbm>>) target(%dma_start3A_149 : memref<4x128xi32, #tpu.memory_space<vmem>>) target_semaphore(%dma_start3A_146 : memref<!tpu.dma_semaphore, #tpu.memory_space<semaphore_mem>>)
      %dma_start3A_154 = arith.constant 1 : i32
      %dma_start3A_155 = arith.constant 4 : i32
      %dma_start3A_156 = arith.constant 0 : i32
      %dma_start3A_157 = tpu.memref_slice %arg10[%dma_start3A_155, %dma_start3A_156] : memref<8x128xi32, #tpu.memory_space<vmem>> -> memref<4x128xi32, #tpu.memory_space<vmem>>
      %dma_start3A_158 = arith.constant 4 : i32
      %dma_start3A_159 = arith.constant 0 : i32
      %dma_start3A_160 = tpu.memref_slice %arg3[%arg1, %dma_start3A_158, %dma_start3A_159] : memref<16x88x128xi32, #tpu.memory_space<hbm>> -> memref<1x4x128xi32, #tpu.memory_space<hbm>>
      %dma_start3A_161 = tpu.memref_squeeze %dma_start3A_160 : memref<1x4x128xi32, #tpu.memory_space<hbm>> -> memref<4x128xi32, #tpu.memory_space<hbm>>
      %dma_start3A_162 = tpu.memref_slice %arg16[%dma_start3A_154] : memref<2x!tpu.dma_semaphore, #tpu.memory_space<semaphore_mem>> -> memref<1x!tpu.dma_semaphore, #tpu.memory_space<semaphore_mem>>
      %dma_start3A_163 = tpu.memref_squeeze %dma_start3A_162 : memref<1x!tpu.dma_semaphore, #tpu.memory_space<semaphore_mem>> -> memref<!tpu.dma_semaphore, #tpu.memory_space<semaphore_mem>>
      %dma_start3A_164 = arith.constant 4 : i32
      %dma_start3A_165 = arith.constant 0 : i32
      %dma_start3A_166 = tpu.memref_slice %arg10[%dma_start3A_164, %dma_start3A_165] : memref<8x128xi32, #tpu.memory_space<vmem>> -> memref<4x128xi32, #tpu.memory_space<vmem>>
      %dma_start3A_167 = arith.constant 4 : i32
      %dma_start3A_168 = arith.constant 0 : i32
      %dma_start3A_169 = tpu.memref_slice %arg3[%arg1, %dma_start3A_167, %dma_start3A_168] : memref<16x88x128xi32, #tpu.memory_space<hbm>> -> memref<1x4x128xi32, #tpu.memory_space<hbm>>
      %dma_start3A_170 = tpu.memref_squeeze %dma_start3A_169 : memref<1x4x128xi32, #tpu.memory_space<hbm>> -> memref<4x128xi32, #tpu.memory_space<hbm>>
      tpu.enqueue_dma source(%dma_start3A_170 : memref<4x128xi32, #tpu.memory_space<hbm>>) target(%dma_start3A_166 : memref<4x128xi32, #tpu.memory_space<vmem>>) target_semaphore(%dma_start3A_163 : memref<!tpu.dma_semaphore, #tpu.memory_space<semaphore_mem>>)
      %scan3A = arith.constant 0 : i32
      %scan3A_171 = arith.constant 0 : i32
      %scan3A_172 = arith.constant 22 : i32
      %scan3A_173 = arith.addi %scan3A_171, %scan3A_172 : i32
      %scan3A_174 = arith.constant 1 : i32
      scf.for %scan3A_176 = %scan3A_171 to %scan3A_173 step %scan3A_174  : i32 {
        %rem3A = arith.constant 2 : i32
        %rem3A_177 = arith.remsi %scan3A_176, %rem3A : i32
        %add3A = arith.constant 1 : i32
        %add3A_178 = arith.addi %scan3A_176, %add3A : i32
        %rem3A_179 = arith.constant 2 : i32
        %rem3A_180 = arith.remsi %add3A_178, %rem3A_179 : i32
        %mul3A_181 = arith.constant 4 : i32
        %mul3A_182 = arith.muli %rem3A_177, %mul3A_181 : i32
        %add3A_183 = arith.constant 0 : i32
        %add3A_184 = arith.addi %mul3A_182, %add3A_183 : i32
        %dma_wait3A_185 = arith.constant 0 : i32
        %dma_wait3A_186 = arith.constant 0 : i32
        %dma_wait3A_187 = arith.constant 0 : i32
        %dma_wait3A_188 = arith.constant 0 : i32
        %dma_wait3A_189 = tpu.memref_slice %arg11[%dma_wait3A_185, %dma_wait3A_187, %dma_wait3A_188] : memref<4x128x64xf32, #tpu.memory_space<vmem>> -> memref<1x128x64xf32, #tpu.memory_space<vmem>>
        %dma_wait3A_190 = tpu.memref_squeeze %dma_wait3A_189 : memref<1x128x64xf32, #tpu.memory_space<vmem>> -> memref<128x64xf32, #tpu.memory_space<vmem>>
        %dma_wait3A_191 = arith.constant 0 : i32
        %dma_wait3A_192 = tpu.memref_slice %arg9[%add3A_184, %dma_wait3A_191] : memref<8x128xi32, #tpu.memory_space<vmem>> -> memref<1x128xi32, #tpu.memory_space<vmem>>
        %dma_wait3A_193 = tpu.memref_squeeze %dma_wait3A_192 : memref<1x128xi32, #tpu.memory_space<vmem>> -> memref<128xi32, #tpu.memory_space<vmem>>
        %dma_wait3A_194 = arith.constant 0 : i32
        %dma_wait3A_195 = arith.constant 0 : i32
        %dma_wait3A_196 = tpu.memref_slice %arg13[%dma_wait3A_194, %dma_wait3A_195] : memref<10016x64xf32, #tpu.memory_space<vmem_shared>> -> memref<10016x64xf32, #tpu.memory_space<vmem_shared>>
        %dma_wait3A_197 = tpu.memref_slice %arg14[%dma_wait3A_186] : memref<4x!tpu.dma_semaphore, #tpu.memory_space<semaphore_mem>> -> memref<1x!tpu.dma_semaphore, #tpu.memory_space<semaphore_mem>>
        %dma_wait3A_198 = tpu.memref_squeeze %dma_wait3A_197 : memref<1x!tpu.dma_semaphore, #tpu.memory_space<semaphore_mem>> -> memref<!tpu.dma_semaphore, #tpu.memory_space<semaphore_mem>>
        tpu.wait_indirect_dma semaphore(%dma_wait3A_198 : memref<!tpu.dma_semaphore, #tpu.memory_space<semaphore_mem>>) src(%dma_wait3A_196 : memref<10016x64xf32, #tpu.memory_space<vmem_shared>>) dst(%dma_wait3A_190 : memref<128x64xf32, #tpu.memory_space<vmem>>)
        %mul3A_199 = arith.constant 4 : i32
        %mul3A_200 = arith.muli %rem3A_177, %mul3A_199 : i32
        %add3A_201 = arith.constant 0 : i32
        %add3A_202 = arith.addi %mul3A_200, %add3A_201 : i32
        %dma_start3A_203 = arith.constant 0 : i32
        %dma_start3A_204 = arith.constant 0 : i32
        %dma_start3A_205 = arith.constant 0 : i32
        %dma_start3A_206 = arith.constant 0 : i32
        %dma_start3A_207 = tpu.memref_slice %arg11[%dma_start3A_203, %dma_start3A_205, %dma_start3A_206] : memref<4x128x64xf32, #tpu.memory_space<vmem>> -> memref<1x128x64xf32, #tpu.memory_space<vmem>>
        %dma_start3A_208 = tpu.memref_squeeze %dma_start3A_207 : memref<1x128x64xf32, #tpu.memory_space<vmem>> -> memref<128x64xf32, #tpu.memory_space<vmem>>
        %dma_start3A_209 = arith.constant 0 : i32
        %dma_start3A_210 = tpu.memref_slice %arg10[%add3A_202, %dma_start3A_209] : memref<8x128xi32, #tpu.memory_space<vmem>> -> memref<1x128xi32, #tpu.memory_space<vmem>>
        %dma_start3A_211 = tpu.memref_squeeze %dma_start3A_210 : memref<1x128xi32, #tpu.memory_space<vmem>> -> memref<128xi32, #tpu.memory_space<vmem>>
        %dma_start3A_212 = arith.constant 0 : i32
        %dma_start3A_213 = arith.constant 0 : i32
        %dma_start3A_214 = tpu.memref_slice %arg12[%dma_start3A_212, %dma_start3A_213] : memref<10240x64xf32, #tpu.memory_space<vmem_shared>> -> memref<10240x64xf32, #tpu.memory_space<vmem_shared>>
        %dma_start3A_215 = tpu.memref_slice %arg15[%dma_start3A_204] : memref<4x!tpu.dma_semaphore, #tpu.memory_space<semaphore_mem>> -> memref<1x!tpu.dma_semaphore, #tpu.memory_space<semaphore_mem>>
        %dma_start3A_216 = tpu.memref_squeeze %dma_start3A_215 : memref<1x!tpu.dma_semaphore, #tpu.memory_space<semaphore_mem>> -> memref<!tpu.dma_semaphore, #tpu.memory_space<semaphore_mem>>
        tpu.enqueue_indirect_dma source(%dma_start3A_208 : memref<128x64xf32, #tpu.memory_space<vmem>>) target(%dma_start3A_214 : memref<10240x64xf32, #tpu.memory_space<vmem_shared>>) offsets(%dma_start3A_211 : memref<128xi32, #tpu.memory_space<vmem>>) semaphore(%dma_start3A_216 : memref<!tpu.dma_semaphore, #tpu.memory_space<semaphore_mem>>) {add = true}
        %mul3A_217 = arith.constant 4 : i32
        %mul3A_218 = arith.muli %rem3A_177, %mul3A_217 : i32
        %add3A_219 = arith.constant 1 : i32
        %add3A_220 = arith.addi %mul3A_218, %add3A_219 : i32
        %dma_wait3A_221 = arith.constant 1 : i32
        %dma_wait3A_222 = arith.constant 1 : i32
        %dma_wait3A_223 = arith.constant 0 : i32
        %dma_wait3A_224 = arith.constant 0 : i32
        %dma_wait3A_225 = tpu.memref_slice %arg11[%dma_wait3A_221, %dma_wait3A_223, %dma_wait3A_224] : memref<4x128x64xf32, #tpu.memory_space<vmem>> -> memref<1x128x64xf32, #tpu.memory_space<vmem>>
        %dma_wait3A_226 = tpu.memref_squeeze %dma_wait3A_225 : memref<1x128x64xf32, #tpu.memory_space<vmem>> -> memref<128x64xf32, #tpu.memory_space<vmem>>
        %dma_wait3A_227 = arith.constant 0 : i32
        %dma_wait3A_228 = tpu.memref_slice %arg9[%add3A_220, %dma_wait3A_227] : memref<8x128xi32, #tpu.memory_space<vmem>> -> memref<1x128xi32, #tpu.memory_space<vmem>>
        %dma_wait3A_229 = tpu.memref_squeeze %dma_wait3A_228 : memref<1x128xi32, #tpu.memory_space<vmem>> -> memref<128xi32, #tpu.memory_space<vmem>>
        %dma_wait3A_230 = arith.constant 0 : i32
        %dma_wait3A_231 = arith.constant 0 : i32
        %dma_wait3A_232 = tpu.memref_slice %arg13[%dma_wait3A_230, %dma_wait3A_231] : memref<10016x64xf32, #tpu.memory_space<vmem_shared>> -> memref<10016x64xf32, #tpu.memory_space<vmem_shared>>
        %dma_wait3A_233 = tpu.memref_slice %arg14[%dma_wait3A_222] : memref<4x!tpu.dma_semaphore, #tpu.memory_space<semaphore_mem>> -> memref<1x!tpu.dma_semaphore, #tpu.memory_space<semaphore_mem>>
        %dma_wait3A_234 = tpu.memref_squeeze %dma_wait3A_233 : memref<1x!tpu.dma_semaphore, #tpu.memory_space<semaphore_mem>> -> memref<!tpu.dma_semaphore, #tpu.memory_space<semaphore_mem>>
        tpu.wait_indirect_dma semaphore(%dma_wait3A_234 : memref<!tpu.dma_semaphore, #tpu.memory_space<semaphore_mem>>) src(%dma_wait3A_232 : memref<10016x64xf32, #tpu.memory_space<vmem_shared>>) dst(%dma_wait3A_226 : memref<128x64xf32, #tpu.memory_space<vmem>>)
        %mul3A_235 = arith.constant 4 : i32
        %mul3A_236 = arith.muli %rem3A_177, %mul3A_235 : i32
        %add3A_237 = arith.constant 1 : i32
        %add3A_238 = arith.addi %mul3A_236, %add3A_237 : i32
        %dma_start3A_239 = arith.constant 1 : i32
        %dma_start3A_240 = arith.constant 1 : i32
        %dma_start3A_241 = arith.constant 0 : i32
        %dma_start3A_242 = arith.constant 0 : i32
        %dma_start3A_243 = tpu.memref_slice %arg11[%dma_start3A_239, %dma_start3A_241, %dma_start3A_242] : memref<4x128x64xf32, #tpu.memory_space<vmem>> -> memref<1x128x64xf32, #tpu.memory_space<vmem>>
        %dma_start3A_244 = tpu.memref_squeeze %dma_start3A_243 : memref<1x128x64xf32, #tpu.memory_space<vmem>> -> memref<128x64xf32, #tpu.memory_space<vmem>>
        %dma_start3A_245 = arith.constant 0 : i32
        %dma_start3A_246 = tpu.memref_slice %arg10[%add3A_238, %dma_start3A_245] : memref<8x128xi32, #tpu.memory_space<vmem>> -> memref<1x128xi32, #tpu.memory_space<vmem>>
        %dma_start3A_247 = tpu.memref_squeeze %dma_start3A_246 : memref<1x128xi32, #tpu.memory_space<vmem>> -> memref<128xi32, #tpu.memory_space<vmem>>
        %dma_start3A_248 = arith.constant 0 : i32
        %dma_start3A_249 = arith.constant 0 : i32
        %dma_start3A_250 = tpu.memref_slice %arg12[%dma_start3A_248, %dma_start3A_249] : memref<10240x64xf32, #tpu.memory_space<vmem_shared>> -> memref<10240x64xf32, #tpu.memory_space<vmem_shared>>
        %dma_start3A_251 = tpu.memref_slice %arg15[%dma_start3A_240] : memref<4x!tpu.dma_semaphore, #tpu.memory_space<semaphore_mem>> -> memref<1x!tpu.dma_semaphore, #tpu.memory_space<semaphore_mem>>
        %dma_start3A_252 = tpu.memref_squeeze %dma_start3A_251 : memref<1x!tpu.dma_semaphore, #tpu.memory_space<semaphore_mem>> -> memref<!tpu.dma_semaphore, #tpu.memory_space<semaphore_mem>>
        tpu.enqueue_indirect_dma source(%dma_start3A_244 : memref<128x64xf32, #tpu.memory_space<vmem>>) target(%dma_start3A_250 : memref<10240x64xf32, #tpu.memory_space<vmem_shared>>) offsets(%dma_start3A_247 : memref<128xi32, #tpu.memory_space<vmem>>) semaphore(%dma_start3A_252 : memref<!tpu.dma_semaphore, #tpu.memory_space<semaphore_mem>>) {add = true}
        %mul3A_253 = arith.constant 4 : i32
        %mul3A_254 = arith.muli %rem3A_177, %mul3A_253 : i32
        %add3A_255 = arith.constant 2 : i32
        %add3A_256 = arith.addi %mul3A_254, %add3A_255 : i32
        %dma_wait3A_257 = arith.constant 2 : i32
        %dma_wait3A_258 = arith.constant 2 : i32
        %dma_wait3A_259 = arith.constant 0 : i32
        %dma_wait3A_260 = arith.constant 0 : i32
        %dma_wait3A_261 = tpu.memref_slice %arg11[%dma_wait3A_257, %dma_wait3A_259, %dma_wait3A_260] : memref<4x128x64xf32, #tpu.memory_space<vmem>> -> memref<1x128x64xf32, #tpu.memory_space<vmem>>
        %dma_wait3A_262 = tpu.memref_squeeze %dma_wait3A_261 : memref<1x128x64xf32, #tpu.memory_space<vmem>> -> memref<128x64xf32, #tpu.memory_space<vmem>>
        %dma_wait3A_263 = arith.constant 0 : i32
        %dma_wait3A_264 = tpu.memref_slice %arg9[%add3A_256, %dma_wait3A_263] : memref<8x128xi32, #tpu.memory_space<vmem>> -> memref<1x128xi32, #tpu.memory_space<vmem>>
        %dma_wait3A_265 = tpu.memref_squeeze %dma_wait3A_264 : memref<1x128xi32, #tpu.memory_space<vmem>> -> memref<128xi32, #tpu.memory_space<vmem>>
        %dma_wait3A_266 = arith.constant 0 : i32
        %dma_wait3A_267 = arith.constant 0 : i32
        %dma_wait3A_268 = tpu.memref_slice %arg13[%dma_wait3A_266, %dma_wait3A_267] : memref<10016x64xf32, #tpu.memory_space<vmem_shared>> -> memref<10016x64xf32, #tpu.memory_space<vmem_shared>>
        %dma_wait3A_269 = tpu.memref_slice %arg14[%dma_wait3A_258] : memref<4x!tpu.dma_semaphore, #tpu.memory_space<semaphore_mem>> -> memref<1x!tpu.dma_semaphore, #tpu.memory_space<semaphore_mem>>
        %dma_wait3A_270 = tpu.memref_squeeze %dma_wait3A_269 : memref<1x!tpu.dma_semaphore, #tpu.memory_space<semaphore_mem>> -> memref<!tpu.dma_semaphore, #tpu.memory_space<semaphore_mem>>
        tpu.wait_indirect_dma semaphore(%dma_wait3A_270 : memref<!tpu.dma_semaphore, #tpu.memory_space<semaphore_mem>>) src(%dma_wait3A_268 : memref<10016x64xf32, #tpu.memory_space<vmem_shared>>) dst(%dma_wait3A_262 : memref<128x64xf32, #tpu.memory_space<vmem>>)
        %mul3A_271 = arith.constant 4 : i32
        %mul3A_272 = arith.muli %rem3A_177, %mul3A_271 : i32
        %add3A_273 = arith.constant 2 : i32
        %add3A_274 = arith.addi %mul3A_272, %add3A_273 : i32
        %dma_start3A_275 = arith.constant 2 : i32
        %dma_start3A_276 = arith.constant 2 : i32
        %dma_start3A_277 = arith.constant 0 : i32
        %dma_start3A_278 = arith.constant 0 : i32
        %dma_start3A_279 = tpu.memref_slice %arg11[%dma_start3A_275, %dma_start3A_277, %dma_start3A_278] : memref<4x128x64xf32, #tpu.memory_space<vmem>> -> memref<1x128x64xf32, #tpu.memory_space<vmem>>
        %dma_start3A_280 = tpu.memref_squeeze %dma_start3A_279 : memref<1x128x64xf32, #tpu.memory_space<vmem>> -> memref<128x64xf32, #tpu.memory_space<vmem>>
        %dma_start3A_281 = arith.constant 0 : i32
        %dma_start3A_282 = tpu.memref_slice %arg10[%add3A_274, %dma_start3A_281] : memref<8x128xi32, #tpu.memory_space<vmem>> -> memref<1x128xi32, #tpu.memory_space<vmem>>
        %dma_start3A_283 = tpu.memref_squeeze %dma_start3A_282 : memref<1x128xi32, #tpu.memory_space<vmem>> -> memref<128xi32, #tpu.memory_space<vmem>>
        %dma_start3A_284 = arith.constant 0 : i32
        %dma_start3A_285 = arith.constant 0 : i32
        %dma_start3A_286 = tpu.memref_slice %arg12[%dma_start3A_284, %dma_start3A_285] : memref<10240x64xf32, #tpu.memory_space<vmem_shared>> -> memref<10240x64xf32, #tpu.memory_space<vmem_shared>>
        %dma_start3A_287 = tpu.memref_slice %arg15[%dma_start3A_276] : memref<4x!tpu.dma_semaphore, #tpu.memory_space<semaphore_mem>> -> memref<1x!tpu.dma_semaphore, #tpu.memory_space<semaphore_mem>>
        %dma_start3A_288 = tpu.memref_squeeze %dma_start3A_287 : memref<1x!tpu.dma_semaphore, #tpu.memory_space<semaphore_mem>> -> memref<!tpu.dma_semaphore, #tpu.memory_space<semaphore_mem>>
        tpu.enqueue_indirect_dma source(%dma_start3A_280 : memref<128x64xf32, #tpu.memory_space<vmem>>) target(%dma_start3A_286 : memref<10240x64xf32, #tpu.memory_space<vmem_shared>>) offsets(%dma_start3A_283 : memref<128xi32, #tpu.memory_space<vmem>>) semaphore(%dma_start3A_288 : memref<!tpu.dma_semaphore, #tpu.memory_space<semaphore_mem>>) {add = true}
        %mul3A_289 = arith.constant 4 : i32
        %mul3A_290 = arith.muli %rem3A_177, %mul3A_289 : i32
        %add3A_291 = arith.constant 3 : i32
        %add3A_292 = arith.addi %mul3A_290, %add3A_291 : i32
        %dma_wait3A_293 = arith.constant 3 : i32
        %dma_wait3A_294 = arith.constant 3 : i32
        %dma_wait3A_295 = arith.constant 0 : i32
        %dma_wait3A_296 = arith.constant 0 : i32
        %dma_wait3A_297 = tpu.memref_slice %arg11[%dma_wait3A_293, %dma_wait3A_295, %dma_wait3A_296] : memref<4x128x64xf32, #tpu.memory_space<vmem>> -> memref<1x128x64xf32, #tpu.memory_space<vmem>>
        %dma_wait3A_298 = tpu.memref_squeeze %dma_wait3A_297 : memref<1x128x64xf32, #tpu.memory_space<vmem>> -> memref<128x64xf32, #tpu.memory_space<vmem>>
        %dma_wait3A_299 = arith.constant 0 : i32
        %dma_wait3A_300 = tpu.memref_slice %arg9[%add3A_292, %dma_wait3A_299] : memref<8x128xi32, #tpu.memory_space<vmem>> -> memref<1x128xi32, #tpu.memory_space<vmem>>
        %dma_wait3A_301 = tpu.memref_squeeze %dma_wait3A_300 : memref<1x128xi32, #tpu.memory_space<vmem>> -> memref<128xi32, #tpu.memory_space<vmem>>
        %dma_wait3A_302 = arith.constant 0 : i32
        %dma_wait3A_303 = arith.constant 0 : i32
        %dma_wait3A_304 = tpu.memref_slice %arg13[%dma_wait3A_302, %dma_wait3A_303] : memref<10016x64xf32, #tpu.memory_space<vmem_shared>> -> memref<10016x64xf32, #tpu.memory_space<vmem_shared>>
        %dma_wait3A_305 = tpu.memref_slice %arg14[%dma_wait3A_294] : memref<4x!tpu.dma_semaphore, #tpu.memory_space<semaphore_mem>> -> memref<1x!tpu.dma_semaphore, #tpu.memory_space<semaphore_mem>>
        %dma_wait3A_306 = tpu.memref_squeeze %dma_wait3A_305 : memref<1x!tpu.dma_semaphore, #tpu.memory_space<semaphore_mem>> -> memref<!tpu.dma_semaphore, #tpu.memory_space<semaphore_mem>>
        tpu.wait_indirect_dma semaphore(%dma_wait3A_306 : memref<!tpu.dma_semaphore, #tpu.memory_space<semaphore_mem>>) src(%dma_wait3A_304 : memref<10016x64xf32, #tpu.memory_space<vmem_shared>>) dst(%dma_wait3A_298 : memref<128x64xf32, #tpu.memory_space<vmem>>)
        %mul3A_307 = arith.constant 4 : i32
        %mul3A_308 = arith.muli %rem3A_177, %mul3A_307 : i32
        %add3A_309 = arith.constant 3 : i32
        %add3A_310 = arith.addi %mul3A_308, %add3A_309 : i32
        %dma_start3A_311 = arith.constant 3 : i32
        %dma_start3A_312 = arith.constant 3 : i32
        %dma_start3A_313 = arith.constant 0 : i32
        %dma_start3A_314 = arith.constant 0 : i32
        %dma_start3A_315 = tpu.memref_slice %arg11[%dma_start3A_311, %dma_start3A_313, %dma_start3A_314] : memref<4x128x64xf32, #tpu.memory_space<vmem>> -> memref<1x128x64xf32, #tpu.memory_space<vmem>>
        %dma_start3A_316 = tpu.memref_squeeze %dma_start3A_315 : memref<1x128x64xf32, #tpu.memory_space<vmem>> -> memref<128x64xf32, #tpu.memory_space<vmem>>
        %dma_start3A_317 = arith.constant 0 : i32
        %dma_start3A_318 = tpu.memref_slice %arg10[%add3A_310, %dma_start3A_317] : memref<8x128xi32, #tpu.memory_space<vmem>> -> memref<1x128xi32, #tpu.memory_space<vmem>>
        %dma_start3A_319 = tpu.memref_squeeze %dma_start3A_318 : memref<1x128xi32, #tpu.memory_space<vmem>> -> memref<128xi32, #tpu.memory_space<vmem>>
        %dma_start3A_320 = arith.constant 0 : i32
        %dma_start3A_321 = arith.constant 0 : i32
        %dma_start3A_322 = tpu.memref_slice %arg12[%dma_start3A_320, %dma_start3A_321] : memref<10240x64xf32, #tpu.memory_space<vmem_shared>> -> memref<10240x64xf32, #tpu.memory_space<vmem_shared>>
        %dma_start3A_323 = tpu.memref_slice %arg15[%dma_start3A_312] : memref<4x!tpu.dma_semaphore, #tpu.memory_space<semaphore_mem>> -> memref<1x!tpu.dma_semaphore, #tpu.memory_space<semaphore_mem>>
        %dma_start3A_324 = tpu.memref_squeeze %dma_start3A_323 : memref<1x!tpu.dma_semaphore, #tpu.memory_space<semaphore_mem>> -> memref<!tpu.dma_semaphore, #tpu.memory_space<semaphore_mem>>
        tpu.enqueue_indirect_dma source(%dma_start3A_316 : memref<128x64xf32, #tpu.memory_space<vmem>>) target(%dma_start3A_322 : memref<10240x64xf32, #tpu.memory_space<vmem_shared>>) offsets(%dma_start3A_319 : memref<128xi32, #tpu.memory_space<vmem>>) semaphore(%dma_start3A_324 : memref<!tpu.dma_semaphore, #tpu.memory_space<semaphore_mem>>) {add = true}
        %dma_wait3A_325 = arith.constant 0 : i32
        %dma_wait3A_326 = arith.constant 0 : i32
        %dma_wait3A_327 = arith.constant 0 : i32
        %dma_wait3A_328 = arith.constant 0 : i32
        %dma_wait3A_329 = tpu.memref_slice %arg11[%dma_wait3A_325, %dma_wait3A_327, %dma_wait3A_328] : memref<4x128x64xf32, #tpu.memory_space<vmem>> -> memref<1x128x64xf32, #tpu.memory_space<vmem>>
        %dma_wait3A_330 = tpu.memref_squeeze %dma_wait3A_329 : memref<1x128x64xf32, #tpu.memory_space<vmem>> -> memref<128x64xf32, #tpu.memory_space<vmem>>
        %dma_wait3A_331 = arith.constant 0 : i32
        %dma_wait3A_332 = tpu.memref_slice %arg10[%add3A_202, %dma_wait3A_331] : memref<8x128xi32, #tpu.memory_space<vmem>> -> memref<1x128xi32, #tpu.memory_space<vmem>>
        %dma_wait3A_333 = tpu.memref_squeeze %dma_wait3A_332 : memref<1x128xi32, #tpu.memory_space<vmem>> -> memref<128xi32, #tpu.memory_space<vmem>>
        %dma_wait3A_334 = arith.constant 0 : i32
        %dma_wait3A_335 = arith.constant 0 : i32
        %dma_wait3A_336 = tpu.memref_slice %arg12[%dma_wait3A_334, %dma_wait3A_335] : memref<10240x64xf32, #tpu.memory_space<vmem_shared>> -> memref<10240x64xf32, #tpu.memory_space<vmem_shared>>
        %dma_wait3A_337 = tpu.memref_slice %arg15[%dma_wait3A_326] : memref<4x!tpu.dma_semaphore, #tpu.memory_space<semaphore_mem>> -> memref<1x!tpu.dma_semaphore, #tpu.memory_space<semaphore_mem>>
        %dma_wait3A_338 = tpu.memref_squeeze %dma_wait3A_337 : memref<1x!tpu.dma_semaphore, #tpu.memory_space<semaphore_mem>> -> memref<!tpu.dma_semaphore, #tpu.memory_space<semaphore_mem>>
        tpu.wait_indirect_dma semaphore(%dma_wait3A_338 : memref<!tpu.dma_semaphore, #tpu.memory_space<semaphore_mem>>) src(%dma_wait3A_330 : memref<128x64xf32, #tpu.memory_space<vmem>>) dst(%dma_wait3A_336 : memref<10240x64xf32, #tpu.memory_space<vmem_shared>>)
        %dma_wait3A_339 = arith.constant 1 : i32
        %dma_wait3A_340 = arith.constant 1 : i32
        %dma_wait3A_341 = arith.constant 0 : i32
        %dma_wait3A_342 = arith.constant 0 : i32
        %dma_wait3A_343 = tpu.memref_slice %arg11[%dma_wait3A_339, %dma_wait3A_341, %dma_wait3A_342] : memref<4x128x64xf32, #tpu.memory_space<vmem>> -> memref<1x128x64xf32, #tpu.memory_space<vmem>>
        %dma_wait3A_344 = tpu.memref_squeeze %dma_wait3A_343 : memref<1x128x64xf32, #tpu.memory_space<vmem>> -> memref<128x64xf32, #tpu.memory_space<vmem>>
        %dma_wait3A_345 = arith.constant 0 : i32
        %dma_wait3A_346 = tpu.memref_slice %arg10[%add3A_238, %dma_wait3A_345] : memref<8x128xi32, #tpu.memory_space<vmem>> -> memref<1x128xi32, #tpu.memory_space<vmem>>
        %dma_wait3A_347 = tpu.memref_squeeze %dma_wait3A_346 : memref<1x128xi32, #tpu.memory_space<vmem>> -> memref<128xi32, #tpu.memory_space<vmem>>
        %dma_wait3A_348 = arith.constant 0 : i32
        %dma_wait3A_349 = arith.constant 0 : i32
        %dma_wait3A_350 = tpu.memref_slice %arg12[%dma_wait3A_348, %dma_wait3A_349] : memref<10240x64xf32, #tpu.memory_space<vmem_shared>> -> memref<10240x64xf32, #tpu.memory_space<vmem_shared>>
        %dma_wait3A_351 = tpu.memref_slice %arg15[%dma_wait3A_340] : memref<4x!tpu.dma_semaphore, #tpu.memory_space<semaphore_mem>> -> memref<1x!tpu.dma_semaphore, #tpu.memory_space<semaphore_mem>>
        %dma_wait3A_352 = tpu.memref_squeeze %dma_wait3A_351 : memref<1x!tpu.dma_semaphore, #tpu.memory_space<semaphore_mem>> -> memref<!tpu.dma_semaphore, #tpu.memory_space<semaphore_mem>>
        tpu.wait_indirect_dma semaphore(%dma_wait3A_352 : memref<!tpu.dma_semaphore, #tpu.memory_space<semaphore_mem>>) src(%dma_wait3A_344 : memref<128x64xf32, #tpu.memory_space<vmem>>) dst(%dma_wait3A_350 : memref<10240x64xf32, #tpu.memory_space<vmem_shared>>)
        %dma_wait3A_353 = arith.constant 2 : i32
        %dma_wait3A_354 = arith.constant 2 : i32
        %dma_wait3A_355 = arith.constant 0 : i32
        %dma_wait3A_356 = arith.constant 0 : i32
        %dma_wait3A_357 = tpu.memref_slice %arg11[%dma_wait3A_353, %dma_wait3A_355, %dma_wait3A_356] : memref<4x128x64xf32, #tpu.memory_space<vmem>> -> memref<1x128x64xf32, #tpu.memory_space<vmem>>
        %dma_wait3A_358 = tpu.memref_squeeze %dma_wait3A_357 : memref<1x128x64xf32, #tpu.memory_space<vmem>> -> memref<128x64xf32, #tpu.memory_space<vmem>>
        %dma_wait3A_359 = arith.constant 0 : i32
        %dma_wait3A_360 = tpu.memref_slice %arg10[%add3A_274, %dma_wait3A_359] : memref<8x128xi32, #tpu.memory_space<vmem>> -> memref<1x128xi32, #tpu.memory_space<vmem>>
        %dma_wait3A_361 = tpu.memref_squeeze %dma_wait3A_360 : memref<1x128xi32, #tpu.memory_space<vmem>> -> memref<128xi32, #tpu.memory_space<vmem>>
        %dma_wait3A_362 = arith.constant 0 : i32
        %dma_wait3A_363 = arith.constant 0 : i32
        %dma_wait3A_364 = tpu.memref_slice %arg12[%dma_wait3A_362, %dma_wait3A_363] : memref<10240x64xf32, #tpu.memory_space<vmem_shared>> -> memref<10240x64xf32, #tpu.memory_space<vmem_shared>>
        %dma_wait3A_365 = tpu.memref_slice %arg15[%dma_wait3A_354] : memref<4x!tpu.dma_semaphore, #tpu.memory_space<semaphore_mem>> -> memref<1x!tpu.dma_semaphore, #tpu.memory_space<semaphore_mem>>
        %dma_wait3A_366 = tpu.memref_squeeze %dma_wait3A_365 : memref<1x!tpu.dma_semaphore, #tpu.memory_space<semaphore_mem>> -> memref<!tpu.dma_semaphore, #tpu.memory_space<semaphore_mem>>
        tpu.wait_indirect_dma semaphore(%dma_wait3A_366 : memref<!tpu.dma_semaphore, #tpu.memory_space<semaphore_mem>>) src(%dma_wait3A_358 : memref<128x64xf32, #tpu.memory_space<vmem>>) dst(%dma_wait3A_364 : memref<10240x64xf32, #tpu.memory_space<vmem_shared>>)
        %dma_wait3A_367 = arith.constant 3 : i32
        %dma_wait3A_368 = arith.constant 3 : i32
        %dma_wait3A_369 = arith.constant 0 : i32
        %dma_wait3A_370 = arith.constant 0 : i32
        %dma_wait3A_371 = tpu.memref_slice %arg11[%dma_wait3A_367, %dma_wait3A_369, %dma_wait3A_370] : memref<4x128x64xf32, #tpu.memory_space<vmem>> -> memref<1x128x64xf32, #tpu.memory_space<vmem>>
        %dma_wait3A_372 = tpu.memref_squeeze %dma_wait3A_371 : memref<1x128x64xf32, #tpu.memory_space<vmem>> -> memref<128x64xf32, #tpu.memory_space<vmem>>
        %dma_wait3A_373 = arith.constant 0 : i32
        %dma_wait3A_374 = tpu.memref_slice %arg10[%add3A_310, %dma_wait3A_373] : memref<8x128xi32, #tpu.memory_space<vmem>> -> memref<1x128xi32, #tpu.memory_space<vmem>>
        %dma_wait3A_375 = tpu.memref_squeeze %dma_wait3A_374 : memref<1x128xi32, #tpu.memory_space<vmem>> -> memref<128xi32, #tpu.memory_space<vmem>>
        %dma_wait3A_376 = arith.constant 0 : i32
        %dma_wait3A_377 = arith.constant 0 : i32
        %dma_wait3A_378 = tpu.memref_slice %arg12[%dma_wait3A_376, %dma_wait3A_377] : memref<10240x64xf32, #tpu.memory_space<vmem_shared>> -> memref<10240x64xf32, #tpu.memory_space<vmem_shared>>
        %dma_wait3A_379 = tpu.memref_slice %arg15[%dma_wait3A_368] : memref<4x!tpu.dma_semaphore, #tpu.memory_space<semaphore_mem>> -> memref<1x!tpu.dma_semaphore, #tpu.memory_space<semaphore_mem>>
        %dma_wait3A_380 = tpu.memref_squeeze %dma_wait3A_379 : memref<1x!tpu.dma_semaphore, #tpu.memory_space<semaphore_mem>> -> memref<!tpu.dma_semaphore, #tpu.memory_space<semaphore_mem>>
        tpu.wait_indirect_dma semaphore(%dma_wait3A_380 : memref<!tpu.dma_semaphore, #tpu.memory_space<semaphore_mem>>) src(%dma_wait3A_372 : memref<128x64xf32, #tpu.memory_space<vmem>>) dst(%dma_wait3A_378 : memref<10240x64xf32, #tpu.memory_space<vmem_shared>>)
        %lt3A = arith.constant 21 : i32
        %lt3A_381 = arith.cmpi slt, %scan3A_176, %lt3A : i32
        %convert_element_type3A_382 = arith.extui %lt3A_381 : i1 to i32
        %cond3A_383 = arith.constant 0 : i32
        %cond3A_384 = arith.cmpi ne, %convert_element_type3A_382, %cond3A_383 : i32
        scf.if %cond3A_384 {
          %add3A_385 = arith.constant 1 : i32
          %add3A_386 = arith.addi %scan3A_176, %add3A_385 : i32
          %mul3A_387 = arith.constant 4 : i32
          %mul3A_388 = arith.muli %add3A_386, %mul3A_387 : i32
          %mul3A_389 = arith.constant 4 : i32
          %mul3A_390 = arith.muli %rem3A_180, %mul3A_389 : i32
          %mul3A_391 = arith.constant 4 : i32
          %mul3A_392 = arith.muli %add3A_386, %mul3A_391 : i32
          %mul3A_393 = arith.constant 4 : i32
          %mul3A_394 = arith.muli %rem3A_180, %mul3A_393 : i32
          %dma_wait3A_395 = arith.constant 0 : i32
          %dma_wait3A_396 = arith.constant 0 : i32
          %dma_wait3A_397 = tpu.memref_slice %arg9[%mul3A_390, %dma_wait3A_396] : memref<8x128xi32, #tpu.memory_space<vmem>> -> memref<4x128xi32, #tpu.memory_space<vmem>>
          %dma_wait3A_398 = arith.constant 0 : i32
          %dma_wait3A_399 = tpu.memref_slice %arg2[%arg1, %mul3A_388, %dma_wait3A_398] : memref<16x88x128xi32, #tpu.memory_space<hbm>> -> memref<1x4x128xi32, #tpu.memory_space<hbm>>
          %dma_wait3A_400 = tpu.memref_squeeze %dma_wait3A_399 : memref<1x4x128xi32, #tpu.memory_space<hbm>> -> memref<4x128xi32, #tpu.memory_space<hbm>>
          %dma_wait3A_401 = tpu.memref_slice %arg16[%dma_wait3A_395] : memref<2x!tpu.dma_semaphore, #tpu.memory_space<semaphore_mem>> -> memref<1x!tpu.dma_semaphore, #tpu.memory_space<semaphore_mem>>
          %dma_wait3A_402 = tpu.memref_squeeze %dma_wait3A_401 : memref<1x!tpu.dma_semaphore, #tpu.memory_space<semaphore_mem>> -> memref<!tpu.dma_semaphore, #tpu.memory_space<semaphore_mem>>
          %dma_wait3A_403 = arith.constant 0 : i32
          %dma_wait3A_404 = tpu.memref_slice %arg9[%mul3A_390, %dma_wait3A_403] : memref<8x128xi32, #tpu.memory_space<vmem>> -> memref<4x128xi32, #tpu.memory_space<vmem>>
          %dma_wait3A_405 = arith.constant 0 : i32
          %dma_wait3A_406 = tpu.memref_slice %arg2[%arg1, %mul3A_388, %dma_wait3A_405] : memref<16x88x128xi32, #tpu.memory_space<hbm>> -> memref<1x4x128xi32, #tpu.memory_space<hbm>>
          %dma_wait3A_407 = tpu.memref_squeeze %dma_wait3A_406 : memref<1x4x128xi32, #tpu.memory_space<hbm>> -> memref<4x128xi32, #tpu.memory_space<hbm>>
          tpu.wait_dma2 semaphore(%dma_wait3A_402 : memref<!tpu.dma_semaphore, #tpu.memory_space<semaphore_mem>>) src(%dma_wait3A_407 : memref<4x128xi32, #tpu.memory_space<hbm>>) dst(%dma_wait3A_404 : memref<4x128xi32, #tpu.memory_space<vmem>>)
          %dma_wait3A_408 = arith.constant 1 : i32
          %dma_wait3A_409 = arith.constant 0 : i32
          %dma_wait3A_410 = tpu.memref_slice %arg10[%mul3A_394, %dma_wait3A_409] : memref<8x128xi32, #tpu.memory_space<vmem>> -> memref<4x128xi32, #tpu.memory_space<vmem>>
          %dma_wait3A_411 = arith.constant 0 : i32
          %dma_wait3A_412 = tpu.memref_slice %arg3[%arg1, %mul3A_392, %dma_wait3A_411] : memref<16x88x128xi32, #tpu.memory_space<hbm>> -> memref<1x4x128xi32, #tpu.memory_space<hbm>>
          %dma_wait3A_413 = tpu.memref_squeeze %dma_wait3A_412 : memref<1x4x128xi32, #tpu.memory_space<hbm>> -> memref<4x128xi32, #tpu.memory_space<hbm>>
          %dma_wait3A_414 = tpu.memref_slice %arg16[%dma_wait3A_408] : memref<2x!tpu.dma_semaphore, #tpu.memory_space<semaphore_mem>> -> memref<1x!tpu.dma_semaphore, #tpu.memory_space<semaphore_mem>>
          %dma_wait3A_415 = tpu.memref_squeeze %dma_wait3A_414 : memref<1x!tpu.dma_semaphore, #tpu.memory_space<semaphore_mem>> -> memref<!tpu.dma_semaphore, #tpu.memory_space<semaphore_mem>>
          %dma_wait3A_416 = arith.constant 0 : i32
          %dma_wait3A_417 = tpu.memref_slice %arg10[%mul3A_394, %dma_wait3A_416] : memref<8x128xi32, #tpu.memory_space<vmem>> -> memref<4x128xi32, #tpu.memory_space<vmem>>
          %dma_wait3A_418 = arith.constant 0 : i32
          %dma_wait3A_419 = tpu.memref_slice %arg3[%arg1, %mul3A_392, %dma_wait3A_418] : memref<16x88x128xi32, #tpu.memory_space<hbm>> -> memref<1x4x128xi32, #tpu.memory_space<hbm>>
          %dma_wait3A_420 = tpu.memref_squeeze %dma_wait3A_419 : memref<1x4x128xi32, #tpu.memory_space<hbm>> -> memref<4x128xi32, #tpu.memory_space<hbm>>
          tpu.wait_dma2 semaphore(%dma_wait3A_415 : memref<!tpu.dma_semaphore, #tpu.memory_space<semaphore_mem>>) src(%dma_wait3A_420 : memref<4x128xi32, #tpu.memory_space<hbm>>) dst(%dma_wait3A_417 : memref<4x128xi32, #tpu.memory_space<vmem>>)
          %mul3A_421 = arith.constant 4 : i32
          %mul3A_422 = arith.muli %rem3A_180, %mul3A_421 : i32
          %add3A_423 = arith.constant 0 : i32
          %add3A_424 = arith.addi %mul3A_422, %add3A_423 : i32
          %dma_start3A_425 = arith.constant 0 : i32
          %dma_start3A_426 = arith.constant 0 : i32
          %dma_start3A_427 = arith.constant 0 : i32
          %dma_start3A_428 = arith.constant 0 : i32
          %dma_start3A_429 = tpu.memref_slice %arg11[%dma_start3A_425, %dma_start3A_427, %dma_start3A_428] : memref<4x128x64xf32, #tpu.memory_space<vmem>> -> memref<1x128x64xf32, #tpu.memory_space<vmem>>
          %dma_start3A_430 = tpu.memref_squeeze %dma_start3A_429 : memref<1x128x64xf32, #tpu.memory_space<vmem>> -> memref<128x64xf32, #tpu.memory_space<vmem>>
          %dma_start3A_431 = arith.constant 0 : i32
          %dma_start3A_432 = tpu.memref_slice %arg9[%add3A_424, %dma_start3A_431] : memref<8x128xi32, #tpu.memory_space<vmem>> -> memref<1x128xi32, #tpu.memory_space<vmem>>
          %dma_start3A_433 = tpu.memref_squeeze %dma_start3A_432 : memref<1x128xi32, #tpu.memory_space<vmem>> -> memref<128xi32, #tpu.memory_space<vmem>>
          %dma_start3A_434 = arith.constant 0 : i32
          %dma_start3A_435 = arith.constant 0 : i32
          %dma_start3A_436 = tpu.memref_slice %arg13[%dma_start3A_434, %dma_start3A_435] : memref<10016x64xf32, #tpu.memory_space<vmem_shared>> -> memref<10016x64xf32, #tpu.memory_space<vmem_shared>>
          %dma_start3A_437 = tpu.memref_slice %arg14[%dma_start3A_426] : memref<4x!tpu.dma_semaphore, #tpu.memory_space<semaphore_mem>> -> memref<1x!tpu.dma_semaphore, #tpu.memory_space<semaphore_mem>>
          %dma_start3A_438 = tpu.memref_squeeze %dma_start3A_437 : memref<1x!tpu.dma_semaphore, #tpu.memory_space<semaphore_mem>> -> memref<!tpu.dma_semaphore, #tpu.memory_space<semaphore_mem>>
          tpu.enqueue_indirect_dma source(%dma_start3A_436 : memref<10016x64xf32, #tpu.memory_space<vmem_shared>>) target(%dma_start3A_430 : memref<128x64xf32, #tpu.memory_space<vmem>>) offsets(%dma_start3A_433 : memref<128xi32, #tpu.memory_space<vmem>>) semaphore(%dma_start3A_438 : memref<!tpu.dma_semaphore, #tpu.memory_space<semaphore_mem>>)
          %mul3A_439 = arith.constant 4 : i32
          %mul3A_440 = arith.muli %rem3A_180, %mul3A_439 : i32
          %add3A_441 = arith.constant 1 : i32
          %add3A_442 = arith.addi %mul3A_440, %add3A_441 : i32
          %dma_start3A_443 = arith.constant 1 : i32
          %dma_start3A_444 = arith.constant 1 : i32
          %dma_start3A_445 = arith.constant 0 : i32
          %dma_start3A_446 = arith.constant 0 : i32
          %dma_start3A_447 = tpu.memref_slice %arg11[%dma_start3A_443, %dma_start3A_445, %dma_start3A_446] : memref<4x128x64xf32, #tpu.memory_space<vmem>> -> memref<1x128x64xf32, #tpu.memory_space<vmem>>
          %dma_start3A_448 = tpu.memref_squeeze %dma_start3A_447 : memref<1x128x64xf32, #tpu.memory_space<vmem>> -> memref<128x64xf32, #tpu.memory_space<vmem>>
          %dma_start3A_449 = arith.constant 0 : i32
          %dma_start3A_450 = tpu.memref_slice %arg9[%add3A_442, %dma_start3A_449] : memref<8x128xi32, #tpu.memory_space<vmem>> -> memref<1x128xi32, #tpu.memory_space<vmem>>
          %dma_start3A_451 = tpu.memref_squeeze %dma_start3A_450 : memref<1x128xi32, #tpu.memory_space<vmem>> -> memref<128xi32, #tpu.memory_space<vmem>>
          %dma_start3A_452 = arith.constant 0 : i32
          %dma_start3A_453 = arith.constant 0 : i32
          %dma_start3A_454 = tpu.memref_slice %arg13[%dma_start3A_452, %dma_start3A_453] : memref<10016x64xf32, #tpu.memory_space<vmem_shared>> -> memref<10016x64xf32, #tpu.memory_space<vmem_shared>>
          %dma_start3A_455 = tpu.memref_slice %arg14[%dma_start3A_444] : memref<4x!tpu.dma_semaphore, #tpu.memory_space<semaphore_mem>> -> memref<1x!tpu.dma_semaphore, #tpu.memory_space<semaphore_mem>>
          %dma_start3A_456 = tpu.memref_squeeze %dma_start3A_455 : memref<1x!tpu.dma_semaphore, #tpu.memory_space<semaphore_mem>> -> memref<!tpu.dma_semaphore, #tpu.memory_space<semaphore_mem>>
          tpu.enqueue_indirect_dma source(%dma_start3A_454 : memref<10016x64xf32, #tpu.memory_space<vmem_shared>>) target(%dma_start3A_448 : memref<128x64xf32, #tpu.memory_space<vmem>>) offsets(%dma_start3A_451 : memref<128xi32, #tpu.memory_space<vmem>>) semaphore(%dma_start3A_456 : memref<!tpu.dma_semaphore, #tpu.memory_space<semaphore_mem>>)
          %mul3A_457 = arith.constant 4 : i32
          %mul3A_458 = arith.muli %rem3A_180, %mul3A_457 : i32
          %add3A_459 = arith.constant 2 : i32
          %add3A_460 = arith.addi %mul3A_458, %add3A_459 : i32
          %dma_start3A_461 = arith.constant 2 : i32
          %dma_start3A_462 = arith.constant 2 : i32
          %dma_start3A_463 = arith.constant 0 : i32
          %dma_start3A_464 = arith.constant 0 : i32
          %dma_start3A_465 = tpu.memref_slice %arg11[%dma_start3A_461, %dma_start3A_463, %dma_start3A_464] : memref<4x128x64xf32, #tpu.memory_space<vmem>> -> memref<1x128x64xf32, #tpu.memory_space<vmem>>
          %dma_start3A_466 = tpu.memref_squeeze %dma_start3A_465 : memref<1x128x64xf32, #tpu.memory_space<vmem>> -> memref<128x64xf32, #tpu.memory_space<vmem>>
          %dma_start3A_467 = arith.constant 0 : i32
          %dma_start3A_468 = tpu.memref_slice %arg9[%add3A_460, %dma_start3A_467] : memref<8x128xi32, #tpu.memory_space<vmem>> -> memref<1x128xi32, #tpu.memory_space<vmem>>
          %dma_start3A_469 = tpu.memref_squeeze %dma_start3A_468 : memref<1x128xi32, #tpu.memory_space<vmem>> -> memref<128xi32, #tpu.memory_space<vmem>>
          %dma_start3A_470 = arith.constant 0 : i32
          %dma_start3A_471 = arith.constant 0 : i32
          %dma_start3A_472 = tpu.memref_slice %arg13[%dma_start3A_470, %dma_start3A_471] : memref<10016x64xf32, #tpu.memory_space<vmem_shared>> -> memref<10016x64xf32, #tpu.memory_space<vmem_shared>>
          %dma_start3A_473 = tpu.memref_slice %arg14[%dma_start3A_462] : memref<4x!tpu.dma_semaphore, #tpu.memory_space<semaphore_mem>> -> memref<1x!tpu.dma_semaphore, #tpu.memory_space<semaphore_mem>>
          %dma_start3A_474 = tpu.memref_squeeze %dma_start3A_473 : memref<1x!tpu.dma_semaphore, #tpu.memory_space<semaphore_mem>> -> memref<!tpu.dma_semaphore, #tpu.memory_space<semaphore_mem>>
          tpu.enqueue_indirect_dma source(%dma_start3A_472 : memref<10016x64xf32, #tpu.memory_space<vmem_shared>>) target(%dma_start3A_466 : memref<128x64xf32, #tpu.memory_space<vmem>>) offsets(%dma_start3A_469 : memref<128xi32, #tpu.memory_space<vmem>>) semaphore(%dma_start3A_474 : memref<!tpu.dma_semaphore, #tpu.memory_space<semaphore_mem>>)
          %mul3A_475 = arith.constant 4 : i32
          %mul3A_476 = arith.muli %rem3A_180, %mul3A_475 : i32
          %add3A_477 = arith.constant 3 : i32
          %add3A_478 = arith.addi %mul3A_476, %add3A_477 : i32
          %dma_start3A_479 = arith.constant 3 : i32
          %dma_start3A_480 = arith.constant 3 : i32
          %dma_start3A_481 = arith.constant 0 : i32
          %dma_start3A_482 = arith.constant 0 : i32
          %dma_start3A_483 = tpu.memref_slice %arg11[%dma_start3A_479, %dma_start3A_481, %dma_start3A_482] : memref<4x128x64xf32, #tpu.memory_space<vmem>> -> memref<1x128x64xf32, #tpu.memory_space<vmem>>
          %dma_start3A_484 = tpu.memref_squeeze %dma_start3A_483 : memref<1x128x64xf32, #tpu.memory_space<vmem>> -> memref<128x64xf32, #tpu.memory_space<vmem>>
          %dma_start3A_485 = arith.constant 0 : i32
          %dma_start3A_486 = tpu.memref_slice %arg9[%add3A_478, %dma_start3A_485] : memref<8x128xi32, #tpu.memory_space<vmem>> -> memref<1x128xi32, #tpu.memory_space<vmem>>
          %dma_start3A_487 = tpu.memref_squeeze %dma_start3A_486 : memref<1x128xi32, #tpu.memory_space<vmem>> -> memref<128xi32, #tpu.memory_space<vmem>>
          %dma_start3A_488 = arith.constant 0 : i32
          %dma_start3A_489 = arith.constant 0 : i32
          %dma_start3A_490 = tpu.memref_slice %arg13[%dma_start3A_488, %dma_start3A_489] : memref<10016x64xf32, #tpu.memory_space<vmem_shared>> -> memref<10016x64xf32, #tpu.memory_space<vmem_shared>>
          %dma_start3A_491 = tpu.memref_slice %arg14[%dma_start3A_480] : memref<4x!tpu.dma_semaphore, #tpu.memory_space<semaphore_mem>> -> memref<1x!tpu.dma_semaphore, #tpu.memory_space<semaphore_mem>>
          %dma_start3A_492 = tpu.memref_squeeze %dma_start3A_491 : memref<1x!tpu.dma_semaphore, #tpu.memory_space<semaphore_mem>> -> memref<!tpu.dma_semaphore, #tpu.memory_space<semaphore_mem>>
          tpu.enqueue_indirect_dma source(%dma_start3A_490 : memref<10016x64xf32, #tpu.memory_space<vmem_shared>>) target(%dma_start3A_484 : memref<128x64xf32, #tpu.memory_space<vmem>>) offsets(%dma_start3A_487 : memref<128xi32, #tpu.memory_space<vmem>>) semaphore(%dma_start3A_492 : memref<!tpu.dma_semaphore, #tpu.memory_space<semaphore_mem>>)
          %lt3A_493 = arith.constant 20 : i32
          %lt3A_494 = arith.cmpi slt, %scan3A_176, %lt3A_493 : i32
          %convert_element_type3A_495 = arith.extui %lt3A_494 : i1 to i32
          %cond3A_496 = arith.constant 0 : i32
          %cond3A_497 = arith.cmpi ne, %convert_element_type3A_495, %cond3A_496 : i32
          scf.if %cond3A_497 {
            %add3A_498 = arith.constant 2 : i32
            %add3A_499 = arith.addi %scan3A_176, %add3A_498 : i32
            %mul3A_500 = arith.constant 4 : i32
            %mul3A_501 = arith.muli %add3A_499, %mul3A_500 : i32
            %mul3A_502 = arith.constant 4 : i32
            %mul3A_503 = arith.muli %rem3A_177, %mul3A_502 : i32
            %mul3A_504 = arith.constant 4 : i32
            %mul3A_505 = arith.muli %add3A_499, %mul3A_504 : i32
            %mul3A_506 = arith.constant 4 : i32
            %mul3A_507 = arith.muli %rem3A_177, %mul3A_506 : i32
            %dma_start3A_508 = arith.constant 0 : i32
            %dma_start3A_509 = arith.constant 0 : i32
            %dma_start3A_510 = tpu.memref_slice %arg9[%mul3A_503, %dma_start3A_509] : memref<8x128xi32, #tpu.memory_space<vmem>> -> memref<4x128xi32, #tpu.memory_space<vmem>>
            %dma_start3A_511 = arith.constant 0 : i32
            %dma_start3A_512 = tpu.memref_slice %arg2[%arg1, %mul3A_501, %dma_start3A_511] : memref<16x88x128xi32, #tpu.memory_space<hbm>> -> memref<1x4x128xi32, #tpu.memory_space<hbm>>
            %dma_start3A_513 = tpu.memref_squeeze %dma_start3A_512 : memref<1x4x128xi32, #tpu.memory_space<hbm>> -> memref<4x128xi32, #tpu.memory_space<hbm>>
            %dma_start3A_514 = tpu.memref_slice %arg16[%dma_start3A_508] : memref<2x!tpu.dma_semaphore, #tpu.memory_space<semaphore_mem>> -> memref<1x!tpu.dma_semaphore, #tpu.memory_space<semaphore_mem>>
            %dma_start3A_515 = tpu.memref_squeeze %dma_start3A_514 : memref<1x!tpu.dma_semaphore, #tpu.memory_space<semaphore_mem>> -> memref<!tpu.dma_semaphore, #tpu.memory_space<semaphore_mem>>
            %dma_start3A_516 = arith.constant 0 : i32
            %dma_start3A_517 = tpu.memref_slice %arg9[%mul3A_503, %dma_start3A_516] : memref<8x128xi32, #tpu.memory_space<vmem>> -> memref<4x128xi32, #tpu.memory_space<vmem>>
            %dma_start3A_518 = arith.constant 0 : i32
            %dma_start3A_519 = tpu.memref_slice %arg2[%arg1, %mul3A_501, %dma_start3A_518] : memref<16x88x128xi32, #tpu.memory_space<hbm>> -> memref<1x4x128xi32, #tpu.memory_space<hbm>>
            %dma_start3A_520 = tpu.memref_squeeze %dma_start3A_519 : memref<1x4x128xi32, #tpu.memory_space<hbm>> -> memref<4x128xi32, #tpu.memory_space<hbm>>
            tpu.enqueue_dma source(%dma_start3A_520 : memref<4x128xi32, #tpu.memory_space<hbm>>) target(%dma_start3A_517 : memref<4x128xi32, #tpu.memory_space<vmem>>) target_semaphore(%dma_start3A_515 : memref<!tpu.dma_semaphore, #tpu.memory_space<semaphore_mem>>)
            %dma_start3A_521 = arith.constant 1 : i32
            %dma_start3A_522 = arith.constant 0 : i32
            %dma_start3A_523 = tpu.memref_slice %arg10[%mul3A_507, %dma_start3A_522] : memref<8x128xi32, #tpu.memory_space<vmem>> -> memref<4x128xi32, #tpu.memory_space<vmem>>
            %dma_start3A_524 = arith.constant 0 : i32
            %dma_start3A_525 = tpu.memref_slice %arg3[%arg1, %mul3A_505, %dma_start3A_524] : memref<16x88x128xi32, #tpu.memory_space<hbm>> -> memref<1x4x128xi32, #tpu.memory_space<hbm>>
            %dma_start3A_526 = tpu.memref_squeeze %dma_start3A_525 : memref<1x4x128xi32, #tpu.memory_space<hbm>> -> memref<4x128xi32, #tpu.memory_space<hbm>>
            %dma_start3A_527 = tpu.memref_slice %arg16[%dma_start3A_521] : memref<2x!tpu.dma_semaphore, #tpu.memory_space<semaphore_mem>> -> memref<1x!tpu.dma_semaphore, #tpu.memory_space<semaphore_mem>>
            %dma_start3A_528 = tpu.memref_squeeze %dma_start3A_527 : memref<1x!tpu.dma_semaphore, #tpu.memory_space<semaphore_mem>> -> memref<!tpu.dma_semaphore, #tpu.memory_space<semaphore_mem>>
            %dma_start3A_529 = arith.constant 0 : i32
            %dma_start3A_530 = tpu.memref_slice %arg10[%mul3A_507, %dma_start3A_529] : memref<8x128xi32, #tpu.memory_space<vmem>> -> memref<4x128xi32, #tpu.memory_space<vmem>>
            %dma_start3A_531 = arith.constant 0 : i32
            %dma_start3A_532 = tpu.memref_slice %arg3[%arg1, %mul3A_505, %dma_start3A_531] : memref<16x88x128xi32, #tpu.memory_space<hbm>> -> memref<1x4x128xi32, #tpu.memory_space<hbm>>
            %dma_start3A_533 = tpu.memref_squeeze %dma_start3A_532 : memref<1x4x128xi32, #tpu.memory_space<hbm>> -> memref<4x128xi32, #tpu.memory_space<hbm>>
            tpu.enqueue_dma source(%dma_start3A_533 : memref<4x128xi32, #tpu.memory_space<hbm>>) target(%dma_start3A_530 : memref<4x128xi32, #tpu.memory_space<vmem>>) target_semaphore(%dma_start3A_528 : memref<!tpu.dma_semaphore, #tpu.memory_space<semaphore_mem>>)
          } else {
          }
        } else {
        }
      }
      %scan3A_175 = arith.constant 22 : i32
    } else {
    }
    %eq3A_5 = arith.constant 1 : i32
    %eq3A_6 = arith.cmpi eq, %arg0, %eq3A_5 : i32
    %convert_element_type3A_7 = arith.extui %eq3A_6 : i1 to i32
    %cond3A_8 = arith.constant 0 : i32
    %cond3A_9 = arith.cmpi ne, %convert_element_type3A_7, %cond3A_8 : i32
    scf.if %cond3A_9 {
      %dma_start3A = arith.constant 0 : i32
      %dma_start3A_11 = arith.constant 0 : i32
      %dma_start3A_12 = arith.constant 0 : i32
      %dma_start3A_13 = tpu.memref_slice %arg9[%dma_start3A_11, %dma_start3A_12] : memref<8x128xi32, #tpu.memory_space<vmem>> -> memref<4x128xi32, #tpu.memory_space<vmem>>
      %dma_start3A_14 = arith.constant 0 : i32
      %dma_start3A_15 = arith.constant 0 : i32
      %dma_start3A_16 = tpu.memref_slice %arg4[%arg1, %dma_start3A_14, %dma_start3A_15] : memref<16x72x128xi32, #tpu.memory_space<hbm>> -> memref<1x4x128xi32, #tpu.memory_space<hbm>>
      %dma_start3A_17 = tpu.memref_squeeze %dma_start3A_16 : memref<1x4x128xi32, #tpu.memory_space<hbm>> -> memref<4x128xi32, #tpu.memory_space<hbm>>
      %dma_start3A_18 = tpu.memref_slice %arg16[%dma_start3A] : memref<2x!tpu.dma_semaphore, #tpu.memory_space<semaphore_mem>> -> memref<1x!tpu.dma_semaphore, #tpu.memory_space<semaphore_mem>>
      %dma_start3A_19 = tpu.memref_squeeze %dma_start3A_18 : memref<1x!tpu.dma_semaphore, #tpu.memory_space<semaphore_mem>> -> memref<!tpu.dma_semaphore, #tpu.memory_space<semaphore_mem>>
      %dma_start3A_20 = arith.constant 0 : i32
      %dma_start3A_21 = arith.constant 0 : i32
      %dma_start3A_22 = tpu.memref_slice %arg9[%dma_start3A_20, %dma_start3A_21] : memref<8x128xi32, #tpu.memory_space<vmem>> -> memref<4x128xi32, #tpu.memory_space<vmem>>
      %dma_start3A_23 = arith.constant 0 : i32
      %dma_start3A_24 = arith.constant 0 : i32
      %dma_start3A_25 = tpu.memref_slice %arg4[%arg1, %dma_start3A_23, %dma_start3A_24] : memref<16x72x128xi32, #tpu.memory_space<hbm>> -> memref<1x4x128xi32, #tpu.memory_space<hbm>>
      %dma_start3A_26 = tpu.memref_squeeze %dma_start3A_25 : memref<1x4x128xi32, #tpu.memory_space<hbm>> -> memref<4x128xi32, #tpu.memory_space<hbm>>
      tpu.enqueue_dma source(%dma_start3A_26 : memref<4x128xi32, #tpu.memory_space<hbm>>) target(%dma_start3A_22 : memref<4x128xi32, #tpu.memory_space<vmem>>) target_semaphore(%dma_start3A_19 : memref<!tpu.dma_semaphore, #tpu.memory_space<semaphore_mem>>)
      %dma_start3A_27 = arith.constant 1 : i32
      %dma_start3A_28 = arith.constant 0 : i32
      %dma_start3A_29 = arith.constant 0 : i32
      %dma_start3A_30 = tpu.memref_slice %arg10[%dma_start3A_28, %dma_start3A_29] : memref<8x128xi32, #tpu.memory_space<vmem>> -> memref<4x128xi32, #tpu.memory_space<vmem>>
      %dma_start3A_31 = arith.constant 0 : i32
      %dma_start3A_32 = arith.constant 0 : i32
      %dma_start3A_33 = tpu.memref_slice %arg5[%arg1, %dma_start3A_31, %dma_start3A_32] : memref<16x72x128xi32, #tpu.memory_space<hbm>> -> memref<1x4x128xi32, #tpu.memory_space<hbm>>
      %dma_start3A_34 = tpu.memref_squeeze %dma_start3A_33 : memref<1x4x128xi32, #tpu.memory_space<hbm>> -> memref<4x128xi32, #tpu.memory_space<hbm>>
      %dma_start3A_35 = tpu.memref_slice %arg16[%dma_start3A_27] : memref<2x!tpu.dma_semaphore, #tpu.memory_space<semaphore_mem>> -> memref<1x!tpu.dma_semaphore, #tpu.memory_space<semaphore_mem>>
      %dma_start3A_36 = tpu.memref_squeeze %dma_start3A_35 : memref<1x!tpu.dma_semaphore, #tpu.memory_space<semaphore_mem>> -> memref<!tpu.dma_semaphore, #tpu.memory_space<semaphore_mem>>
      %dma_start3A_37 = arith.constant 0 : i32
      %dma_start3A_38 = arith.constant 0 : i32
      %dma_start3A_39 = tpu.memref_slice %arg10[%dma_start3A_37, %dma_start3A_38] : memref<8x128xi32, #tpu.memory_space<vmem>> -> memref<4x128xi32, #tpu.memory_space<vmem>>
      %dma_start3A_40 = arith.constant 0 : i32
      %dma_start3A_41 = arith.constant 0 : i32
      %dma_start3A_42 = tpu.memref_slice %arg5[%arg1, %dma_start3A_40, %dma_start3A_41] : memref<16x72x128xi32, #tpu.memory_space<hbm>> -> memref<1x4x128xi32, #tpu.memory_space<hbm>>
      %dma_start3A_43 = tpu.memref_squeeze %dma_start3A_42 : memref<1x4x128xi32, #tpu.memory_space<hbm>> -> memref<4x128xi32, #tpu.memory_space<hbm>>
      tpu.enqueue_dma source(%dma_start3A_43 : memref<4x128xi32, #tpu.memory_space<hbm>>) target(%dma_start3A_39 : memref<4x128xi32, #tpu.memory_space<vmem>>) target_semaphore(%dma_start3A_36 : memref<!tpu.dma_semaphore, #tpu.memory_space<semaphore_mem>>)
      %dma_wait3A = arith.constant 0 : i32
      %dma_wait3A_44 = arith.constant 0 : i32
      %dma_wait3A_45 = arith.constant 0 : i32
      %dma_wait3A_46 = tpu.memref_slice %arg9[%dma_wait3A_44, %dma_wait3A_45] : memref<8x128xi32, #tpu.memory_space<vmem>> -> memref<4x128xi32, #tpu.memory_space<vmem>>
      %dma_wait3A_47 = arith.constant 0 : i32
      %dma_wait3A_48 = arith.constant 0 : i32
      %dma_wait3A_49 = tpu.memref_slice %arg4[%arg1, %dma_wait3A_47, %dma_wait3A_48] : memref<16x72x128xi32, #tpu.memory_space<hbm>> -> memref<1x4x128xi32, #tpu.memory_space<hbm>>
      %dma_wait3A_50 = tpu.memref_squeeze %dma_wait3A_49 : memref<1x4x128xi32, #tpu.memory_space<hbm>> -> memref<4x128xi32, #tpu.memory_space<hbm>>
      %dma_wait3A_51 = tpu.memref_slice %arg16[%dma_wait3A] : memref<2x!tpu.dma_semaphore, #tpu.memory_space<semaphore_mem>> -> memref<1x!tpu.dma_semaphore, #tpu.memory_space<semaphore_mem>>
      %dma_wait3A_52 = tpu.memref_squeeze %dma_wait3A_51 : memref<1x!tpu.dma_semaphore, #tpu.memory_space<semaphore_mem>> -> memref<!tpu.dma_semaphore, #tpu.memory_space<semaphore_mem>>
      %dma_wait3A_53 = arith.constant 0 : i32
      %dma_wait3A_54 = arith.constant 0 : i32
      %dma_wait3A_55 = tpu.memref_slice %arg9[%dma_wait3A_53, %dma_wait3A_54] : memref<8x128xi32, #tpu.memory_space<vmem>> -> memref<4x128xi32, #tpu.memory_space<vmem>>
      %dma_wait3A_56 = arith.constant 0 : i32
      %dma_wait3A_57 = arith.constant 0 : i32
      %dma_wait3A_58 = tpu.memref_slice %arg4[%arg1, %dma_wait3A_56, %dma_wait3A_57] : memref<16x72x128xi32, #tpu.memory_space<hbm>> -> memref<1x4x128xi32, #tpu.memory_space<hbm>>
      %dma_wait3A_59 = tpu.memref_squeeze %dma_wait3A_58 : memref<1x4x128xi32, #tpu.memory_space<hbm>> -> memref<4x128xi32, #tpu.memory_space<hbm>>
      tpu.wait_dma2 semaphore(%dma_wait3A_52 : memref<!tpu.dma_semaphore, #tpu.memory_space<semaphore_mem>>) src(%dma_wait3A_59 : memref<4x128xi32, #tpu.memory_space<hbm>>) dst(%dma_wait3A_55 : memref<4x128xi32, #tpu.memory_space<vmem>>)
      %dma_wait3A_60 = arith.constant 1 : i32
      %dma_wait3A_61 = arith.constant 0 : i32
      %dma_wait3A_62 = arith.constant 0 : i32
      %dma_wait3A_63 = tpu.memref_slice %arg10[%dma_wait3A_61, %dma_wait3A_62] : memref<8x128xi32, #tpu.memory_space<vmem>> -> memref<4x128xi32, #tpu.memory_space<vmem>>
      %dma_wait3A_64 = arith.constant 0 : i32
      %dma_wait3A_65 = arith.constant 0 : i32
      %dma_wait3A_66 = tpu.memref_slice %arg5[%arg1, %dma_wait3A_64, %dma_wait3A_65] : memref<16x72x128xi32, #tpu.memory_space<hbm>> -> memref<1x4x128xi32, #tpu.memory_space<hbm>>
      %dma_wait3A_67 = tpu.memref_squeeze %dma_wait3A_66 : memref<1x4x128xi32, #tpu.memory_space<hbm>> -> memref<4x128xi32, #tpu.memory_space<hbm>>
      %dma_wait3A_68 = tpu.memref_slice %arg16[%dma_wait3A_60] : memref<2x!tpu.dma_semaphore, #tpu.memory_space<semaphore_mem>> -> memref<1x!tpu.dma_semaphore, #tpu.memory_space<semaphore_mem>>
      %dma_wait3A_69 = tpu.memref_squeeze %dma_wait3A_68 : memref<1x!tpu.dma_semaphore, #tpu.memory_space<semaphore_mem>> -> memref<!tpu.dma_semaphore, #tpu.memory_space<semaphore_mem>>
      %dma_wait3A_70 = arith.constant 0 : i32
      %dma_wait3A_71 = arith.constant 0 : i32
      %dma_wait3A_72 = tpu.memref_slice %arg10[%dma_wait3A_70, %dma_wait3A_71] : memref<8x128xi32, #tpu.memory_space<vmem>> -> memref<4x128xi32, #tpu.memory_space<vmem>>
      %dma_wait3A_73 = arith.constant 0 : i32
      %dma_wait3A_74 = arith.constant 0 : i32
      %dma_wait3A_75 = tpu.memref_slice %arg5[%arg1, %dma_wait3A_73, %dma_wait3A_74] : memref<16x72x128xi32, #tpu.memory_space<hbm>> -> memref<1x4x128xi32, #tpu.memory_space<hbm>>
      %dma_wait3A_76 = tpu.memref_squeeze %dma_wait3A_75 : memref<1x4x128xi32, #tpu.memory_space<hbm>> -> memref<4x128xi32, #tpu.memory_space<hbm>>
      tpu.wait_dma2 semaphore(%dma_wait3A_69 : memref<!tpu.dma_semaphore, #tpu.memory_space<semaphore_mem>>) src(%dma_wait3A_76 : memref<4x128xi32, #tpu.memory_space<hbm>>) dst(%dma_wait3A_72 : memref<4x128xi32, #tpu.memory_space<vmem>>)
      %dma_start3A_77 = arith.constant 0 : i32
      %dma_start3A_78 = arith.constant 0 : i32
      %dma_start3A_79 = arith.constant 0 : i32
      %dma_start3A_80 = arith.constant 0 : i32
      %dma_start3A_81 = arith.constant 0 : i32
      %dma_start3A_82 = tpu.memref_slice %arg11[%dma_start3A_78, %dma_start3A_80, %dma_start3A_81] : memref<4x128x64xf32, #tpu.memory_space<vmem>> -> memref<1x128x64xf32, #tpu.memory_space<vmem>>
      %dma_start3A_83 = tpu.memref_squeeze %dma_start3A_82 : memref<1x128x64xf32, #tpu.memory_space<vmem>> -> memref<128x64xf32, #tpu.memory_space<vmem>>
      %dma_start3A_84 = arith.constant 0 : i32
      %dma_start3A_85 = tpu.memref_slice %arg9[%dma_start3A_77, %dma_start3A_84] : memref<8x128xi32, #tpu.memory_space<vmem>> -> memref<1x128xi32, #tpu.memory_space<vmem>>
      %dma_start3A_86 = tpu.memref_squeeze %dma_start3A_85 : memref<1x128xi32, #tpu.memory_space<vmem>> -> memref<128xi32, #tpu.memory_space<vmem>>
      %dma_start3A_87 = arith.constant 0 : i32
      %dma_start3A_88 = arith.constant 0 : i32
      %dma_start3A_89 = tpu.memref_slice %arg13[%dma_start3A_87, %dma_start3A_88] : memref<10016x64xf32, #tpu.memory_space<vmem_shared>> -> memref<10016x64xf32, #tpu.memory_space<vmem_shared>>
      %dma_start3A_90 = tpu.memref_slice %arg14[%dma_start3A_79] : memref<4x!tpu.dma_semaphore, #tpu.memory_space<semaphore_mem>> -> memref<1x!tpu.dma_semaphore, #tpu.memory_space<semaphore_mem>>
      %dma_start3A_91 = tpu.memref_squeeze %dma_start3A_90 : memref<1x!tpu.dma_semaphore, #tpu.memory_space<semaphore_mem>> -> memref<!tpu.dma_semaphore, #tpu.memory_space<semaphore_mem>>
      tpu.enqueue_indirect_dma source(%dma_start3A_89 : memref<10016x64xf32, #tpu.memory_space<vmem_shared>>) target(%dma_start3A_83 : memref<128x64xf32, #tpu.memory_space<vmem>>) offsets(%dma_start3A_86 : memref<128xi32, #tpu.memory_space<vmem>>) semaphore(%dma_start3A_91 : memref<!tpu.dma_semaphore, #tpu.memory_space<semaphore_mem>>)
      %dma_start3A_92 = arith.constant 1 : i32
      %dma_start3A_93 = arith.constant 1 : i32
      %dma_start3A_94 = arith.constant 1 : i32
      %dma_start3A_95 = arith.constant 0 : i32
      %dma_start3A_96 = arith.constant 0 : i32
      %dma_start3A_97 = tpu.memref_slice %arg11[%dma_start3A_93, %dma_start3A_95, %dma_start3A_96] : memref<4x128x64xf32, #tpu.memory_space<vmem>> -> memref<1x128x64xf32, #tpu.memory_space<vmem>>
      %dma_start3A_98 = tpu.memref_squeeze %dma_start3A_97 : memref<1x128x64xf32, #tpu.memory_space<vmem>> -> memref<128x64xf32, #tpu.memory_space<vmem>>
      %dma_start3A_99 = arith.constant 0 : i32
      %dma_start3A_100 = tpu.memref_slice %arg9[%dma_start3A_92, %dma_start3A_99] : memref<8x128xi32, #tpu.memory_space<vmem>> -> memref<1x128xi32, #tpu.memory_space<vmem>>
      %dma_start3A_101 = tpu.memref_squeeze %dma_start3A_100 : memref<1x128xi32, #tpu.memory_space<vmem>> -> memref<128xi32, #tpu.memory_space<vmem>>
      %dma_start3A_102 = arith.constant 0 : i32
      %dma_start3A_103 = arith.constant 0 : i32
      %dma_start3A_104 = tpu.memref_slice %arg13[%dma_start3A_102, %dma_start3A_103] : memref<10016x64xf32, #tpu.memory_space<vmem_shared>> -> memref<10016x64xf32, #tpu.memory_space<vmem_shared>>
      %dma_start3A_105 = tpu.memref_slice %arg14[%dma_start3A_94] : memref<4x!tpu.dma_semaphore, #tpu.memory_space<semaphore_mem>> -> memref<1x!tpu.dma_semaphore, #tpu.memory_space<semaphore_mem>>
      %dma_start3A_106 = tpu.memref_squeeze %dma_start3A_105 : memref<1x!tpu.dma_semaphore, #tpu.memory_space<semaphore_mem>> -> memref<!tpu.dma_semaphore, #tpu.memory_space<semaphore_mem>>
      tpu.enqueue_indirect_dma source(%dma_start3A_104 : memref<10016x64xf32, #tpu.memory_space<vmem_shared>>) target(%dma_start3A_98 : memref<128x64xf32, #tpu.memory_space<vmem>>) offsets(%dma_start3A_101 : memref<128xi32, #tpu.memory_space<vmem>>) semaphore(%dma_start3A_106 : memref<!tpu.dma_semaphore, #tpu.memory_space<semaphore_mem>>)
      %dma_start3A_107 = arith.constant 2 : i32
      %dma_start3A_108 = arith.constant 2 : i32
      %dma_start3A_109 = arith.constant 2 : i32
      %dma_start3A_110 = arith.constant 0 : i32
      %dma_start3A_111 = arith.constant 0 : i32
      %dma_start3A_112 = tpu.memref_slice %arg11[%dma_start3A_108, %dma_start3A_110, %dma_start3A_111] : memref<4x128x64xf32, #tpu.memory_space<vmem>> -> memref<1x128x64xf32, #tpu.memory_space<vmem>>
      %dma_start3A_113 = tpu.memref_squeeze %dma_start3A_112 : memref<1x128x64xf32, #tpu.memory_space<vmem>> -> memref<128x64xf32, #tpu.memory_space<vmem>>
      %dma_start3A_114 = arith.constant 0 : i32
      %dma_start3A_115 = tpu.memref_slice %arg9[%dma_start3A_107, %dma_start3A_114] : memref<8x128xi32, #tpu.memory_space<vmem>> -> memref<1x128xi32, #tpu.memory_space<vmem>>
      %dma_start3A_116 = tpu.memref_squeeze %dma_start3A_115 : memref<1x128xi32, #tpu.memory_space<vmem>> -> memref<128xi32, #tpu.memory_space<vmem>>
      %dma_start3A_117 = arith.constant 0 : i32
      %dma_start3A_118 = arith.constant 0 : i32
      %dma_start3A_119 = tpu.memref_slice %arg13[%dma_start3A_117, %dma_start3A_118] : memref<10016x64xf32, #tpu.memory_space<vmem_shared>> -> memref<10016x64xf32, #tpu.memory_space<vmem_shared>>
      %dma_start3A_120 = tpu.memref_slice %arg14[%dma_start3A_109] : memref<4x!tpu.dma_semaphore, #tpu.memory_space<semaphore_mem>> -> memref<1x!tpu.dma_semaphore, #tpu.memory_space<semaphore_mem>>
      %dma_start3A_121 = tpu.memref_squeeze %dma_start3A_120 : memref<1x!tpu.dma_semaphore, #tpu.memory_space<semaphore_mem>> -> memref<!tpu.dma_semaphore, #tpu.memory_space<semaphore_mem>>
      tpu.enqueue_indirect_dma source(%dma_start3A_119 : memref<10016x64xf32, #tpu.memory_space<vmem_shared>>) target(%dma_start3A_113 : memref<128x64xf32, #tpu.memory_space<vmem>>) offsets(%dma_start3A_116 : memref<128xi32, #tpu.memory_space<vmem>>) semaphore(%dma_start3A_121 : memref<!tpu.dma_semaphore, #tpu.memory_space<semaphore_mem>>)
      %dma_start3A_122 = arith.constant 3 : i32
      %dma_start3A_123 = arith.constant 3 : i32
      %dma_start3A_124 = arith.constant 3 : i32
      %dma_start3A_125 = arith.constant 0 : i32
      %dma_start3A_126 = arith.constant 0 : i32
      %dma_start3A_127 = tpu.memref_slice %arg11[%dma_start3A_123, %dma_start3A_125, %dma_start3A_126] : memref<4x128x64xf32, #tpu.memory_space<vmem>> -> memref<1x128x64xf32, #tpu.memory_space<vmem>>
      %dma_start3A_128 = tpu.memref_squeeze %dma_start3A_127 : memref<1x128x64xf32, #tpu.memory_space<vmem>> -> memref<128x64xf32, #tpu.memory_space<vmem>>
      %dma_start3A_129 = arith.constant 0 : i32
      %dma_start3A_130 = tpu.memref_slice %arg9[%dma_start3A_122, %dma_start3A_129] : memref<8x128xi32, #tpu.memory_space<vmem>> -> memref<1x128xi32, #tpu.memory_space<vmem>>
      %dma_start3A_131 = tpu.memref_squeeze %dma_start3A_130 : memref<1x128xi32, #tpu.memory_space<vmem>> -> memref<128xi32, #tpu.memory_space<vmem>>
      %dma_start3A_132 = arith.constant 0 : i32
      %dma_start3A_133 = arith.constant 0 : i32
      %dma_start3A_134 = tpu.memref_slice %arg13[%dma_start3A_132, %dma_start3A_133] : memref<10016x64xf32, #tpu.memory_space<vmem_shared>> -> memref<10016x64xf32, #tpu.memory_space<vmem_shared>>
      %dma_start3A_135 = tpu.memref_slice %arg14[%dma_start3A_124] : memref<4x!tpu.dma_semaphore, #tpu.memory_space<semaphore_mem>> -> memref<1x!tpu.dma_semaphore, #tpu.memory_space<semaphore_mem>>
      %dma_start3A_136 = tpu.memref_squeeze %dma_start3A_135 : memref<1x!tpu.dma_semaphore, #tpu.memory_space<semaphore_mem>> -> memref<!tpu.dma_semaphore, #tpu.memory_space<semaphore_mem>>
      tpu.enqueue_indirect_dma source(%dma_start3A_134 : memref<10016x64xf32, #tpu.memory_space<vmem_shared>>) target(%dma_start3A_128 : memref<128x64xf32, #tpu.memory_space<vmem>>) offsets(%dma_start3A_131 : memref<128xi32, #tpu.memory_space<vmem>>) semaphore(%dma_start3A_136 : memref<!tpu.dma_semaphore, #tpu.memory_space<semaphore_mem>>)
      %dma_start3A_137 = arith.constant 0 : i32
      %dma_start3A_138 = arith.constant 4 : i32
      %dma_start3A_139 = arith.constant 0 : i32
      %dma_start3A_140 = tpu.memref_slice %arg9[%dma_start3A_138, %dma_start3A_139] : memref<8x128xi32, #tpu.memory_space<vmem>> -> memref<4x128xi32, #tpu.memory_space<vmem>>
      %dma_start3A_141 = arith.constant 4 : i32
      %dma_start3A_142 = arith.constant 0 : i32
      %dma_start3A_143 = tpu.memref_slice %arg4[%arg1, %dma_start3A_141, %dma_start3A_142] : memref<16x72x128xi32, #tpu.memory_space<hbm>> -> memref<1x4x128xi32, #tpu.memory_space<hbm>>
      %dma_start3A_144 = tpu.memref_squeeze %dma_start3A_143 : memref<1x4x128xi32, #tpu.memory_space<hbm>> -> memref<4x128xi32, #tpu.memory_space<hbm>>
      %dma_start3A_145 = tpu.memref_slice %arg16[%dma_start3A_137] : memref<2x!tpu.dma_semaphore, #tpu.memory_space<semaphore_mem>> -> memref<1x!tpu.dma_semaphore, #tpu.memory_space<semaphore_mem>>
      %dma_start3A_146 = tpu.memref_squeeze %dma_start3A_145 : memref<1x!tpu.dma_semaphore, #tpu.memory_space<semaphore_mem>> -> memref<!tpu.dma_semaphore, #tpu.memory_space<semaphore_mem>>
      %dma_start3A_147 = arith.constant 4 : i32
      %dma_start3A_148 = arith.constant 0 : i32
      %dma_start3A_149 = tpu.memref_slice %arg9[%dma_start3A_147, %dma_start3A_148] : memref<8x128xi32, #tpu.memory_space<vmem>> -> memref<4x128xi32, #tpu.memory_space<vmem>>
      %dma_start3A_150 = arith.constant 4 : i32
      %dma_start3A_151 = arith.constant 0 : i32
      %dma_start3A_152 = tpu.memref_slice %arg4[%arg1, %dma_start3A_150, %dma_start3A_151] : memref<16x72x128xi32, #tpu.memory_space<hbm>> -> memref<1x4x128xi32, #tpu.memory_space<hbm>>
      %dma_start3A_153 = tpu.memref_squeeze %dma_start3A_152 : memref<1x4x128xi32, #tpu.memory_space<hbm>> -> memref<4x128xi32, #tpu.memory_space<hbm>>
      tpu.enqueue_dma source(%dma_start3A_153 : memref<4x128xi32, #tpu.memory_space<hbm>>) target(%dma_start3A_149 : memref<4x128xi32, #tpu.memory_space<vmem>>) target_semaphore(%dma_start3A_146 : memref<!tpu.dma_semaphore, #tpu.memory_space<semaphore_mem>>)
      %dma_start3A_154 = arith.constant 1 : i32
      %dma_start3A_155 = arith.constant 4 : i32
      %dma_start3A_156 = arith.constant 0 : i32
      %dma_start3A_157 = tpu.memref_slice %arg10[%dma_start3A_155, %dma_start3A_156] : memref<8x128xi32, #tpu.memory_space<vmem>> -> memref<4x128xi32, #tpu.memory_space<vmem>>
      %dma_start3A_158 = arith.constant 4 : i32
      %dma_start3A_159 = arith.constant 0 : i32
      %dma_start3A_160 = tpu.memref_slice %arg5[%arg1, %dma_start3A_158, %dma_start3A_159] : memref<16x72x128xi32, #tpu.memory_space<hbm>> -> memref<1x4x128xi32, #tpu.memory_space<hbm>>
      %dma_start3A_161 = tpu.memref_squeeze %dma_start3A_160 : memref<1x4x128xi32, #tpu.memory_space<hbm>> -> memref<4x128xi32, #tpu.memory_space<hbm>>
      %dma_start3A_162 = tpu.memref_slice %arg16[%dma_start3A_154] : memref<2x!tpu.dma_semaphore, #tpu.memory_space<semaphore_mem>> -> memref<1x!tpu.dma_semaphore, #tpu.memory_space<semaphore_mem>>
      %dma_start3A_163 = tpu.memref_squeeze %dma_start3A_162 : memref<1x!tpu.dma_semaphore, #tpu.memory_space<semaphore_mem>> -> memref<!tpu.dma_semaphore, #tpu.memory_space<semaphore_mem>>
      %dma_start3A_164 = arith.constant 4 : i32
      %dma_start3A_165 = arith.constant 0 : i32
      %dma_start3A_166 = tpu.memref_slice %arg10[%dma_start3A_164, %dma_start3A_165] : memref<8x128xi32, #tpu.memory_space<vmem>> -> memref<4x128xi32, #tpu.memory_space<vmem>>
      %dma_start3A_167 = arith.constant 4 : i32
      %dma_start3A_168 = arith.constant 0 : i32
      %dma_start3A_169 = tpu.memref_slice %arg5[%arg1, %dma_start3A_167, %dma_start3A_168] : memref<16x72x128xi32, #tpu.memory_space<hbm>> -> memref<1x4x128xi32, #tpu.memory_space<hbm>>
      %dma_start3A_170 = tpu.memref_squeeze %dma_start3A_169 : memref<1x4x128xi32, #tpu.memory_space<hbm>> -> memref<4x128xi32, #tpu.memory_space<hbm>>
      tpu.enqueue_dma source(%dma_start3A_170 : memref<4x128xi32, #tpu.memory_space<hbm>>) target(%dma_start3A_166 : memref<4x128xi32, #tpu.memory_space<vmem>>) target_semaphore(%dma_start3A_163 : memref<!tpu.dma_semaphore, #tpu.memory_space<semaphore_mem>>)
      %scan3A = arith.constant 0 : i32
      %scan3A_171 = arith.constant 0 : i32
      %scan3A_172 = arith.constant 18 : i32
      %scan3A_173 = arith.addi %scan3A_171, %scan3A_172 : i32
      %scan3A_174 = arith.constant 1 : i32
      scf.for %scan3A_176 = %scan3A_171 to %scan3A_173 step %scan3A_174  : i32 {
        %rem3A = arith.constant 2 : i32
        %rem3A_177 = arith.remsi %scan3A_176, %rem3A : i32
        %add3A = arith.constant 1 : i32
        %add3A_178 = arith.addi %scan3A_176, %add3A : i32
        %rem3A_179 = arith.constant 2 : i32
        %rem3A_180 = arith.remsi %add3A_178, %rem3A_179 : i32
        %mul3A_181 = arith.constant 4 : i32
        %mul3A_182 = arith.muli %rem3A_177, %mul3A_181 : i32
        %add3A_183 = arith.constant 0 : i32
        %add3A_184 = arith.addi %mul3A_182, %add3A_183 : i32
        %dma_wait3A_185 = arith.constant 0 : i32
        %dma_wait3A_186 = arith.constant 0 : i32
        %dma_wait3A_187 = arith.constant 0 : i32
        %dma_wait3A_188 = arith.constant 0 : i32
        %dma_wait3A_189 = tpu.memref_slice %arg11[%dma_wait3A_185, %dma_wait3A_187, %dma_wait3A_188] : memref<4x128x64xf32, #tpu.memory_space<vmem>> -> memref<1x128x64xf32, #tpu.memory_space<vmem>>
        %dma_wait3A_190 = tpu.memref_squeeze %dma_wait3A_189 : memref<1x128x64xf32, #tpu.memory_space<vmem>> -> memref<128x64xf32, #tpu.memory_space<vmem>>
        %dma_wait3A_191 = arith.constant 0 : i32
        %dma_wait3A_192 = tpu.memref_slice %arg9[%add3A_184, %dma_wait3A_191] : memref<8x128xi32, #tpu.memory_space<vmem>> -> memref<1x128xi32, #tpu.memory_space<vmem>>
        %dma_wait3A_193 = tpu.memref_squeeze %dma_wait3A_192 : memref<1x128xi32, #tpu.memory_space<vmem>> -> memref<128xi32, #tpu.memory_space<vmem>>
        %dma_wait3A_194 = arith.constant 0 : i32
        %dma_wait3A_195 = arith.constant 0 : i32
        %dma_wait3A_196 = tpu.memref_slice %arg13[%dma_wait3A_194, %dma_wait3A_195] : memref<10016x64xf32, #tpu.memory_space<vmem_shared>> -> memref<10016x64xf32, #tpu.memory_space<vmem_shared>>
        %dma_wait3A_197 = tpu.memref_slice %arg14[%dma_wait3A_186] : memref<4x!tpu.dma_semaphore, #tpu.memory_space<semaphore_mem>> -> memref<1x!tpu.dma_semaphore, #tpu.memory_space<semaphore_mem>>
        %dma_wait3A_198 = tpu.memref_squeeze %dma_wait3A_197 : memref<1x!tpu.dma_semaphore, #tpu.memory_space<semaphore_mem>> -> memref<!tpu.dma_semaphore, #tpu.memory_space<semaphore_mem>>
        tpu.wait_indirect_dma semaphore(%dma_wait3A_198 : memref<!tpu.dma_semaphore, #tpu.memory_space<semaphore_mem>>) src(%dma_wait3A_196 : memref<10016x64xf32, #tpu.memory_space<vmem_shared>>) dst(%dma_wait3A_190 : memref<128x64xf32, #tpu.memory_space<vmem>>)
        %mul3A_199 = arith.constant 4 : i32
        %mul3A_200 = arith.muli %rem3A_177, %mul3A_199 : i32
        %add3A_201 = arith.constant 0 : i32
        %add3A_202 = arith.addi %mul3A_200, %add3A_201 : i32
        %dma_start3A_203 = arith.constant 0 : i32
        %dma_start3A_204 = arith.constant 0 : i32
        %dma_start3A_205 = arith.constant 0 : i32
        %dma_start3A_206 = arith.constant 0 : i32
        %dma_start3A_207 = tpu.memref_slice %arg11[%dma_start3A_203, %dma_start3A_205, %dma_start3A_206] : memref<4x128x64xf32, #tpu.memory_space<vmem>> -> memref<1x128x64xf32, #tpu.memory_space<vmem>>
        %dma_start3A_208 = tpu.memref_squeeze %dma_start3A_207 : memref<1x128x64xf32, #tpu.memory_space<vmem>> -> memref<128x64xf32, #tpu.memory_space<vmem>>
        %dma_start3A_209 = arith.constant 0 : i32
        %dma_start3A_210 = tpu.memref_slice %arg10[%add3A_202, %dma_start3A_209] : memref<8x128xi32, #tpu.memory_space<vmem>> -> memref<1x128xi32, #tpu.memory_space<vmem>>
        %dma_start3A_211 = tpu.memref_squeeze %dma_start3A_210 : memref<1x128xi32, #tpu.memory_space<vmem>> -> memref<128xi32, #tpu.memory_space<vmem>>
        %dma_start3A_212 = arith.constant 0 : i32
        %dma_start3A_213 = arith.constant 0 : i32
        %dma_start3A_214 = tpu.memref_slice %arg12[%dma_start3A_212, %dma_start3A_213] : memref<10240x64xf32, #tpu.memory_space<vmem_shared>> -> memref<10240x64xf32, #tpu.memory_space<vmem_shared>>
        %dma_start3A_215 = tpu.memref_slice %arg15[%dma_start3A_204] : memref<4x!tpu.dma_semaphore, #tpu.memory_space<semaphore_mem>> -> memref<1x!tpu.dma_semaphore, #tpu.memory_space<semaphore_mem>>
        %dma_start3A_216 = tpu.memref_squeeze %dma_start3A_215 : memref<1x!tpu.dma_semaphore, #tpu.memory_space<semaphore_mem>> -> memref<!tpu.dma_semaphore, #tpu.memory_space<semaphore_mem>>
        tpu.enqueue_indirect_dma source(%dma_start3A_208 : memref<128x64xf32, #tpu.memory_space<vmem>>) target(%dma_start3A_214 : memref<10240x64xf32, #tpu.memory_space<vmem_shared>>) offsets(%dma_start3A_211 : memref<128xi32, #tpu.memory_space<vmem>>) semaphore(%dma_start3A_216 : memref<!tpu.dma_semaphore, #tpu.memory_space<semaphore_mem>>) {add = true}
        %mul3A_217 = arith.constant 4 : i32
        %mul3A_218 = arith.muli %rem3A_177, %mul3A_217 : i32
        %add3A_219 = arith.constant 1 : i32
        %add3A_220 = arith.addi %mul3A_218, %add3A_219 : i32
        %dma_wait3A_221 = arith.constant 1 : i32
        %dma_wait3A_222 = arith.constant 1 : i32
        %dma_wait3A_223 = arith.constant 0 : i32
        %dma_wait3A_224 = arith.constant 0 : i32
        %dma_wait3A_225 = tpu.memref_slice %arg11[%dma_wait3A_221, %dma_wait3A_223, %dma_wait3A_224] : memref<4x128x64xf32, #tpu.memory_space<vmem>> -> memref<1x128x64xf32, #tpu.memory_space<vmem>>
        %dma_wait3A_226 = tpu.memref_squeeze %dma_wait3A_225 : memref<1x128x64xf32, #tpu.memory_space<vmem>> -> memref<128x64xf32, #tpu.memory_space<vmem>>
        %dma_wait3A_227 = arith.constant 0 : i32
        %dma_wait3A_228 = tpu.memref_slice %arg9[%add3A_220, %dma_wait3A_227] : memref<8x128xi32, #tpu.memory_space<vmem>> -> memref<1x128xi32, #tpu.memory_space<vmem>>
        %dma_wait3A_229 = tpu.memref_squeeze %dma_wait3A_228 : memref<1x128xi32, #tpu.memory_space<vmem>> -> memref<128xi32, #tpu.memory_space<vmem>>
        %dma_wait3A_230 = arith.constant 0 : i32
        %dma_wait3A_231 = arith.constant 0 : i32
        %dma_wait3A_232 = tpu.memref_slice %arg13[%dma_wait3A_230, %dma_wait3A_231] : memref<10016x64xf32, #tpu.memory_space<vmem_shared>> -> memref<10016x64xf32, #tpu.memory_space<vmem_shared>>
        %dma_wait3A_233 = tpu.memref_slice %arg14[%dma_wait3A_222] : memref<4x!tpu.dma_semaphore, #tpu.memory_space<semaphore_mem>> -> memref<1x!tpu.dma_semaphore, #tpu.memory_space<semaphore_mem>>
        %dma_wait3A_234 = tpu.memref_squeeze %dma_wait3A_233 : memref<1x!tpu.dma_semaphore, #tpu.memory_space<semaphore_mem>> -> memref<!tpu.dma_semaphore, #tpu.memory_space<semaphore_mem>>
        tpu.wait_indirect_dma semaphore(%dma_wait3A_234 : memref<!tpu.dma_semaphore, #tpu.memory_space<semaphore_mem>>) src(%dma_wait3A_232 : memref<10016x64xf32, #tpu.memory_space<vmem_shared>>) dst(%dma_wait3A_226 : memref<128x64xf32, #tpu.memory_space<vmem>>)
        %mul3A_235 = arith.constant 4 : i32
        %mul3A_236 = arith.muli %rem3A_177, %mul3A_235 : i32
        %add3A_237 = arith.constant 1 : i32
        %add3A_238 = arith.addi %mul3A_236, %add3A_237 : i32
        %dma_start3A_239 = arith.constant 1 : i32
        %dma_start3A_240 = arith.constant 1 : i32
        %dma_start3A_241 = arith.constant 0 : i32
        %dma_start3A_242 = arith.constant 0 : i32
        %dma_start3A_243 = tpu.memref_slice %arg11[%dma_start3A_239, %dma_start3A_241, %dma_start3A_242] : memref<4x128x64xf32, #tpu.memory_space<vmem>> -> memref<1x128x64xf32, #tpu.memory_space<vmem>>
        %dma_start3A_244 = tpu.memref_squeeze %dma_start3A_243 : memref<1x128x64xf32, #tpu.memory_space<vmem>> -> memref<128x64xf32, #tpu.memory_space<vmem>>
        %dma_start3A_245 = arith.constant 0 : i32
        %dma_start3A_246 = tpu.memref_slice %arg10[%add3A_238, %dma_start3A_245] : memref<8x128xi32, #tpu.memory_space<vmem>> -> memref<1x128xi32, #tpu.memory_space<vmem>>
        %dma_start3A_247 = tpu.memref_squeeze %dma_start3A_246 : memref<1x128xi32, #tpu.memory_space<vmem>> -> memref<128xi32, #tpu.memory_space<vmem>>
        %dma_start3A_248 = arith.constant 0 : i32
        %dma_start3A_249 = arith.constant 0 : i32
        %dma_start3A_250 = tpu.memref_slice %arg12[%dma_start3A_248, %dma_start3A_249] : memref<10240x64xf32, #tpu.memory_space<vmem_shared>> -> memref<10240x64xf32, #tpu.memory_space<vmem_shared>>
        %dma_start3A_251 = tpu.memref_slice %arg15[%dma_start3A_240] : memref<4x!tpu.dma_semaphore, #tpu.memory_space<semaphore_mem>> -> memref<1x!tpu.dma_semaphore, #tpu.memory_space<semaphore_mem>>
        %dma_start3A_252 = tpu.memref_squeeze %dma_start3A_251 : memref<1x!tpu.dma_semaphore, #tpu.memory_space<semaphore_mem>> -> memref<!tpu.dma_semaphore, #tpu.memory_space<semaphore_mem>>
        tpu.enqueue_indirect_dma source(%dma_start3A_244 : memref<128x64xf32, #tpu.memory_space<vmem>>) target(%dma_start3A_250 : memref<10240x64xf32, #tpu.memory_space<vmem_shared>>) offsets(%dma_start3A_247 : memref<128xi32, #tpu.memory_space<vmem>>) semaphore(%dma_start3A_252 : memref<!tpu.dma_semaphore, #tpu.memory_space<semaphore_mem>>) {add = true}
        %mul3A_253 = arith.constant 4 : i32
        %mul3A_254 = arith.muli %rem3A_177, %mul3A_253 : i32
        %add3A_255 = arith.constant 2 : i32
        %add3A_256 = arith.addi %mul3A_254, %add3A_255 : i32
        %dma_wait3A_257 = arith.constant 2 : i32
        %dma_wait3A_258 = arith.constant 2 : i32
        %dma_wait3A_259 = arith.constant 0 : i32
        %dma_wait3A_260 = arith.constant 0 : i32
        %dma_wait3A_261 = tpu.memref_slice %arg11[%dma_wait3A_257, %dma_wait3A_259, %dma_wait3A_260] : memref<4x128x64xf32, #tpu.memory_space<vmem>> -> memref<1x128x64xf32, #tpu.memory_space<vmem>>
        %dma_wait3A_262 = tpu.memref_squeeze %dma_wait3A_261 : memref<1x128x64xf32, #tpu.memory_space<vmem>> -> memref<128x64xf32, #tpu.memory_space<vmem>>
        %dma_wait3A_263 = arith.constant 0 : i32
        %dma_wait3A_264 = tpu.memref_slice %arg9[%add3A_256, %dma_wait3A_263] : memref<8x128xi32, #tpu.memory_space<vmem>> -> memref<1x128xi32, #tpu.memory_space<vmem>>
        %dma_wait3A_265 = tpu.memref_squeeze %dma_wait3A_264 : memref<1x128xi32, #tpu.memory_space<vmem>> -> memref<128xi32, #tpu.memory_space<vmem>>
        %dma_wait3A_266 = arith.constant 0 : i32
        %dma_wait3A_267 = arith.constant 0 : i32
        %dma_wait3A_268 = tpu.memref_slice %arg13[%dma_wait3A_266, %dma_wait3A_267] : memref<10016x64xf32, #tpu.memory_space<vmem_shared>> -> memref<10016x64xf32, #tpu.memory_space<vmem_shared>>
        %dma_wait3A_269 = tpu.memref_slice %arg14[%dma_wait3A_258] : memref<4x!tpu.dma_semaphore, #tpu.memory_space<semaphore_mem>> -> memref<1x!tpu.dma_semaphore, #tpu.memory_space<semaphore_mem>>
        %dma_wait3A_270 = tpu.memref_squeeze %dma_wait3A_269 : memref<1x!tpu.dma_semaphore, #tpu.memory_space<semaphore_mem>> -> memref<!tpu.dma_semaphore, #tpu.memory_space<semaphore_mem>>
        tpu.wait_indirect_dma semaphore(%dma_wait3A_270 : memref<!tpu.dma_semaphore, #tpu.memory_space<semaphore_mem>>) src(%dma_wait3A_268 : memref<10016x64xf32, #tpu.memory_space<vmem_shared>>) dst(%dma_wait3A_262 : memref<128x64xf32, #tpu.memory_space<vmem>>)
        %mul3A_271 = arith.constant 4 : i32
        %mul3A_272 = arith.muli %rem3A_177, %mul3A_271 : i32
        %add3A_273 = arith.constant 2 : i32
        %add3A_274 = arith.addi %mul3A_272, %add3A_273 : i32
        %dma_start3A_275 = arith.constant 2 : i32
        %dma_start3A_276 = arith.constant 2 : i32
        %dma_start3A_277 = arith.constant 0 : i32
        %dma_start3A_278 = arith.constant 0 : i32
        %dma_start3A_279 = tpu.memref_slice %arg11[%dma_start3A_275, %dma_start3A_277, %dma_start3A_278] : memref<4x128x64xf32, #tpu.memory_space<vmem>> -> memref<1x128x64xf32, #tpu.memory_space<vmem>>
        %dma_start3A_280 = tpu.memref_squeeze %dma_start3A_279 : memref<1x128x64xf32, #tpu.memory_space<vmem>> -> memref<128x64xf32, #tpu.memory_space<vmem>>
        %dma_start3A_281 = arith.constant 0 : i32
        %dma_start3A_282 = tpu.memref_slice %arg10[%add3A_274, %dma_start3A_281] : memref<8x128xi32, #tpu.memory_space<vmem>> -> memref<1x128xi32, #tpu.memory_space<vmem>>
        %dma_start3A_283 = tpu.memref_squeeze %dma_start3A_282 : memref<1x128xi32, #tpu.memory_space<vmem>> -> memref<128xi32, #tpu.memory_space<vmem>>
        %dma_start3A_284 = arith.constant 0 : i32
        %dma_start3A_285 = arith.constant 0 : i32
        %dma_start3A_286 = tpu.memref_slice %arg12[%dma_start3A_284, %dma_start3A_285] : memref<10240x64xf32, #tpu.memory_space<vmem_shared>> -> memref<10240x64xf32, #tpu.memory_space<vmem_shared>>
        %dma_start3A_287 = tpu.memref_slice %arg15[%dma_start3A_276] : memref<4x!tpu.dma_semaphore, #tpu.memory_space<semaphore_mem>> -> memref<1x!tpu.dma_semaphore, #tpu.memory_space<semaphore_mem>>
        %dma_start3A_288 = tpu.memref_squeeze %dma_start3A_287 : memref<1x!tpu.dma_semaphore, #tpu.memory_space<semaphore_mem>> -> memref<!tpu.dma_semaphore, #tpu.memory_space<semaphore_mem>>
        tpu.enqueue_indirect_dma source(%dma_start3A_280 : memref<128x64xf32, #tpu.memory_space<vmem>>) target(%dma_start3A_286 : memref<10240x64xf32, #tpu.memory_space<vmem_shared>>) offsets(%dma_start3A_283 : memref<128xi32, #tpu.memory_space<vmem>>) semaphore(%dma_start3A_288 : memref<!tpu.dma_semaphore, #tpu.memory_space<semaphore_mem>>) {add = true}
        %mul3A_289 = arith.constant 4 : i32
        %mul3A_290 = arith.muli %rem3A_177, %mul3A_289 : i32
        %add3A_291 = arith.constant 3 : i32
        %add3A_292 = arith.addi %mul3A_290, %add3A_291 : i32
        %dma_wait3A_293 = arith.constant 3 : i32
        %dma_wait3A_294 = arith.constant 3 : i32
        %dma_wait3A_295 = arith.constant 0 : i32
        %dma_wait3A_296 = arith.constant 0 : i32
        %dma_wait3A_297 = tpu.memref_slice %arg11[%dma_wait3A_293, %dma_wait3A_295, %dma_wait3A_296] : memref<4x128x64xf32, #tpu.memory_space<vmem>> -> memref<1x128x64xf32, #tpu.memory_space<vmem>>
        %dma_wait3A_298 = tpu.memref_squeeze %dma_wait3A_297 : memref<1x128x64xf32, #tpu.memory_space<vmem>> -> memref<128x64xf32, #tpu.memory_space<vmem>>
        %dma_wait3A_299 = arith.constant 0 : i32
        %dma_wait3A_300 = tpu.memref_slice %arg9[%add3A_292, %dma_wait3A_299] : memref<8x128xi32, #tpu.memory_space<vmem>> -> memref<1x128xi32, #tpu.memory_space<vmem>>
        %dma_wait3A_301 = tpu.memref_squeeze %dma_wait3A_300 : memref<1x128xi32, #tpu.memory_space<vmem>> -> memref<128xi32, #tpu.memory_space<vmem>>
        %dma_wait3A_302 = arith.constant 0 : i32
        %dma_wait3A_303 = arith.constant 0 : i32
        %dma_wait3A_304 = tpu.memref_slice %arg13[%dma_wait3A_302, %dma_wait3A_303] : memref<10016x64xf32, #tpu.memory_space<vmem_shared>> -> memref<10016x64xf32, #tpu.memory_space<vmem_shared>>
        %dma_wait3A_305 = tpu.memref_slice %arg14[%dma_wait3A_294] : memref<4x!tpu.dma_semaphore, #tpu.memory_space<semaphore_mem>> -> memref<1x!tpu.dma_semaphore, #tpu.memory_space<semaphore_mem>>
        %dma_wait3A_306 = tpu.memref_squeeze %dma_wait3A_305 : memref<1x!tpu.dma_semaphore, #tpu.memory_space<semaphore_mem>> -> memref<!tpu.dma_semaphore, #tpu.memory_space<semaphore_mem>>
        tpu.wait_indirect_dma semaphore(%dma_wait3A_306 : memref<!tpu.dma_semaphore, #tpu.memory_space<semaphore_mem>>) src(%dma_wait3A_304 : memref<10016x64xf32, #tpu.memory_space<vmem_shared>>) dst(%dma_wait3A_298 : memref<128x64xf32, #tpu.memory_space<vmem>>)
        %mul3A_307 = arith.constant 4 : i32
        %mul3A_308 = arith.muli %rem3A_177, %mul3A_307 : i32
        %add3A_309 = arith.constant 3 : i32
        %add3A_310 = arith.addi %mul3A_308, %add3A_309 : i32
        %dma_start3A_311 = arith.constant 3 : i32
        %dma_start3A_312 = arith.constant 3 : i32
        %dma_start3A_313 = arith.constant 0 : i32
        %dma_start3A_314 = arith.constant 0 : i32
        %dma_start3A_315 = tpu.memref_slice %arg11[%dma_start3A_311, %dma_start3A_313, %dma_start3A_314] : memref<4x128x64xf32, #tpu.memory_space<vmem>> -> memref<1x128x64xf32, #tpu.memory_space<vmem>>
        %dma_start3A_316 = tpu.memref_squeeze %dma_start3A_315 : memref<1x128x64xf32, #tpu.memory_space<vmem>> -> memref<128x64xf32, #tpu.memory_space<vmem>>
        %dma_start3A_317 = arith.constant 0 : i32
        %dma_start3A_318 = tpu.memref_slice %arg10[%add3A_310, %dma_start3A_317] : memref<8x128xi32, #tpu.memory_space<vmem>> -> memref<1x128xi32, #tpu.memory_space<vmem>>
        %dma_start3A_319 = tpu.memref_squeeze %dma_start3A_318 : memref<1x128xi32, #tpu.memory_space<vmem>> -> memref<128xi32, #tpu.memory_space<vmem>>
        %dma_start3A_320 = arith.constant 0 : i32
        %dma_start3A_321 = arith.constant 0 : i32
        %dma_start3A_322 = tpu.memref_slice %arg12[%dma_start3A_320, %dma_start3A_321] : memref<10240x64xf32, #tpu.memory_space<vmem_shared>> -> memref<10240x64xf32, #tpu.memory_space<vmem_shared>>
        %dma_start3A_323 = tpu.memref_slice %arg15[%dma_start3A_312] : memref<4x!tpu.dma_semaphore, #tpu.memory_space<semaphore_mem>> -> memref<1x!tpu.dma_semaphore, #tpu.memory_space<semaphore_mem>>
        %dma_start3A_324 = tpu.memref_squeeze %dma_start3A_323 : memref<1x!tpu.dma_semaphore, #tpu.memory_space<semaphore_mem>> -> memref<!tpu.dma_semaphore, #tpu.memory_space<semaphore_mem>>
        tpu.enqueue_indirect_dma source(%dma_start3A_316 : memref<128x64xf32, #tpu.memory_space<vmem>>) target(%dma_start3A_322 : memref<10240x64xf32, #tpu.memory_space<vmem_shared>>) offsets(%dma_start3A_319 : memref<128xi32, #tpu.memory_space<vmem>>) semaphore(%dma_start3A_324 : memref<!tpu.dma_semaphore, #tpu.memory_space<semaphore_mem>>) {add = true}
        %dma_wait3A_325 = arith.constant 0 : i32
        %dma_wait3A_326 = arith.constant 0 : i32
        %dma_wait3A_327 = arith.constant 0 : i32
        %dma_wait3A_328 = arith.constant 0 : i32
        %dma_wait3A_329 = tpu.memref_slice %arg11[%dma_wait3A_325, %dma_wait3A_327, %dma_wait3A_328] : memref<4x128x64xf32, #tpu.memory_space<vmem>> -> memref<1x128x64xf32, #tpu.memory_space<vmem>>
        %dma_wait3A_330 = tpu.memref_squeeze %dma_wait3A_329 : memref<1x128x64xf32, #tpu.memory_space<vmem>> -> memref<128x64xf32, #tpu.memory_space<vmem>>
        %dma_wait3A_331 = arith.constant 0 : i32
        %dma_wait3A_332 = tpu.memref_slice %arg10[%add3A_202, %dma_wait3A_331] : memref<8x128xi32, #tpu.memory_space<vmem>> -> memref<1x128xi32, #tpu.memory_space<vmem>>
        %dma_wait3A_333 = tpu.memref_squeeze %dma_wait3A_332 : memref<1x128xi32, #tpu.memory_space<vmem>> -> memref<128xi32, #tpu.memory_space<vmem>>
        %dma_wait3A_334 = arith.constant 0 : i32
        %dma_wait3A_335 = arith.constant 0 : i32
        %dma_wait3A_336 = tpu.memref_slice %arg12[%dma_wait3A_334, %dma_wait3A_335] : memref<10240x64xf32, #tpu.memory_space<vmem_shared>> -> memref<10240x64xf32, #tpu.memory_space<vmem_shared>>
        %dma_wait3A_337 = tpu.memref_slice %arg15[%dma_wait3A_326] : memref<4x!tpu.dma_semaphore, #tpu.memory_space<semaphore_mem>> -> memref<1x!tpu.dma_semaphore, #tpu.memory_space<semaphore_mem>>
        %dma_wait3A_338 = tpu.memref_squeeze %dma_wait3A_337 : memref<1x!tpu.dma_semaphore, #tpu.memory_space<semaphore_mem>> -> memref<!tpu.dma_semaphore, #tpu.memory_space<semaphore_mem>>
        tpu.wait_indirect_dma semaphore(%dma_wait3A_338 : memref<!tpu.dma_semaphore, #tpu.memory_space<semaphore_mem>>) src(%dma_wait3A_330 : memref<128x64xf32, #tpu.memory_space<vmem>>) dst(%dma_wait3A_336 : memref<10240x64xf32, #tpu.memory_space<vmem_shared>>)
        %dma_wait3A_339 = arith.constant 1 : i32
        %dma_wait3A_340 = arith.constant 1 : i32
        %dma_wait3A_341 = arith.constant 0 : i32
        %dma_wait3A_342 = arith.constant 0 : i32
        %dma_wait3A_343 = tpu.memref_slice %arg11[%dma_wait3A_339, %dma_wait3A_341, %dma_wait3A_342] : memref<4x128x64xf32, #tpu.memory_space<vmem>> -> memref<1x128x64xf32, #tpu.memory_space<vmem>>
        %dma_wait3A_344 = tpu.memref_squeeze %dma_wait3A_343 : memref<1x128x64xf32, #tpu.memory_space<vmem>> -> memref<128x64xf32, #tpu.memory_space<vmem>>
        %dma_wait3A_345 = arith.constant 0 : i32
        %dma_wait3A_346 = tpu.memref_slice %arg10[%add3A_238, %dma_wait3A_345] : memref<8x128xi32, #tpu.memory_space<vmem>> -> memref<1x128xi32, #tpu.memory_space<vmem>>
        %dma_wait3A_347 = tpu.memref_squeeze %dma_wait3A_346 : memref<1x128xi32, #tpu.memory_space<vmem>> -> memref<128xi32, #tpu.memory_space<vmem>>
        %dma_wait3A_348 = arith.constant 0 : i32
        %dma_wait3A_349 = arith.constant 0 : i32
        %dma_wait3A_350 = tpu.memref_slice %arg12[%dma_wait3A_348, %dma_wait3A_349] : memref<10240x64xf32, #tpu.memory_space<vmem_shared>> -> memref<10240x64xf32, #tpu.memory_space<vmem_shared>>
        %dma_wait3A_351 = tpu.memref_slice %arg15[%dma_wait3A_340] : memref<4x!tpu.dma_semaphore, #tpu.memory_space<semaphore_mem>> -> memref<1x!tpu.dma_semaphore, #tpu.memory_space<semaphore_mem>>
        %dma_wait3A_352 = tpu.memref_squeeze %dma_wait3A_351 : memref<1x!tpu.dma_semaphore, #tpu.memory_space<semaphore_mem>> -> memref<!tpu.dma_semaphore, #tpu.memory_space<semaphore_mem>>
        tpu.wait_indirect_dma semaphore(%dma_wait3A_352 : memref<!tpu.dma_semaphore, #tpu.memory_space<semaphore_mem>>) src(%dma_wait3A_344 : memref<128x64xf32, #tpu.memory_space<vmem>>) dst(%dma_wait3A_350 : memref<10240x64xf32, #tpu.memory_space<vmem_shared>>)
        %dma_wait3A_353 = arith.constant 2 : i32
        %dma_wait3A_354 = arith.constant 2 : i32
        %dma_wait3A_355 = arith.constant 0 : i32
        %dma_wait3A_356 = arith.constant 0 : i32
        %dma_wait3A_357 = tpu.memref_slice %arg11[%dma_wait3A_353, %dma_wait3A_355, %dma_wait3A_356] : memref<4x128x64xf32, #tpu.memory_space<vmem>> -> memref<1x128x64xf32, #tpu.memory_space<vmem>>
        %dma_wait3A_358 = tpu.memref_squeeze %dma_wait3A_357 : memref<1x128x64xf32, #tpu.memory_space<vmem>> -> memref<128x64xf32, #tpu.memory_space<vmem>>
        %dma_wait3A_359 = arith.constant 0 : i32
        %dma_wait3A_360 = tpu.memref_slice %arg10[%add3A_274, %dma_wait3A_359] : memref<8x128xi32, #tpu.memory_space<vmem>> -> memref<1x128xi32, #tpu.memory_space<vmem>>
        %dma_wait3A_361 = tpu.memref_squeeze %dma_wait3A_360 : memref<1x128xi32, #tpu.memory_space<vmem>> -> memref<128xi32, #tpu.memory_space<vmem>>
        %dma_wait3A_362 = arith.constant 0 : i32
        %dma_wait3A_363 = arith.constant 0 : i32
        %dma_wait3A_364 = tpu.memref_slice %arg12[%dma_wait3A_362, %dma_wait3A_363] : memref<10240x64xf32, #tpu.memory_space<vmem_shared>> -> memref<10240x64xf32, #tpu.memory_space<vmem_shared>>
        %dma_wait3A_365 = tpu.memref_slice %arg15[%dma_wait3A_354] : memref<4x!tpu.dma_semaphore, #tpu.memory_space<semaphore_mem>> -> memref<1x!tpu.dma_semaphore, #tpu.memory_space<semaphore_mem>>
        %dma_wait3A_366 = tpu.memref_squeeze %dma_wait3A_365 : memref<1x!tpu.dma_semaphore, #tpu.memory_space<semaphore_mem>> -> memref<!tpu.dma_semaphore, #tpu.memory_space<semaphore_mem>>
        tpu.wait_indirect_dma semaphore(%dma_wait3A_366 : memref<!tpu.dma_semaphore, #tpu.memory_space<semaphore_mem>>) src(%dma_wait3A_358 : memref<128x64xf32, #tpu.memory_space<vmem>>) dst(%dma_wait3A_364 : memref<10240x64xf32, #tpu.memory_space<vmem_shared>>)
        %dma_wait3A_367 = arith.constant 3 : i32
        %dma_wait3A_368 = arith.constant 3 : i32
        %dma_wait3A_369 = arith.constant 0 : i32
        %dma_wait3A_370 = arith.constant 0 : i32
        %dma_wait3A_371 = tpu.memref_slice %arg11[%dma_wait3A_367, %dma_wait3A_369, %dma_wait3A_370] : memref<4x128x64xf32, #tpu.memory_space<vmem>> -> memref<1x128x64xf32, #tpu.memory_space<vmem>>
        %dma_wait3A_372 = tpu.memref_squeeze %dma_wait3A_371 : memref<1x128x64xf32, #tpu.memory_space<vmem>> -> memref<128x64xf32, #tpu.memory_space<vmem>>
        %dma_wait3A_373 = arith.constant 0 : i32
        %dma_wait3A_374 = tpu.memref_slice %arg10[%add3A_310, %dma_wait3A_373] : memref<8x128xi32, #tpu.memory_space<vmem>> -> memref<1x128xi32, #tpu.memory_space<vmem>>
        %dma_wait3A_375 = tpu.memref_squeeze %dma_wait3A_374 : memref<1x128xi32, #tpu.memory_space<vmem>> -> memref<128xi32, #tpu.memory_space<vmem>>
        %dma_wait3A_376 = arith.constant 0 : i32
        %dma_wait3A_377 = arith.constant 0 : i32
        %dma_wait3A_378 = tpu.memref_slice %arg12[%dma_wait3A_376, %dma_wait3A_377] : memref<10240x64xf32, #tpu.memory_space<vmem_shared>> -> memref<10240x64xf32, #tpu.memory_space<vmem_shared>>
        %dma_wait3A_379 = tpu.memref_slice %arg15[%dma_wait3A_368] : memref<4x!tpu.dma_semaphore, #tpu.memory_space<semaphore_mem>> -> memref<1x!tpu.dma_semaphore, #tpu.memory_space<semaphore_mem>>
        %dma_wait3A_380 = tpu.memref_squeeze %dma_wait3A_379 : memref<1x!tpu.dma_semaphore, #tpu.memory_space<semaphore_mem>> -> memref<!tpu.dma_semaphore, #tpu.memory_space<semaphore_mem>>
        tpu.wait_indirect_dma semaphore(%dma_wait3A_380 : memref<!tpu.dma_semaphore, #tpu.memory_space<semaphore_mem>>) src(%dma_wait3A_372 : memref<128x64xf32, #tpu.memory_space<vmem>>) dst(%dma_wait3A_378 : memref<10240x64xf32, #tpu.memory_space<vmem_shared>>)
        %lt3A = arith.constant 17 : i32
        %lt3A_381 = arith.cmpi slt, %scan3A_176, %lt3A : i32
        %convert_element_type3A_382 = arith.extui %lt3A_381 : i1 to i32
        %cond3A_383 = arith.constant 0 : i32
        %cond3A_384 = arith.cmpi ne, %convert_element_type3A_382, %cond3A_383 : i32
        scf.if %cond3A_384 {
          %add3A_385 = arith.constant 1 : i32
          %add3A_386 = arith.addi %scan3A_176, %add3A_385 : i32
          %mul3A_387 = arith.constant 4 : i32
          %mul3A_388 = arith.muli %add3A_386, %mul3A_387 : i32
          %mul3A_389 = arith.constant 4 : i32
          %mul3A_390 = arith.muli %rem3A_180, %mul3A_389 : i32
          %mul3A_391 = arith.constant 4 : i32
          %mul3A_392 = arith.muli %add3A_386, %mul3A_391 : i32
          %mul3A_393 = arith.constant 4 : i32
          %mul3A_394 = arith.muli %rem3A_180, %mul3A_393 : i32
          %dma_wait3A_395 = arith.constant 0 : i32
          %dma_wait3A_396 = arith.constant 0 : i32
          %dma_wait3A_397 = tpu.memref_slice %arg9[%mul3A_390, %dma_wait3A_396] : memref<8x128xi32, #tpu.memory_space<vmem>> -> memref<4x128xi32, #tpu.memory_space<vmem>>
          %dma_wait3A_398 = arith.constant 0 : i32
          %dma_wait3A_399 = tpu.memref_slice %arg4[%arg1, %mul3A_388, %dma_wait3A_398] : memref<16x72x128xi32, #tpu.memory_space<hbm>> -> memref<1x4x128xi32, #tpu.memory_space<hbm>>
          %dma_wait3A_400 = tpu.memref_squeeze %dma_wait3A_399 : memref<1x4x128xi32, #tpu.memory_space<hbm>> -> memref<4x128xi32, #tpu.memory_space<hbm>>
          %dma_wait3A_401 = tpu.memref_slice %arg16[%dma_wait3A_395] : memref<2x!tpu.dma_semaphore, #tpu.memory_space<semaphore_mem>> -> memref<1x!tpu.dma_semaphore, #tpu.memory_space<semaphore_mem>>
          %dma_wait3A_402 = tpu.memref_squeeze %dma_wait3A_401 : memref<1x!tpu.dma_semaphore, #tpu.memory_space<semaphore_mem>> -> memref<!tpu.dma_semaphore, #tpu.memory_space<semaphore_mem>>
          %dma_wait3A_403 = arith.constant 0 : i32
          %dma_wait3A_404 = tpu.memref_slice %arg9[%mul3A_390, %dma_wait3A_403] : memref<8x128xi32, #tpu.memory_space<vmem>> -> memref<4x128xi32, #tpu.memory_space<vmem>>
          %dma_wait3A_405 = arith.constant 0 : i32
          %dma_wait3A_406 = tpu.memref_slice %arg4[%arg1, %mul3A_388, %dma_wait3A_405] : memref<16x72x128xi32, #tpu.memory_space<hbm>> -> memref<1x4x128xi32, #tpu.memory_space<hbm>>
          %dma_wait3A_407 = tpu.memref_squeeze %dma_wait3A_406 : memref<1x4x128xi32, #tpu.memory_space<hbm>> -> memref<4x128xi32, #tpu.memory_space<hbm>>
          tpu.wait_dma2 semaphore(%dma_wait3A_402 : memref<!tpu.dma_semaphore, #tpu.memory_space<semaphore_mem>>) src(%dma_wait3A_407 : memref<4x128xi32, #tpu.memory_space<hbm>>) dst(%dma_wait3A_404 : memref<4x128xi32, #tpu.memory_space<vmem>>)
          %dma_wait3A_408 = arith.constant 1 : i32
          %dma_wait3A_409 = arith.constant 0 : i32
          %dma_wait3A_410 = tpu.memref_slice %arg10[%mul3A_394, %dma_wait3A_409] : memref<8x128xi32, #tpu.memory_space<vmem>> -> memref<4x128xi32, #tpu.memory_space<vmem>>
          %dma_wait3A_411 = arith.constant 0 : i32
          %dma_wait3A_412 = tpu.memref_slice %arg5[%arg1, %mul3A_392, %dma_wait3A_411] : memref<16x72x128xi32, #tpu.memory_space<hbm>> -> memref<1x4x128xi32, #tpu.memory_space<hbm>>
          %dma_wait3A_413 = tpu.memref_squeeze %dma_wait3A_412 : memref<1x4x128xi32, #tpu.memory_space<hbm>> -> memref<4x128xi32, #tpu.memory_space<hbm>>
          %dma_wait3A_414 = tpu.memref_slice %arg16[%dma_wait3A_408] : memref<2x!tpu.dma_semaphore, #tpu.memory_space<semaphore_mem>> -> memref<1x!tpu.dma_semaphore, #tpu.memory_space<semaphore_mem>>
          %dma_wait3A_415 = tpu.memref_squeeze %dma_wait3A_414 : memref<1x!tpu.dma_semaphore, #tpu.memory_space<semaphore_mem>> -> memref<!tpu.dma_semaphore, #tpu.memory_space<semaphore_mem>>
          %dma_wait3A_416 = arith.constant 0 : i32
          %dma_wait3A_417 = tpu.memref_slice %arg10[%mul3A_394, %dma_wait3A_416] : memref<8x128xi32, #tpu.memory_space<vmem>> -> memref<4x128xi32, #tpu.memory_space<vmem>>
          %dma_wait3A_418 = arith.constant 0 : i32
          %dma_wait3A_419 = tpu.memref_slice %arg5[%arg1, %mul3A_392, %dma_wait3A_418] : memref<16x72x128xi32, #tpu.memory_space<hbm>> -> memref<1x4x128xi32, #tpu.memory_space<hbm>>
          %dma_wait3A_420 = tpu.memref_squeeze %dma_wait3A_419 : memref<1x4x128xi32, #tpu.memory_space<hbm>> -> memref<4x128xi32, #tpu.memory_space<hbm>>
          tpu.wait_dma2 semaphore(%dma_wait3A_415 : memref<!tpu.dma_semaphore, #tpu.memory_space<semaphore_mem>>) src(%dma_wait3A_420 : memref<4x128xi32, #tpu.memory_space<hbm>>) dst(%dma_wait3A_417 : memref<4x128xi32, #tpu.memory_space<vmem>>)
          %mul3A_421 = arith.constant 4 : i32
          %mul3A_422 = arith.muli %rem3A_180, %mul3A_421 : i32
          %add3A_423 = arith.constant 0 : i32
          %add3A_424 = arith.addi %mul3A_422, %add3A_423 : i32
          %dma_start3A_425 = arith.constant 0 : i32
          %dma_start3A_426 = arith.constant 0 : i32
          %dma_start3A_427 = arith.constant 0 : i32
          %dma_start3A_428 = arith.constant 0 : i32
          %dma_start3A_429 = tpu.memref_slice %arg11[%dma_start3A_425, %dma_start3A_427, %dma_start3A_428] : memref<4x128x64xf32, #tpu.memory_space<vmem>> -> memref<1x128x64xf32, #tpu.memory_space<vmem>>
          %dma_start3A_430 = tpu.memref_squeeze %dma_start3A_429 : memref<1x128x64xf32, #tpu.memory_space<vmem>> -> memref<128x64xf32, #tpu.memory_space<vmem>>
          %dma_start3A_431 = arith.constant 0 : i32
          %dma_start3A_432 = tpu.memref_slice %arg9[%add3A_424, %dma_start3A_431] : memref<8x128xi32, #tpu.memory_space<vmem>> -> memref<1x128xi32, #tpu.memory_space<vmem>>
          %dma_start3A_433 = tpu.memref_squeeze %dma_start3A_432 : memref<1x128xi32, #tpu.memory_space<vmem>> -> memref<128xi32, #tpu.memory_space<vmem>>
          %dma_start3A_434 = arith.constant 0 : i32
          %dma_start3A_435 = arith.constant 0 : i32
          %dma_start3A_436 = tpu.memref_slice %arg13[%dma_start3A_434, %dma_start3A_435] : memref<10016x64xf32, #tpu.memory_space<vmem_shared>> -> memref<10016x64xf32, #tpu.memory_space<vmem_shared>>
          %dma_start3A_437 = tpu.memref_slice %arg14[%dma_start3A_426] : memref<4x!tpu.dma_semaphore, #tpu.memory_space<semaphore_mem>> -> memref<1x!tpu.dma_semaphore, #tpu.memory_space<semaphore_mem>>
          %dma_start3A_438 = tpu.memref_squeeze %dma_start3A_437 : memref<1x!tpu.dma_semaphore, #tpu.memory_space<semaphore_mem>> -> memref<!tpu.dma_semaphore, #tpu.memory_space<semaphore_mem>>
          tpu.enqueue_indirect_dma source(%dma_start3A_436 : memref<10016x64xf32, #tpu.memory_space<vmem_shared>>) target(%dma_start3A_430 : memref<128x64xf32, #tpu.memory_space<vmem>>) offsets(%dma_start3A_433 : memref<128xi32, #tpu.memory_space<vmem>>) semaphore(%dma_start3A_438 : memref<!tpu.dma_semaphore, #tpu.memory_space<semaphore_mem>>)
          %mul3A_439 = arith.constant 4 : i32
          %mul3A_440 = arith.muli %rem3A_180, %mul3A_439 : i32
          %add3A_441 = arith.constant 1 : i32
          %add3A_442 = arith.addi %mul3A_440, %add3A_441 : i32
          %dma_start3A_443 = arith.constant 1 : i32
          %dma_start3A_444 = arith.constant 1 : i32
          %dma_start3A_445 = arith.constant 0 : i32
          %dma_start3A_446 = arith.constant 0 : i32
          %dma_start3A_447 = tpu.memref_slice %arg11[%dma_start3A_443, %dma_start3A_445, %dma_start3A_446] : memref<4x128x64xf32, #tpu.memory_space<vmem>> -> memref<1x128x64xf32, #tpu.memory_space<vmem>>
          %dma_start3A_448 = tpu.memref_squeeze %dma_start3A_447 : memref<1x128x64xf32, #tpu.memory_space<vmem>> -> memref<128x64xf32, #tpu.memory_space<vmem>>
          %dma_start3A_449 = arith.constant 0 : i32
          %dma_start3A_450 = tpu.memref_slice %arg9[%add3A_442, %dma_start3A_449] : memref<8x128xi32, #tpu.memory_space<vmem>> -> memref<1x128xi32, #tpu.memory_space<vmem>>
          %dma_start3A_451 = tpu.memref_squeeze %dma_start3A_450 : memref<1x128xi32, #tpu.memory_space<vmem>> -> memref<128xi32, #tpu.memory_space<vmem>>
          %dma_start3A_452 = arith.constant 0 : i32
          %dma_start3A_453 = arith.constant 0 : i32
          %dma_start3A_454 = tpu.memref_slice %arg13[%dma_start3A_452, %dma_start3A_453] : memref<10016x64xf32, #tpu.memory_space<vmem_shared>> -> memref<10016x64xf32, #tpu.memory_space<vmem_shared>>
          %dma_start3A_455 = tpu.memref_slice %arg14[%dma_start3A_444] : memref<4x!tpu.dma_semaphore, #tpu.memory_space<semaphore_mem>> -> memref<1x!tpu.dma_semaphore, #tpu.memory_space<semaphore_mem>>
          %dma_start3A_456 = tpu.memref_squeeze %dma_start3A_455 : memref<1x!tpu.dma_semaphore, #tpu.memory_space<semaphore_mem>> -> memref<!tpu.dma_semaphore, #tpu.memory_space<semaphore_mem>>
          tpu.enqueue_indirect_dma source(%dma_start3A_454 : memref<10016x64xf32, #tpu.memory_space<vmem_shared>>) target(%dma_start3A_448 : memref<128x64xf32, #tpu.memory_space<vmem>>) offsets(%dma_start3A_451 : memref<128xi32, #tpu.memory_space<vmem>>) semaphore(%dma_start3A_456 : memref<!tpu.dma_semaphore, #tpu.memory_space<semaphore_mem>>)
          %mul3A_457 = arith.constant 4 : i32
          %mul3A_458 = arith.muli %rem3A_180, %mul3A_457 : i32
          %add3A_459 = arith.constant 2 : i32
          %add3A_460 = arith.addi %mul3A_458, %add3A_459 : i32
          %dma_start3A_461 = arith.constant 2 : i32
          %dma_start3A_462 = arith.constant 2 : i32
          %dma_start3A_463 = arith.constant 0 : i32
          %dma_start3A_464 = arith.constant 0 : i32
          %dma_start3A_465 = tpu.memref_slice %arg11[%dma_start3A_461, %dma_start3A_463, %dma_start3A_464] : memref<4x128x64xf32, #tpu.memory_space<vmem>> -> memref<1x128x64xf32, #tpu.memory_space<vmem>>
          %dma_start3A_466 = tpu.memref_squeeze %dma_start3A_465 : memref<1x128x64xf32, #tpu.memory_space<vmem>> -> memref<128x64xf32, #tpu.memory_space<vmem>>
          %dma_start3A_467 = arith.constant 0 : i32
          %dma_start3A_468 = tpu.memref_slice %arg9[%add3A_460, %dma_start3A_467] : memref<8x128xi32, #tpu.memory_space<vmem>> -> memref<1x128xi32, #tpu.memory_space<vmem>>
          %dma_start3A_469 = tpu.memref_squeeze %dma_start3A_468 : memref<1x128xi32, #tpu.memory_space<vmem>> -> memref<128xi32, #tpu.memory_space<vmem>>
          %dma_start3A_470 = arith.constant 0 : i32
          %dma_start3A_471 = arith.constant 0 : i32
          %dma_start3A_472 = tpu.memref_slice %arg13[%dma_start3A_470, %dma_start3A_471] : memref<10016x64xf32, #tpu.memory_space<vmem_shared>> -> memref<10016x64xf32, #tpu.memory_space<vmem_shared>>
          %dma_start3A_473 = tpu.memref_slice %arg14[%dma_start3A_462] : memref<4x!tpu.dma_semaphore, #tpu.memory_space<semaphore_mem>> -> memref<1x!tpu.dma_semaphore, #tpu.memory_space<semaphore_mem>>
          %dma_start3A_474 = tpu.memref_squeeze %dma_start3A_473 : memref<1x!tpu.dma_semaphore, #tpu.memory_space<semaphore_mem>> -> memref<!tpu.dma_semaphore, #tpu.memory_space<semaphore_mem>>
          tpu.enqueue_indirect_dma source(%dma_start3A_472 : memref<10016x64xf32, #tpu.memory_space<vmem_shared>>) target(%dma_start3A_466 : memref<128x64xf32, #tpu.memory_space<vmem>>) offsets(%dma_start3A_469 : memref<128xi32, #tpu.memory_space<vmem>>) semaphore(%dma_start3A_474 : memref<!tpu.dma_semaphore, #tpu.memory_space<semaphore_mem>>)
          %mul3A_475 = arith.constant 4 : i32
          %mul3A_476 = arith.muli %rem3A_180, %mul3A_475 : i32
          %add3A_477 = arith.constant 3 : i32
          %add3A_478 = arith.addi %mul3A_476, %add3A_477 : i32
          %dma_start3A_479 = arith.constant 3 : i32
          %dma_start3A_480 = arith.constant 3 : i32
          %dma_start3A_481 = arith.constant 0 : i32
          %dma_start3A_482 = arith.constant 0 : i32
          %dma_start3A_483 = tpu.memref_slice %arg11[%dma_start3A_479, %dma_start3A_481, %dma_start3A_482] : memref<4x128x64xf32, #tpu.memory_space<vmem>> -> memref<1x128x64xf32, #tpu.memory_space<vmem>>
          %dma_start3A_484 = tpu.memref_squeeze %dma_start3A_483 : memref<1x128x64xf32, #tpu.memory_space<vmem>> -> memref<128x64xf32, #tpu.memory_space<vmem>>
          %dma_start3A_485 = arith.constant 0 : i32
          %dma_start3A_486 = tpu.memref_slice %arg9[%add3A_478, %dma_start3A_485] : memref<8x128xi32, #tpu.memory_space<vmem>> -> memref<1x128xi32, #tpu.memory_space<vmem>>
          %dma_start3A_487 = tpu.memref_squeeze %dma_start3A_486 : memref<1x128xi32, #tpu.memory_space<vmem>> -> memref<128xi32, #tpu.memory_space<vmem>>
          %dma_start3A_488 = arith.constant 0 : i32
          %dma_start3A_489 = arith.constant 0 : i32
          %dma_start3A_490 = tpu.memref_slice %arg13[%dma_start3A_488, %dma_start3A_489] : memref<10016x64xf32, #tpu.memory_space<vmem_shared>> -> memref<10016x64xf32, #tpu.memory_space<vmem_shared>>
          %dma_start3A_491 = tpu.memref_slice %arg14[%dma_start3A_480] : memref<4x!tpu.dma_semaphore, #tpu.memory_space<semaphore_mem>> -> memref<1x!tpu.dma_semaphore, #tpu.memory_space<semaphore_mem>>
          %dma_start3A_492 = tpu.memref_squeeze %dma_start3A_491 : memref<1x!tpu.dma_semaphore, #tpu.memory_space<semaphore_mem>> -> memref<!tpu.dma_semaphore, #tpu.memory_space<semaphore_mem>>
          tpu.enqueue_indirect_dma source(%dma_start3A_490 : memref<10016x64xf32, #tpu.memory_space<vmem_shared>>) target(%dma_start3A_484 : memref<128x64xf32, #tpu.memory_space<vmem>>) offsets(%dma_start3A_487 : memref<128xi32, #tpu.memory_space<vmem>>) semaphore(%dma_start3A_492 : memref<!tpu.dma_semaphore, #tpu.memory_space<semaphore_mem>>)
          %lt3A_493 = arith.constant 16 : i32
          %lt3A_494 = arith.cmpi slt, %scan3A_176, %lt3A_493 : i32
          %convert_element_type3A_495 = arith.extui %lt3A_494 : i1 to i32
          %cond3A_496 = arith.constant 0 : i32
          %cond3A_497 = arith.cmpi ne, %convert_element_type3A_495, %cond3A_496 : i32
          scf.if %cond3A_497 {
            %add3A_498 = arith.constant 2 : i32
            %add3A_499 = arith.addi %scan3A_176, %add3A_498 : i32
            %mul3A_500 = arith.constant 4 : i32
            %mul3A_501 = arith.muli %add3A_499, %mul3A_500 : i32
            %mul3A_502 = arith.constant 4 : i32
            %mul3A_503 = arith.muli %rem3A_177, %mul3A_502 : i32
            %mul3A_504 = arith.constant 4 : i32
            %mul3A_505 = arith.muli %add3A_499, %mul3A_504 : i32
            %mul3A_506 = arith.constant 4 : i32
            %mul3A_507 = arith.muli %rem3A_177, %mul3A_506 : i32
            %dma_start3A_508 = arith.constant 0 : i32
            %dma_start3A_509 = arith.constant 0 : i32
            %dma_start3A_510 = tpu.memref_slice %arg9[%mul3A_503, %dma_start3A_509] : memref<8x128xi32, #tpu.memory_space<vmem>> -> memref<4x128xi32, #tpu.memory_space<vmem>>
            %dma_start3A_511 = arith.constant 0 : i32
            %dma_start3A_512 = tpu.memref_slice %arg4[%arg1, %mul3A_501, %dma_start3A_511] : memref<16x72x128xi32, #tpu.memory_space<hbm>> -> memref<1x4x128xi32, #tpu.memory_space<hbm>>
            %dma_start3A_513 = tpu.memref_squeeze %dma_start3A_512 : memref<1x4x128xi32, #tpu.memory_space<hbm>> -> memref<4x128xi32, #tpu.memory_space<hbm>>
            %dma_start3A_514 = tpu.memref_slice %arg16[%dma_start3A_508] : memref<2x!tpu.dma_semaphore, #tpu.memory_space<semaphore_mem>> -> memref<1x!tpu.dma_semaphore, #tpu.memory_space<semaphore_mem>>
            %dma_start3A_515 = tpu.memref_squeeze %dma_start3A_514 : memref<1x!tpu.dma_semaphore, #tpu.memory_space<semaphore_mem>> -> memref<!tpu.dma_semaphore, #tpu.memory_space<semaphore_mem>>
            %dma_start3A_516 = arith.constant 0 : i32
            %dma_start3A_517 = tpu.memref_slice %arg9[%mul3A_503, %dma_start3A_516] : memref<8x128xi32, #tpu.memory_space<vmem>> -> memref<4x128xi32, #tpu.memory_space<vmem>>
            %dma_start3A_518 = arith.constant 0 : i32
            %dma_start3A_519 = tpu.memref_slice %arg4[%arg1, %mul3A_501, %dma_start3A_518] : memref<16x72x128xi32, #tpu.memory_space<hbm>> -> memref<1x4x128xi32, #tpu.memory_space<hbm>>
            %dma_start3A_520 = tpu.memref_squeeze %dma_start3A_519 : memref<1x4x128xi32, #tpu.memory_space<hbm>> -> memref<4x128xi32, #tpu.memory_space<hbm>>
            tpu.enqueue_dma source(%dma_start3A_520 : memref<4x128xi32, #tpu.memory_space<hbm>>) target(%dma_start3A_517 : memref<4x128xi32, #tpu.memory_space<vmem>>) target_semaphore(%dma_start3A_515 : memref<!tpu.dma_semaphore, #tpu.memory_space<semaphore_mem>>)
            %dma_start3A_521 = arith.constant 1 : i32
            %dma_start3A_522 = arith.constant 0 : i32
            %dma_start3A_523 = tpu.memref_slice %arg10[%mul3A_507, %dma_start3A_522] : memref<8x128xi32, #tpu.memory_space<vmem>> -> memref<4x128xi32, #tpu.memory_space<vmem>>
            %dma_start3A_524 = arith.constant 0 : i32
            %dma_start3A_525 = tpu.memref_slice %arg5[%arg1, %mul3A_505, %dma_start3A_524] : memref<16x72x128xi32, #tpu.memory_space<hbm>> -> memref<1x4x128xi32, #tpu.memory_space<hbm>>
            %dma_start3A_526 = tpu.memref_squeeze %dma_start3A_525 : memref<1x4x128xi32, #tpu.memory_space<hbm>> -> memref<4x128xi32, #tpu.memory_space<hbm>>
            %dma_start3A_527 = tpu.memref_slice %arg16[%dma_start3A_521] : memref<2x!tpu.dma_semaphore, #tpu.memory_space<semaphore_mem>> -> memref<1x!tpu.dma_semaphore, #tpu.memory_space<semaphore_mem>>
            %dma_start3A_528 = tpu.memref_squeeze %dma_start3A_527 : memref<1x!tpu.dma_semaphore, #tpu.memory_space<semaphore_mem>> -> memref<!tpu.dma_semaphore, #tpu.memory_space<semaphore_mem>>
            %dma_start3A_529 = arith.constant 0 : i32
            %dma_start3A_530 = tpu.memref_slice %arg10[%mul3A_507, %dma_start3A_529] : memref<8x128xi32, #tpu.memory_space<vmem>> -> memref<4x128xi32, #tpu.memory_space<vmem>>
            %dma_start3A_531 = arith.constant 0 : i32
            %dma_start3A_532 = tpu.memref_slice %arg5[%arg1, %mul3A_505, %dma_start3A_531] : memref<16x72x128xi32, #tpu.memory_space<hbm>> -> memref<1x4x128xi32, #tpu.memory_space<hbm>>
            %dma_start3A_533 = tpu.memref_squeeze %dma_start3A_532 : memref<1x4x128xi32, #tpu.memory_space<hbm>> -> memref<4x128xi32, #tpu.memory_space<hbm>>
            tpu.enqueue_dma source(%dma_start3A_533 : memref<4x128xi32, #tpu.memory_space<hbm>>) target(%dma_start3A_530 : memref<4x128xi32, #tpu.memory_space<vmem>>) target_semaphore(%dma_start3A_528 : memref<!tpu.dma_semaphore, #tpu.memory_space<semaphore_mem>>)
          } else {
          }
        } else {
        }
      }
      %scan3A_175 = arith.constant 18 : i32
    } else {
    }
    %barrier3A_10 = arith.constant 0 : index
    tpu.barrier barrier_id(%barrier3A_10)
    "tpu.region"() ({
      %run_scoped3A = tpu.sem_alloc : memref<!tpu.dma_semaphore, #tpu.memory_space<semaphore_mem>>
      %dma_start3A = arith.constant 0 : i32
      %dma_start3A_11 = tpu.memref_slice %arg8[%arg0, %mul3A_2, %dma_start3A] : memref<2x10240x64xf32, #tpu.memory_space<hbm>> -> memref<1x640x64xf32, #tpu.memory_space<hbm>>
      %dma_start3A_12 = tpu.memref_squeeze %dma_start3A_11 : memref<1x640x64xf32, #tpu.memory_space<hbm>> -> memref<640x64xf32, #tpu.memory_space<hbm>>
      %dma_start3A_13 = arith.constant 0 : i32
      %dma_start3A_14 = tpu.memref_slice %arg12[%mul3A_2, %dma_start3A_13] : memref<10240x64xf32, #tpu.memory_space<vmem_shared>> -> memref<640x64xf32, #tpu.memory_space<vmem_shared>>
      tpu.enqueue_dma source(%dma_start3A_14 : memref<640x64xf32, #tpu.memory_space<vmem_shared>>) target(%dma_start3A_12 : memref<640x64xf32, #tpu.memory_space<hbm>>) target_semaphore(%run_scoped3A : memref<!tpu.dma_semaphore, #tpu.memory_space<semaphore_mem>>)
      %dma_wait3A = arith.constant 0 : i32
      %dma_wait3A_15 = tpu.memref_slice %arg8[%arg0, %mul3A_2, %dma_wait3A] : memref<2x10240x64xf32, #tpu.memory_space<hbm>> -> memref<1x640x64xf32, #tpu.memory_space<hbm>>
      %dma_wait3A_16 = tpu.memref_squeeze %dma_wait3A_15 : memref<1x640x64xf32, #tpu.memory_space<hbm>> -> memref<640x64xf32, #tpu.memory_space<hbm>>
      %dma_wait3A_17 = arith.constant 0 : i32
      %dma_wait3A_18 = tpu.memref_slice %arg12[%mul3A_2, %dma_wait3A_17] : memref<10240x64xf32, #tpu.memory_space<vmem_shared>> -> memref<640x64xf32, #tpu.memory_space<vmem_shared>>
      tpu.wait_dma2 semaphore(%run_scoped3A : memref<!tpu.dma_semaphore, #tpu.memory_space<semaphore_mem>>) src(%dma_wait3A_18 : memref<640x64xf32, #tpu.memory_space<vmem_shared>>) dst(%dma_wait3A_16 : memref<640x64xf32, #tpu.memory_space<hbm>>)
      tpu.yield
    }) : () -> ()
    return
  }
}

#map = affine_map<(d0, d1) -> (0, 0, 0)>
#map1 = affine_map<(d0, d1) -> (0, 0)>
module attributes {stable_mosaic.version = 14 : i64} {
  func.func @_sc_degree(%arg0: i32, %arg1: i32, %arg2: memref<32x80x128xi32, #tpu.memory_space<hbm>>, %arg3: memref<128x16xf32, #tpu.memory_space<hbm>>, %arg4: memref<10240x16xf32, #tpu.memory_space<hbm>>, %arg5: memref<2x10240x16xf32, #tpu.memory_space<hbm>>, %arg6: memref<80x128xi32, #tpu.memory_space<vmem>>, %arg7: memref<128x16xf32, #tpu.memory_space<vmem>>, %arg8: memref<10240x16xf32, #tpu.memory_space<vmem_shared>>) attributes {dimension_semantics = [#tpu.dimension_semantics<core_parallel>, #tpu.dimension_semantics<subcore_parallel>], iteration_bounds = array<i64: 2, 16>, scalar_prefetch = 0 : i64, scratch_operands = 3 : i64, tpu.core_type = #tpu.core_type<sc_vector_subcore>, window_params = [{transform_indices = #map}, {transform_indices = #map1}, {transform_indices = #map1}, {transform_indices = #map}]} {
    %mul3A = arith.constant 16 : i32
    %mul3A_0 = arith.muli %arg0, %mul3A : i32
    %add3A = arith.addi %mul3A_0, %arg1 : i32
    "tpu.region"() ({
      %run_scoped3A = tpu.sem_alloc : memref<!tpu.dma_semaphore, #tpu.memory_space<semaphore_mem>>
      %dma_start3A = arith.constant 0 : i32
      %dma_start3A_9 = arith.constant 0 : i32
      %dma_start3A_10 = tpu.memref_slice %arg2[%add3A, %dma_start3A, %dma_start3A_9] : memref<32x80x128xi32, #tpu.memory_space<hbm>> -> memref<1x80x128xi32, #tpu.memory_space<hbm>>
      %dma_start3A_11 = tpu.memref_squeeze %dma_start3A_10 : memref<1x80x128xi32, #tpu.memory_space<hbm>> -> memref<80x128xi32, #tpu.memory_space<hbm>>
      %dma_start3A_12 = arith.constant 0 : i32
      %dma_start3A_13 = arith.constant 0 : i32
      %dma_start3A_14 = tpu.memref_slice %arg2[%add3A, %dma_start3A_12, %dma_start3A_13] : memref<32x80x128xi32, #tpu.memory_space<hbm>> -> memref<1x80x128xi32, #tpu.memory_space<hbm>>
      %dma_start3A_15 = tpu.memref_squeeze %dma_start3A_14 : memref<1x80x128xi32, #tpu.memory_space<hbm>> -> memref<80x128xi32, #tpu.memory_space<hbm>>
      tpu.enqueue_dma source(%dma_start3A_15 : memref<80x128xi32, #tpu.memory_space<hbm>>) target(%arg6 : memref<80x128xi32, #tpu.memory_space<vmem>>) target_semaphore(%run_scoped3A : memref<!tpu.dma_semaphore, #tpu.memory_space<semaphore_mem>>)
      %dma_wait3A = arith.constant 0 : i32
      %dma_wait3A_16 = arith.constant 0 : i32
      %dma_wait3A_17 = tpu.memref_slice %arg2[%add3A, %dma_wait3A, %dma_wait3A_16] : memref<32x80x128xi32, #tpu.memory_space<hbm>> -> memref<1x80x128xi32, #tpu.memory_space<hbm>>
      %dma_wait3A_18 = tpu.memref_squeeze %dma_wait3A_17 : memref<1x80x128xi32, #tpu.memory_space<hbm>> -> memref<80x128xi32, #tpu.memory_space<hbm>>
      %dma_wait3A_19 = arith.constant 0 : i32
      %dma_wait3A_20 = arith.constant 0 : i32
      %dma_wait3A_21 = tpu.memref_slice %arg2[%add3A, %dma_wait3A_19, %dma_wait3A_20] : memref<32x80x128xi32, #tpu.memory_space<hbm>> -> memref<1x80x128xi32, #tpu.memory_space<hbm>>
      %dma_wait3A_22 = tpu.memref_squeeze %dma_wait3A_21 : memref<1x80x128xi32, #tpu.memory_space<hbm>> -> memref<80x128xi32, #tpu.memory_space<hbm>>
      tpu.wait_dma2 semaphore(%run_scoped3A : memref<!tpu.dma_semaphore, #tpu.memory_space<semaphore_mem>>) src(%dma_wait3A_22 : memref<80x128xi32, #tpu.memory_space<hbm>>) dst(%arg6 : memref<80x128xi32, #tpu.memory_space<vmem>>)
      tpu.yield
    }) : () -> ()
    "tpu.region"() ({
      %run_scoped3A = tpu.sem_alloc : memref<!tpu.dma_semaphore, #tpu.memory_space<semaphore_mem>>
      tpu.enqueue_dma source(%arg3 : memref<128x16xf32, #tpu.memory_space<hbm>>) target(%arg7 : memref<128x16xf32, #tpu.memory_space<vmem>>) target_semaphore(%run_scoped3A : memref<!tpu.dma_semaphore, #tpu.memory_space<semaphore_mem>>)
      tpu.wait_dma2 semaphore(%run_scoped3A : memref<!tpu.dma_semaphore, #tpu.memory_space<semaphore_mem>>) src(%arg3 : memref<128x16xf32, #tpu.memory_space<hbm>>) dst(%arg7 : memref<128x16xf32, #tpu.memory_space<vmem>>)
      tpu.yield
    }) : () -> ()
    %mul3A_1 = arith.constant 640 : i32
    %mul3A_2 = arith.muli %arg1, %mul3A_1 : i32
    "tpu.region"() ({
      %run_scoped3A = tpu.sem_alloc : memref<!tpu.dma_semaphore, #tpu.memory_space<semaphore_mem>>
      %dma_start3A = arith.constant 0 : i32
      %dma_start3A_9 = tpu.memref_slice %arg8[%mul3A_2, %dma_start3A] : memref<10240x16xf32, #tpu.memory_space<vmem_shared>> -> memref<640x16xf32, #tpu.memory_space<vmem_shared>>
      %dma_start3A_10 = arith.constant 0 : i32
      %dma_start3A_11 = tpu.memref_slice %arg4[%mul3A_2, %dma_start3A_10] : memref<10240x16xf32, #tpu.memory_space<hbm>> -> memref<640x16xf32, #tpu.memory_space<hbm>>
      tpu.enqueue_dma source(%dma_start3A_11 : memref<640x16xf32, #tpu.memory_space<hbm>>) target(%dma_start3A_9 : memref<640x16xf32, #tpu.memory_space<vmem_shared>>) target_semaphore(%run_scoped3A : memref<!tpu.dma_semaphore, #tpu.memory_space<semaphore_mem>>)
      %dma_wait3A = arith.constant 0 : i32
      %dma_wait3A_12 = tpu.memref_slice %arg8[%mul3A_2, %dma_wait3A] : memref<10240x16xf32, #tpu.memory_space<vmem_shared>> -> memref<640x16xf32, #tpu.memory_space<vmem_shared>>
      %dma_wait3A_13 = arith.constant 0 : i32
      %dma_wait3A_14 = tpu.memref_slice %arg4[%mul3A_2, %dma_wait3A_13] : memref<10240x16xf32, #tpu.memory_space<hbm>> -> memref<640x16xf32, #tpu.memory_space<hbm>>
      tpu.wait_dma2 semaphore(%run_scoped3A : memref<!tpu.dma_semaphore, #tpu.memory_space<semaphore_mem>>) src(%dma_wait3A_14 : memref<640x16xf32, #tpu.memory_space<hbm>>) dst(%dma_wait3A_12 : memref<640x16xf32, #tpu.memory_space<vmem_shared>>)
      tpu.yield
    }) : () -> ()
    %barrier3A = arith.constant 0 : index
    tpu.barrier barrier_id(%barrier3A)
    %scan3A = arith.constant 0 : i32
    %scan3A_3 = arith.constant 0 : i32
    %scan3A_4 = arith.constant 80 : i32
    %scan3A_5 = arith.addi %scan3A_3, %scan3A_4 : i32
    %scan3A_6 = arith.constant 1 : i32
    scf.for %scan3A_9 = %scan3A_3 to %scan3A_5 step %scan3A_6  : i32 {
      "tpu.region"() ({
        %run_scoped3A = tpu.sem_alloc : memref<!tpu.dma_semaphore, #tpu.memory_space<semaphore_mem>>
        %dma_start3A = arith.constant 0 : i32
        %dma_start3A_10 = tpu.memref_slice %arg6[%scan3A_9, %dma_start3A] : memref<80x128xi32, #tpu.memory_space<vmem>> -> memref<1x128xi32, #tpu.memory_space<vmem>>
        %dma_start3A_11 = tpu.memref_squeeze %dma_start3A_10 : memref<1x128xi32, #tpu.memory_space<vmem>> -> memref<128xi32, #tpu.memory_space<vmem>>
        %dma_start3A_12 = arith.constant 0 : i32
        %dma_start3A_13 = arith.constant 0 : i32
        %dma_start3A_14 = tpu.memref_slice %arg8[%dma_start3A_12, %dma_start3A_13] : memref<10240x16xf32, #tpu.memory_space<vmem_shared>> -> memref<10240x16xf32, #tpu.memory_space<vmem_shared>>
        tpu.enqueue_indirect_dma source(%arg7 : memref<128x16xf32, #tpu.memory_space<vmem>>) target(%dma_start3A_14 : memref<10240x16xf32, #tpu.memory_space<vmem_shared>>) offsets(%dma_start3A_11 : memref<128xi32, #tpu.memory_space<vmem>>) semaphore(%run_scoped3A : memref<!tpu.dma_semaphore, #tpu.memory_space<semaphore_mem>>) {add = true}
        %dma_wait3A = arith.constant 0 : i32
        %dma_wait3A_15 = tpu.memref_slice %arg6[%scan3A_9, %dma_wait3A] : memref<80x128xi32, #tpu.memory_space<vmem>> -> memref<1x128xi32, #tpu.memory_space<vmem>>
        %dma_wait3A_16 = tpu.memref_squeeze %dma_wait3A_15 : memref<1x128xi32, #tpu.memory_space<vmem>> -> memref<128xi32, #tpu.memory_space<vmem>>
        %dma_wait3A_17 = arith.constant 0 : i32
        %dma_wait3A_18 = arith.constant 0 : i32
        %dma_wait3A_19 = tpu.memref_slice %arg8[%dma_wait3A_17, %dma_wait3A_18] : memref<10240x16xf32, #tpu.memory_space<vmem_shared>> -> memref<10240x16xf32, #tpu.memory_space<vmem_shared>>
        tpu.wait_indirect_dma semaphore(%run_scoped3A : memref<!tpu.dma_semaphore, #tpu.memory_space<semaphore_mem>>) src(%arg7 : memref<128x16xf32, #tpu.memory_space<vmem>>) dst(%dma_wait3A_19 : memref<10240x16xf32, #tpu.memory_space<vmem_shared>>)
        tpu.yield
      }) : () -> ()
    }
    %scan3A_7 = arith.constant 80 : i32
    %barrier3A_8 = arith.constant 0 : index
    tpu.barrier barrier_id(%barrier3A_8)
    "tpu.region"() ({
      %run_scoped3A = tpu.sem_alloc : memref<!tpu.dma_semaphore, #tpu.memory_space<semaphore_mem>>
      %dma_start3A = arith.constant 0 : i32
      %dma_start3A_9 = tpu.memref_slice %arg5[%arg0, %mul3A_2, %dma_start3A] : memref<2x10240x16xf32, #tpu.memory_space<hbm>> -> memref<1x640x16xf32, #tpu.memory_space<hbm>>
      %dma_start3A_10 = tpu.memref_squeeze %dma_start3A_9 : memref<1x640x16xf32, #tpu.memory_space<hbm>> -> memref<640x16xf32, #tpu.memory_space<hbm>>
      %dma_start3A_11 = arith.constant 0 : i32
      %dma_start3A_12 = tpu.memref_slice %arg8[%mul3A_2, %dma_start3A_11] : memref<10240x16xf32, #tpu.memory_space<vmem_shared>> -> memref<640x16xf32, #tpu.memory_space<vmem_shared>>
      tpu.enqueue_dma source(%dma_start3A_12 : memref<640x16xf32, #tpu.memory_space<vmem_shared>>) target(%dma_start3A_10 : memref<640x16xf32, #tpu.memory_space<hbm>>) target_semaphore(%run_scoped3A : memref<!tpu.dma_semaphore, #tpu.memory_space<semaphore_mem>>)
      %dma_wait3A = arith.constant 0 : i32
      %dma_wait3A_13 = tpu.memref_slice %arg5[%arg0, %mul3A_2, %dma_wait3A] : memref<2x10240x16xf32, #tpu.memory_space<hbm>> -> memref<1x640x16xf32, #tpu.memory_space<hbm>>
      %dma_wait3A_14 = tpu.memref_squeeze %dma_wait3A_13 : memref<1x640x16xf32, #tpu.memory_space<hbm>> -> memref<640x16xf32, #tpu.memory_space<hbm>>
      %dma_wait3A_15 = arith.constant 0 : i32
      %dma_wait3A_16 = tpu.memref_slice %arg8[%mul3A_2, %dma_wait3A_15] : memref<10240x16xf32, #tpu.memory_space<vmem_shared>> -> memref<640x16xf32, #tpu.memory_space<vmem_shared>>
      tpu.wait_dma2 semaphore(%run_scoped3A : memref<!tpu.dma_semaphore, #tpu.memory_space<semaphore_mem>>) src(%dma_wait3A_16 : memref<640x16xf32, #tpu.memory_space<vmem_shared>>) dst(%dma_wait3A_14 : memref<640x16xf32, #tpu.memory_space<hbm>>)
      tpu.yield
    }) : () -> ()
    return
  }
}

#map = affine_map<(d0, d1) -> (0, 0, 0)>
#map1 = affine_map<(d0, d1) -> (0, 0)>
module attributes {stable_mosaic.version = 14 : i64} {
  func.func @_sc_segment_sum(%arg0: i32, %arg1: i32, %arg2: memref<16x88x128xi32, #tpu.memory_space<hbm>>, %arg3: memref<16x88x128xi32, #tpu.memory_space<hbm>>, %arg4: memref<16x72x128xi32, #tpu.memory_space<hbm>>, %arg5: memref<16x72x128xi32, #tpu.memory_space<hbm>>, %arg6: memref<10240x64xf32, #tpu.memory_space<hbm>>, %arg7: memref<10240x64xf32, #tpu.memory_space<hbm>>, %arg8: memref<2x10240x64xf32, #tpu.memory_space<hbm>>, %arg9: memref<8x128xi32, #tpu.memory_space<vmem>>, %arg10: memref<8x128xi32, #tpu.memory_space<vmem>>, %arg11: memref<4x128x64xf32, #tpu.memory_space<vmem>>, %arg12: memref<10240x64xf32, #tpu.memory_space<vmem_shared>>, %arg13: memref<10016x64xf32, #tpu.memory_space<vmem_shared>>, %arg14: memref<4x!tpu.dma_semaphore, #tpu.memory_space<semaphore_mem>>, %arg15: memref<4x!tpu.dma_semaphore, #tpu.memory_space<semaphore_mem>>, %arg16: memref<2x!tpu.dma_semaphore, #tpu.memory_space<semaphore_mem>>) attributes {dimension_semantics = [#tpu.dimension_semantics<core_parallel>, #tpu.dimension_semantics<subcore_parallel>], iteration_bounds = array<i64: 2, 16>, scalar_prefetch = 0 : i64, scratch_operands = 8 : i64, tpu.core_type = #tpu.core_type<sc_vector_subcore>, window_params = [{transform_indices = #map}, {transform_indices = #map}, {transform_indices = #map}, {transform_indices = #map}, {transform_indices = #map1}, {transform_indices = #map1}, {transform_indices = #map}]} {
    %mul3A = arith.constant 626 : i32
    %mul3A_0 = arith.muli %arg1, %mul3A : i32
    "tpu.region"() ({
      %run_scoped3A = tpu.sem_alloc : memref<!tpu.dma_semaphore, #tpu.memory_space<semaphore_mem>>
      %dma_start3A = arith.constant 0 : i32
      %dma_start3A_11 = tpu.memref_slice %arg13[%mul3A_0, %dma_start3A] : memref<10016x64xf32, #tpu.memory_space<vmem_shared>> -> memref<626x64xf32, #tpu.memory_space<vmem_shared>>
      %dma_start3A_12 = arith.constant 0 : i32
      %dma_start3A_13 = tpu.memref_slice %arg6[%mul3A_0, %dma_start3A_12] : memref<10240x64xf32, #tpu.memory_space<hbm>> -> memref<626x64xf32, #tpu.memory_space<hbm>>
      tpu.enqueue_dma source(%dma_start3A_13 : memref<626x64xf32, #tpu.memory_space<hbm>>) target(%dma_start3A_11 : memref<626x64xf32, #tpu.memory_space<vmem_shared>>) target_semaphore(%run_scoped3A : memref<!tpu.dma_semaphore, #tpu.memory_space<semaphore_mem>>)
      %dma_wait3A = arith.constant 0 : i32
      %dma_wait3A_14 = tpu.memref_slice %arg13[%mul3A_0, %dma_wait3A] : memref<10016x64xf32, #tpu.memory_space<vmem_shared>> -> memref<626x64xf32, #tpu.memory_space<vmem_shared>>
      %dma_wait3A_15 = arith.constant 0 : i32
      %dma_wait3A_16 = tpu.memref_slice %arg6[%mul3A_0, %dma_wait3A_15] : memref<10240x64xf32, #tpu.memory_space<hbm>> -> memref<626x64xf32, #tpu.memory_space<hbm>>
      tpu.wait_dma2 semaphore(%run_scoped3A : memref<!tpu.dma_semaphore, #tpu.memory_space<semaphore_mem>>) src(%dma_wait3A_16 : memref<626x64xf32, #tpu.memory_space<hbm>>) dst(%dma_wait3A_14 : memref<626x64xf32, #tpu.memory_space<vmem_shared>>)
      tpu.yield
    }) : () -> ()
    %mul3A_1 = arith.constant 640 : i32
    %mul3A_2 = arith.muli %arg1, %mul3A_1 : i32
    "tpu.region"() ({
      %run_scoped3A = tpu.sem_alloc : memref<!tpu.dma_semaphore, #tpu.memory_space<semaphore_mem>>
      %dma_start3A = arith.constant 0 : i32
      %dma_start3A_11 = tpu.memref_slice %arg12[%mul3A_2, %dma_start3A] : memref<10240x64xf32, #tpu.memory_space<vmem_shared>> -> memref<640x64xf32, #tpu.memory_space<vmem_shared>>
      %dma_start3A_12 = arith.constant 0 : i32
      %dma_start3A_13 = tpu.memref_slice %arg7[%mul3A_2, %dma_start3A_12] : memref<10240x64xf32, #tpu.memory_space<hbm>> -> memref<640x64xf32, #tpu.memory_space<hbm>>
      tpu.enqueue_dma source(%dma_start3A_13 : memref<640x64xf32, #tpu.memory_space<hbm>>) target(%dma_start3A_11 : memref<640x64xf32, #tpu.memory_space<vmem_shared>>) target_semaphore(%run_scoped3A : memref<!tpu.dma_semaphore, #tpu.memory_space<semaphore_mem>>)
      %dma_wait3A = arith.constant 0 : i32
      %dma_wait3A_14 = tpu.memref_slice %arg12[%mul3A_2, %dma_wait3A] : memref<10240x64xf32, #tpu.memory_space<vmem_shared>> -> memref<640x64xf32, #tpu.memory_space<vmem_shared>>
      %dma_wait3A_15 = arith.constant 0 : i32
      %dma_wait3A_16 = tpu.memref_slice %arg7[%mul3A_2, %dma_wait3A_15] : memref<10240x64xf32, #tpu.memory_space<hbm>> -> memref<640x64xf32, #tpu.memory_space<hbm>>
      tpu.wait_dma2 semaphore(%run_scoped3A : memref<!tpu.dma_semaphore, #tpu.memory_space<semaphore_mem>>) src(%dma_wait3A_16 : memref<640x64xf32, #tpu.memory_space<hbm>>) dst(%dma_wait3A_14 : memref<640x64xf32, #tpu.memory_space<vmem_shared>>)
      tpu.yield
    }) : () -> ()
    %barrier3A = arith.constant 0 : index
    tpu.barrier barrier_id(%barrier3A)
    %eq3A = arith.constant 0 : i32
    %eq3A_3 = arith.cmpi eq, %arg0, %eq3A : i32
    %convert_element_type3A = arith.extui %eq3A_3 : i1 to i32
    %cond3A = arith.constant 0 : i32
    %cond3A_4 = arith.cmpi ne, %convert_element_type3A, %cond3A : i32
    scf.if %cond3A_4 {
      %dma_start3A = arith.constant 0 : i32
      %dma_start3A_11 = arith.constant 0 : i32
      %dma_start3A_12 = arith.constant 0 : i32
      %dma_start3A_13 = tpu.memref_slice %arg9[%dma_start3A_11, %dma_start3A_12] : memref<8x128xi32, #tpu.memory_space<vmem>> -> memref<4x128xi32, #tpu.memory_space<vmem>>
      %dma_start3A_14 = arith.constant 0 : i32
      %dma_start3A_15 = arith.constant 0 : i32
      %dma_start3A_16 = tpu.memref_slice %arg2[%arg1, %dma_start3A_14, %dma_start3A_15] : memref<16x88x128xi32, #tpu.memory_space<hbm>> -> memref<1x4x128xi32, #tpu.memory_space<hbm>>
      %dma_start3A_17 = tpu.memref_squeeze %dma_start3A_16 : memref<1x4x128xi32, #tpu.memory_space<hbm>> -> memref<4x128xi32, #tpu.memory_space<hbm>>
      %dma_start3A_18 = tpu.memref_slice %arg16[%dma_start3A] : memref<2x!tpu.dma_semaphore, #tpu.memory_space<semaphore_mem>> -> memref<1x!tpu.dma_semaphore, #tpu.memory_space<semaphore_mem>>
      %dma_start3A_19 = tpu.memref_squeeze %dma_start3A_18 : memref<1x!tpu.dma_semaphore, #tpu.memory_space<semaphore_mem>> -> memref<!tpu.dma_semaphore, #tpu.memory_space<semaphore_mem>>
      %dma_start3A_20 = arith.constant 0 : i32
      %dma_start3A_21 = arith.constant 0 : i32
      %dma_start3A_22 = tpu.memref_slice %arg9[%dma_start3A_20, %dma_start3A_21] : memref<8x128xi32, #tpu.memory_space<vmem>> -> memref<4x128xi32, #tpu.memory_space<vmem>>
      %dma_start3A_23 = arith.constant 0 : i32
      %dma_start3A_24 = arith.constant 0 : i32
      %dma_start3A_25 = tpu.memref_slice %arg2[%arg1, %dma_start3A_23, %dma_start3A_24] : memref<16x88x128xi32, #tpu.memory_space<hbm>> -> memref<1x4x128xi32, #tpu.memory_space<hbm>>
      %dma_start3A_26 = tpu.memref_squeeze %dma_start3A_25 : memref<1x4x128xi32, #tpu.memory_space<hbm>> -> memref<4x128xi32, #tpu.memory_space<hbm>>
      tpu.enqueue_dma source(%dma_start3A_26 : memref<4x128xi32, #tpu.memory_space<hbm>>) target(%dma_start3A_22 : memref<4x128xi32, #tpu.memory_space<vmem>>) target_semaphore(%dma_start3A_19 : memref<!tpu.dma_semaphore, #tpu.memory_space<semaphore_mem>>)
      %dma_start3A_27 = arith.constant 1 : i32
      %dma_start3A_28 = arith.constant 0 : i32
      %dma_start3A_29 = arith.constant 0 : i32
      %dma_start3A_30 = tpu.memref_slice %arg10[%dma_start3A_28, %dma_start3A_29] : memref<8x128xi32, #tpu.memory_space<vmem>> -> memref<4x128xi32, #tpu.memory_space<vmem>>
      %dma_start3A_31 = arith.constant 0 : i32
      %dma_start3A_32 = arith.constant 0 : i32
      %dma_start3A_33 = tpu.memref_slice %arg3[%arg1, %dma_start3A_31, %dma_start3A_32] : memref<16x88x128xi32, #tpu.memory_space<hbm>> -> memref<1x4x128xi32, #tpu.memory_space<hbm>>
      %dma_start3A_34 = tpu.memref_squeeze %dma_start3A_33 : memref<1x4x128xi32, #tpu.memory_space<hbm>> -> memref<4x128xi32, #tpu.memory_space<hbm>>
      %dma_start3A_35 = tpu.memref_slice %arg16[%dma_start3A_27] : memref<2x!tpu.dma_semaphore, #tpu.memory_space<semaphore_mem>> -> memref<1x!tpu.dma_semaphore, #tpu.memory_space<semaphore_mem>>
      %dma_start3A_36 = tpu.memref_squeeze %dma_start3A_35 : memref<1x!tpu.dma_semaphore, #tpu.memory_space<semaphore_mem>> -> memref<!tpu.dma_semaphore, #tpu.memory_space<semaphore_mem>>
      %dma_start3A_37 = arith.constant 0 : i32
      %dma_start3A_38 = arith.constant 0 : i32
      %dma_start3A_39 = tpu.memref_slice %arg10[%dma_start3A_37, %dma_start3A_38] : memref<8x128xi32, #tpu.memory_space<vmem>> -> memref<4x128xi32, #tpu.memory_space<vmem>>
      %dma_start3A_40 = arith.constant 0 : i32
      %dma_start3A_41 = arith.constant 0 : i32
      %dma_start3A_42 = tpu.memref_slice %arg3[%arg1, %dma_start3A_40, %dma_start3A_41] : memref<16x88x128xi32, #tpu.memory_space<hbm>> -> memref<1x4x128xi32, #tpu.memory_space<hbm>>
      %dma_start3A_43 = tpu.memref_squeeze %dma_start3A_42 : memref<1x4x128xi32, #tpu.memory_space<hbm>> -> memref<4x128xi32, #tpu.memory_space<hbm>>
      tpu.enqueue_dma source(%dma_start3A_43 : memref<4x128xi32, #tpu.memory_space<hbm>>) target(%dma_start3A_39 : memref<4x128xi32, #tpu.memory_space<vmem>>) target_semaphore(%dma_start3A_36 : memref<!tpu.dma_semaphore, #tpu.memory_space<semaphore_mem>>)
      %dma_wait3A = arith.constant 0 : i32
      %dma_wait3A_44 = arith.constant 0 : i32
      %dma_wait3A_45 = arith.constant 0 : i32
      %dma_wait3A_46 = tpu.memref_slice %arg9[%dma_wait3A_44, %dma_wait3A_45] : memref<8x128xi32, #tpu.memory_space<vmem>> -> memref<4x128xi32, #tpu.memory_space<vmem>>
      %dma_wait3A_47 = arith.constant 0 : i32
      %dma_wait3A_48 = arith.constant 0 : i32
      %dma_wait3A_49 = tpu.memref_slice %arg2[%arg1, %dma_wait3A_47, %dma_wait3A_48] : memref<16x88x128xi32, #tpu.memory_space<hbm>> -> memref<1x4x128xi32, #tpu.memory_space<hbm>>
      %dma_wait3A_50 = tpu.memref_squeeze %dma_wait3A_49 : memref<1x4x128xi32, #tpu.memory_space<hbm>> -> memref<4x128xi32, #tpu.memory_space<hbm>>
      %dma_wait3A_51 = tpu.memref_slice %arg16[%dma_wait3A] : memref<2x!tpu.dma_semaphore, #tpu.memory_space<semaphore_mem>> -> memref<1x!tpu.dma_semaphore, #tpu.memory_space<semaphore_mem>>
      %dma_wait3A_52 = tpu.memref_squeeze %dma_wait3A_51 : memref<1x!tpu.dma_semaphore, #tpu.memory_space<semaphore_mem>> -> memref<!tpu.dma_semaphore, #tpu.memory_space<semaphore_mem>>
      %dma_wait3A_53 = arith.constant 0 : i32
      %dma_wait3A_54 = arith.constant 0 : i32
      %dma_wait3A_55 = tpu.memref_slice %arg9[%dma_wait3A_53, %dma_wait3A_54] : memref<8x128xi32, #tpu.memory_space<vmem>> -> memref<4x128xi32, #tpu.memory_space<vmem>>
      %dma_wait3A_56 = arith.constant 0 : i32
      %dma_wait3A_57 = arith.constant 0 : i32
      %dma_wait3A_58 = tpu.memref_slice %arg2[%arg1, %dma_wait3A_56, %dma_wait3A_57] : memref<16x88x128xi32, #tpu.memory_space<hbm>> -> memref<1x4x128xi32, #tpu.memory_space<hbm>>
      %dma_wait3A_59 = tpu.memref_squeeze %dma_wait3A_58 : memref<1x4x128xi32, #tpu.memory_space<hbm>> -> memref<4x128xi32, #tpu.memory_space<hbm>>
      tpu.wait_dma2 semaphore(%dma_wait3A_52 : memref<!tpu.dma_semaphore, #tpu.memory_space<semaphore_mem>>) src(%dma_wait3A_59 : memref<4x128xi32, #tpu.memory_space<hbm>>) dst(%dma_wait3A_55 : memref<4x128xi32, #tpu.memory_space<vmem>>)
      %dma_wait3A_60 = arith.constant 1 : i32
      %dma_wait3A_61 = arith.constant 0 : i32
      %dma_wait3A_62 = arith.constant 0 : i32
      %dma_wait3A_63 = tpu.memref_slice %arg10[%dma_wait3A_61, %dma_wait3A_62] : memref<8x128xi32, #tpu.memory_space<vmem>> -> memref<4x128xi32, #tpu.memory_space<vmem>>
      %dma_wait3A_64 = arith.constant 0 : i32
      %dma_wait3A_65 = arith.constant 0 : i32
      %dma_wait3A_66 = tpu.memref_slice %arg3[%arg1, %dma_wait3A_64, %dma_wait3A_65] : memref<16x88x128xi32, #tpu.memory_space<hbm>> -> memref<1x4x128xi32, #tpu.memory_space<hbm>>
      %dma_wait3A_67 = tpu.memref_squeeze %dma_wait3A_66 : memref<1x4x128xi32, #tpu.memory_space<hbm>> -> memref<4x128xi32, #tpu.memory_space<hbm>>
      %dma_wait3A_68 = tpu.memref_slice %arg16[%dma_wait3A_60] : memref<2x!tpu.dma_semaphore, #tpu.memory_space<semaphore_mem>> -> memref<1x!tpu.dma_semaphore, #tpu.memory_space<semaphore_mem>>
      %dma_wait3A_69 = tpu.memref_squeeze %dma_wait3A_68 : memref<1x!tpu.dma_semaphore, #tpu.memory_space<semaphore_mem>> -> memref<!tpu.dma_semaphore, #tpu.memory_space<semaphore_mem>>
      %dma_wait3A_70 = arith.constant 0 : i32
      %dma_wait3A_71 = arith.constant 0 : i32
      %dma_wait3A_72 = tpu.memref_slice %arg10[%dma_wait3A_70, %dma_wait3A_71] : memref<8x128xi32, #tpu.memory_space<vmem>> -> memref<4x128xi32, #tpu.memory_space<vmem>>
      %dma_wait3A_73 = arith.constant 0 : i32
      %dma_wait3A_74 = arith.constant 0 : i32
      %dma_wait3A_75 = tpu.memref_slice %arg3[%arg1, %dma_wait3A_73, %dma_wait3A_74] : memref<16x88x128xi32, #tpu.memory_space<hbm>> -> memref<1x4x128xi32, #tpu.memory_space<hbm>>
      %dma_wait3A_76 = tpu.memref_squeeze %dma_wait3A_75 : memref<1x4x128xi32, #tpu.memory_space<hbm>> -> memref<4x128xi32, #tpu.memory_space<hbm>>
      tpu.wait_dma2 semaphore(%dma_wait3A_69 : memref<!tpu.dma_semaphore, #tpu.memory_space<semaphore_mem>>) src(%dma_wait3A_76 : memref<4x128xi32, #tpu.memory_space<hbm>>) dst(%dma_wait3A_72 : memref<4x128xi32, #tpu.memory_space<vmem>>)
      %dma_start3A_77 = arith.constant 0 : i32
      %dma_start3A_78 = arith.constant 0 : i32
      %dma_start3A_79 = arith.constant 0 : i32
      %dma_start3A_80 = arith.constant 0 : i32
      %dma_start3A_81 = arith.constant 0 : i32
      %dma_start3A_82 = tpu.memref_slice %arg11[%dma_start3A_78, %dma_start3A_80, %dma_start3A_81] : memref<4x128x64xf32, #tpu.memory_space<vmem>> -> memref<1x128x64xf32, #tpu.memory_space<vmem>>
      %dma_start3A_83 = tpu.memref_squeeze %dma_start3A_82 : memref<1x128x64xf32, #tpu.memory_space<vmem>> -> memref<128x64xf32, #tpu.memory_space<vmem>>
      %dma_start3A_84 = arith.constant 0 : i32
      %dma_start3A_85 = tpu.memref_slice %arg9[%dma_start3A_77, %dma_start3A_84] : memref<8x128xi32, #tpu.memory_space<vmem>> -> memref<1x128xi32, #tpu.memory_space<vmem>>
      %dma_start3A_86 = tpu.memref_squeeze %dma_start3A_85 : memref<1x128xi32, #tpu.memory_space<vmem>> -> memref<128xi32, #tpu.memory_space<vmem>>
      %dma_start3A_87 = arith.constant 0 : i32
      %dma_start3A_88 = arith.constant 0 : i32
      %dma_start3A_89 = tpu.memref_slice %arg13[%dma_start3A_87, %dma_start3A_88] : memref<10016x64xf32, #tpu.memory_space<vmem_shared>> -> memref<10016x64xf32, #tpu.memory_space<vmem_shared>>
      %dma_start3A_90 = tpu.memref_slice %arg14[%dma_start3A_79] : memref<4x!tpu.dma_semaphore, #tpu.memory_space<semaphore_mem>> -> memref<1x!tpu.dma_semaphore, #tpu.memory_space<semaphore_mem>>
      %dma_start3A_91 = tpu.memref_squeeze %dma_start3A_90 : memref<1x!tpu.dma_semaphore, #tpu.memory_space<semaphore_mem>> -> memref<!tpu.dma_semaphore, #tpu.memory_space<semaphore_mem>>
      tpu.enqueue_indirect_dma source(%dma_start3A_89 : memref<10016x64xf32, #tpu.memory_space<vmem_shared>>) target(%dma_start3A_83 : memref<128x64xf32, #tpu.memory_space<vmem>>) offsets(%dma_start3A_86 : memref<128xi32, #tpu.memory_space<vmem>>) semaphore(%dma_start3A_91 : memref<!tpu.dma_semaphore, #tpu.memory_space<semaphore_mem>>)
      %dma_start3A_92 = arith.constant 1 : i32
      %dma_start3A_93 = arith.constant 1 : i32
      %dma_start3A_94 = arith.constant 1 : i32
      %dma_start3A_95 = arith.constant 0 : i32
      %dma_start3A_96 = arith.constant 0 : i32
      %dma_start3A_97 = tpu.memref_slice %arg11[%dma_start3A_93, %dma_start3A_95, %dma_start3A_96] : memref<4x128x64xf32, #tpu.memory_space<vmem>> -> memref<1x128x64xf32, #tpu.memory_space<vmem>>
      %dma_start3A_98 = tpu.memref_squeeze %dma_start3A_97 : memref<1x128x64xf32, #tpu.memory_space<vmem>> -> memref<128x64xf32, #tpu.memory_space<vmem>>
      %dma_start3A_99 = arith.constant 0 : i32
      %dma_start3A_100 = tpu.memref_slice %arg9[%dma_start3A_92, %dma_start3A_99] : memref<8x128xi32, #tpu.memory_space<vmem>> -> memref<1x128xi32, #tpu.memory_space<vmem>>
      %dma_start3A_101 = tpu.memref_squeeze %dma_start3A_100 : memref<1x128xi32, #tpu.memory_space<vmem>> -> memref<128xi32, #tpu.memory_space<vmem>>
      %dma_start3A_102 = arith.constant 0 : i32
      %dma_start3A_103 = arith.constant 0 : i32
      %dma_start3A_104 = tpu.memref_slice %arg13[%dma_start3A_102, %dma_start3A_103] : memref<10016x64xf32, #tpu.memory_space<vmem_shared>> -> memref<10016x64xf32, #tpu.memory_space<vmem_shared>>
      %dma_start3A_105 = tpu.memref_slice %arg14[%dma_start3A_94] : memref<4x!tpu.dma_semaphore, #tpu.memory_space<semaphore_mem>> -> memref<1x!tpu.dma_semaphore, #tpu.memory_space<semaphore_mem>>
      %dma_start3A_106 = tpu.memref_squeeze %dma_start3A_105 : memref<1x!tpu.dma_semaphore, #tpu.memory_space<semaphore_mem>> -> memref<!tpu.dma_semaphore, #tpu.memory_space<semaphore_mem>>
      tpu.enqueue_indirect_dma source(%dma_start3A_104 : memref<10016x64xf32, #tpu.memory_space<vmem_shared>>) target(%dma_start3A_98 : memref<128x64xf32, #tpu.memory_space<vmem>>) offsets(%dma_start3A_101 : memref<128xi32, #tpu.memory_space<vmem>>) semaphore(%dma_start3A_106 : memref<!tpu.dma_semaphore, #tpu.memory_space<semaphore_mem>>)
      %dma_start3A_107 = arith.constant 2 : i32
      %dma_start3A_108 = arith.constant 2 : i32
      %dma_start3A_109 = arith.constant 2 : i32
      %dma_start3A_110 = arith.constant 0 : i32
      %dma_start3A_111 = arith.constant 0 : i32
      %dma_start3A_112 = tpu.memref_slice %arg11[%dma_start3A_108, %dma_start3A_110, %dma_start3A_111] : memref<4x128x64xf32, #tpu.memory_space<vmem>> -> memref<1x128x64xf32, #tpu.memory_space<vmem>>
      %dma_start3A_113 = tpu.memref_squeeze %dma_start3A_112 : memref<1x128x64xf32, #tpu.memory_space<vmem>> -> memref<128x64xf32, #tpu.memory_space<vmem>>
      %dma_start3A_114 = arith.constant 0 : i32
      %dma_start3A_115 = tpu.memref_slice %arg9[%dma_start3A_107, %dma_start3A_114] : memref<8x128xi32, #tpu.memory_space<vmem>> -> memref<1x128xi32, #tpu.memory_space<vmem>>
      %dma_start3A_116 = tpu.memref_squeeze %dma_start3A_115 : memref<1x128xi32, #tpu.memory_space<vmem>> -> memref<128xi32, #tpu.memory_space<vmem>>
      %dma_start3A_117 = arith.constant 0 : i32
      %dma_start3A_118 = arith.constant 0 : i32
      %dma_start3A_119 = tpu.memref_slice %arg13[%dma_start3A_117, %dma_start3A_118] : memref<10016x64xf32, #tpu.memory_space<vmem_shared>> -> memref<10016x64xf32, #tpu.memory_space<vmem_shared>>
      %dma_start3A_120 = tpu.memref_slice %arg14[%dma_start3A_109] : memref<4x!tpu.dma_semaphore, #tpu.memory_space<semaphore_mem>> -> memref<1x!tpu.dma_semaphore, #tpu.memory_space<semaphore_mem>>
      %dma_start3A_121 = tpu.memref_squeeze %dma_start3A_120 : memref<1x!tpu.dma_semaphore, #tpu.memory_space<semaphore_mem>> -> memref<!tpu.dma_semaphore, #tpu.memory_space<semaphore_mem>>
      tpu.enqueue_indirect_dma source(%dma_start3A_119 : memref<10016x64xf32, #tpu.memory_space<vmem_shared>>) target(%dma_start3A_113 : memref<128x64xf32, #tpu.memory_space<vmem>>) offsets(%dma_start3A_116 : memref<128xi32, #tpu.memory_space<vmem>>) semaphore(%dma_start3A_121 : memref<!tpu.dma_semaphore, #tpu.memory_space<semaphore_mem>>)
      %dma_start3A_122 = arith.constant 3 : i32
      %dma_start3A_123 = arith.constant 3 : i32
      %dma_start3A_124 = arith.constant 3 : i32
      %dma_start3A_125 = arith.constant 0 : i32
      %dma_start3A_126 = arith.constant 0 : i32
      %dma_start3A_127 = tpu.memref_slice %arg11[%dma_start3A_123, %dma_start3A_125, %dma_start3A_126] : memref<4x128x64xf32, #tpu.memory_space<vmem>> -> memref<1x128x64xf32, #tpu.memory_space<vmem>>
      %dma_start3A_128 = tpu.memref_squeeze %dma_start3A_127 : memref<1x128x64xf32, #tpu.memory_space<vmem>> -> memref<128x64xf32, #tpu.memory_space<vmem>>
      %dma_start3A_129 = arith.constant 0 : i32
      %dma_start3A_130 = tpu.memref_slice %arg9[%dma_start3A_122, %dma_start3A_129] : memref<8x128xi32, #tpu.memory_space<vmem>> -> memref<1x128xi32, #tpu.memory_space<vmem>>
      %dma_start3A_131 = tpu.memref_squeeze %dma_start3A_130 : memref<1x128xi32, #tpu.memory_space<vmem>> -> memref<128xi32, #tpu.memory_space<vmem>>
      %dma_start3A_132 = arith.constant 0 : i32
      %dma_start3A_133 = arith.constant 0 : i32
      %dma_start3A_134 = tpu.memref_slice %arg13[%dma_start3A_132, %dma_start3A_133] : memref<10016x64xf32, #tpu.memory_space<vmem_shared>> -> memref<10016x64xf32, #tpu.memory_space<vmem_shared>>
      %dma_start3A_135 = tpu.memref_slice %arg14[%dma_start3A_124] : memref<4x!tpu.dma_semaphore, #tpu.memory_space<semaphore_mem>> -> memref<1x!tpu.dma_semaphore, #tpu.memory_space<semaphore_mem>>
      %dma_start3A_136 = tpu.memref_squeeze %dma_start3A_135 : memref<1x!tpu.dma_semaphore, #tpu.memory_space<semaphore_mem>> -> memref<!tpu.dma_semaphore, #tpu.memory_space<semaphore_mem>>
      tpu.enqueue_indirect_dma source(%dma_start3A_134 : memref<10016x64xf32, #tpu.memory_space<vmem_shared>>) target(%dma_start3A_128 : memref<128x64xf32, #tpu.memory_space<vmem>>) offsets(%dma_start3A_131 : memref<128xi32, #tpu.memory_space<vmem>>) semaphore(%dma_start3A_136 : memref<!tpu.dma_semaphore, #tpu.memory_space<semaphore_mem>>)
      %dma_start3A_137 = arith.constant 0 : i32
      %dma_start3A_138 = arith.constant 4 : i32
      %dma_start3A_139 = arith.constant 0 : i32
      %dma_start3A_140 = tpu.memref_slice %arg9[%dma_start3A_138, %dma_start3A_139] : memref<8x128xi32, #tpu.memory_space<vmem>> -> memref<4x128xi32, #tpu.memory_space<vmem>>
      %dma_start3A_141 = arith.constant 4 : i32
      %dma_start3A_142 = arith.constant 0 : i32
      %dma_start3A_143 = tpu.memref_slice %arg2[%arg1, %dma_start3A_141, %dma_start3A_142] : memref<16x88x128xi32, #tpu.memory_space<hbm>> -> memref<1x4x128xi32, #tpu.memory_space<hbm>>
      %dma_start3A_144 = tpu.memref_squeeze %dma_start3A_143 : memref<1x4x128xi32, #tpu.memory_space<hbm>> -> memref<4x128xi32, #tpu.memory_space<hbm>>
      %dma_start3A_145 = tpu.memref_slice %arg16[%dma_start3A_137] : memref<2x!tpu.dma_semaphore, #tpu.memory_space<semaphore_mem>> -> memref<1x!tpu.dma_semaphore, #tpu.memory_space<semaphore_mem>>
      %dma_start3A_146 = tpu.memref_squeeze %dma_start3A_145 : memref<1x!tpu.dma_semaphore, #tpu.memory_space<semaphore_mem>> -> memref<!tpu.dma_semaphore, #tpu.memory_space<semaphore_mem>>
      %dma_start3A_147 = arith.constant 4 : i32
      %dma_start3A_148 = arith.constant 0 : i32
      %dma_start3A_149 = tpu.memref_slice %arg9[%dma_start3A_147, %dma_start3A_148] : memref<8x128xi32, #tpu.memory_space<vmem>> -> memref<4x128xi32, #tpu.memory_space<vmem>>
      %dma_start3A_150 = arith.constant 4 : i32
      %dma_start3A_151 = arith.constant 0 : i32
      %dma_start3A_152 = tpu.memref_slice %arg2[%arg1, %dma_start3A_150, %dma_start3A_151] : memref<16x88x128xi32, #tpu.memory_space<hbm>> -> memref<1x4x128xi32, #tpu.memory_space<hbm>>
      %dma_start3A_153 = tpu.memref_squeeze %dma_start3A_152 : memref<1x4x128xi32, #tpu.memory_space<hbm>> -> memref<4x128xi32, #tpu.memory_space<hbm>>
      tpu.enqueue_dma source(%dma_start3A_153 : memref<4x128xi32, #tpu.memory_space<hbm>>) target(%dma_start3A_149 : memref<4x128xi32, #tpu.memory_space<vmem>>) target_semaphore(%dma_start3A_146 : memref<!tpu.dma_semaphore, #tpu.memory_space<semaphore_mem>>)
      %dma_start3A_154 = arith.constant 1 : i32
      %dma_start3A_155 = arith.constant 4 : i32
      %dma_start3A_156 = arith.constant 0 : i32
      %dma_start3A_157 = tpu.memref_slice %arg10[%dma_start3A_155, %dma_start3A_156] : memref<8x128xi32, #tpu.memory_space<vmem>> -> memref<4x128xi32, #tpu.memory_space<vmem>>
      %dma_start3A_158 = arith.constant 4 : i32
      %dma_start3A_159 = arith.constant 0 : i32
      %dma_start3A_160 = tpu.memref_slice %arg3[%arg1, %dma_start3A_158, %dma_start3A_159] : memref<16x88x128xi32, #tpu.memory_space<hbm>> -> memref<1x4x128xi32, #tpu.memory_space<hbm>>
      %dma_start3A_161 = tpu.memref_squeeze %dma_start3A_160 : memref<1x4x128xi32, #tpu.memory_space<hbm>> -> memref<4x128xi32, #tpu.memory_space<hbm>>
      %dma_start3A_162 = tpu.memref_slice %arg16[%dma_start3A_154] : memref<2x!tpu.dma_semaphore, #tpu.memory_space<semaphore_mem>> -> memref<1x!tpu.dma_semaphore, #tpu.memory_space<semaphore_mem>>
      %dma_start3A_163 = tpu.memref_squeeze %dma_start3A_162 : memref<1x!tpu.dma_semaphore, #tpu.memory_space<semaphore_mem>> -> memref<!tpu.dma_semaphore, #tpu.memory_space<semaphore_mem>>
      %dma_start3A_164 = arith.constant 4 : i32
      %dma_start3A_165 = arith.constant 0 : i32
      %dma_start3A_166 = tpu.memref_slice %arg10[%dma_start3A_164, %dma_start3A_165] : memref<8x128xi32, #tpu.memory_space<vmem>> -> memref<4x128xi32, #tpu.memory_space<vmem>>
      %dma_start3A_167 = arith.constant 4 : i32
      %dma_start3A_168 = arith.constant 0 : i32
      %dma_start3A_169 = tpu.memref_slice %arg3[%arg1, %dma_start3A_167, %dma_start3A_168] : memref<16x88x128xi32, #tpu.memory_space<hbm>> -> memref<1x4x128xi32, #tpu.memory_space<hbm>>
      %dma_start3A_170 = tpu.memref_squeeze %dma_start3A_169 : memref<1x4x128xi32, #tpu.memory_space<hbm>> -> memref<4x128xi32, #tpu.memory_space<hbm>>
      tpu.enqueue_dma source(%dma_start3A_170 : memref<4x128xi32, #tpu.memory_space<hbm>>) target(%dma_start3A_166 : memref<4x128xi32, #tpu.memory_space<vmem>>) target_semaphore(%dma_start3A_163 : memref<!tpu.dma_semaphore, #tpu.memory_space<semaphore_mem>>)
      %scan3A = arith.constant 0 : i32
      %scan3A_171 = arith.constant 0 : i32
      %scan3A_172 = arith.constant 22 : i32
      %scan3A_173 = arith.addi %scan3A_171, %scan3A_172 : i32
      %scan3A_174 = arith.constant 1 : i32
      scf.for %scan3A_176 = %scan3A_171 to %scan3A_173 step %scan3A_174  : i32 {
        %rem3A = arith.constant 2 : i32
        %rem3A_177 = arith.remsi %scan3A_176, %rem3A : i32
        %add3A = arith.constant 1 : i32
        %add3A_178 = arith.addi %scan3A_176, %add3A : i32
        %rem3A_179 = arith.constant 2 : i32
        %rem3A_180 = arith.remsi %add3A_178, %rem3A_179 : i32
        %mul3A_181 = arith.constant 4 : i32
        %mul3A_182 = arith.muli %rem3A_177, %mul3A_181 : i32
        %add3A_183 = arith.constant 0 : i32
        %add3A_184 = arith.addi %mul3A_182, %add3A_183 : i32
        %dma_wait3A_185 = arith.constant 0 : i32
        %dma_wait3A_186 = arith.constant 0 : i32
        %dma_wait3A_187 = arith.constant 0 : i32
        %dma_wait3A_188 = arith.constant 0 : i32
        %dma_wait3A_189 = tpu.memref_slice %arg11[%dma_wait3A_185, %dma_wait3A_187, %dma_wait3A_188] : memref<4x128x64xf32, #tpu.memory_space<vmem>> -> memref<1x128x64xf32, #tpu.memory_space<vmem>>
        %dma_wait3A_190 = tpu.memref_squeeze %dma_wait3A_189 : memref<1x128x64xf32, #tpu.memory_space<vmem>> -> memref<128x64xf32, #tpu.memory_space<vmem>>
        %dma_wait3A_191 = arith.constant 0 : i32
        %dma_wait3A_192 = tpu.memref_slice %arg9[%add3A_184, %dma_wait3A_191] : memref<8x128xi32, #tpu.memory_space<vmem>> -> memref<1x128xi32, #tpu.memory_space<vmem>>
        %dma_wait3A_193 = tpu.memref_squeeze %dma_wait3A_192 : memref<1x128xi32, #tpu.memory_space<vmem>> -> memref<128xi32, #tpu.memory_space<vmem>>
        %dma_wait3A_194 = arith.constant 0 : i32
        %dma_wait3A_195 = arith.constant 0 : i32
        %dma_wait3A_196 = tpu.memref_slice %arg13[%dma_wait3A_194, %dma_wait3A_195] : memref<10016x64xf32, #tpu.memory_space<vmem_shared>> -> memref<10016x64xf32, #tpu.memory_space<vmem_shared>>
        %dma_wait3A_197 = tpu.memref_slice %arg14[%dma_wait3A_186] : memref<4x!tpu.dma_semaphore, #tpu.memory_space<semaphore_mem>> -> memref<1x!tpu.dma_semaphore, #tpu.memory_space<semaphore_mem>>
        %dma_wait3A_198 = tpu.memref_squeeze %dma_wait3A_197 : memref<1x!tpu.dma_semaphore, #tpu.memory_space<semaphore_mem>> -> memref<!tpu.dma_semaphore, #tpu.memory_space<semaphore_mem>>
        tpu.wait_indirect_dma semaphore(%dma_wait3A_198 : memref<!tpu.dma_semaphore, #tpu.memory_space<semaphore_mem>>) src(%dma_wait3A_196 : memref<10016x64xf32, #tpu.memory_space<vmem_shared>>) dst(%dma_wait3A_190 : memref<128x64xf32, #tpu.memory_space<vmem>>)
        %mul3A_199 = arith.constant 4 : i32
        %mul3A_200 = arith.muli %rem3A_177, %mul3A_199 : i32
        %add3A_201 = arith.constant 0 : i32
        %add3A_202 = arith.addi %mul3A_200, %add3A_201 : i32
        %dma_start3A_203 = arith.constant 0 : i32
        %dma_start3A_204 = arith.constant 0 : i32
        %dma_start3A_205 = arith.constant 0 : i32
        %dma_start3A_206 = arith.constant 0 : i32
        %dma_start3A_207 = tpu.memref_slice %arg11[%dma_start3A_203, %dma_start3A_205, %dma_start3A_206] : memref<4x128x64xf32, #tpu.memory_space<vmem>> -> memref<1x128x64xf32, #tpu.memory_space<vmem>>
        %dma_start3A_208 = tpu.memref_squeeze %dma_start3A_207 : memref<1x128x64xf32, #tpu.memory_space<vmem>> -> memref<128x64xf32, #tpu.memory_space<vmem>>
        %dma_start3A_209 = arith.constant 0 : i32
        %dma_start3A_210 = tpu.memref_slice %arg10[%add3A_202, %dma_start3A_209] : memref<8x128xi32, #tpu.memory_space<vmem>> -> memref<1x128xi32, #tpu.memory_space<vmem>>
        %dma_start3A_211 = tpu.memref_squeeze %dma_start3A_210 : memref<1x128xi32, #tpu.memory_space<vmem>> -> memref<128xi32, #tpu.memory_space<vmem>>
        %dma_start3A_212 = arith.constant 0 : i32
        %dma_start3A_213 = arith.constant 0 : i32
        %dma_start3A_214 = tpu.memref_slice %arg12[%dma_start3A_212, %dma_start3A_213] : memref<10240x64xf32, #tpu.memory_space<vmem_shared>> -> memref<10240x64xf32, #tpu.memory_space<vmem_shared>>
        %dma_start3A_215 = tpu.memref_slice %arg15[%dma_start3A_204] : memref<4x!tpu.dma_semaphore, #tpu.memory_space<semaphore_mem>> -> memref<1x!tpu.dma_semaphore, #tpu.memory_space<semaphore_mem>>
        %dma_start3A_216 = tpu.memref_squeeze %dma_start3A_215 : memref<1x!tpu.dma_semaphore, #tpu.memory_space<semaphore_mem>> -> memref<!tpu.dma_semaphore, #tpu.memory_space<semaphore_mem>>
        tpu.enqueue_indirect_dma source(%dma_start3A_208 : memref<128x64xf32, #tpu.memory_space<vmem>>) target(%dma_start3A_214 : memref<10240x64xf32, #tpu.memory_space<vmem_shared>>) offsets(%dma_start3A_211 : memref<128xi32, #tpu.memory_space<vmem>>) semaphore(%dma_start3A_216 : memref<!tpu.dma_semaphore, #tpu.memory_space<semaphore_mem>>) {add = true}
        %mul3A_217 = arith.constant 4 : i32
        %mul3A_218 = arith.muli %rem3A_177, %mul3A_217 : i32
        %add3A_219 = arith.constant 1 : i32
        %add3A_220 = arith.addi %mul3A_218, %add3A_219 : i32
        %dma_wait3A_221 = arith.constant 1 : i32
        %dma_wait3A_222 = arith.constant 1 : i32
        %dma_wait3A_223 = arith.constant 0 : i32
        %dma_wait3A_224 = arith.constant 0 : i32
        %dma_wait3A_225 = tpu.memref_slice %arg11[%dma_wait3A_221, %dma_wait3A_223, %dma_wait3A_224] : memref<4x128x64xf32, #tpu.memory_space<vmem>> -> memref<1x128x64xf32, #tpu.memory_space<vmem>>
        %dma_wait3A_226 = tpu.memref_squeeze %dma_wait3A_225 : memref<1x128x64xf32, #tpu.memory_space<vmem>> -> memref<128x64xf32, #tpu.memory_space<vmem>>
        %dma_wait3A_227 = arith.constant 0 : i32
        %dma_wait3A_228 = tpu.memref_slice %arg9[%add3A_220, %dma_wait3A_227] : memref<8x128xi32, #tpu.memory_space<vmem>> -> memref<1x128xi32, #tpu.memory_space<vmem>>
        %dma_wait3A_229 = tpu.memref_squeeze %dma_wait3A_228 : memref<1x128xi32, #tpu.memory_space<vmem>> -> memref<128xi32, #tpu.memory_space<vmem>>
        %dma_wait3A_230 = arith.constant 0 : i32
        %dma_wait3A_231 = arith.constant 0 : i32
        %dma_wait3A_232 = tpu.memref_slice %arg13[%dma_wait3A_230, %dma_wait3A_231] : memref<10016x64xf32, #tpu.memory_space<vmem_shared>> -> memref<10016x64xf32, #tpu.memory_space<vmem_shared>>
        %dma_wait3A_233 = tpu.memref_slice %arg14[%dma_wait3A_222] : memref<4x!tpu.dma_semaphore, #tpu.memory_space<semaphore_mem>> -> memref<1x!tpu.dma_semaphore, #tpu.memory_space<semaphore_mem>>
        %dma_wait3A_234 = tpu.memref_squeeze %dma_wait3A_233 : memref<1x!tpu.dma_semaphore, #tpu.memory_space<semaphore_mem>> -> memref<!tpu.dma_semaphore, #tpu.memory_space<semaphore_mem>>
        tpu.wait_indirect_dma semaphore(%dma_wait3A_234 : memref<!tpu.dma_semaphore, #tpu.memory_space<semaphore_mem>>) src(%dma_wait3A_232 : memref<10016x64xf32, #tpu.memory_space<vmem_shared>>) dst(%dma_wait3A_226 : memref<128x64xf32, #tpu.memory_space<vmem>>)
        %mul3A_235 = arith.constant 4 : i32
        %mul3A_236 = arith.muli %rem3A_177, %mul3A_235 : i32
        %add3A_237 = arith.constant 1 : i32
        %add3A_238 = arith.addi %mul3A_236, %add3A_237 : i32
        %dma_start3A_239 = arith.constant 1 : i32
        %dma_start3A_240 = arith.constant 1 : i32
        %dma_start3A_241 = arith.constant 0 : i32
        %dma_start3A_242 = arith.constant 0 : i32
        %dma_start3A_243 = tpu.memref_slice %arg11[%dma_start3A_239, %dma_start3A_241, %dma_start3A_242] : memref<4x128x64xf32, #tpu.memory_space<vmem>> -> memref<1x128x64xf32, #tpu.memory_space<vmem>>
        %dma_start3A_244 = tpu.memref_squeeze %dma_start3A_243 : memref<1x128x64xf32, #tpu.memory_space<vmem>> -> memref<128x64xf32, #tpu.memory_space<vmem>>
        %dma_start3A_245 = arith.constant 0 : i32
        %dma_start3A_246 = tpu.memref_slice %arg10[%add3A_238, %dma_start3A_245] : memref<8x128xi32, #tpu.memory_space<vmem>> -> memref<1x128xi32, #tpu.memory_space<vmem>>
        %dma_start3A_247 = tpu.memref_squeeze %dma_start3A_246 : memref<1x128xi32, #tpu.memory_space<vmem>> -> memref<128xi32, #tpu.memory_space<vmem>>
        %dma_start3A_248 = arith.constant 0 : i32
        %dma_start3A_249 = arith.constant 0 : i32
        %dma_start3A_250 = tpu.memref_slice %arg12[%dma_start3A_248, %dma_start3A_249] : memref<10240x64xf32, #tpu.memory_space<vmem_shared>> -> memref<10240x64xf32, #tpu.memory_space<vmem_shared>>
        %dma_start3A_251 = tpu.memref_slice %arg15[%dma_start3A_240] : memref<4x!tpu.dma_semaphore, #tpu.memory_space<semaphore_mem>> -> memref<1x!tpu.dma_semaphore, #tpu.memory_space<semaphore_mem>>
        %dma_start3A_252 = tpu.memref_squeeze %dma_start3A_251 : memref<1x!tpu.dma_semaphore, #tpu.memory_space<semaphore_mem>> -> memref<!tpu.dma_semaphore, #tpu.memory_space<semaphore_mem>>
        tpu.enqueue_indirect_dma source(%dma_start3A_244 : memref<128x64xf32, #tpu.memory_space<vmem>>) target(%dma_start3A_250 : memref<10240x64xf32, #tpu.memory_space<vmem_shared>>) offsets(%dma_start3A_247 : memref<128xi32, #tpu.memory_space<vmem>>) semaphore(%dma_start3A_252 : memref<!tpu.dma_semaphore, #tpu.memory_space<semaphore_mem>>) {add = true}
        %mul3A_253 = arith.constant 4 : i32
        %mul3A_254 = arith.muli %rem3A_177, %mul3A_253 : i32
        %add3A_255 = arith.constant 2 : i32
        %add3A_256 = arith.addi %mul3A_254, %add3A_255 : i32
        %dma_wait3A_257 = arith.constant 2 : i32
        %dma_wait3A_258 = arith.constant 2 : i32
        %dma_wait3A_259 = arith.constant 0 : i32
        %dma_wait3A_260 = arith.constant 0 : i32
        %dma_wait3A_261 = tpu.memref_slice %arg11[%dma_wait3A_257, %dma_wait3A_259, %dma_wait3A_260] : memref<4x128x64xf32, #tpu.memory_space<vmem>> -> memref<1x128x64xf32, #tpu.memory_space<vmem>>
        %dma_wait3A_262 = tpu.memref_squeeze %dma_wait3A_261 : memref<1x128x64xf32, #tpu.memory_space<vmem>> -> memref<128x64xf32, #tpu.memory_space<vmem>>
        %dma_wait3A_263 = arith.constant 0 : i32
        %dma_wait3A_264 = tpu.memref_slice %arg9[%add3A_256, %dma_wait3A_263] : memref<8x128xi32, #tpu.memory_space<vmem>> -> memref<1x128xi32, #tpu.memory_space<vmem>>
        %dma_wait3A_265 = tpu.memref_squeeze %dma_wait3A_264 : memref<1x128xi32, #tpu.memory_space<vmem>> -> memref<128xi32, #tpu.memory_space<vmem>>
        %dma_wait3A_266 = arith.constant 0 : i32
        %dma_wait3A_267 = arith.constant 0 : i32
        %dma_wait3A_268 = tpu.memref_slice %arg13[%dma_wait3A_266, %dma_wait3A_267] : memref<10016x64xf32, #tpu.memory_space<vmem_shared>> -> memref<10016x64xf32, #tpu.memory_space<vmem_shared>>
        %dma_wait3A_269 = tpu.memref_slice %arg14[%dma_wait3A_258] : memref<4x!tpu.dma_semaphore, #tpu.memory_space<semaphore_mem>> -> memref<1x!tpu.dma_semaphore, #tpu.memory_space<semaphore_mem>>
        %dma_wait3A_270 = tpu.memref_squeeze %dma_wait3A_269 : memref<1x!tpu.dma_semaphore, #tpu.memory_space<semaphore_mem>> -> memref<!tpu.dma_semaphore, #tpu.memory_space<semaphore_mem>>
        tpu.wait_indirect_dma semaphore(%dma_wait3A_270 : memref<!tpu.dma_semaphore, #tpu.memory_space<semaphore_mem>>) src(%dma_wait3A_268 : memref<10016x64xf32, #tpu.memory_space<vmem_shared>>) dst(%dma_wait3A_262 : memref<128x64xf32, #tpu.memory_space<vmem>>)
        %mul3A_271 = arith.constant 4 : i32
        %mul3A_272 = arith.muli %rem3A_177, %mul3A_271 : i32
        %add3A_273 = arith.constant 2 : i32
        %add3A_274 = arith.addi %mul3A_272, %add3A_273 : i32
        %dma_start3A_275 = arith.constant 2 : i32
        %dma_start3A_276 = arith.constant 2 : i32
        %dma_start3A_277 = arith.constant 0 : i32
        %dma_start3A_278 = arith.constant 0 : i32
        %dma_start3A_279 = tpu.memref_slice %arg11[%dma_start3A_275, %dma_start3A_277, %dma_start3A_278] : memref<4x128x64xf32, #tpu.memory_space<vmem>> -> memref<1x128x64xf32, #tpu.memory_space<vmem>>
        %dma_start3A_280 = tpu.memref_squeeze %dma_start3A_279 : memref<1x128x64xf32, #tpu.memory_space<vmem>> -> memref<128x64xf32, #tpu.memory_space<vmem>>
        %dma_start3A_281 = arith.constant 0 : i32
        %dma_start3A_282 = tpu.memref_slice %arg10[%add3A_274, %dma_start3A_281] : memref<8x128xi32, #tpu.memory_space<vmem>> -> memref<1x128xi32, #tpu.memory_space<vmem>>
        %dma_start3A_283 = tpu.memref_squeeze %dma_start3A_282 : memref<1x128xi32, #tpu.memory_space<vmem>> -> memref<128xi32, #tpu.memory_space<vmem>>
        %dma_start3A_284 = arith.constant 0 : i32
        %dma_start3A_285 = arith.constant 0 : i32
        %dma_start3A_286 = tpu.memref_slice %arg12[%dma_start3A_284, %dma_start3A_285] : memref<10240x64xf32, #tpu.memory_space<vmem_shared>> -> memref<10240x64xf32, #tpu.memory_space<vmem_shared>>
        %dma_start3A_287 = tpu.memref_slice %arg15[%dma_start3A_276] : memref<4x!tpu.dma_semaphore, #tpu.memory_space<semaphore_mem>> -> memref<1x!tpu.dma_semaphore, #tpu.memory_space<semaphore_mem>>
        %dma_start3A_288 = tpu.memref_squeeze %dma_start3A_287 : memref<1x!tpu.dma_semaphore, #tpu.memory_space<semaphore_mem>> -> memref<!tpu.dma_semaphore, #tpu.memory_space<semaphore_mem>>
        tpu.enqueue_indirect_dma source(%dma_start3A_280 : memref<128x64xf32, #tpu.memory_space<vmem>>) target(%dma_start3A_286 : memref<10240x64xf32, #tpu.memory_space<vmem_shared>>) offsets(%dma_start3A_283 : memref<128xi32, #tpu.memory_space<vmem>>) semaphore(%dma_start3A_288 : memref<!tpu.dma_semaphore, #tpu.memory_space<semaphore_mem>>) {add = true}
        %mul3A_289 = arith.constant 4 : i32
        %mul3A_290 = arith.muli %rem3A_177, %mul3A_289 : i32
        %add3A_291 = arith.constant 3 : i32
        %add3A_292 = arith.addi %mul3A_290, %add3A_291 : i32
        %dma_wait3A_293 = arith.constant 3 : i32
        %dma_wait3A_294 = arith.constant 3 : i32
        %dma_wait3A_295 = arith.constant 0 : i32
        %dma_wait3A_296 = arith.constant 0 : i32
        %dma_wait3A_297 = tpu.memref_slice %arg11[%dma_wait3A_293, %dma_wait3A_295, %dma_wait3A_296] : memref<4x128x64xf32, #tpu.memory_space<vmem>> -> memref<1x128x64xf32, #tpu.memory_space<vmem>>
        %dma_wait3A_298 = tpu.memref_squeeze %dma_wait3A_297 : memref<1x128x64xf32, #tpu.memory_space<vmem>> -> memref<128x64xf32, #tpu.memory_space<vmem>>
        %dma_wait3A_299 = arith.constant 0 : i32
        %dma_wait3A_300 = tpu.memref_slice %arg9[%add3A_292, %dma_wait3A_299] : memref<8x128xi32, #tpu.memory_space<vmem>> -> memref<1x128xi32, #tpu.memory_space<vmem>>
        %dma_wait3A_301 = tpu.memref_squeeze %dma_wait3A_300 : memref<1x128xi32, #tpu.memory_space<vmem>> -> memref<128xi32, #tpu.memory_space<vmem>>
        %dma_wait3A_302 = arith.constant 0 : i32
        %dma_wait3A_303 = arith.constant 0 : i32
        %dma_wait3A_304 = tpu.memref_slice %arg13[%dma_wait3A_302, %dma_wait3A_303] : memref<10016x64xf32, #tpu.memory_space<vmem_shared>> -> memref<10016x64xf32, #tpu.memory_space<vmem_shared>>
        %dma_wait3A_305 = tpu.memref_slice %arg14[%dma_wait3A_294] : memref<4x!tpu.dma_semaphore, #tpu.memory_space<semaphore_mem>> -> memref<1x!tpu.dma_semaphore, #tpu.memory_space<semaphore_mem>>
        %dma_wait3A_306 = tpu.memref_squeeze %dma_wait3A_305 : memref<1x!tpu.dma_semaphore, #tpu.memory_space<semaphore_mem>> -> memref<!tpu.dma_semaphore, #tpu.memory_space<semaphore_mem>>
        tpu.wait_indirect_dma semaphore(%dma_wait3A_306 : memref<!tpu.dma_semaphore, #tpu.memory_space<semaphore_mem>>) src(%dma_wait3A_304 : memref<10016x64xf32, #tpu.memory_space<vmem_shared>>) dst(%dma_wait3A_298 : memref<128x64xf32, #tpu.memory_space<vmem>>)
        %mul3A_307 = arith.constant 4 : i32
        %mul3A_308 = arith.muli %rem3A_177, %mul3A_307 : i32
        %add3A_309 = arith.constant 3 : i32
        %add3A_310 = arith.addi %mul3A_308, %add3A_309 : i32
        %dma_start3A_311 = arith.constant 3 : i32
        %dma_start3A_312 = arith.constant 3 : i32
        %dma_start3A_313 = arith.constant 0 : i32
        %dma_start3A_314 = arith.constant 0 : i32
        %dma_start3A_315 = tpu.memref_slice %arg11[%dma_start3A_311, %dma_start3A_313, %dma_start3A_314] : memref<4x128x64xf32, #tpu.memory_space<vmem>> -> memref<1x128x64xf32, #tpu.memory_space<vmem>>
        %dma_start3A_316 = tpu.memref_squeeze %dma_start3A_315 : memref<1x128x64xf32, #tpu.memory_space<vmem>> -> memref<128x64xf32, #tpu.memory_space<vmem>>
        %dma_start3A_317 = arith.constant 0 : i32
        %dma_start3A_318 = tpu.memref_slice %arg10[%add3A_310, %dma_start3A_317] : memref<8x128xi32, #tpu.memory_space<vmem>> -> memref<1x128xi32, #tpu.memory_space<vmem>>
        %dma_start3A_319 = tpu.memref_squeeze %dma_start3A_318 : memref<1x128xi32, #tpu.memory_space<vmem>> -> memref<128xi32, #tpu.memory_space<vmem>>
        %dma_start3A_320 = arith.constant 0 : i32
        %dma_start3A_321 = arith.constant 0 : i32
        %dma_start3A_322 = tpu.memref_slice %arg12[%dma_start3A_320, %dma_start3A_321] : memref<10240x64xf32, #tpu.memory_space<vmem_shared>> -> memref<10240x64xf32, #tpu.memory_space<vmem_shared>>
        %dma_start3A_323 = tpu.memref_slice %arg15[%dma_start3A_312] : memref<4x!tpu.dma_semaphore, #tpu.memory_space<semaphore_mem>> -> memref<1x!tpu.dma_semaphore, #tpu.memory_space<semaphore_mem>>
        %dma_start3A_324 = tpu.memref_squeeze %dma_start3A_323 : memref<1x!tpu.dma_semaphore, #tpu.memory_space<semaphore_mem>> -> memref<!tpu.dma_semaphore, #tpu.memory_space<semaphore_mem>>
        tpu.enqueue_indirect_dma source(%dma_start3A_316 : memref<128x64xf32, #tpu.memory_space<vmem>>) target(%dma_start3A_322 : memref<10240x64xf32, #tpu.memory_space<vmem_shared>>) offsets(%dma_start3A_319 : memref<128xi32, #tpu.memory_space<vmem>>) semaphore(%dma_start3A_324 : memref<!tpu.dma_semaphore, #tpu.memory_space<semaphore_mem>>) {add = true}
        %dma_wait3A_325 = arith.constant 0 : i32
        %dma_wait3A_326 = arith.constant 0 : i32
        %dma_wait3A_327 = arith.constant 0 : i32
        %dma_wait3A_328 = arith.constant 0 : i32
        %dma_wait3A_329 = tpu.memref_slice %arg11[%dma_wait3A_325, %dma_wait3A_327, %dma_wait3A_328] : memref<4x128x64xf32, #tpu.memory_space<vmem>> -> memref<1x128x64xf32, #tpu.memory_space<vmem>>
        %dma_wait3A_330 = tpu.memref_squeeze %dma_wait3A_329 : memref<1x128x64xf32, #tpu.memory_space<vmem>> -> memref<128x64xf32, #tpu.memory_space<vmem>>
        %dma_wait3A_331 = arith.constant 0 : i32
        %dma_wait3A_332 = tpu.memref_slice %arg10[%add3A_202, %dma_wait3A_331] : memref<8x128xi32, #tpu.memory_space<vmem>> -> memref<1x128xi32, #tpu.memory_space<vmem>>
        %dma_wait3A_333 = tpu.memref_squeeze %dma_wait3A_332 : memref<1x128xi32, #tpu.memory_space<vmem>> -> memref<128xi32, #tpu.memory_space<vmem>>
        %dma_wait3A_334 = arith.constant 0 : i32
        %dma_wait3A_335 = arith.constant 0 : i32
        %dma_wait3A_336 = tpu.memref_slice %arg12[%dma_wait3A_334, %dma_wait3A_335] : memref<10240x64xf32, #tpu.memory_space<vmem_shared>> -> memref<10240x64xf32, #tpu.memory_space<vmem_shared>>
        %dma_wait3A_337 = tpu.memref_slice %arg15[%dma_wait3A_326] : memref<4x!tpu.dma_semaphore, #tpu.memory_space<semaphore_mem>> -> memref<1x!tpu.dma_semaphore, #tpu.memory_space<semaphore_mem>>
        %dma_wait3A_338 = tpu.memref_squeeze %dma_wait3A_337 : memref<1x!tpu.dma_semaphore, #tpu.memory_space<semaphore_mem>> -> memref<!tpu.dma_semaphore, #tpu.memory_space<semaphore_mem>>
        tpu.wait_indirect_dma semaphore(%dma_wait3A_338 : memref<!tpu.dma_semaphore, #tpu.memory_space<semaphore_mem>>) src(%dma_wait3A_330 : memref<128x64xf32, #tpu.memory_space<vmem>>) dst(%dma_wait3A_336 : memref<10240x64xf32, #tpu.memory_space<vmem_shared>>)
        %dma_wait3A_339 = arith.constant 1 : i32
        %dma_wait3A_340 = arith.constant 1 : i32
        %dma_wait3A_341 = arith.constant 0 : i32
        %dma_wait3A_342 = arith.constant 0 : i32
        %dma_wait3A_343 = tpu.memref_slice %arg11[%dma_wait3A_339, %dma_wait3A_341, %dma_wait3A_342] : memref<4x128x64xf32, #tpu.memory_space<vmem>> -> memref<1x128x64xf32, #tpu.memory_space<vmem>>
        %dma_wait3A_344 = tpu.memref_squeeze %dma_wait3A_343 : memref<1x128x64xf32, #tpu.memory_space<vmem>> -> memref<128x64xf32, #tpu.memory_space<vmem>>
        %dma_wait3A_345 = arith.constant 0 : i32
        %dma_wait3A_346 = tpu.memref_slice %arg10[%add3A_238, %dma_wait3A_345] : memref<8x128xi32, #tpu.memory_space<vmem>> -> memref<1x128xi32, #tpu.memory_space<vmem>>
        %dma_wait3A_347 = tpu.memref_squeeze %dma_wait3A_346 : memref<1x128xi32, #tpu.memory_space<vmem>> -> memref<128xi32, #tpu.memory_space<vmem>>
        %dma_wait3A_348 = arith.constant 0 : i32
        %dma_wait3A_349 = arith.constant 0 : i32
        %dma_wait3A_350 = tpu.memref_slice %arg12[%dma_wait3A_348, %dma_wait3A_349] : memref<10240x64xf32, #tpu.memory_space<vmem_shared>> -> memref<10240x64xf32, #tpu.memory_space<vmem_shared>>
        %dma_wait3A_351 = tpu.memref_slice %arg15[%dma_wait3A_340] : memref<4x!tpu.dma_semaphore, #tpu.memory_space<semaphore_mem>> -> memref<1x!tpu.dma_semaphore, #tpu.memory_space<semaphore_mem>>
        %dma_wait3A_352 = tpu.memref_squeeze %dma_wait3A_351 : memref<1x!tpu.dma_semaphore, #tpu.memory_space<semaphore_mem>> -> memref<!tpu.dma_semaphore, #tpu.memory_space<semaphore_mem>>
        tpu.wait_indirect_dma semaphore(%dma_wait3A_352 : memref<!tpu.dma_semaphore, #tpu.memory_space<semaphore_mem>>) src(%dma_wait3A_344 : memref<128x64xf32, #tpu.memory_space<vmem>>) dst(%dma_wait3A_350 : memref<10240x64xf32, #tpu.memory_space<vmem_shared>>)
        %dma_wait3A_353 = arith.constant 2 : i32
        %dma_wait3A_354 = arith.constant 2 : i32
        %dma_wait3A_355 = arith.constant 0 : i32
        %dma_wait3A_356 = arith.constant 0 : i32
        %dma_wait3A_357 = tpu.memref_slice %arg11[%dma_wait3A_353, %dma_wait3A_355, %dma_wait3A_356] : memref<4x128x64xf32, #tpu.memory_space<vmem>> -> memref<1x128x64xf32, #tpu.memory_space<vmem>>
        %dma_wait3A_358 = tpu.memref_squeeze %dma_wait3A_357 : memref<1x128x64xf32, #tpu.memory_space<vmem>> -> memref<128x64xf32, #tpu.memory_space<vmem>>
        %dma_wait3A_359 = arith.constant 0 : i32
        %dma_wait3A_360 = tpu.memref_slice %arg10[%add3A_274, %dma_wait3A_359] : memref<8x128xi32, #tpu.memory_space<vmem>> -> memref<1x128xi32, #tpu.memory_space<vmem>>
        %dma_wait3A_361 = tpu.memref_squeeze %dma_wait3A_360 : memref<1x128xi32, #tpu.memory_space<vmem>> -> memref<128xi32, #tpu.memory_space<vmem>>
        %dma_wait3A_362 = arith.constant 0 : i32
        %dma_wait3A_363 = arith.constant 0 : i32
        %dma_wait3A_364 = tpu.memref_slice %arg12[%dma_wait3A_362, %dma_wait3A_363] : memref<10240x64xf32, #tpu.memory_space<vmem_shared>> -> memref<10240x64xf32, #tpu.memory_space<vmem_shared>>
        %dma_wait3A_365 = tpu.memref_slice %arg15[%dma_wait3A_354] : memref<4x!tpu.dma_semaphore, #tpu.memory_space<semaphore_mem>> -> memref<1x!tpu.dma_semaphore, #tpu.memory_space<semaphore_mem>>
        %dma_wait3A_366 = tpu.memref_squeeze %dma_wait3A_365 : memref<1x!tpu.dma_semaphore, #tpu.memory_space<semaphore_mem>> -> memref<!tpu.dma_semaphore, #tpu.memory_space<semaphore_mem>>
        tpu.wait_indirect_dma semaphore(%dma_wait3A_366 : memref<!tpu.dma_semaphore, #tpu.memory_space<semaphore_mem>>) src(%dma_wait3A_358 : memref<128x64xf32, #tpu.memory_space<vmem>>) dst(%dma_wait3A_364 : memref<10240x64xf32, #tpu.memory_space<vmem_shared>>)
        %dma_wait3A_367 = arith.constant 3 : i32
        %dma_wait3A_368 = arith.constant 3 : i32
        %dma_wait3A_369 = arith.constant 0 : i32
        %dma_wait3A_370 = arith.constant 0 : i32
        %dma_wait3A_371 = tpu.memref_slice %arg11[%dma_wait3A_367, %dma_wait3A_369, %dma_wait3A_370] : memref<4x128x64xf32, #tpu.memory_space<vmem>> -> memref<1x128x64xf32, #tpu.memory_space<vmem>>
        %dma_wait3A_372 = tpu.memref_squeeze %dma_wait3A_371 : memref<1x128x64xf32, #tpu.memory_space<vmem>> -> memref<128x64xf32, #tpu.memory_space<vmem>>
        %dma_wait3A_373 = arith.constant 0 : i32
        %dma_wait3A_374 = tpu.memref_slice %arg10[%add3A_310, %dma_wait3A_373] : memref<8x128xi32, #tpu.memory_space<vmem>> -> memref<1x128xi32, #tpu.memory_space<vmem>>
        %dma_wait3A_375 = tpu.memref_squeeze %dma_wait3A_374 : memref<1x128xi32, #tpu.memory_space<vmem>> -> memref<128xi32, #tpu.memory_space<vmem>>
        %dma_wait3A_376 = arith.constant 0 : i32
        %dma_wait3A_377 = arith.constant 0 : i32
        %dma_wait3A_378 = tpu.memref_slice %arg12[%dma_wait3A_376, %dma_wait3A_377] : memref<10240x64xf32, #tpu.memory_space<vmem_shared>> -> memref<10240x64xf32, #tpu.memory_space<vmem_shared>>
        %dma_wait3A_379 = tpu.memref_slice %arg15[%dma_wait3A_368] : memref<4x!tpu.dma_semaphore, #tpu.memory_space<semaphore_mem>> -> memref<1x!tpu.dma_semaphore, #tpu.memory_space<semaphore_mem>>
        %dma_wait3A_380 = tpu.memref_squeeze %dma_wait3A_379 : memref<1x!tpu.dma_semaphore, #tpu.memory_space<semaphore_mem>> -> memref<!tpu.dma_semaphore, #tpu.memory_space<semaphore_mem>>
        tpu.wait_indirect_dma semaphore(%dma_wait3A_380 : memref<!tpu.dma_semaphore, #tpu.memory_space<semaphore_mem>>) src(%dma_wait3A_372 : memref<128x64xf32, #tpu.memory_space<vmem>>) dst(%dma_wait3A_378 : memref<10240x64xf32, #tpu.memory_space<vmem_shared>>)
        %lt3A = arith.constant 21 : i32
        %lt3A_381 = arith.cmpi slt, %scan3A_176, %lt3A : i32
        %convert_element_type3A_382 = arith.extui %lt3A_381 : i1 to i32
        %cond3A_383 = arith.constant 0 : i32
        %cond3A_384 = arith.cmpi ne, %convert_element_type3A_382, %cond3A_383 : i32
        scf.if %cond3A_384 {
          %add3A_385 = arith.constant 1 : i32
          %add3A_386 = arith.addi %scan3A_176, %add3A_385 : i32
          %mul3A_387 = arith.constant 4 : i32
          %mul3A_388 = arith.muli %add3A_386, %mul3A_387 : i32
          %mul3A_389 = arith.constant 4 : i32
          %mul3A_390 = arith.muli %rem3A_180, %mul3A_389 : i32
          %mul3A_391 = arith.constant 4 : i32
          %mul3A_392 = arith.muli %add3A_386, %mul3A_391 : i32
          %mul3A_393 = arith.constant 4 : i32
          %mul3A_394 = arith.muli %rem3A_180, %mul3A_393 : i32
          %dma_wait3A_395 = arith.constant 0 : i32
          %dma_wait3A_396 = arith.constant 0 : i32
          %dma_wait3A_397 = tpu.memref_slice %arg9[%mul3A_390, %dma_wait3A_396] : memref<8x128xi32, #tpu.memory_space<vmem>> -> memref<4x128xi32, #tpu.memory_space<vmem>>
          %dma_wait3A_398 = arith.constant 0 : i32
          %dma_wait3A_399 = tpu.memref_slice %arg2[%arg1, %mul3A_388, %dma_wait3A_398] : memref<16x88x128xi32, #tpu.memory_space<hbm>> -> memref<1x4x128xi32, #tpu.memory_space<hbm>>
          %dma_wait3A_400 = tpu.memref_squeeze %dma_wait3A_399 : memref<1x4x128xi32, #tpu.memory_space<hbm>> -> memref<4x128xi32, #tpu.memory_space<hbm>>
          %dma_wait3A_401 = tpu.memref_slice %arg16[%dma_wait3A_395] : memref<2x!tpu.dma_semaphore, #tpu.memory_space<semaphore_mem>> -> memref<1x!tpu.dma_semaphore, #tpu.memory_space<semaphore_mem>>
          %dma_wait3A_402 = tpu.memref_squeeze %dma_wait3A_401 : memref<1x!tpu.dma_semaphore, #tpu.memory_space<semaphore_mem>> -> memref<!tpu.dma_semaphore, #tpu.memory_space<semaphore_mem>>
          %dma_wait3A_403 = arith.constant 0 : i32
          %dma_wait3A_404 = tpu.memref_slice %arg9[%mul3A_390, %dma_wait3A_403] : memref<8x128xi32, #tpu.memory_space<vmem>> -> memref<4x128xi32, #tpu.memory_space<vmem>>
          %dma_wait3A_405 = arith.constant 0 : i32
          %dma_wait3A_406 = tpu.memref_slice %arg2[%arg1, %mul3A_388, %dma_wait3A_405] : memref<16x88x128xi32, #tpu.memory_space<hbm>> -> memref<1x4x128xi32, #tpu.memory_space<hbm>>
          %dma_wait3A_407 = tpu.memref_squeeze %dma_wait3A_406 : memref<1x4x128xi32, #tpu.memory_space<hbm>> -> memref<4x128xi32, #tpu.memory_space<hbm>>
          tpu.wait_dma2 semaphore(%dma_wait3A_402 : memref<!tpu.dma_semaphore, #tpu.memory_space<semaphore_mem>>) src(%dma_wait3A_407 : memref<4x128xi32, #tpu.memory_space<hbm>>) dst(%dma_wait3A_404 : memref<4x128xi32, #tpu.memory_space<vmem>>)
          %dma_wait3A_408 = arith.constant 1 : i32
          %dma_wait3A_409 = arith.constant 0 : i32
          %dma_wait3A_410 = tpu.memref_slice %arg10[%mul3A_394, %dma_wait3A_409] : memref<8x128xi32, #tpu.memory_space<vmem>> -> memref<4x128xi32, #tpu.memory_space<vmem>>
          %dma_wait3A_411 = arith.constant 0 : i32
          %dma_wait3A_412 = tpu.memref_slice %arg3[%arg1, %mul3A_392, %dma_wait3A_411] : memref<16x88x128xi32, #tpu.memory_space<hbm>> -> memref<1x4x128xi32, #tpu.memory_space<hbm>>
          %dma_wait3A_413 = tpu.memref_squeeze %dma_wait3A_412 : memref<1x4x128xi32, #tpu.memory_space<hbm>> -> memref<4x128xi32, #tpu.memory_space<hbm>>
          %dma_wait3A_414 = tpu.memref_slice %arg16[%dma_wait3A_408] : memref<2x!tpu.dma_semaphore, #tpu.memory_space<semaphore_mem>> -> memref<1x!tpu.dma_semaphore, #tpu.memory_space<semaphore_mem>>
          %dma_wait3A_415 = tpu.memref_squeeze %dma_wait3A_414 : memref<1x!tpu.dma_semaphore, #tpu.memory_space<semaphore_mem>> -> memref<!tpu.dma_semaphore, #tpu.memory_space<semaphore_mem>>
          %dma_wait3A_416 = arith.constant 0 : i32
          %dma_wait3A_417 = tpu.memref_slice %arg10[%mul3A_394, %dma_wait3A_416] : memref<8x128xi32, #tpu.memory_space<vmem>> -> memref<4x128xi32, #tpu.memory_space<vmem>>
          %dma_wait3A_418 = arith.constant 0 : i32
          %dma_wait3A_419 = tpu.memref_slice %arg3[%arg1, %mul3A_392, %dma_wait3A_418] : memref<16x88x128xi32, #tpu.memory_space<hbm>> -> memref<1x4x128xi32, #tpu.memory_space<hbm>>
          %dma_wait3A_420 = tpu.memref_squeeze %dma_wait3A_419 : memref<1x4x128xi32, #tpu.memory_space<hbm>> -> memref<4x128xi32, #tpu.memory_space<hbm>>
          tpu.wait_dma2 semaphore(%dma_wait3A_415 : memref<!tpu.dma_semaphore, #tpu.memory_space<semaphore_mem>>) src(%dma_wait3A_420 : memref<4x128xi32, #tpu.memory_space<hbm>>) dst(%dma_wait3A_417 : memref<4x128xi32, #tpu.memory_space<vmem>>)
          %mul3A_421 = arith.constant 4 : i32
          %mul3A_422 = arith.muli %rem3A_180, %mul3A_421 : i32
          %add3A_423 = arith.constant 0 : i32
          %add3A_424 = arith.addi %mul3A_422, %add3A_423 : i32
          %dma_start3A_425 = arith.constant 0 : i32
          %dma_start3A_426 = arith.constant 0 : i32
          %dma_start3A_427 = arith.constant 0 : i32
          %dma_start3A_428 = arith.constant 0 : i32
          %dma_start3A_429 = tpu.memref_slice %arg11[%dma_start3A_425, %dma_start3A_427, %dma_start3A_428] : memref<4x128x64xf32, #tpu.memory_space<vmem>> -> memref<1x128x64xf32, #tpu.memory_space<vmem>>
          %dma_start3A_430 = tpu.memref_squeeze %dma_start3A_429 : memref<1x128x64xf32, #tpu.memory_space<vmem>> -> memref<128x64xf32, #tpu.memory_space<vmem>>
          %dma_start3A_431 = arith.constant 0 : i32
          %dma_start3A_432 = tpu.memref_slice %arg9[%add3A_424, %dma_start3A_431] : memref<8x128xi32, #tpu.memory_space<vmem>> -> memref<1x128xi32, #tpu.memory_space<vmem>>
          %dma_start3A_433 = tpu.memref_squeeze %dma_start3A_432 : memref<1x128xi32, #tpu.memory_space<vmem>> -> memref<128xi32, #tpu.memory_space<vmem>>
          %dma_start3A_434 = arith.constant 0 : i32
          %dma_start3A_435 = arith.constant 0 : i32
          %dma_start3A_436 = tpu.memref_slice %arg13[%dma_start3A_434, %dma_start3A_435] : memref<10016x64xf32, #tpu.memory_space<vmem_shared>> -> memref<10016x64xf32, #tpu.memory_space<vmem_shared>>
          %dma_start3A_437 = tpu.memref_slice %arg14[%dma_start3A_426] : memref<4x!tpu.dma_semaphore, #tpu.memory_space<semaphore_mem>> -> memref<1x!tpu.dma_semaphore, #tpu.memory_space<semaphore_mem>>
          %dma_start3A_438 = tpu.memref_squeeze %dma_start3A_437 : memref<1x!tpu.dma_semaphore, #tpu.memory_space<semaphore_mem>> -> memref<!tpu.dma_semaphore, #tpu.memory_space<semaphore_mem>>
          tpu.enqueue_indirect_dma source(%dma_start3A_436 : memref<10016x64xf32, #tpu.memory_space<vmem_shared>>) target(%dma_start3A_430 : memref<128x64xf32, #tpu.memory_space<vmem>>) offsets(%dma_start3A_433 : memref<128xi32, #tpu.memory_space<vmem>>) semaphore(%dma_start3A_438 : memref<!tpu.dma_semaphore, #tpu.memory_space<semaphore_mem>>)
          %mul3A_439 = arith.constant 4 : i32
          %mul3A_440 = arith.muli %rem3A_180, %mul3A_439 : i32
          %add3A_441 = arith.constant 1 : i32
          %add3A_442 = arith.addi %mul3A_440, %add3A_441 : i32
          %dma_start3A_443 = arith.constant 1 : i32
          %dma_start3A_444 = arith.constant 1 : i32
          %dma_start3A_445 = arith.constant 0 : i32
          %dma_start3A_446 = arith.constant 0 : i32
          %dma_start3A_447 = tpu.memref_slice %arg11[%dma_start3A_443, %dma_start3A_445, %dma_start3A_446] : memref<4x128x64xf32, #tpu.memory_space<vmem>> -> memref<1x128x64xf32, #tpu.memory_space<vmem>>
          %dma_start3A_448 = tpu.memref_squeeze %dma_start3A_447 : memref<1x128x64xf32, #tpu.memory_space<vmem>> -> memref<128x64xf32, #tpu.memory_space<vmem>>
          %dma_start3A_449 = arith.constant 0 : i32
          %dma_start3A_450 = tpu.memref_slice %arg9[%add3A_442, %dma_start3A_449] : memref<8x128xi32, #tpu.memory_space<vmem>> -> memref<1x128xi32, #tpu.memory_space<vmem>>
          %dma_start3A_451 = tpu.memref_squeeze %dma_start3A_450 : memref<1x128xi32, #tpu.memory_space<vmem>> -> memref<128xi32, #tpu.memory_space<vmem>>
          %dma_start3A_452 = arith.constant 0 : i32
          %dma_start3A_453 = arith.constant 0 : i32
          %dma_start3A_454 = tpu.memref_slice %arg13[%dma_start3A_452, %dma_start3A_453] : memref<10016x64xf32, #tpu.memory_space<vmem_shared>> -> memref<10016x64xf32, #tpu.memory_space<vmem_shared>>
          %dma_start3A_455 = tpu.memref_slice %arg14[%dma_start3A_444] : memref<4x!tpu.dma_semaphore, #tpu.memory_space<semaphore_mem>> -> memref<1x!tpu.dma_semaphore, #tpu.memory_space<semaphore_mem>>
          %dma_start3A_456 = tpu.memref_squeeze %dma_start3A_455 : memref<1x!tpu.dma_semaphore, #tpu.memory_space<semaphore_mem>> -> memref<!tpu.dma_semaphore, #tpu.memory_space<semaphore_mem>>
          tpu.enqueue_indirect_dma source(%dma_start3A_454 : memref<10016x64xf32, #tpu.memory_space<vmem_shared>>) target(%dma_start3A_448 : memref<128x64xf32, #tpu.memory_space<vmem>>) offsets(%dma_start3A_451 : memref<128xi32, #tpu.memory_space<vmem>>) semaphore(%dma_start3A_456 : memref<!tpu.dma_semaphore, #tpu.memory_space<semaphore_mem>>)
          %mul3A_457 = arith.constant 4 : i32
          %mul3A_458 = arith.muli %rem3A_180, %mul3A_457 : i32
          %add3A_459 = arith.constant 2 : i32
          %add3A_460 = arith.addi %mul3A_458, %add3A_459 : i32
          %dma_start3A_461 = arith.constant 2 : i32
          %dma_start3A_462 = arith.constant 2 : i32
          %dma_start3A_463 = arith.constant 0 : i32
          %dma_start3A_464 = arith.constant 0 : i32
          %dma_start3A_465 = tpu.memref_slice %arg11[%dma_start3A_461, %dma_start3A_463, %dma_start3A_464] : memref<4x128x64xf32, #tpu.memory_space<vmem>> -> memref<1x128x64xf32, #tpu.memory_space<vmem>>
          %dma_start3A_466 = tpu.memref_squeeze %dma_start3A_465 : memref<1x128x64xf32, #tpu.memory_space<vmem>> -> memref<128x64xf32, #tpu.memory_space<vmem>>
          %dma_start3A_467 = arith.constant 0 : i32
          %dma_start3A_468 = tpu.memref_slice %arg9[%add3A_460, %dma_start3A_467] : memref<8x128xi32, #tpu.memory_space<vmem>> -> memref<1x128xi32, #tpu.memory_space<vmem>>
          %dma_start3A_469 = tpu.memref_squeeze %dma_start3A_468 : memref<1x128xi32, #tpu.memory_space<vmem>> -> memref<128xi32, #tpu.memory_space<vmem>>
          %dma_start3A_470 = arith.constant 0 : i32
          %dma_start3A_471 = arith.constant 0 : i32
          %dma_start3A_472 = tpu.memref_slice %arg13[%dma_start3A_470, %dma_start3A_471] : memref<10016x64xf32, #tpu.memory_space<vmem_shared>> -> memref<10016x64xf32, #tpu.memory_space<vmem_shared>>
          %dma_start3A_473 = tpu.memref_slice %arg14[%dma_start3A_462] : memref<4x!tpu.dma_semaphore, #tpu.memory_space<semaphore_mem>> -> memref<1x!tpu.dma_semaphore, #tpu.memory_space<semaphore_mem>>
          %dma_start3A_474 = tpu.memref_squeeze %dma_start3A_473 : memref<1x!tpu.dma_semaphore, #tpu.memory_space<semaphore_mem>> -> memref<!tpu.dma_semaphore, #tpu.memory_space<semaphore_mem>>
          tpu.enqueue_indirect_dma source(%dma_start3A_472 : memref<10016x64xf32, #tpu.memory_space<vmem_shared>>) target(%dma_start3A_466 : memref<128x64xf32, #tpu.memory_space<vmem>>) offsets(%dma_start3A_469 : memref<128xi32, #tpu.memory_space<vmem>>) semaphore(%dma_start3A_474 : memref<!tpu.dma_semaphore, #tpu.memory_space<semaphore_mem>>)
          %mul3A_475 = arith.constant 4 : i32
          %mul3A_476 = arith.muli %rem3A_180, %mul3A_475 : i32
          %add3A_477 = arith.constant 3 : i32
          %add3A_478 = arith.addi %mul3A_476, %add3A_477 : i32
          %dma_start3A_479 = arith.constant 3 : i32
          %dma_start3A_480 = arith.constant 3 : i32
          %dma_start3A_481 = arith.constant 0 : i32
          %dma_start3A_482 = arith.constant 0 : i32
          %dma_start3A_483 = tpu.memref_slice %arg11[%dma_start3A_479, %dma_start3A_481, %dma_start3A_482] : memref<4x128x64xf32, #tpu.memory_space<vmem>> -> memref<1x128x64xf32, #tpu.memory_space<vmem>>
          %dma_start3A_484 = tpu.memref_squeeze %dma_start3A_483 : memref<1x128x64xf32, #tpu.memory_space<vmem>> -> memref<128x64xf32, #tpu.memory_space<vmem>>
          %dma_start3A_485 = arith.constant 0 : i32
          %dma_start3A_486 = tpu.memref_slice %arg9[%add3A_478, %dma_start3A_485] : memref<8x128xi32, #tpu.memory_space<vmem>> -> memref<1x128xi32, #tpu.memory_space<vmem>>
          %dma_start3A_487 = tpu.memref_squeeze %dma_start3A_486 : memref<1x128xi32, #tpu.memory_space<vmem>> -> memref<128xi32, #tpu.memory_space<vmem>>
          %dma_start3A_488 = arith.constant 0 : i32
          %dma_start3A_489 = arith.constant 0 : i32
          %dma_start3A_490 = tpu.memref_slice %arg13[%dma_start3A_488, %dma_start3A_489] : memref<10016x64xf32, #tpu.memory_space<vmem_shared>> -> memref<10016x64xf32, #tpu.memory_space<vmem_shared>>
          %dma_start3A_491 = tpu.memref_slice %arg14[%dma_start3A_480] : memref<4x!tpu.dma_semaphore, #tpu.memory_space<semaphore_mem>> -> memref<1x!tpu.dma_semaphore, #tpu.memory_space<semaphore_mem>>
          %dma_start3A_492 = tpu.memref_squeeze %dma_start3A_491 : memref<1x!tpu.dma_semaphore, #tpu.memory_space<semaphore_mem>> -> memref<!tpu.dma_semaphore, #tpu.memory_space<semaphore_mem>>
          tpu.enqueue_indirect_dma source(%dma_start3A_490 : memref<10016x64xf32, #tpu.memory_space<vmem_shared>>) target(%dma_start3A_484 : memref<128x64xf32, #tpu.memory_space<vmem>>) offsets(%dma_start3A_487 : memref<128xi32, #tpu.memory_space<vmem>>) semaphore(%dma_start3A_492 : memref<!tpu.dma_semaphore, #tpu.memory_space<semaphore_mem>>)
          %lt3A_493 = arith.constant 20 : i32
          %lt3A_494 = arith.cmpi slt, %scan3A_176, %lt3A_493 : i32
          %convert_element_type3A_495 = arith.extui %lt3A_494 : i1 to i32
          %cond3A_496 = arith.constant 0 : i32
          %cond3A_497 = arith.cmpi ne, %convert_element_type3A_495, %cond3A_496 : i32
          scf.if %cond3A_497 {
            %add3A_498 = arith.constant 2 : i32
            %add3A_499 = arith.addi %scan3A_176, %add3A_498 : i32
            %mul3A_500 = arith.constant 4 : i32
            %mul3A_501 = arith.muli %add3A_499, %mul3A_500 : i32
            %mul3A_502 = arith.constant 4 : i32
            %mul3A_503 = arith.muli %rem3A_177, %mul3A_502 : i32
            %mul3A_504 = arith.constant 4 : i32
            %mul3A_505 = arith.muli %add3A_499, %mul3A_504 : i32
            %mul3A_506 = arith.constant 4 : i32
            %mul3A_507 = arith.muli %rem3A_177, %mul3A_506 : i32
            %dma_start3A_508 = arith.constant 0 : i32
            %dma_start3A_509 = arith.constant 0 : i32
            %dma_start3A_510 = tpu.memref_slice %arg9[%mul3A_503, %dma_start3A_509] : memref<8x128xi32, #tpu.memory_space<vmem>> -> memref<4x128xi32, #tpu.memory_space<vmem>>
            %dma_start3A_511 = arith.constant 0 : i32
            %dma_start3A_512 = tpu.memref_slice %arg2[%arg1, %mul3A_501, %dma_start3A_511] : memref<16x88x128xi32, #tpu.memory_space<hbm>> -> memref<1x4x128xi32, #tpu.memory_space<hbm>>
            %dma_start3A_513 = tpu.memref_squeeze %dma_start3A_512 : memref<1x4x128xi32, #tpu.memory_space<hbm>> -> memref<4x128xi32, #tpu.memory_space<hbm>>
            %dma_start3A_514 = tpu.memref_slice %arg16[%dma_start3A_508] : memref<2x!tpu.dma_semaphore, #tpu.memory_space<semaphore_mem>> -> memref<1x!tpu.dma_semaphore, #tpu.memory_space<semaphore_mem>>
            %dma_start3A_515 = tpu.memref_squeeze %dma_start3A_514 : memref<1x!tpu.dma_semaphore, #tpu.memory_space<semaphore_mem>> -> memref<!tpu.dma_semaphore, #tpu.memory_space<semaphore_mem>>
            %dma_start3A_516 = arith.constant 0 : i32
            %dma_start3A_517 = tpu.memref_slice %arg9[%mul3A_503, %dma_start3A_516] : memref<8x128xi32, #tpu.memory_space<vmem>> -> memref<4x128xi32, #tpu.memory_space<vmem>>
            %dma_start3A_518 = arith.constant 0 : i32
            %dma_start3A_519 = tpu.memref_slice %arg2[%arg1, %mul3A_501, %dma_start3A_518] : memref<16x88x128xi32, #tpu.memory_space<hbm>> -> memref<1x4x128xi32, #tpu.memory_space<hbm>>
            %dma_start3A_520 = tpu.memref_squeeze %dma_start3A_519 : memref<1x4x128xi32, #tpu.memory_space<hbm>> -> memref<4x128xi32, #tpu.memory_space<hbm>>
            tpu.enqueue_dma source(%dma_start3A_520 : memref<4x128xi32, #tpu.memory_space<hbm>>) target(%dma_start3A_517 : memref<4x128xi32, #tpu.memory_space<vmem>>) target_semaphore(%dma_start3A_515 : memref<!tpu.dma_semaphore, #tpu.memory_space<semaphore_mem>>)
            %dma_start3A_521 = arith.constant 1 : i32
            %dma_start3A_522 = arith.constant 0 : i32
            %dma_start3A_523 = tpu.memref_slice %arg10[%mul3A_507, %dma_start3A_522] : memref<8x128xi32, #tpu.memory_space<vmem>> -> memref<4x128xi32, #tpu.memory_space<vmem>>
            %dma_start3A_524 = arith.constant 0 : i32
            %dma_start3A_525 = tpu.memref_slice %arg3[%arg1, %mul3A_505, %dma_start3A_524] : memref<16x88x128xi32, #tpu.memory_space<hbm>> -> memref<1x4x128xi32, #tpu.memory_space<hbm>>
            %dma_start3A_526 = tpu.memref_squeeze %dma_start3A_525 : memref<1x4x128xi32, #tpu.memory_space<hbm>> -> memref<4x128xi32, #tpu.memory_space<hbm>>
            %dma_start3A_527 = tpu.memref_slice %arg16[%dma_start3A_521] : memref<2x!tpu.dma_semaphore, #tpu.memory_space<semaphore_mem>> -> memref<1x!tpu.dma_semaphore, #tpu.memory_space<semaphore_mem>>
            %dma_start3A_528 = tpu.memref_squeeze %dma_start3A_527 : memref<1x!tpu.dma_semaphore, #tpu.memory_space<semaphore_mem>> -> memref<!tpu.dma_semaphore, #tpu.memory_space<semaphore_mem>>
            %dma_start3A_529 = arith.constant 0 : i32
            %dma_start3A_530 = tpu.memref_slice %arg10[%mul3A_507, %dma_start3A_529] : memref<8x128xi32, #tpu.memory_space<vmem>> -> memref<4x128xi32, #tpu.memory_space<vmem>>
            %dma_start3A_531 = arith.constant 0 : i32
            %dma_start3A_532 = tpu.memref_slice %arg3[%arg1, %mul3A_505, %dma_start3A_531] : memref<16x88x128xi32, #tpu.memory_space<hbm>> -> memref<1x4x128xi32, #tpu.memory_space<hbm>>
            %dma_start3A_533 = tpu.memref_squeeze %dma_start3A_532 : memref<1x4x128xi32, #tpu.memory_space<hbm>> -> memref<4x128xi32, #tpu.memory_space<hbm>>
            tpu.enqueue_dma source(%dma_start3A_533 : memref<4x128xi32, #tpu.memory_space<hbm>>) target(%dma_start3A_530 : memref<4x128xi32, #tpu.memory_space<vmem>>) target_semaphore(%dma_start3A_528 : memref<!tpu.dma_semaphore, #tpu.memory_space<semaphore_mem>>)
          } else {
          }
        } else {
        }
      }
      %scan3A_175 = arith.constant 22 : i32
    } else {
    }
    %eq3A_5 = arith.constant 1 : i32
    %eq3A_6 = arith.cmpi eq, %arg0, %eq3A_5 : i32
    %convert_element_type3A_7 = arith.extui %eq3A_6 : i1 to i32
    %cond3A_8 = arith.constant 0 : i32
    %cond3A_9 = arith.cmpi ne, %convert_element_type3A_7, %cond3A_8 : i32
    scf.if %cond3A_9 {
      %dma_start3A = arith.constant 0 : i32
      %dma_start3A_11 = arith.constant 0 : i32
      %dma_start3A_12 = arith.constant 0 : i32
      %dma_start3A_13 = tpu.memref_slice %arg9[%dma_start3A_11, %dma_start3A_12] : memref<8x128xi32, #tpu.memory_space<vmem>> -> memref<4x128xi32, #tpu.memory_space<vmem>>
      %dma_start3A_14 = arith.constant 0 : i32
      %dma_start3A_15 = arith.constant 0 : i32
      %dma_start3A_16 = tpu.memref_slice %arg4[%arg1, %dma_start3A_14, %dma_start3A_15] : memref<16x72x128xi32, #tpu.memory_space<hbm>> -> memref<1x4x128xi32, #tpu.memory_space<hbm>>
      %dma_start3A_17 = tpu.memref_squeeze %dma_start3A_16 : memref<1x4x128xi32, #tpu.memory_space<hbm>> -> memref<4x128xi32, #tpu.memory_space<hbm>>
      %dma_start3A_18 = tpu.memref_slice %arg16[%dma_start3A] : memref<2x!tpu.dma_semaphore, #tpu.memory_space<semaphore_mem>> -> memref<1x!tpu.dma_semaphore, #tpu.memory_space<semaphore_mem>>
      %dma_start3A_19 = tpu.memref_squeeze %dma_start3A_18 : memref<1x!tpu.dma_semaphore, #tpu.memory_space<semaphore_mem>> -> memref<!tpu.dma_semaphore, #tpu.memory_space<semaphore_mem>>
      %dma_start3A_20 = arith.constant 0 : i32
      %dma_start3A_21 = arith.constant 0 : i32
      %dma_start3A_22 = tpu.memref_slice %arg9[%dma_start3A_20, %dma_start3A_21] : memref<8x128xi32, #tpu.memory_space<vmem>> -> memref<4x128xi32, #tpu.memory_space<vmem>>
      %dma_start3A_23 = arith.constant 0 : i32
      %dma_start3A_24 = arith.constant 0 : i32
      %dma_start3A_25 = tpu.memref_slice %arg4[%arg1, %dma_start3A_23, %dma_start3A_24] : memref<16x72x128xi32, #tpu.memory_space<hbm>> -> memref<1x4x128xi32, #tpu.memory_space<hbm>>
      %dma_start3A_26 = tpu.memref_squeeze %dma_start3A_25 : memref<1x4x128xi32, #tpu.memory_space<hbm>> -> memref<4x128xi32, #tpu.memory_space<hbm>>
      tpu.enqueue_dma source(%dma_start3A_26 : memref<4x128xi32, #tpu.memory_space<hbm>>) target(%dma_start3A_22 : memref<4x128xi32, #tpu.memory_space<vmem>>) target_semaphore(%dma_start3A_19 : memref<!tpu.dma_semaphore, #tpu.memory_space<semaphore_mem>>)
      %dma_start3A_27 = arith.constant 1 : i32
      %dma_start3A_28 = arith.constant 0 : i32
      %dma_start3A_29 = arith.constant 0 : i32
      %dma_start3A_30 = tpu.memref_slice %arg10[%dma_start3A_28, %dma_start3A_29] : memref<8x128xi32, #tpu.memory_space<vmem>> -> memref<4x128xi32, #tpu.memory_space<vmem>>
      %dma_start3A_31 = arith.constant 0 : i32
      %dma_start3A_32 = arith.constant 0 : i32
      %dma_start3A_33 = tpu.memref_slice %arg5[%arg1, %dma_start3A_31, %dma_start3A_32] : memref<16x72x128xi32, #tpu.memory_space<hbm>> -> memref<1x4x128xi32, #tpu.memory_space<hbm>>
      %dma_start3A_34 = tpu.memref_squeeze %dma_start3A_33 : memref<1x4x128xi32, #tpu.memory_space<hbm>> -> memref<4x128xi32, #tpu.memory_space<hbm>>
      %dma_start3A_35 = tpu.memref_slice %arg16[%dma_start3A_27] : memref<2x!tpu.dma_semaphore, #tpu.memory_space<semaphore_mem>> -> memref<1x!tpu.dma_semaphore, #tpu.memory_space<semaphore_mem>>
      %dma_start3A_36 = tpu.memref_squeeze %dma_start3A_35 : memref<1x!tpu.dma_semaphore, #tpu.memory_space<semaphore_mem>> -> memref<!tpu.dma_semaphore, #tpu.memory_space<semaphore_mem>>
      %dma_start3A_37 = arith.constant 0 : i32
      %dma_start3A_38 = arith.constant 0 : i32
      %dma_start3A_39 = tpu.memref_slice %arg10[%dma_start3A_37, %dma_start3A_38] : memref<8x128xi32, #tpu.memory_space<vmem>> -> memref<4x128xi32, #tpu.memory_space<vmem>>
      %dma_start3A_40 = arith.constant 0 : i32
      %dma_start3A_41 = arith.constant 0 : i32
      %dma_start3A_42 = tpu.memref_slice %arg5[%arg1, %dma_start3A_40, %dma_start3A_41] : memref<16x72x128xi32, #tpu.memory_space<hbm>> -> memref<1x4x128xi32, #tpu.memory_space<hbm>>
      %dma_start3A_43 = tpu.memref_squeeze %dma_start3A_42 : memref<1x4x128xi32, #tpu.memory_space<hbm>> -> memref<4x128xi32, #tpu.memory_space<hbm>>
      tpu.enqueue_dma source(%dma_start3A_43 : memref<4x128xi32, #tpu.memory_space<hbm>>) target(%dma_start3A_39 : memref<4x128xi32, #tpu.memory_space<vmem>>) target_semaphore(%dma_start3A_36 : memref<!tpu.dma_semaphore, #tpu.memory_space<semaphore_mem>>)
      %dma_wait3A = arith.constant 0 : i32
      %dma_wait3A_44 = arith.constant 0 : i32
      %dma_wait3A_45 = arith.constant 0 : i32
      %dma_wait3A_46 = tpu.memref_slice %arg9[%dma_wait3A_44, %dma_wait3A_45] : memref<8x128xi32, #tpu.memory_space<vmem>> -> memref<4x128xi32, #tpu.memory_space<vmem>>
      %dma_wait3A_47 = arith.constant 0 : i32
      %dma_wait3A_48 = arith.constant 0 : i32
      %dma_wait3A_49 = tpu.memref_slice %arg4[%arg1, %dma_wait3A_47, %dma_wait3A_48] : memref<16x72x128xi32, #tpu.memory_space<hbm>> -> memref<1x4x128xi32, #tpu.memory_space<hbm>>
      %dma_wait3A_50 = tpu.memref_squeeze %dma_wait3A_49 : memref<1x4x128xi32, #tpu.memory_space<hbm>> -> memref<4x128xi32, #tpu.memory_space<hbm>>
      %dma_wait3A_51 = tpu.memref_slice %arg16[%dma_wait3A] : memref<2x!tpu.dma_semaphore, #tpu.memory_space<semaphore_mem>> -> memref<1x!tpu.dma_semaphore, #tpu.memory_space<semaphore_mem>>
      %dma_wait3A_52 = tpu.memref_squeeze %dma_wait3A_51 : memref<1x!tpu.dma_semaphore, #tpu.memory_space<semaphore_mem>> -> memref<!tpu.dma_semaphore, #tpu.memory_space<semaphore_mem>>
      %dma_wait3A_53 = arith.constant 0 : i32
      %dma_wait3A_54 = arith.constant 0 : i32
      %dma_wait3A_55 = tpu.memref_slice %arg9[%dma_wait3A_53, %dma_wait3A_54] : memref<8x128xi32, #tpu.memory_space<vmem>> -> memref<4x128xi32, #tpu.memory_space<vmem>>
      %dma_wait3A_56 = arith.constant 0 : i32
      %dma_wait3A_57 = arith.constant 0 : i32
      %dma_wait3A_58 = tpu.memref_slice %arg4[%arg1, %dma_wait3A_56, %dma_wait3A_57] : memref<16x72x128xi32, #tpu.memory_space<hbm>> -> memref<1x4x128xi32, #tpu.memory_space<hbm>>
      %dma_wait3A_59 = tpu.memref_squeeze %dma_wait3A_58 : memref<1x4x128xi32, #tpu.memory_space<hbm>> -> memref<4x128xi32, #tpu.memory_space<hbm>>
      tpu.wait_dma2 semaphore(%dma_wait3A_52 : memref<!tpu.dma_semaphore, #tpu.memory_space<semaphore_mem>>) src(%dma_wait3A_59 : memref<4x128xi32, #tpu.memory_space<hbm>>) dst(%dma_wait3A_55 : memref<4x128xi32, #tpu.memory_space<vmem>>)
      %dma_wait3A_60 = arith.constant 1 : i32
      %dma_wait3A_61 = arith.constant 0 : i32
      %dma_wait3A_62 = arith.constant 0 : i32
      %dma_wait3A_63 = tpu.memref_slice %arg10[%dma_wait3A_61, %dma_wait3A_62] : memref<8x128xi32, #tpu.memory_space<vmem>> -> memref<4x128xi32, #tpu.memory_space<vmem>>
      %dma_wait3A_64 = arith.constant 0 : i32
      %dma_wait3A_65 = arith.constant 0 : i32
      %dma_wait3A_66 = tpu.memref_slice %arg5[%arg1, %dma_wait3A_64, %dma_wait3A_65] : memref<16x72x128xi32, #tpu.memory_space<hbm>> -> memref<1x4x128xi32, #tpu.memory_space<hbm>>
      %dma_wait3A_67 = tpu.memref_squeeze %dma_wait3A_66 : memref<1x4x128xi32, #tpu.memory_space<hbm>> -> memref<4x128xi32, #tpu.memory_space<hbm>>
      %dma_wait3A_68 = tpu.memref_slice %arg16[%dma_wait3A_60] : memref<2x!tpu.dma_semaphore, #tpu.memory_space<semaphore_mem>> -> memref<1x!tpu.dma_semaphore, #tpu.memory_space<semaphore_mem>>
      %dma_wait3A_69 = tpu.memref_squeeze %dma_wait3A_68 : memref<1x!tpu.dma_semaphore, #tpu.memory_space<semaphore_mem>> -> memref<!tpu.dma_semaphore, #tpu.memory_space<semaphore_mem>>
      %dma_wait3A_70 = arith.constant 0 : i32
      %dma_wait3A_71 = arith.constant 0 : i32
      %dma_wait3A_72 = tpu.memref_slice %arg10[%dma_wait3A_70, %dma_wait3A_71] : memref<8x128xi32, #tpu.memory_space<vmem>> -> memref<4x128xi32, #tpu.memory_space<vmem>>
      %dma_wait3A_73 = arith.constant 0 : i32
      %dma_wait3A_74 = arith.constant 0 : i32
      %dma_wait3A_75 = tpu.memref_slice %arg5[%arg1, %dma_wait3A_73, %dma_wait3A_74] : memref<16x72x128xi32, #tpu.memory_space<hbm>> -> memref<1x4x128xi32, #tpu.memory_space<hbm>>
      %dma_wait3A_76 = tpu.memref_squeeze %dma_wait3A_75 : memref<1x4x128xi32, #tpu.memory_space<hbm>> -> memref<4x128xi32, #tpu.memory_space<hbm>>
      tpu.wait_dma2 semaphore(%dma_wait3A_69 : memref<!tpu.dma_semaphore, #tpu.memory_space<semaphore_mem>>) src(%dma_wait3A_76 : memref<4x128xi32, #tpu.memory_space<hbm>>) dst(%dma_wait3A_72 : memref<4x128xi32, #tpu.memory_space<vmem>>)
      %dma_start3A_77 = arith.constant 0 : i32
      %dma_start3A_78 = arith.constant 0 : i32
      %dma_start3A_79 = arith.constant 0 : i32
      %dma_start3A_80 = arith.constant 0 : i32
      %dma_start3A_81 = arith.constant 0 : i32
      %dma_start3A_82 = tpu.memref_slice %arg11[%dma_start3A_78, %dma_start3A_80, %dma_start3A_81] : memref<4x128x64xf32, #tpu.memory_space<vmem>> -> memref<1x128x64xf32, #tpu.memory_space<vmem>>
      %dma_start3A_83 = tpu.memref_squeeze %dma_start3A_82 : memref<1x128x64xf32, #tpu.memory_space<vmem>> -> memref<128x64xf32, #tpu.memory_space<vmem>>
      %dma_start3A_84 = arith.constant 0 : i32
      %dma_start3A_85 = tpu.memref_slice %arg9[%dma_start3A_77, %dma_start3A_84] : memref<8x128xi32, #tpu.memory_space<vmem>> -> memref<1x128xi32, #tpu.memory_space<vmem>>
      %dma_start3A_86 = tpu.memref_squeeze %dma_start3A_85 : memref<1x128xi32, #tpu.memory_space<vmem>> -> memref<128xi32, #tpu.memory_space<vmem>>
      %dma_start3A_87 = arith.constant 0 : i32
      %dma_start3A_88 = arith.constant 0 : i32
      %dma_start3A_89 = tpu.memref_slice %arg13[%dma_start3A_87, %dma_start3A_88] : memref<10016x64xf32, #tpu.memory_space<vmem_shared>> -> memref<10016x64xf32, #tpu.memory_space<vmem_shared>>
      %dma_start3A_90 = tpu.memref_slice %arg14[%dma_start3A_79] : memref<4x!tpu.dma_semaphore, #tpu.memory_space<semaphore_mem>> -> memref<1x!tpu.dma_semaphore, #tpu.memory_space<semaphore_mem>>
      %dma_start3A_91 = tpu.memref_squeeze %dma_start3A_90 : memref<1x!tpu.dma_semaphore, #tpu.memory_space<semaphore_mem>> -> memref<!tpu.dma_semaphore, #tpu.memory_space<semaphore_mem>>
      tpu.enqueue_indirect_dma source(%dma_start3A_89 : memref<10016x64xf32, #tpu.memory_space<vmem_shared>>) target(%dma_start3A_83 : memref<128x64xf32, #tpu.memory_space<vmem>>) offsets(%dma_start3A_86 : memref<128xi32, #tpu.memory_space<vmem>>) semaphore(%dma_start3A_91 : memref<!tpu.dma_semaphore, #tpu.memory_space<semaphore_mem>>)
      %dma_start3A_92 = arith.constant 1 : i32
      %dma_start3A_93 = arith.constant 1 : i32
      %dma_start3A_94 = arith.constant 1 : i32
      %dma_start3A_95 = arith.constant 0 : i32
      %dma_start3A_96 = arith.constant 0 : i32
      %dma_start3A_97 = tpu.memref_slice %arg11[%dma_start3A_93, %dma_start3A_95, %dma_start3A_96] : memref<4x128x64xf32, #tpu.memory_space<vmem>> -> memref<1x128x64xf32, #tpu.memory_space<vmem>>
      %dma_start3A_98 = tpu.memref_squeeze %dma_start3A_97 : memref<1x128x64xf32, #tpu.memory_space<vmem>> -> memref<128x64xf32, #tpu.memory_space<vmem>>
      %dma_start3A_99 = arith.constant 0 : i32
      %dma_start3A_100 = tpu.memref_slice %arg9[%dma_start3A_92, %dma_start3A_99] : memref<8x128xi32, #tpu.memory_space<vmem>> -> memref<1x128xi32, #tpu.memory_space<vmem>>
      %dma_start3A_101 = tpu.memref_squeeze %dma_start3A_100 : memref<1x128xi32, #tpu.memory_space<vmem>> -> memref<128xi32, #tpu.memory_space<vmem>>
      %dma_start3A_102 = arith.constant 0 : i32
      %dma_start3A_103 = arith.constant 0 : i32
      %dma_start3A_104 = tpu.memref_slice %arg13[%dma_start3A_102, %dma_start3A_103] : memref<10016x64xf32, #tpu.memory_space<vmem_shared>> -> memref<10016x64xf32, #tpu.memory_space<vmem_shared>>
      %dma_start3A_105 = tpu.memref_slice %arg14[%dma_start3A_94] : memref<4x!tpu.dma_semaphore, #tpu.memory_space<semaphore_mem>> -> memref<1x!tpu.dma_semaphore, #tpu.memory_space<semaphore_mem>>
      %dma_start3A_106 = tpu.memref_squeeze %dma_start3A_105 : memref<1x!tpu.dma_semaphore, #tpu.memory_space<semaphore_mem>> -> memref<!tpu.dma_semaphore, #tpu.memory_space<semaphore_mem>>
      tpu.enqueue_indirect_dma source(%dma_start3A_104 : memref<10016x64xf32, #tpu.memory_space<vmem_shared>>) target(%dma_start3A_98 : memref<128x64xf32, #tpu.memory_space<vmem>>) offsets(%dma_start3A_101 : memref<128xi32, #tpu.memory_space<vmem>>) semaphore(%dma_start3A_106 : memref<!tpu.dma_semaphore, #tpu.memory_space<semaphore_mem>>)
      %dma_start3A_107 = arith.constant 2 : i32
      %dma_start3A_108 = arith.constant 2 : i32
      %dma_start3A_109 = arith.constant 2 : i32
      %dma_start3A_110 = arith.constant 0 : i32
      %dma_start3A_111 = arith.constant 0 : i32
      %dma_start3A_112 = tpu.memref_slice %arg11[%dma_start3A_108, %dma_start3A_110, %dma_start3A_111] : memref<4x128x64xf32, #tpu.memory_space<vmem>> -> memref<1x128x64xf32, #tpu.memory_space<vmem>>
      %dma_start3A_113 = tpu.memref_squeeze %dma_start3A_112 : memref<1x128x64xf32, #tpu.memory_space<vmem>> -> memref<128x64xf32, #tpu.memory_space<vmem>>
      %dma_start3A_114 = arith.constant 0 : i32
      %dma_start3A_115 = tpu.memref_slice %arg9[%dma_start3A_107, %dma_start3A_114] : memref<8x128xi32, #tpu.memory_space<vmem>> -> memref<1x128xi32, #tpu.memory_space<vmem>>
      %dma_start3A_116 = tpu.memref_squeeze %dma_start3A_115 : memref<1x128xi32, #tpu.memory_space<vmem>> -> memref<128xi32, #tpu.memory_space<vmem>>
      %dma_start3A_117 = arith.constant 0 : i32
      %dma_start3A_118 = arith.constant 0 : i32
      %dma_start3A_119 = tpu.memref_slice %arg13[%dma_start3A_117, %dma_start3A_118] : memref<10016x64xf32, #tpu.memory_space<vmem_shared>> -> memref<10016x64xf32, #tpu.memory_space<vmem_shared>>
      %dma_start3A_120 = tpu.memref_slice %arg14[%dma_start3A_109] : memref<4x!tpu.dma_semaphore, #tpu.memory_space<semaphore_mem>> -> memref<1x!tpu.dma_semaphore, #tpu.memory_space<semaphore_mem>>
      %dma_start3A_121 = tpu.memref_squeeze %dma_start3A_120 : memref<1x!tpu.dma_semaphore, #tpu.memory_space<semaphore_mem>> -> memref<!tpu.dma_semaphore, #tpu.memory_space<semaphore_mem>>
      tpu.enqueue_indirect_dma source(%dma_start3A_119 : memref<10016x64xf32, #tpu.memory_space<vmem_shared>>) target(%dma_start3A_113 : memref<128x64xf32, #tpu.memory_space<vmem>>) offsets(%dma_start3A_116 : memref<128xi32, #tpu.memory_space<vmem>>) semaphore(%dma_start3A_121 : memref<!tpu.dma_semaphore, #tpu.memory_space<semaphore_mem>>)
      %dma_start3A_122 = arith.constant 3 : i32
      %dma_start3A_123 = arith.constant 3 : i32
      %dma_start3A_124 = arith.constant 3 : i32
      %dma_start3A_125 = arith.constant 0 : i32
      %dma_start3A_126 = arith.constant 0 : i32
      %dma_start3A_127 = tpu.memref_slice %arg11[%dma_start3A_123, %dma_start3A_125, %dma_start3A_126] : memref<4x128x64xf32, #tpu.memory_space<vmem>> -> memref<1x128x64xf32, #tpu.memory_space<vmem>>
      %dma_start3A_128 = tpu.memref_squeeze %dma_start3A_127 : memref<1x128x64xf32, #tpu.memory_space<vmem>> -> memref<128x64xf32, #tpu.memory_space<vmem>>
      %dma_start3A_129 = arith.constant 0 : i32
      %dma_start3A_130 = tpu.memref_slice %arg9[%dma_start3A_122, %dma_start3A_129] : memref<8x128xi32, #tpu.memory_space<vmem>> -> memref<1x128xi32, #tpu.memory_space<vmem>>
      %dma_start3A_131 = tpu.memref_squeeze %dma_start3A_130 : memref<1x128xi32, #tpu.memory_space<vmem>> -> memref<128xi32, #tpu.memory_space<vmem>>
      %dma_start3A_132 = arith.constant 0 : i32
      %dma_start3A_133 = arith.constant 0 : i32
      %dma_start3A_134 = tpu.memref_slice %arg13[%dma_start3A_132, %dma_start3A_133] : memref<10016x64xf32, #tpu.memory_space<vmem_shared>> -> memref<10016x64xf32, #tpu.memory_space<vmem_shared>>
      %dma_start3A_135 = tpu.memref_slice %arg14[%dma_start3A_124] : memref<4x!tpu.dma_semaphore, #tpu.memory_space<semaphore_mem>> -> memref<1x!tpu.dma_semaphore, #tpu.memory_space<semaphore_mem>>
      %dma_start3A_136 = tpu.memref_squeeze %dma_start3A_135 : memref<1x!tpu.dma_semaphore, #tpu.memory_space<semaphore_mem>> -> memref<!tpu.dma_semaphore, #tpu.memory_space<semaphore_mem>>
      tpu.enqueue_indirect_dma source(%dma_start3A_134 : memref<10016x64xf32, #tpu.memory_space<vmem_shared>>) target(%dma_start3A_128 : memref<128x64xf32, #tpu.memory_space<vmem>>) offsets(%dma_start3A_131 : memref<128xi32, #tpu.memory_space<vmem>>) semaphore(%dma_start3A_136 : memref<!tpu.dma_semaphore, #tpu.memory_space<semaphore_mem>>)
      %dma_start3A_137 = arith.constant 0 : i32
      %dma_start3A_138 = arith.constant 4 : i32
      %dma_start3A_139 = arith.constant 0 : i32
      %dma_start3A_140 = tpu.memref_slice %arg9[%dma_start3A_138, %dma_start3A_139] : memref<8x128xi32, #tpu.memory_space<vmem>> -> memref<4x128xi32, #tpu.memory_space<vmem>>
      %dma_start3A_141 = arith.constant 4 : i32
      %dma_start3A_142 = arith.constant 0 : i32
      %dma_start3A_143 = tpu.memref_slice %arg4[%arg1, %dma_start3A_141, %dma_start3A_142] : memref<16x72x128xi32, #tpu.memory_space<hbm>> -> memref<1x4x128xi32, #tpu.memory_space<hbm>>
      %dma_start3A_144 = tpu.memref_squeeze %dma_start3A_143 : memref<1x4x128xi32, #tpu.memory_space<hbm>> -> memref<4x128xi32, #tpu.memory_space<hbm>>
      %dma_start3A_145 = tpu.memref_slice %arg16[%dma_start3A_137] : memref<2x!tpu.dma_semaphore, #tpu.memory_space<semaphore_mem>> -> memref<1x!tpu.dma_semaphore, #tpu.memory_space<semaphore_mem>>
      %dma_start3A_146 = tpu.memref_squeeze %dma_start3A_145 : memref<1x!tpu.dma_semaphore, #tpu.memory_space<semaphore_mem>> -> memref<!tpu.dma_semaphore, #tpu.memory_space<semaphore_mem>>
      %dma_start3A_147 = arith.constant 4 : i32
      %dma_start3A_148 = arith.constant 0 : i32
      %dma_start3A_149 = tpu.memref_slice %arg9[%dma_start3A_147, %dma_start3A_148] : memref<8x128xi32, #tpu.memory_space<vmem>> -> memref<4x128xi32, #tpu.memory_space<vmem>>
      %dma_start3A_150 = arith.constant 4 : i32
      %dma_start3A_151 = arith.constant 0 : i32
      %dma_start3A_152 = tpu.memref_slice %arg4[%arg1, %dma_start3A_150, %dma_start3A_151] : memref<16x72x128xi32, #tpu.memory_space<hbm>> -> memref<1x4x128xi32, #tpu.memory_space<hbm>>
      %dma_start3A_153 = tpu.memref_squeeze %dma_start3A_152 : memref<1x4x128xi32, #tpu.memory_space<hbm>> -> memref<4x128xi32, #tpu.memory_space<hbm>>
      tpu.enqueue_dma source(%dma_start3A_153 : memref<4x128xi32, #tpu.memory_space<hbm>>) target(%dma_start3A_149 : memref<4x128xi32, #tpu.memory_space<vmem>>) target_semaphore(%dma_start3A_146 : memref<!tpu.dma_semaphore, #tpu.memory_space<semaphore_mem>>)
      %dma_start3A_154 = arith.constant 1 : i32
      %dma_start3A_155 = arith.constant 4 : i32
      %dma_start3A_156 = arith.constant 0 : i32
      %dma_start3A_157 = tpu.memref_slice %arg10[%dma_start3A_155, %dma_start3A_156] : memref<8x128xi32, #tpu.memory_space<vmem>> -> memref<4x128xi32, #tpu.memory_space<vmem>>
      %dma_start3A_158 = arith.constant 4 : i32
      %dma_start3A_159 = arith.constant 0 : i32
      %dma_start3A_160 = tpu.memref_slice %arg5[%arg1, %dma_start3A_158, %dma_start3A_159] : memref<16x72x128xi32, #tpu.memory_space<hbm>> -> memref<1x4x128xi32, #tpu.memory_space<hbm>>
      %dma_start3A_161 = tpu.memref_squeeze %dma_start3A_160 : memref<1x4x128xi32, #tpu.memory_space<hbm>> -> memref<4x128xi32, #tpu.memory_space<hbm>>
      %dma_start3A_162 = tpu.memref_slice %arg16[%dma_start3A_154] : memref<2x!tpu.dma_semaphore, #tpu.memory_space<semaphore_mem>> -> memref<1x!tpu.dma_semaphore, #tpu.memory_space<semaphore_mem>>
      %dma_start3A_163 = tpu.memref_squeeze %dma_start3A_162 : memref<1x!tpu.dma_semaphore, #tpu.memory_space<semaphore_mem>> -> memref<!tpu.dma_semaphore, #tpu.memory_space<semaphore_mem>>
      %dma_start3A_164 = arith.constant 4 : i32
      %dma_start3A_165 = arith.constant 0 : i32
      %dma_start3A_166 = tpu.memref_slice %arg10[%dma_start3A_164, %dma_start3A_165] : memref<8x128xi32, #tpu.memory_space<vmem>> -> memref<4x128xi32, #tpu.memory_space<vmem>>
      %dma_start3A_167 = arith.constant 4 : i32
      %dma_start3A_168 = arith.constant 0 : i32
      %dma_start3A_169 = tpu.memref_slice %arg5[%arg1, %dma_start3A_167, %dma_start3A_168] : memref<16x72x128xi32, #tpu.memory_space<hbm>> -> memref<1x4x128xi32, #tpu.memory_space<hbm>>
      %dma_start3A_170 = tpu.memref_squeeze %dma_start3A_169 : memref<1x4x128xi32, #tpu.memory_space<hbm>> -> memref<4x128xi32, #tpu.memory_space<hbm>>
      tpu.enqueue_dma source(%dma_start3A_170 : memref<4x128xi32, #tpu.memory_space<hbm>>) target(%dma_start3A_166 : memref<4x128xi32, #tpu.memory_space<vmem>>) target_semaphore(%dma_start3A_163 : memref<!tpu.dma_semaphore, #tpu.memory_space<semaphore_mem>>)
      %scan3A = arith.constant 0 : i32
      %scan3A_171 = arith.constant 0 : i32
      %scan3A_172 = arith.constant 18 : i32
      %scan3A_173 = arith.addi %scan3A_171, %scan3A_172 : i32
      %scan3A_174 = arith.constant 1 : i32
      scf.for %scan3A_176 = %scan3A_171 to %scan3A_173 step %scan3A_174  : i32 {
        %rem3A = arith.constant 2 : i32
        %rem3A_177 = arith.remsi %scan3A_176, %rem3A : i32
        %add3A = arith.constant 1 : i32
        %add3A_178 = arith.addi %scan3A_176, %add3A : i32
        %rem3A_179 = arith.constant 2 : i32
        %rem3A_180 = arith.remsi %add3A_178, %rem3A_179 : i32
        %mul3A_181 = arith.constant 4 : i32
        %mul3A_182 = arith.muli %rem3A_177, %mul3A_181 : i32
        %add3A_183 = arith.constant 0 : i32
        %add3A_184 = arith.addi %mul3A_182, %add3A_183 : i32
        %dma_wait3A_185 = arith.constant 0 : i32
        %dma_wait3A_186 = arith.constant 0 : i32
        %dma_wait3A_187 = arith.constant 0 : i32
        %dma_wait3A_188 = arith.constant 0 : i32
        %dma_wait3A_189 = tpu.memref_slice %arg11[%dma_wait3A_185, %dma_wait3A_187, %dma_wait3A_188] : memref<4x128x64xf32, #tpu.memory_space<vmem>> -> memref<1x128x64xf32, #tpu.memory_space<vmem>>
        %dma_wait3A_190 = tpu.memref_squeeze %dma_wait3A_189 : memref<1x128x64xf32, #tpu.memory_space<vmem>> -> memref<128x64xf32, #tpu.memory_space<vmem>>
        %dma_wait3A_191 = arith.constant 0 : i32
        %dma_wait3A_192 = tpu.memref_slice %arg9[%add3A_184, %dma_wait3A_191] : memref<8x128xi32, #tpu.memory_space<vmem>> -> memref<1x128xi32, #tpu.memory_space<vmem>>
        %dma_wait3A_193 = tpu.memref_squeeze %dma_wait3A_192 : memref<1x128xi32, #tpu.memory_space<vmem>> -> memref<128xi32, #tpu.memory_space<vmem>>
        %dma_wait3A_194 = arith.constant 0 : i32
        %dma_wait3A_195 = arith.constant 0 : i32
        %dma_wait3A_196 = tpu.memref_slice %arg13[%dma_wait3A_194, %dma_wait3A_195] : memref<10016x64xf32, #tpu.memory_space<vmem_shared>> -> memref<10016x64xf32, #tpu.memory_space<vmem_shared>>
        %dma_wait3A_197 = tpu.memref_slice %arg14[%dma_wait3A_186] : memref<4x!tpu.dma_semaphore, #tpu.memory_space<semaphore_mem>> -> memref<1x!tpu.dma_semaphore, #tpu.memory_space<semaphore_mem>>
        %dma_wait3A_198 = tpu.memref_squeeze %dma_wait3A_197 : memref<1x!tpu.dma_semaphore, #tpu.memory_space<semaphore_mem>> -> memref<!tpu.dma_semaphore, #tpu.memory_space<semaphore_mem>>
        tpu.wait_indirect_dma semaphore(%dma_wait3A_198 : memref<!tpu.dma_semaphore, #tpu.memory_space<semaphore_mem>>) src(%dma_wait3A_196 : memref<10016x64xf32, #tpu.memory_space<vmem_shared>>) dst(%dma_wait3A_190 : memref<128x64xf32, #tpu.memory_space<vmem>>)
        %mul3A_199 = arith.constant 4 : i32
        %mul3A_200 = arith.muli %rem3A_177, %mul3A_199 : i32
        %add3A_201 = arith.constant 0 : i32
        %add3A_202 = arith.addi %mul3A_200, %add3A_201 : i32
        %dma_start3A_203 = arith.constant 0 : i32
        %dma_start3A_204 = arith.constant 0 : i32
        %dma_start3A_205 = arith.constant 0 : i32
        %dma_start3A_206 = arith.constant 0 : i32
        %dma_start3A_207 = tpu.memref_slice %arg11[%dma_start3A_203, %dma_start3A_205, %dma_start3A_206] : memref<4x128x64xf32, #tpu.memory_space<vmem>> -> memref<1x128x64xf32, #tpu.memory_space<vmem>>
        %dma_start3A_208 = tpu.memref_squeeze %dma_start3A_207 : memref<1x128x64xf32, #tpu.memory_space<vmem>> -> memref<128x64xf32, #tpu.memory_space<vmem>>
        %dma_start3A_209 = arith.constant 0 : i32
        %dma_start3A_210 = tpu.memref_slice %arg10[%add3A_202, %dma_start3A_209] : memref<8x128xi32, #tpu.memory_space<vmem>> -> memref<1x128xi32, #tpu.memory_space<vmem>>
        %dma_start3A_211 = tpu.memref_squeeze %dma_start3A_210 : memref<1x128xi32, #tpu.memory_space<vmem>> -> memref<128xi32, #tpu.memory_space<vmem>>
        %dma_start3A_212 = arith.constant 0 : i32
        %dma_start3A_213 = arith.constant 0 : i32
        %dma_start3A_214 = tpu.memref_slice %arg12[%dma_start3A_212, %dma_start3A_213] : memref<10240x64xf32, #tpu.memory_space<vmem_shared>> -> memref<10240x64xf32, #tpu.memory_space<vmem_shared>>
        %dma_start3A_215 = tpu.memref_slice %arg15[%dma_start3A_204] : memref<4x!tpu.dma_semaphore, #tpu.memory_space<semaphore_mem>> -> memref<1x!tpu.dma_semaphore, #tpu.memory_space<semaphore_mem>>
        %dma_start3A_216 = tpu.memref_squeeze %dma_start3A_215 : memref<1x!tpu.dma_semaphore, #tpu.memory_space<semaphore_mem>> -> memref<!tpu.dma_semaphore, #tpu.memory_space<semaphore_mem>>
        tpu.enqueue_indirect_dma source(%dma_start3A_208 : memref<128x64xf32, #tpu.memory_space<vmem>>) target(%dma_start3A_214 : memref<10240x64xf32, #tpu.memory_space<vmem_shared>>) offsets(%dma_start3A_211 : memref<128xi32, #tpu.memory_space<vmem>>) semaphore(%dma_start3A_216 : memref<!tpu.dma_semaphore, #tpu.memory_space<semaphore_mem>>) {add = true}
        %mul3A_217 = arith.constant 4 : i32
        %mul3A_218 = arith.muli %rem3A_177, %mul3A_217 : i32
        %add3A_219 = arith.constant 1 : i32
        %add3A_220 = arith.addi %mul3A_218, %add3A_219 : i32
        %dma_wait3A_221 = arith.constant 1 : i32
        %dma_wait3A_222 = arith.constant 1 : i32
        %dma_wait3A_223 = arith.constant 0 : i32
        %dma_wait3A_224 = arith.constant 0 : i32
        %dma_wait3A_225 = tpu.memref_slice %arg11[%dma_wait3A_221, %dma_wait3A_223, %dma_wait3A_224] : memref<4x128x64xf32, #tpu.memory_space<vmem>> -> memref<1x128x64xf32, #tpu.memory_space<vmem>>
        %dma_wait3A_226 = tpu.memref_squeeze %dma_wait3A_225 : memref<1x128x64xf32, #tpu.memory_space<vmem>> -> memref<128x64xf32, #tpu.memory_space<vmem>>
        %dma_wait3A_227 = arith.constant 0 : i32
        %dma_wait3A_228 = tpu.memref_slice %arg9[%add3A_220, %dma_wait3A_227] : memref<8x128xi32, #tpu.memory_space<vmem>> -> memref<1x128xi32, #tpu.memory_space<vmem>>
        %dma_wait3A_229 = tpu.memref_squeeze %dma_wait3A_228 : memref<1x128xi32, #tpu.memory_space<vmem>> -> memref<128xi32, #tpu.memory_space<vmem>>
        %dma_wait3A_230 = arith.constant 0 : i32
        %dma_wait3A_231 = arith.constant 0 : i32
        %dma_wait3A_232 = tpu.memref_slice %arg13[%dma_wait3A_230, %dma_wait3A_231] : memref<10016x64xf32, #tpu.memory_space<vmem_shared>> -> memref<10016x64xf32, #tpu.memory_space<vmem_shared>>
        %dma_wait3A_233 = tpu.memref_slice %arg14[%dma_wait3A_222] : memref<4x!tpu.dma_semaphore, #tpu.memory_space<semaphore_mem>> -> memref<1x!tpu.dma_semaphore, #tpu.memory_space<semaphore_mem>>
        %dma_wait3A_234 = tpu.memref_squeeze %dma_wait3A_233 : memref<1x!tpu.dma_semaphore, #tpu.memory_space<semaphore_mem>> -> memref<!tpu.dma_semaphore, #tpu.memory_space<semaphore_mem>>
        tpu.wait_indirect_dma semaphore(%dma_wait3A_234 : memref<!tpu.dma_semaphore, #tpu.memory_space<semaphore_mem>>) src(%dma_wait3A_232 : memref<10016x64xf32, #tpu.memory_space<vmem_shared>>) dst(%dma_wait3A_226 : memref<128x64xf32, #tpu.memory_space<vmem>>)
        %mul3A_235 = arith.constant 4 : i32
        %mul3A_236 = arith.muli %rem3A_177, %mul3A_235 : i32
        %add3A_237 = arith.constant 1 : i32
        %add3A_238 = arith.addi %mul3A_236, %add3A_237 : i32
        %dma_start3A_239 = arith.constant 1 : i32
        %dma_start3A_240 = arith.constant 1 : i32
        %dma_start3A_241 = arith.constant 0 : i32
        %dma_start3A_242 = arith.constant 0 : i32
        %dma_start3A_243 = tpu.memref_slice %arg11[%dma_start3A_239, %dma_start3A_241, %dma_start3A_242] : memref<4x128x64xf32, #tpu.memory_space<vmem>> -> memref<1x128x64xf32, #tpu.memory_space<vmem>>
        %dma_start3A_244 = tpu.memref_squeeze %dma_start3A_243 : memref<1x128x64xf32, #tpu.memory_space<vmem>> -> memref<128x64xf32, #tpu.memory_space<vmem>>
        %dma_start3A_245 = arith.constant 0 : i32
        %dma_start3A_246 = tpu.memref_slice %arg10[%add3A_238, %dma_start3A_245] : memref<8x128xi32, #tpu.memory_space<vmem>> -> memref<1x128xi32, #tpu.memory_space<vmem>>
        %dma_start3A_247 = tpu.memref_squeeze %dma_start3A_246 : memref<1x128xi32, #tpu.memory_space<vmem>> -> memref<128xi32, #tpu.memory_space<vmem>>
        %dma_start3A_248 = arith.constant 0 : i32
        %dma_start3A_249 = arith.constant 0 : i32
        %dma_start3A_250 = tpu.memref_slice %arg12[%dma_start3A_248, %dma_start3A_249] : memref<10240x64xf32, #tpu.memory_space<vmem_shared>> -> memref<10240x64xf32, #tpu.memory_space<vmem_shared>>
        %dma_start3A_251 = tpu.memref_slice %arg15[%dma_start3A_240] : memref<4x!tpu.dma_semaphore, #tpu.memory_space<semaphore_mem>> -> memref<1x!tpu.dma_semaphore, #tpu.memory_space<semaphore_mem>>
        %dma_start3A_252 = tpu.memref_squeeze %dma_start3A_251 : memref<1x!tpu.dma_semaphore, #tpu.memory_space<semaphore_mem>> -> memref<!tpu.dma_semaphore, #tpu.memory_space<semaphore_mem>>
        tpu.enqueue_indirect_dma source(%dma_start3A_244 : memref<128x64xf32, #tpu.memory_space<vmem>>) target(%dma_start3A_250 : memref<10240x64xf32, #tpu.memory_space<vmem_shared>>) offsets(%dma_start3A_247 : memref<128xi32, #tpu.memory_space<vmem>>) semaphore(%dma_start3A_252 : memref<!tpu.dma_semaphore, #tpu.memory_space<semaphore_mem>>) {add = true}
        %mul3A_253 = arith.constant 4 : i32
        %mul3A_254 = arith.muli %rem3A_177, %mul3A_253 : i32
        %add3A_255 = arith.constant 2 : i32
        %add3A_256 = arith.addi %mul3A_254, %add3A_255 : i32
        %dma_wait3A_257 = arith.constant 2 : i32
        %dma_wait3A_258 = arith.constant 2 : i32
        %dma_wait3A_259 = arith.constant 0 : i32
        %dma_wait3A_260 = arith.constant 0 : i32
        %dma_wait3A_261 = tpu.memref_slice %arg11[%dma_wait3A_257, %dma_wait3A_259, %dma_wait3A_260] : memref<4x128x64xf32, #tpu.memory_space<vmem>> -> memref<1x128x64xf32, #tpu.memory_space<vmem>>
        %dma_wait3A_262 = tpu.memref_squeeze %dma_wait3A_261 : memref<1x128x64xf32, #tpu.memory_space<vmem>> -> memref<128x64xf32, #tpu.memory_space<vmem>>
        %dma_wait3A_263 = arith.constant 0 : i32
        %dma_wait3A_264 = tpu.memref_slice %arg9[%add3A_256, %dma_wait3A_263] : memref<8x128xi32, #tpu.memory_space<vmem>> -> memref<1x128xi32, #tpu.memory_space<vmem>>
        %dma_wait3A_265 = tpu.memref_squeeze %dma_wait3A_264 : memref<1x128xi32, #tpu.memory_space<vmem>> -> memref<128xi32, #tpu.memory_space<vmem>>
        %dma_wait3A_266 = arith.constant 0 : i32
        %dma_wait3A_267 = arith.constant 0 : i32
        %dma_wait3A_268 = tpu.memref_slice %arg13[%dma_wait3A_266, %dma_wait3A_267] : memref<10016x64xf32, #tpu.memory_space<vmem_shared>> -> memref<10016x64xf32, #tpu.memory_space<vmem_shared>>
        %dma_wait3A_269 = tpu.memref_slice %arg14[%dma_wait3A_258] : memref<4x!tpu.dma_semaphore, #tpu.memory_space<semaphore_mem>> -> memref<1x!tpu.dma_semaphore, #tpu.memory_space<semaphore_mem>>
        %dma_wait3A_270 = tpu.memref_squeeze %dma_wait3A_269 : memref<1x!tpu.dma_semaphore, #tpu.memory_space<semaphore_mem>> -> memref<!tpu.dma_semaphore, #tpu.memory_space<semaphore_mem>>
        tpu.wait_indirect_dma semaphore(%dma_wait3A_270 : memref<!tpu.dma_semaphore, #tpu.memory_space<semaphore_mem>>) src(%dma_wait3A_268 : memref<10016x64xf32, #tpu.memory_space<vmem_shared>>) dst(%dma_wait3A_262 : memref<128x64xf32, #tpu.memory_space<vmem>>)
        %mul3A_271 = arith.constant 4 : i32
        %mul3A_272 = arith.muli %rem3A_177, %mul3A_271 : i32
        %add3A_273 = arith.constant 2 : i32
        %add3A_274 = arith.addi %mul3A_272, %add3A_273 : i32
        %dma_start3A_275 = arith.constant 2 : i32
        %dma_start3A_276 = arith.constant 2 : i32
        %dma_start3A_277 = arith.constant 0 : i32
        %dma_start3A_278 = arith.constant 0 : i32
        %dma_start3A_279 = tpu.memref_slice %arg11[%dma_start3A_275, %dma_start3A_277, %dma_start3A_278] : memref<4x128x64xf32, #tpu.memory_space<vmem>> -> memref<1x128x64xf32, #tpu.memory_space<vmem>>
        %dma_start3A_280 = tpu.memref_squeeze %dma_start3A_279 : memref<1x128x64xf32, #tpu.memory_space<vmem>> -> memref<128x64xf32, #tpu.memory_space<vmem>>
        %dma_start3A_281 = arith.constant 0 : i32
        %dma_start3A_282 = tpu.memref_slice %arg10[%add3A_274, %dma_start3A_281] : memref<8x128xi32, #tpu.memory_space<vmem>> -> memref<1x128xi32, #tpu.memory_space<vmem>>
        %dma_start3A_283 = tpu.memref_squeeze %dma_start3A_282 : memref<1x128xi32, #tpu.memory_space<vmem>> -> memref<128xi32, #tpu.memory_space<vmem>>
        %dma_start3A_284 = arith.constant 0 : i32
        %dma_start3A_285 = arith.constant 0 : i32
        %dma_start3A_286 = tpu.memref_slice %arg12[%dma_start3A_284, %dma_start3A_285] : memref<10240x64xf32, #tpu.memory_space<vmem_shared>> -> memref<10240x64xf32, #tpu.memory_space<vmem_shared>>
        %dma_start3A_287 = tpu.memref_slice %arg15[%dma_start3A_276] : memref<4x!tpu.dma_semaphore, #tpu.memory_space<semaphore_mem>> -> memref<1x!tpu.dma_semaphore, #tpu.memory_space<semaphore_mem>>
        %dma_start3A_288 = tpu.memref_squeeze %dma_start3A_287 : memref<1x!tpu.dma_semaphore, #tpu.memory_space<semaphore_mem>> -> memref<!tpu.dma_semaphore, #tpu.memory_space<semaphore_mem>>
        tpu.enqueue_indirect_dma source(%dma_start3A_280 : memref<128x64xf32, #tpu.memory_space<vmem>>) target(%dma_start3A_286 : memref<10240x64xf32, #tpu.memory_space<vmem_shared>>) offsets(%dma_start3A_283 : memref<128xi32, #tpu.memory_space<vmem>>) semaphore(%dma_start3A_288 : memref<!tpu.dma_semaphore, #tpu.memory_space<semaphore_mem>>) {add = true}
        %mul3A_289 = arith.constant 4 : i32
        %mul3A_290 = arith.muli %rem3A_177, %mul3A_289 : i32
        %add3A_291 = arith.constant 3 : i32
        %add3A_292 = arith.addi %mul3A_290, %add3A_291 : i32
        %dma_wait3A_293 = arith.constant 3 : i32
        %dma_wait3A_294 = arith.constant 3 : i32
        %dma_wait3A_295 = arith.constant 0 : i32
        %dma_wait3A_296 = arith.constant 0 : i32
        %dma_wait3A_297 = tpu.memref_slice %arg11[%dma_wait3A_293, %dma_wait3A_295, %dma_wait3A_296] : memref<4x128x64xf32, #tpu.memory_space<vmem>> -> memref<1x128x64xf32, #tpu.memory_space<vmem>>
        %dma_wait3A_298 = tpu.memref_squeeze %dma_wait3A_297 : memref<1x128x64xf32, #tpu.memory_space<vmem>> -> memref<128x64xf32, #tpu.memory_space<vmem>>
        %dma_wait3A_299 = arith.constant 0 : i32
        %dma_wait3A_300 = tpu.memref_slice %arg9[%add3A_292, %dma_wait3A_299] : memref<8x128xi32, #tpu.memory_space<vmem>> -> memref<1x128xi32, #tpu.memory_space<vmem>>
        %dma_wait3A_301 = tpu.memref_squeeze %dma_wait3A_300 : memref<1x128xi32, #tpu.memory_space<vmem>> -> memref<128xi32, #tpu.memory_space<vmem>>
        %dma_wait3A_302 = arith.constant 0 : i32
        %dma_wait3A_303 = arith.constant 0 : i32
        %dma_wait3A_304 = tpu.memref_slice %arg13[%dma_wait3A_302, %dma_wait3A_303] : memref<10016x64xf32, #tpu.memory_space<vmem_shared>> -> memref<10016x64xf32, #tpu.memory_space<vmem_shared>>
        %dma_wait3A_305 = tpu.memref_slice %arg14[%dma_wait3A_294] : memref<4x!tpu.dma_semaphore, #tpu.memory_space<semaphore_mem>> -> memref<1x!tpu.dma_semaphore, #tpu.memory_space<semaphore_mem>>
        %dma_wait3A_306 = tpu.memref_squeeze %dma_wait3A_305 : memref<1x!tpu.dma_semaphore, #tpu.memory_space<semaphore_mem>> -> memref<!tpu.dma_semaphore, #tpu.memory_space<semaphore_mem>>
        tpu.wait_indirect_dma semaphore(%dma_wait3A_306 : memref<!tpu.dma_semaphore, #tpu.memory_space<semaphore_mem>>) src(%dma_wait3A_304 : memref<10016x64xf32, #tpu.memory_space<vmem_shared>>) dst(%dma_wait3A_298 : memref<128x64xf32, #tpu.memory_space<vmem>>)
        %mul3A_307 = arith.constant 4 : i32
        %mul3A_308 = arith.muli %rem3A_177, %mul3A_307 : i32
        %add3A_309 = arith.constant 3 : i32
        %add3A_310 = arith.addi %mul3A_308, %add3A_309 : i32
        %dma_start3A_311 = arith.constant 3 : i32
        %dma_start3A_312 = arith.constant 3 : i32
        %dma_start3A_313 = arith.constant 0 : i32
        %dma_start3A_314 = arith.constant 0 : i32
        %dma_start3A_315 = tpu.memref_slice %arg11[%dma_start3A_311, %dma_start3A_313, %dma_start3A_314] : memref<4x128x64xf32, #tpu.memory_space<vmem>> -> memref<1x128x64xf32, #tpu.memory_space<vmem>>
        %dma_start3A_316 = tpu.memref_squeeze %dma_start3A_315 : memref<1x128x64xf32, #tpu.memory_space<vmem>> -> memref<128x64xf32, #tpu.memory_space<vmem>>
        %dma_start3A_317 = arith.constant 0 : i32
        %dma_start3A_318 = tpu.memref_slice %arg10[%add3A_310, %dma_start3A_317] : memref<8x128xi32, #tpu.memory_space<vmem>> -> memref<1x128xi32, #tpu.memory_space<vmem>>
        %dma_start3A_319 = tpu.memref_squeeze %dma_start3A_318 : memref<1x128xi32, #tpu.memory_space<vmem>> -> memref<128xi32, #tpu.memory_space<vmem>>
        %dma_start3A_320 = arith.constant 0 : i32
        %dma_start3A_321 = arith.constant 0 : i32
        %dma_start3A_322 = tpu.memref_slice %arg12[%dma_start3A_320, %dma_start3A_321] : memref<10240x64xf32, #tpu.memory_space<vmem_shared>> -> memref<10240x64xf32, #tpu.memory_space<vmem_shared>>
        %dma_start3A_323 = tpu.memref_slice %arg15[%dma_start3A_312] : memref<4x!tpu.dma_semaphore, #tpu.memory_space<semaphore_mem>> -> memref<1x!tpu.dma_semaphore, #tpu.memory_space<semaphore_mem>>
        %dma_start3A_324 = tpu.memref_squeeze %dma_start3A_323 : memref<1x!tpu.dma_semaphore, #tpu.memory_space<semaphore_mem>> -> memref<!tpu.dma_semaphore, #tpu.memory_space<semaphore_mem>>
        tpu.enqueue_indirect_dma source(%dma_start3A_316 : memref<128x64xf32, #tpu.memory_space<vmem>>) target(%dma_start3A_322 : memref<10240x64xf32, #tpu.memory_space<vmem_shared>>) offsets(%dma_start3A_319 : memref<128xi32, #tpu.memory_space<vmem>>) semaphore(%dma_start3A_324 : memref<!tpu.dma_semaphore, #tpu.memory_space<semaphore_mem>>) {add = true}
        %dma_wait3A_325 = arith.constant 0 : i32
        %dma_wait3A_326 = arith.constant 0 : i32
        %dma_wait3A_327 = arith.constant 0 : i32
        %dma_wait3A_328 = arith.constant 0 : i32
        %dma_wait3A_329 = tpu.memref_slice %arg11[%dma_wait3A_325, %dma_wait3A_327, %dma_wait3A_328] : memref<4x128x64xf32, #tpu.memory_space<vmem>> -> memref<1x128x64xf32, #tpu.memory_space<vmem>>
        %dma_wait3A_330 = tpu.memref_squeeze %dma_wait3A_329 : memref<1x128x64xf32, #tpu.memory_space<vmem>> -> memref<128x64xf32, #tpu.memory_space<vmem>>
        %dma_wait3A_331 = arith.constant 0 : i32
        %dma_wait3A_332 = tpu.memref_slice %arg10[%add3A_202, %dma_wait3A_331] : memref<8x128xi32, #tpu.memory_space<vmem>> -> memref<1x128xi32, #tpu.memory_space<vmem>>
        %dma_wait3A_333 = tpu.memref_squeeze %dma_wait3A_332 : memref<1x128xi32, #tpu.memory_space<vmem>> -> memref<128xi32, #tpu.memory_space<vmem>>
        %dma_wait3A_334 = arith.constant 0 : i32
        %dma_wait3A_335 = arith.constant 0 : i32
        %dma_wait3A_336 = tpu.memref_slice %arg12[%dma_wait3A_334, %dma_wait3A_335] : memref<10240x64xf32, #tpu.memory_space<vmem_shared>> -> memref<10240x64xf32, #tpu.memory_space<vmem_shared>>
        %dma_wait3A_337 = tpu.memref_slice %arg15[%dma_wait3A_326] : memref<4x!tpu.dma_semaphore, #tpu.memory_space<semaphore_mem>> -> memref<1x!tpu.dma_semaphore, #tpu.memory_space<semaphore_mem>>
        %dma_wait3A_338 = tpu.memref_squeeze %dma_wait3A_337 : memref<1x!tpu.dma_semaphore, #tpu.memory_space<semaphore_mem>> -> memref<!tpu.dma_semaphore, #tpu.memory_space<semaphore_mem>>
        tpu.wait_indirect_dma semaphore(%dma_wait3A_338 : memref<!tpu.dma_semaphore, #tpu.memory_space<semaphore_mem>>) src(%dma_wait3A_330 : memref<128x64xf32, #tpu.memory_space<vmem>>) dst(%dma_wait3A_336 : memref<10240x64xf32, #tpu.memory_space<vmem_shared>>)
        %dma_wait3A_339 = arith.constant 1 : i32
        %dma_wait3A_340 = arith.constant 1 : i32
        %dma_wait3A_341 = arith.constant 0 : i32
        %dma_wait3A_342 = arith.constant 0 : i32
        %dma_wait3A_343 = tpu.memref_slice %arg11[%dma_wait3A_339, %dma_wait3A_341, %dma_wait3A_342] : memref<4x128x64xf32, #tpu.memory_space<vmem>> -> memref<1x128x64xf32, #tpu.memory_space<vmem>>
        %dma_wait3A_344 = tpu.memref_squeeze %dma_wait3A_343 : memref<1x128x64xf32, #tpu.memory_space<vmem>> -> memref<128x64xf32, #tpu.memory_space<vmem>>
        %dma_wait3A_345 = arith.constant 0 : i32
        %dma_wait3A_346 = tpu.memref_slice %arg10[%add3A_238, %dma_wait3A_345] : memref<8x128xi32, #tpu.memory_space<vmem>> -> memref<1x128xi32, #tpu.memory_space<vmem>>
        %dma_wait3A_347 = tpu.memref_squeeze %dma_wait3A_346 : memref<1x128xi32, #tpu.memory_space<vmem>> -> memref<128xi32, #tpu.memory_space<vmem>>
        %dma_wait3A_348 = arith.constant 0 : i32
        %dma_wait3A_349 = arith.constant 0 : i32
        %dma_wait3A_350 = tpu.memref_slice %arg12[%dma_wait3A_348, %dma_wait3A_349] : memref<10240x64xf32, #tpu.memory_space<vmem_shared>> -> memref<10240x64xf32, #tpu.memory_space<vmem_shared>>
        %dma_wait3A_351 = tpu.memref_slice %arg15[%dma_wait3A_340] : memref<4x!tpu.dma_semaphore, #tpu.memory_space<semaphore_mem>> -> memref<1x!tpu.dma_semaphore, #tpu.memory_space<semaphore_mem>>
        %dma_wait3A_352 = tpu.memref_squeeze %dma_wait3A_351 : memref<1x!tpu.dma_semaphore, #tpu.memory_space<semaphore_mem>> -> memref<!tpu.dma_semaphore, #tpu.memory_space<semaphore_mem>>
        tpu.wait_indirect_dma semaphore(%dma_wait3A_352 : memref<!tpu.dma_semaphore, #tpu.memory_space<semaphore_mem>>) src(%dma_wait3A_344 : memref<128x64xf32, #tpu.memory_space<vmem>>) dst(%dma_wait3A_350 : memref<10240x64xf32, #tpu.memory_space<vmem_shared>>)
        %dma_wait3A_353 = arith.constant 2 : i32
        %dma_wait3A_354 = arith.constant 2 : i32
        %dma_wait3A_355 = arith.constant 0 : i32
        %dma_wait3A_356 = arith.constant 0 : i32
        %dma_wait3A_357 = tpu.memref_slice %arg11[%dma_wait3A_353, %dma_wait3A_355, %dma_wait3A_356] : memref<4x128x64xf32, #tpu.memory_space<vmem>> -> memref<1x128x64xf32, #tpu.memory_space<vmem>>
        %dma_wait3A_358 = tpu.memref_squeeze %dma_wait3A_357 : memref<1x128x64xf32, #tpu.memory_space<vmem>> -> memref<128x64xf32, #tpu.memory_space<vmem>>
        %dma_wait3A_359 = arith.constant 0 : i32
        %dma_wait3A_360 = tpu.memref_slice %arg10[%add3A_274, %dma_wait3A_359] : memref<8x128xi32, #tpu.memory_space<vmem>> -> memref<1x128xi32, #tpu.memory_space<vmem>>
        %dma_wait3A_361 = tpu.memref_squeeze %dma_wait3A_360 : memref<1x128xi32, #tpu.memory_space<vmem>> -> memref<128xi32, #tpu.memory_space<vmem>>
        %dma_wait3A_362 = arith.constant 0 : i32
        %dma_wait3A_363 = arith.constant 0 : i32
        %dma_wait3A_364 = tpu.memref_slice %arg12[%dma_wait3A_362, %dma_wait3A_363] : memref<10240x64xf32, #tpu.memory_space<vmem_shared>> -> memref<10240x64xf32, #tpu.memory_space<vmem_shared>>
        %dma_wait3A_365 = tpu.memref_slice %arg15[%dma_wait3A_354] : memref<4x!tpu.dma_semaphore, #tpu.memory_space<semaphore_mem>> -> memref<1x!tpu.dma_semaphore, #tpu.memory_space<semaphore_mem>>
        %dma_wait3A_366 = tpu.memref_squeeze %dma_wait3A_365 : memref<1x!tpu.dma_semaphore, #tpu.memory_space<semaphore_mem>> -> memref<!tpu.dma_semaphore, #tpu.memory_space<semaphore_mem>>
        tpu.wait_indirect_dma semaphore(%dma_wait3A_366 : memref<!tpu.dma_semaphore, #tpu.memory_space<semaphore_mem>>) src(%dma_wait3A_358 : memref<128x64xf32, #tpu.memory_space<vmem>>) dst(%dma_wait3A_364 : memref<10240x64xf32, #tpu.memory_space<vmem_shared>>)
        %dma_wait3A_367 = arith.constant 3 : i32
        %dma_wait3A_368 = arith.constant 3 : i32
        %dma_wait3A_369 = arith.constant 0 : i32
        %dma_wait3A_370 = arith.constant 0 : i32
        %dma_wait3A_371 = tpu.memref_slice %arg11[%dma_wait3A_367, %dma_wait3A_369, %dma_wait3A_370] : memref<4x128x64xf32, #tpu.memory_space<vmem>> -> memref<1x128x64xf32, #tpu.memory_space<vmem>>
        %dma_wait3A_372 = tpu.memref_squeeze %dma_wait3A_371 : memref<1x128x64xf32, #tpu.memory_space<vmem>> -> memref<128x64xf32, #tpu.memory_space<vmem>>
        %dma_wait3A_373 = arith.constant 0 : i32
        %dma_wait3A_374 = tpu.memref_slice %arg10[%add3A_310, %dma_wait3A_373] : memref<8x128xi32, #tpu.memory_space<vmem>> -> memref<1x128xi32, #tpu.memory_space<vmem>>
        %dma_wait3A_375 = tpu.memref_squeeze %dma_wait3A_374 : memref<1x128xi32, #tpu.memory_space<vmem>> -> memref<128xi32, #tpu.memory_space<vmem>>
        %dma_wait3A_376 = arith.constant 0 : i32
        %dma_wait3A_377 = arith.constant 0 : i32
        %dma_wait3A_378 = tpu.memref_slice %arg12[%dma_wait3A_376, %dma_wait3A_377] : memref<10240x64xf32, #tpu.memory_space<vmem_shared>> -> memref<10240x64xf32, #tpu.memory_space<vmem_shared>>
        %dma_wait3A_379 = tpu.memref_slice %arg15[%dma_wait3A_368] : memref<4x!tpu.dma_semaphore, #tpu.memory_space<semaphore_mem>> -> memref<1x!tpu.dma_semaphore, #tpu.memory_space<semaphore_mem>>
        %dma_wait3A_380 = tpu.memref_squeeze %dma_wait3A_379 : memref<1x!tpu.dma_semaphore, #tpu.memory_space<semaphore_mem>> -> memref<!tpu.dma_semaphore, #tpu.memory_space<semaphore_mem>>
        tpu.wait_indirect_dma semaphore(%dma_wait3A_380 : memref<!tpu.dma_semaphore, #tpu.memory_space<semaphore_mem>>) src(%dma_wait3A_372 : memref<128x64xf32, #tpu.memory_space<vmem>>) dst(%dma_wait3A_378 : memref<10240x64xf32, #tpu.memory_space<vmem_shared>>)
        %lt3A = arith.constant 17 : i32
        %lt3A_381 = arith.cmpi slt, %scan3A_176, %lt3A : i32
        %convert_element_type3A_382 = arith.extui %lt3A_381 : i1 to i32
        %cond3A_383 = arith.constant 0 : i32
        %cond3A_384 = arith.cmpi ne, %convert_element_type3A_382, %cond3A_383 : i32
        scf.if %cond3A_384 {
          %add3A_385 = arith.constant 1 : i32
          %add3A_386 = arith.addi %scan3A_176, %add3A_385 : i32
          %mul3A_387 = arith.constant 4 : i32
          %mul3A_388 = arith.muli %add3A_386, %mul3A_387 : i32
          %mul3A_389 = arith.constant 4 : i32
          %mul3A_390 = arith.muli %rem3A_180, %mul3A_389 : i32
          %mul3A_391 = arith.constant 4 : i32
          %mul3A_392 = arith.muli %add3A_386, %mul3A_391 : i32
          %mul3A_393 = arith.constant 4 : i32
          %mul3A_394 = arith.muli %rem3A_180, %mul3A_393 : i32
          %dma_wait3A_395 = arith.constant 0 : i32
          %dma_wait3A_396 = arith.constant 0 : i32
          %dma_wait3A_397 = tpu.memref_slice %arg9[%mul3A_390, %dma_wait3A_396] : memref<8x128xi32, #tpu.memory_space<vmem>> -> memref<4x128xi32, #tpu.memory_space<vmem>>
          %dma_wait3A_398 = arith.constant 0 : i32
          %dma_wait3A_399 = tpu.memref_slice %arg4[%arg1, %mul3A_388, %dma_wait3A_398] : memref<16x72x128xi32, #tpu.memory_space<hbm>> -> memref<1x4x128xi32, #tpu.memory_space<hbm>>
          %dma_wait3A_400 = tpu.memref_squeeze %dma_wait3A_399 : memref<1x4x128xi32, #tpu.memory_space<hbm>> -> memref<4x128xi32, #tpu.memory_space<hbm>>
          %dma_wait3A_401 = tpu.memref_slice %arg16[%dma_wait3A_395] : memref<2x!tpu.dma_semaphore, #tpu.memory_space<semaphore_mem>> -> memref<1x!tpu.dma_semaphore, #tpu.memory_space<semaphore_mem>>
          %dma_wait3A_402 = tpu.memref_squeeze %dma_wait3A_401 : memref<1x!tpu.dma_semaphore, #tpu.memory_space<semaphore_mem>> -> memref<!tpu.dma_semaphore, #tpu.memory_space<semaphore_mem>>
          %dma_wait3A_403 = arith.constant 0 : i32
          %dma_wait3A_404 = tpu.memref_slice %arg9[%mul3A_390, %dma_wait3A_403] : memref<8x128xi32, #tpu.memory_space<vmem>> -> memref<4x128xi32, #tpu.memory_space<vmem>>
          %dma_wait3A_405 = arith.constant 0 : i32
          %dma_wait3A_406 = tpu.memref_slice %arg4[%arg1, %mul3A_388, %dma_wait3A_405] : memref<16x72x128xi32, #tpu.memory_space<hbm>> -> memref<1x4x128xi32, #tpu.memory_space<hbm>>
          %dma_wait3A_407 = tpu.memref_squeeze %dma_wait3A_406 : memref<1x4x128xi32, #tpu.memory_space<hbm>> -> memref<4x128xi32, #tpu.memory_space<hbm>>
          tpu.wait_dma2 semaphore(%dma_wait3A_402 : memref<!tpu.dma_semaphore, #tpu.memory_space<semaphore_mem>>) src(%dma_wait3A_407 : memref<4x128xi32, #tpu.memory_space<hbm>>) dst(%dma_wait3A_404 : memref<4x128xi32, #tpu.memory_space<vmem>>)
          %dma_wait3A_408 = arith.constant 1 : i32
          %dma_wait3A_409 = arith.constant 0 : i32
          %dma_wait3A_410 = tpu.memref_slice %arg10[%mul3A_394, %dma_wait3A_409] : memref<8x128xi32, #tpu.memory_space<vmem>> -> memref<4x128xi32, #tpu.memory_space<vmem>>
          %dma_wait3A_411 = arith.constant 0 : i32
          %dma_wait3A_412 = tpu.memref_slice %arg5[%arg1, %mul3A_392, %dma_wait3A_411] : memref<16x72x128xi32, #tpu.memory_space<hbm>> -> memref<1x4x128xi32, #tpu.memory_space<hbm>>
          %dma_wait3A_413 = tpu.memref_squeeze %dma_wait3A_412 : memref<1x4x128xi32, #tpu.memory_space<hbm>> -> memref<4x128xi32, #tpu.memory_space<hbm>>
          %dma_wait3A_414 = tpu.memref_slice %arg16[%dma_wait3A_408] : memref<2x!tpu.dma_semaphore, #tpu.memory_space<semaphore_mem>> -> memref<1x!tpu.dma_semaphore, #tpu.memory_space<semaphore_mem>>
          %dma_wait3A_415 = tpu.memref_squeeze %dma_wait3A_414 : memref<1x!tpu.dma_semaphore, #tpu.memory_space<semaphore_mem>> -> memref<!tpu.dma_semaphore, #tpu.memory_space<semaphore_mem>>
          %dma_wait3A_416 = arith.constant 0 : i32
          %dma_wait3A_417 = tpu.memref_slice %arg10[%mul3A_394, %dma_wait3A_416] : memref<8x128xi32, #tpu.memory_space<vmem>> -> memref<4x128xi32, #tpu.memory_space<vmem>>
          %dma_wait3A_418 = arith.constant 0 : i32
          %dma_wait3A_419 = tpu.memref_slice %arg5[%arg1, %mul3A_392, %dma_wait3A_418] : memref<16x72x128xi32, #tpu.memory_space<hbm>> -> memref<1x4x128xi32, #tpu.memory_space<hbm>>
          %dma_wait3A_420 = tpu.memref_squeeze %dma_wait3A_419 : memref<1x4x128xi32, #tpu.memory_space<hbm>> -> memref<4x128xi32, #tpu.memory_space<hbm>>
          tpu.wait_dma2 semaphore(%dma_wait3A_415 : memref<!tpu.dma_semaphore, #tpu.memory_space<semaphore_mem>>) src(%dma_wait3A_420 : memref<4x128xi32, #tpu.memory_space<hbm>>) dst(%dma_wait3A_417 : memref<4x128xi32, #tpu.memory_space<vmem>>)
          %mul3A_421 = arith.constant 4 : i32
          %mul3A_422 = arith.muli %rem3A_180, %mul3A_421 : i32
          %add3A_423 = arith.constant 0 : i32
          %add3A_424 = arith.addi %mul3A_422, %add3A_423 : i32
          %dma_start3A_425 = arith.constant 0 : i32
          %dma_start3A_426 = arith.constant 0 : i32
          %dma_start3A_427 = arith.constant 0 : i32
          %dma_start3A_428 = arith.constant 0 : i32
          %dma_start3A_429 = tpu.memref_slice %arg11[%dma_start3A_425, %dma_start3A_427, %dma_start3A_428] : memref<4x128x64xf32, #tpu.memory_space<vmem>> -> memref<1x128x64xf32, #tpu.memory_space<vmem>>
          %dma_start3A_430 = tpu.memref_squeeze %dma_start3A_429 : memref<1x128x64xf32, #tpu.memory_space<vmem>> -> memref<128x64xf32, #tpu.memory_space<vmem>>
          %dma_start3A_431 = arith.constant 0 : i32
          %dma_start3A_432 = tpu.memref_slice %arg9[%add3A_424, %dma_start3A_431] : memref<8x128xi32, #tpu.memory_space<vmem>> -> memref<1x128xi32, #tpu.memory_space<vmem>>
          %dma_start3A_433 = tpu.memref_squeeze %dma_start3A_432 : memref<1x128xi32, #tpu.memory_space<vmem>> -> memref<128xi32, #tpu.memory_space<vmem>>
          %dma_start3A_434 = arith.constant 0 : i32
          %dma_start3A_435 = arith.constant 0 : i32
          %dma_start3A_436 = tpu.memref_slice %arg13[%dma_start3A_434, %dma_start3A_435] : memref<10016x64xf32, #tpu.memory_space<vmem_shared>> -> memref<10016x64xf32, #tpu.memory_space<vmem_shared>>
          %dma_start3A_437 = tpu.memref_slice %arg14[%dma_start3A_426] : memref<4x!tpu.dma_semaphore, #tpu.memory_space<semaphore_mem>> -> memref<1x!tpu.dma_semaphore, #tpu.memory_space<semaphore_mem>>
          %dma_start3A_438 = tpu.memref_squeeze %dma_start3A_437 : memref<1x!tpu.dma_semaphore, #tpu.memory_space<semaphore_mem>> -> memref<!tpu.dma_semaphore, #tpu.memory_space<semaphore_mem>>
          tpu.enqueue_indirect_dma source(%dma_start3A_436 : memref<10016x64xf32, #tpu.memory_space<vmem_shared>>) target(%dma_start3A_430 : memref<128x64xf32, #tpu.memory_space<vmem>>) offsets(%dma_start3A_433 : memref<128xi32, #tpu.memory_space<vmem>>) semaphore(%dma_start3A_438 : memref<!tpu.dma_semaphore, #tpu.memory_space<semaphore_mem>>)
          %mul3A_439 = arith.constant 4 : i32
          %mul3A_440 = arith.muli %rem3A_180, %mul3A_439 : i32
          %add3A_441 = arith.constant 1 : i32
          %add3A_442 = arith.addi %mul3A_440, %add3A_441 : i32
          %dma_start3A_443 = arith.constant 1 : i32
          %dma_start3A_444 = arith.constant 1 : i32
          %dma_start3A_445 = arith.constant 0 : i32
          %dma_start3A_446 = arith.constant 0 : i32
          %dma_start3A_447 = tpu.memref_slice %arg11[%dma_start3A_443, %dma_start3A_445, %dma_start3A_446] : memref<4x128x64xf32, #tpu.memory_space<vmem>> -> memref<1x128x64xf32, #tpu.memory_space<vmem>>
          %dma_start3A_448 = tpu.memref_squeeze %dma_start3A_447 : memref<1x128x64xf32, #tpu.memory_space<vmem>> -> memref<128x64xf32, #tpu.memory_space<vmem>>
          %dma_start3A_449 = arith.constant 0 : i32
          %dma_start3A_450 = tpu.memref_slice %arg9[%add3A_442, %dma_start3A_449] : memref<8x128xi32, #tpu.memory_space<vmem>> -> memref<1x128xi32, #tpu.memory_space<vmem>>
          %dma_start3A_451 = tpu.memref_squeeze %dma_start3A_450 : memref<1x128xi32, #tpu.memory_space<vmem>> -> memref<128xi32, #tpu.memory_space<vmem>>
          %dma_start3A_452 = arith.constant 0 : i32
          %dma_start3A_453 = arith.constant 0 : i32
          %dma_start3A_454 = tpu.memref_slice %arg13[%dma_start3A_452, %dma_start3A_453] : memref<10016x64xf32, #tpu.memory_space<vmem_shared>> -> memref<10016x64xf32, #tpu.memory_space<vmem_shared>>
          %dma_start3A_455 = tpu.memref_slice %arg14[%dma_start3A_444] : memref<4x!tpu.dma_semaphore, #tpu.memory_space<semaphore_mem>> -> memref<1x!tpu.dma_semaphore, #tpu.memory_space<semaphore_mem>>
          %dma_start3A_456 = tpu.memref_squeeze %dma_start3A_455 : memref<1x!tpu.dma_semaphore, #tpu.memory_space<semaphore_mem>> -> memref<!tpu.dma_semaphore, #tpu.memory_space<semaphore_mem>>
          tpu.enqueue_indirect_dma source(%dma_start3A_454 : memref<10016x64xf32, #tpu.memory_space<vmem_shared>>) target(%dma_start3A_448 : memref<128x64xf32, #tpu.memory_space<vmem>>) offsets(%dma_start3A_451 : memref<128xi32, #tpu.memory_space<vmem>>) semaphore(%dma_start3A_456 : memref<!tpu.dma_semaphore, #tpu.memory_space<semaphore_mem>>)
          %mul3A_457 = arith.constant 4 : i32
          %mul3A_458 = arith.muli %rem3A_180, %mul3A_457 : i32
          %add3A_459 = arith.constant 2 : i32
          %add3A_460 = arith.addi %mul3A_458, %add3A_459 : i32
          %dma_start3A_461 = arith.constant 2 : i32
          %dma_start3A_462 = arith.constant 2 : i32
          %dma_start3A_463 = arith.constant 0 : i32
          %dma_start3A_464 = arith.constant 0 : i32
          %dma_start3A_465 = tpu.memref_slice %arg11[%dma_start3A_461, %dma_start3A_463, %dma_start3A_464] : memref<4x128x64xf32, #tpu.memory_space<vmem>> -> memref<1x128x64xf32, #tpu.memory_space<vmem>>
          %dma_start3A_466 = tpu.memref_squeeze %dma_start3A_465 : memref<1x128x64xf32, #tpu.memory_space<vmem>> -> memref<128x64xf32, #tpu.memory_space<vmem>>
          %dma_start3A_467 = arith.constant 0 : i32
          %dma_start3A_468 = tpu.memref_slice %arg9[%add3A_460, %dma_start3A_467] : memref<8x128xi32, #tpu.memory_space<vmem>> -> memref<1x128xi32, #tpu.memory_space<vmem>>
          %dma_start3A_469 = tpu.memref_squeeze %dma_start3A_468 : memref<1x128xi32, #tpu.memory_space<vmem>> -> memref<128xi32, #tpu.memory_space<vmem>>
          %dma_start3A_470 = arith.constant 0 : i32
          %dma_start3A_471 = arith.constant 0 : i32
          %dma_start3A_472 = tpu.memref_slice %arg13[%dma_start3A_470, %dma_start3A_471] : memref<10016x64xf32, #tpu.memory_space<vmem_shared>> -> memref<10016x64xf32, #tpu.memory_space<vmem_shared>>
          %dma_start3A_473 = tpu.memref_slice %arg14[%dma_start3A_462] : memref<4x!tpu.dma_semaphore, #tpu.memory_space<semaphore_mem>> -> memref<1x!tpu.dma_semaphore, #tpu.memory_space<semaphore_mem>>
          %dma_start3A_474 = tpu.memref_squeeze %dma_start3A_473 : memref<1x!tpu.dma_semaphore, #tpu.memory_space<semaphore_mem>> -> memref<!tpu.dma_semaphore, #tpu.memory_space<semaphore_mem>>
          tpu.enqueue_indirect_dma source(%dma_start3A_472 : memref<10016x64xf32, #tpu.memory_space<vmem_shared>>) target(%dma_start3A_466 : memref<128x64xf32, #tpu.memory_space<vmem>>) offsets(%dma_start3A_469 : memref<128xi32, #tpu.memory_space<vmem>>) semaphore(%dma_start3A_474 : memref<!tpu.dma_semaphore, #tpu.memory_space<semaphore_mem>>)
          %mul3A_475 = arith.constant 4 : i32
          %mul3A_476 = arith.muli %rem3A_180, %mul3A_475 : i32
          %add3A_477 = arith.constant 3 : i32
          %add3A_478 = arith.addi %mul3A_476, %add3A_477 : i32
          %dma_start3A_479 = arith.constant 3 : i32
          %dma_start3A_480 = arith.constant 3 : i32
          %dma_start3A_481 = arith.constant 0 : i32
          %dma_start3A_482 = arith.constant 0 : i32
          %dma_start3A_483 = tpu.memref_slice %arg11[%dma_start3A_479, %dma_start3A_481, %dma_start3A_482] : memref<4x128x64xf32, #tpu.memory_space<vmem>> -> memref<1x128x64xf32, #tpu.memory_space<vmem>>
          %dma_start3A_484 = tpu.memref_squeeze %dma_start3A_483 : memref<1x128x64xf32, #tpu.memory_space<vmem>> -> memref<128x64xf32, #tpu.memory_space<vmem>>
          %dma_start3A_485 = arith.constant 0 : i32
          %dma_start3A_486 = tpu.memref_slice %arg9[%add3A_478, %dma_start3A_485] : memref<8x128xi32, #tpu.memory_space<vmem>> -> memref<1x128xi32, #tpu.memory_space<vmem>>
          %dma_start3A_487 = tpu.memref_squeeze %dma_start3A_486 : memref<1x128xi32, #tpu.memory_space<vmem>> -> memref<128xi32, #tpu.memory_space<vmem>>
          %dma_start3A_488 = arith.constant 0 : i32
          %dma_start3A_489 = arith.constant 0 : i32
          %dma_start3A_490 = tpu.memref_slice %arg13[%dma_start3A_488, %dma_start3A_489] : memref<10016x64xf32, #tpu.memory_space<vmem_shared>> -> memref<10016x64xf32, #tpu.memory_space<vmem_shared>>
          %dma_start3A_491 = tpu.memref_slice %arg14[%dma_start3A_480] : memref<4x!tpu.dma_semaphore, #tpu.memory_space<semaphore_mem>> -> memref<1x!tpu.dma_semaphore, #tpu.memory_space<semaphore_mem>>
          %dma_start3A_492 = tpu.memref_squeeze %dma_start3A_491 : memref<1x!tpu.dma_semaphore, #tpu.memory_space<semaphore_mem>> -> memref<!tpu.dma_semaphore, #tpu.memory_space<semaphore_mem>>
          tpu.enqueue_indirect_dma source(%dma_start3A_490 : memref<10016x64xf32, #tpu.memory_space<vmem_shared>>) target(%dma_start3A_484 : memref<128x64xf32, #tpu.memory_space<vmem>>) offsets(%dma_start3A_487 : memref<128xi32, #tpu.memory_space<vmem>>) semaphore(%dma_start3A_492 : memref<!tpu.dma_semaphore, #tpu.memory_space<semaphore_mem>>)
          %lt3A_493 = arith.constant 16 : i32
          %lt3A_494 = arith.cmpi slt, %scan3A_176, %lt3A_493 : i32
          %convert_element_type3A_495 = arith.extui %lt3A_494 : i1 to i32
          %cond3A_496 = arith.constant 0 : i32
          %cond3A_497 = arith.cmpi ne, %convert_element_type3A_495, %cond3A_496 : i32
          scf.if %cond3A_497 {
            %add3A_498 = arith.constant 2 : i32
            %add3A_499 = arith.addi %scan3A_176, %add3A_498 : i32
            %mul3A_500 = arith.constant 4 : i32
            %mul3A_501 = arith.muli %add3A_499, %mul3A_500 : i32
            %mul3A_502 = arith.constant 4 : i32
            %mul3A_503 = arith.muli %rem3A_177, %mul3A_502 : i32
            %mul3A_504 = arith.constant 4 : i32
            %mul3A_505 = arith.muli %add3A_499, %mul3A_504 : i32
            %mul3A_506 = arith.constant 4 : i32
            %mul3A_507 = arith.muli %rem3A_177, %mul3A_506 : i32
            %dma_start3A_508 = arith.constant 0 : i32
            %dma_start3A_509 = arith.constant 0 : i32
            %dma_start3A_510 = tpu.memref_slice %arg9[%mul3A_503, %dma_start3A_509] : memref<8x128xi32, #tpu.memory_space<vmem>> -> memref<4x128xi32, #tpu.memory_space<vmem>>
            %dma_start3A_511 = arith.constant 0 : i32
            %dma_start3A_512 = tpu.memref_slice %arg4[%arg1, %mul3A_501, %dma_start3A_511] : memref<16x72x128xi32, #tpu.memory_space<hbm>> -> memref<1x4x128xi32, #tpu.memory_space<hbm>>
            %dma_start3A_513 = tpu.memref_squeeze %dma_start3A_512 : memref<1x4x128xi32, #tpu.memory_space<hbm>> -> memref<4x128xi32, #tpu.memory_space<hbm>>
            %dma_start3A_514 = tpu.memref_slice %arg16[%dma_start3A_508] : memref<2x!tpu.dma_semaphore, #tpu.memory_space<semaphore_mem>> -> memref<1x!tpu.dma_semaphore, #tpu.memory_space<semaphore_mem>>
            %dma_start3A_515 = tpu.memref_squeeze %dma_start3A_514 : memref<1x!tpu.dma_semaphore, #tpu.memory_space<semaphore_mem>> -> memref<!tpu.dma_semaphore, #tpu.memory_space<semaphore_mem>>
            %dma_start3A_516 = arith.constant 0 : i32
            %dma_start3A_517 = tpu.memref_slice %arg9[%mul3A_503, %dma_start3A_516] : memref<8x128xi32, #tpu.memory_space<vmem>> -> memref<4x128xi32, #tpu.memory_space<vmem>>
            %dma_start3A_518 = arith.constant 0 : i32
            %dma_start3A_519 = tpu.memref_slice %arg4[%arg1, %mul3A_501, %dma_start3A_518] : memref<16x72x128xi32, #tpu.memory_space<hbm>> -> memref<1x4x128xi32, #tpu.memory_space<hbm>>
            %dma_start3A_520 = tpu.memref_squeeze %dma_start3A_519 : memref<1x4x128xi32, #tpu.memory_space<hbm>> -> memref<4x128xi32, #tpu.memory_space<hbm>>
            tpu.enqueue_dma source(%dma_start3A_520 : memref<4x128xi32, #tpu.memory_space<hbm>>) target(%dma_start3A_517 : memref<4x128xi32, #tpu.memory_space<vmem>>) target_semaphore(%dma_start3A_515 : memref<!tpu.dma_semaphore, #tpu.memory_space<semaphore_mem>>)
            %dma_start3A_521 = arith.constant 1 : i32
            %dma_start3A_522 = arith.constant 0 : i32
            %dma_start3A_523 = tpu.memref_slice %arg10[%mul3A_507, %dma_start3A_522] : memref<8x128xi32, #tpu.memory_space<vmem>> -> memref<4x128xi32, #tpu.memory_space<vmem>>
            %dma_start3A_524 = arith.constant 0 : i32
            %dma_start3A_525 = tpu.memref_slice %arg5[%arg1, %mul3A_505, %dma_start3A_524] : memref<16x72x128xi32, #tpu.memory_space<hbm>> -> memref<1x4x128xi32, #tpu.memory_space<hbm>>
            %dma_start3A_526 = tpu.memref_squeeze %dma_start3A_525 : memref<1x4x128xi32, #tpu.memory_space<hbm>> -> memref<4x128xi32, #tpu.memory_space<hbm>>
            %dma_start3A_527 = tpu.memref_slice %arg16[%dma_start3A_521] : memref<2x!tpu.dma_semaphore, #tpu.memory_space<semaphore_mem>> -> memref<1x!tpu.dma_semaphore, #tpu.memory_space<semaphore_mem>>
            %dma_start3A_528 = tpu.memref_squeeze %dma_start3A_527 : memref<1x!tpu.dma_semaphore, #tpu.memory_space<semaphore_mem>> -> memref<!tpu.dma_semaphore, #tpu.memory_space<semaphore_mem>>
            %dma_start3A_529 = arith.constant 0 : i32
            %dma_start3A_530 = tpu.memref_slice %arg10[%mul3A_507, %dma_start3A_529] : memref<8x128xi32, #tpu.memory_space<vmem>> -> memref<4x128xi32, #tpu.memory_space<vmem>>
            %dma_start3A_531 = arith.constant 0 : i32
            %dma_start3A_532 = tpu.memref_slice %arg5[%arg1, %mul3A_505, %dma_start3A_531] : memref<16x72x128xi32, #tpu.memory_space<hbm>> -> memref<1x4x128xi32, #tpu.memory_space<hbm>>
            %dma_start3A_533 = tpu.memref_squeeze %dma_start3A_532 : memref<1x4x128xi32, #tpu.memory_space<hbm>> -> memref<4x128xi32, #tpu.memory_space<hbm>>
            tpu.enqueue_dma source(%dma_start3A_533 : memref<4x128xi32, #tpu.memory_space<hbm>>) target(%dma_start3A_530 : memref<4x128xi32, #tpu.memory_space<vmem>>) target_semaphore(%dma_start3A_528 : memref<!tpu.dma_semaphore, #tpu.memory_space<semaphore_mem>>)
          } else {
          }
        } else {
        }
      }
      %scan3A_175 = arith.constant 18 : i32
    } else {
    }
    %barrier3A_10 = arith.constant 0 : index
    tpu.barrier barrier_id(%barrier3A_10)
    "tpu.region"() ({
      %run_scoped3A = tpu.sem_alloc : memref<!tpu.dma_semaphore, #tpu.memory_space<semaphore_mem>>
      %dma_start3A = arith.constant 0 : i32
      %dma_start3A_11 = tpu.memref_slice %arg8[%arg0, %mul3A_2, %dma_start3A] : memref<2x10240x64xf32, #tpu.memory_space<hbm>> -> memref<1x640x64xf32, #tpu.memory_space<hbm>>
      %dma_start3A_12 = tpu.memref_squeeze %dma_start3A_11 : memref<1x640x64xf32, #tpu.memory_space<hbm>> -> memref<640x64xf32, #tpu.memory_space<hbm>>
      %dma_start3A_13 = arith.constant 0 : i32
      %dma_start3A_14 = tpu.memref_slice %arg12[%mul3A_2, %dma_start3A_13] : memref<10240x64xf32, #tpu.memory_space<vmem_shared>> -> memref<640x64xf32, #tpu.memory_space<vmem_shared>>
      tpu.enqueue_dma source(%dma_start3A_14 : memref<640x64xf32, #tpu.memory_space<vmem_shared>>) target(%dma_start3A_12 : memref<640x64xf32, #tpu.memory_space<hbm>>) target_semaphore(%run_scoped3A : memref<!tpu.dma_semaphore, #tpu.memory_space<semaphore_mem>>)
      %dma_wait3A = arith.constant 0 : i32
      %dma_wait3A_15 = tpu.memref_slice %arg8[%arg0, %mul3A_2, %dma_wait3A] : memref<2x10240x64xf32, #tpu.memory_space<hbm>> -> memref<1x640x64xf32, #tpu.memory_space<hbm>>
      %dma_wait3A_16 = tpu.memref_squeeze %dma_wait3A_15 : memref<1x640x64xf32, #tpu.memory_space<hbm>> -> memref<640x64xf32, #tpu.memory_space<hbm>>
      %dma_wait3A_17 = arith.constant 0 : i32
      %dma_wait3A_18 = tpu.memref_slice %arg12[%mul3A_2, %dma_wait3A_17] : memref<10240x64xf32, #tpu.memory_space<vmem_shared>> -> memref<640x64xf32, #tpu.memory_space<vmem_shared>>
      tpu.wait_dma2 semaphore(%run_scoped3A : memref<!tpu.dma_semaphore, #tpu.memory_space<semaphore_mem>>) src(%dma_wait3A_18 : memref<640x64xf32, #tpu.memory_space<vmem_shared>>) dst(%dma_wait3A_16 : memref<640x64xf32, #tpu.memory_space<hbm>>)
      tpu.yield
    }) : () -> ()
    return
  }
}

module attributes {stable_mosaic.version = 14 : i64} {
  func.func @_tc_mm_body(%arg0: i32, %arg1: memref<1024x128xf32, #tpu.memory_space<vmem>>, %arg2: memref<128x64xf32, #tpu.memory_space<vmem>>, %arg3: memref<1024x64xf32, #tpu.memory_space<vmem>>) attributes {dimension_semantics = [#tpu.dimension_semantics<arbitrary>], iteration_bounds = array<i64: 10>, scalar_prefetch = 0 : i64, scratch_operands = 0 : i64, tpu.core_type = #tpu.core_type<tc>, window_params = [{transform_indices = @transform_0, window_bounds = array<i64: 1024, 128>}, {pipeline_mode = #tpu.pipeline_mode<synchronous>, transform_indices = @transform_1, window_bounds = array<i64: 128, 64>}, {transform_indices = @transform_2, window_bounds = array<i64: 1024, 64>}]} {
    %get3A = arith.constant 0 : index
    %get3A_0 = arith.constant 0 : index
    %get3A_1 = vector.load %arg1[%get3A, %get3A_0] : memref<1024x128xf32, #tpu.memory_space<vmem>>, vector<1024x128xf32>
    %get3A_2 = arith.constant 0 : index
    %get3A_3 = arith.constant 0 : index
    %get3A_4 = vector.load %arg2[%get3A_2, %get3A_3] : memref<128x64xf32, #tpu.memory_space<vmem>>, vector<128x64xf32>
    %dot_general3A = arith.constant dense<0.000000e+00> : vector<1024x64xf32>
    %dot_general3A_5 = tpu.matmul %get3A_1, %get3A_4, %dot_general3A {dimension_numbers = #tpu.dot_dimension_numbers<[1], [0], [0], [1], [0, 0, 1, 1], [], []>, transpose_lhs_hint = false} : vector<1024x128xf32>, vector<128x64xf32>, vector<1024x64xf32> -> vector<1024x64xf32>
    %swap3A = arith.constant 0 : index
    %swap3A_6 = arith.constant 0 : index
    %swap3A_7 = vector.load %arg3[%swap3A, %swap3A_6] : memref<1024x64xf32, #tpu.memory_space<vmem>>, vector<1024x64xf32>
    tpu.vector_store %arg3[%swap3A, %swap3A_6], %dot_general3A_5 {strides = array<i32>} : memref<1024x64xf32, #tpu.memory_space<vmem>>, vector<1024x64xf32>,
    return
  }
  func.func @transform_0(%arg0: i32) -> (i32, i32) {
    %c0_i32 = arith.constant 0 : i32
    %c0_i32_0 = arith.constant 0 : i32
    return %arg0, %c0_i32 : i32, i32
  }
  func.func @transform_1(%arg0: i32) -> (i32, i32) {
    %c0_i32 = arith.constant 0 : i32
    %c0_i32_0 = arith.constant 0 : i32
    %c0_i32_1 = arith.constant 0 : i32
    return %c0_i32, %c0_i32_0 : i32, i32
  }
  func.func @transform_2(%arg0: i32) -> (i32, i32) {
    %c0_i32 = arith.constant 0 : i32
    %c0_i32_0 = arith.constant 0 : i32
    return %arg0, %c0_i32 : i32, i32
  }
}

module attributes {stable_mosaic.version = 14 : i64} {
  func.func @_tc_scale_body(%arg0: i32, %arg1: memref<1024x64xf32, #tpu.memory_space<vmem>>, %arg2: memref<2x1024x16xf32, #tpu.memory_space<vmem>>, %arg3: memref<1024x64xf32, #tpu.memory_space<vmem>>) attributes {dimension_semantics = [#tpu.dimension_semantics<arbitrary>], iteration_bounds = array<i64: 10>, scalar_prefetch = 0 : i64, scratch_operands = 0 : i64, tpu.core_type = #tpu.core_type<tc>, window_params = [{transform_indices = @transform_0, window_bounds = array<i64: 1024, 64>}, {transform_indices = @transform_1, window_bounds = array<i64: 2, 1024, 16>}, {transform_indices = @transform_2, window_bounds = array<i64: 1024, 64>}]} {
    %get3A = arith.constant 0 : index
    %get3A_0 = arith.constant 0 : index
    %get3A_1 = vector.load %arg1[%get3A, %get3A_0] : memref<1024x64xf32, #tpu.memory_space<vmem>>, vector<1024x64xf32>
    %get3A_2 = arith.constant 0 : index
    %get3A_3 = arith.constant 0 : index
    %get3A_4 = arith.constant 0 : index
    %get3A_5 = vector.load %arg2[%get3A_2, %get3A_3, %get3A_4] : memref<2x1024x16xf32, #tpu.memory_space<vmem>>, vector<1x1024x1xf32>
    %get3A_6 = vector.shape_cast %get3A_5 : vector<1x1024x1xf32> to vector<1024x1xf32>
    %get3A_7 = arith.constant 1 : index
    %get3A_8 = arith.constant 0 : index
    %get3A_9 = arith.constant 0 : index
    %get3A_10 = vector.load %arg2[%get3A_7, %get3A_8, %get3A_9] : memref<2x1024x16xf32, #tpu.memory_space<vmem>>, vector<1x1024x1xf32>
    %get3A_11 = vector.shape_cast %get3A_10 : vector<1x1024x1xf32> to vector<1024x1xf32>
    %add3A = arith.addf %get3A_6, %get3A_11 : vector<1024x1xf32>
    %add3A_12 = arith.constant 1.000000e+00 : f32
    %add3A_13 = vector.broadcast %add3A_12 : f32 to vector<1024x1xf32>
    %add3A_14 = arith.addf %add3A, %add3A_13 : vector<1024x1xf32>
    %rsqrt3A = math.rsqrt %add3A_14 : vector<1024x1xf32>
    %mul3A = vector.broadcast %rsqrt3A : vector<1024x1xf32> to vector<1024x64xf32>
    %mul3A_15 = arith.mulf %get3A_1, %mul3A : vector<1024x64xf32>
    %swap3A = arith.constant 0 : index
    %swap3A_16 = arith.constant 0 : index
    %swap3A_17 = vector.load %arg3[%swap3A, %swap3A_16] : memref<1024x64xf32, #tpu.memory_space<vmem>>, vector<1024x64xf32>
    tpu.vector_store %arg3[%swap3A, %swap3A_16], %mul3A_15 {strides = array<i32>} : memref<1024x64xf32, #tpu.memory_space<vmem>>, vector<1024x64xf32>,
    return
  }
  func.func @transform_0(%arg0: i32) -> (i32, i32) {
    %c0_i32 = arith.constant 0 : i32
    %c0_i32_0 = arith.constant 0 : i32
    return %arg0, %c0_i32 : i32, i32
  }
  func.func @transform_1(%arg0: i32) -> (i32, i32, i32) {
    %c0_i32 = arith.constant 0 : i32
    %c0_i32_0 = arith.constant 0 : i32
    %c0_i32_1 = arith.constant 0 : i32
    return %c0_i32, %arg0, %c0_i32_0 : i32, i32, i32
  }
  func.func @transform_2(%arg0: i32) -> (i32, i32) {
    %c0_i32 = arith.constant 0 : i32
    %c0_i32_0 = arith.constant 0 : i32
    return %arg0, %c0_i32 : i32, i32
  }
}

module attributes {stable_mosaic.version = 14 : i64} {
  func.func @_tc2_body(%arg0: i32, %arg1: memref<2x1024x64xf32, #tpu.memory_space<vmem>>, %arg2: memref<1024x64xf32, #tpu.memory_space<vmem>>, %arg3: memref<2x1024x16xf32, #tpu.memory_space<vmem>>, %arg4: memref<1x64xf32, #tpu.memory_space<vmem>>, %arg5: memref<64x64xf32, #tpu.memory_space<vmem>>, %arg6: memref<1024x64xf32, #tpu.memory_space<vmem>>) attributes {dimension_semantics = [#tpu.dimension_semantics<arbitrary>], iteration_bounds = array<i64: 10>, scalar_prefetch = 0 : i64, scratch_operands = 0 : i64, tpu.core_type = #tpu.core_type<tc>, window_params = [{transform_indices = @transform_0, window_bounds = array<i64: 2, 1024, 64>}, {transform_indices = @transform_1, window_bounds = array<i64: 1024, 64>}, {transform_indices = @transform_2, window_bounds = array<i64: 2, 1024, 16>}, {pipeline_mode = #tpu.pipeline_mode<synchronous>, transform_indices = @transform_3, window_bounds = array<i64: 1, 64>}, {pipeline_mode = #tpu.pipeline_mode<synchronous>, transform_indices = @transform_4, window_bounds = array<i64: 64, 64>}, {transform_indices = @transform_5, window_bounds = array<i64: 1024, 64>}]} {
    %get3A = arith.constant 0 : index
    %get3A_0 = arith.constant 0 : index
    %get3A_1 = arith.constant 0 : index
    %get3A_2 = vector.load %arg3[%get3A, %get3A_0, %get3A_1] : memref<2x1024x16xf32, #tpu.memory_space<vmem>>, vector<1x1024x1xf32>
    %get3A_3 = vector.shape_cast %get3A_2 : vector<1x1024x1xf32> to vector<1024x1xf32>
    %get3A_4 = arith.constant 1 : index
    %get3A_5 = arith.constant 0 : index
    %get3A_6 = arith.constant 0 : index
    %get3A_7 = vector.load %arg3[%get3A_4, %get3A_5, %get3A_6] : memref<2x1024x16xf32, #tpu.memory_space<vmem>>, vector<1x1024x1xf32>
    %get3A_8 = vector.shape_cast %get3A_7 : vector<1x1024x1xf32> to vector<1024x1xf32>
    %add3A = arith.addf %get3A_3, %get3A_8 : vector<1024x1xf32>
    %add3A_9 = arith.constant 1.000000e+00 : f32
    %add3A_10 = vector.broadcast %add3A_9 : f32 to vector<1024x1xf32>
    %add3A_11 = arith.addf %add3A, %add3A_10 : vector<1024x1xf32>
    %rsqrt3A = math.rsqrt %add3A_11 : vector<1024x1xf32>
    %get3A_12 = arith.constant 0 : index
    %get3A_13 = arith.constant 0 : index
    %get3A_14 = arith.constant 0 : index
    %get3A_15 = vector.load %arg1[%get3A_12, %get3A_13, %get3A_14] : memref<2x1024x64xf32, #tpu.memory_space<vmem>>, vector<1x1024x64xf32>
    %get3A_16 = vector.shape_cast %get3A_15 : vector<1x1024x64xf32> to vector<1024x64xf32>
    %get3A_17 = arith.constant 1 : index
    %get3A_18 = arith.constant 0 : index
    %get3A_19 = arith.constant 0 : index
    %get3A_20 = vector.load %arg1[%get3A_17, %get3A_18, %get3A_19] : memref<2x1024x64xf32, #tpu.memory_space<vmem>>, vector<1x1024x64xf32>
    %get3A_21 = vector.shape_cast %get3A_20 : vector<1x1024x64xf32> to vector<1024x64xf32>
    %add3A_22 = arith.addf %get3A_16, %get3A_21 : vector<1024x64xf32>
    %get3A_23 = arith.constant 0 : index
    %get3A_24 = arith.constant 0 : index
    %get3A_25 = vector.load %arg2[%get3A_23, %get3A_24] : memref<1024x64xf32, #tpu.memory_space<vmem>>, vector<1024x64xf32>
    %add3A_26 = arith.addf %add3A_22, %get3A_25 : vector<1024x64xf32>
    %mul3A = vector.broadcast %rsqrt3A : vector<1024x1xf32> to vector<1024x64xf32>
    %mul3A_27 = arith.mulf %add3A_26, %mul3A : vector<1024x64xf32>
    %get3A_28 = arith.constant 0 : index
    %get3A_29 = arith.constant 0 : index
    %get3A_30 = vector.load %arg4[%get3A_28, %get3A_29] : memref<1x64xf32, #tpu.memory_space<vmem>>, vector<1x64xf32>
    %add3A_31 = vector.broadcast %get3A_30 : vector<1x64xf32> to vector<1024x64xf32>
    %add3A_32 = arith.addf %mul3A_27, %add3A_31 : vector<1024x64xf32>
    %max3A = arith.constant 0.000000e+00 : f32
    %max3A_33 = vector.broadcast %max3A : f32 to vector<1024x64xf32>
    %max3A_34 = arith.maximumf %add3A_32, %max3A_33 : vector<1024x64xf32>
    %get3A_35 = arith.constant 0 : index
    %get3A_36 = arith.constant 0 : index
    %get3A_37 = vector.load %arg5[%get3A_35, %get3A_36] : memref<64x64xf32, #tpu.memory_space<vmem>>, vector<64x64xf32>
    %dot_general3A = arith.constant dense<0.000000e+00> : vector<1024x64xf32>
    %dot_general3A_38 = tpu.matmul %max3A_34, %get3A_37, %dot_general3A {dimension_numbers = #tpu.dot_dimension_numbers<[1], [0], [0], [1], [0, 0, 1, 1], [], []>, transpose_lhs_hint = false} : vector<1024x64xf32>, vector<64x64xf32>, vector<1024x64xf32> -> vector<1024x64xf32>
    %mul3A_39 = vector.broadcast %rsqrt3A : vector<1024x1xf32> to vector<1024x64xf32>
    %mul3A_40 = arith.mulf %dot_general3A_38, %mul3A_39 : vector<1024x64xf32>
    %swap3A = arith.constant 0 : index
    %swap3A_41 = arith.constant 0 : index
    %swap3A_42 = vector.load %arg6[%swap3A, %swap3A_41] : memref<1024x64xf32, #tpu.memory_space<vmem>>, vector<1024x64xf32>
    tpu.vector_store %arg6[%swap3A, %swap3A_41], %mul3A_40 {strides = array<i32>} : memref<1024x64xf32, #tpu.memory_space<vmem>>, vector<1024x64xf32>,
    return
  }
  func.func @transform_0(%arg0: i32) -> (i32, i32, i32) {
    %c0_i32 = arith.constant 0 : i32
    %c0_i32_0 = arith.constant 0 : i32
    %c0_i32_1 = arith.constant 0 : i32
    return %c0_i32, %arg0, %c0_i32_0 : i32, i32, i32
  }
  func.func @transform_1(%arg0: i32) -> (i32, i32) {
    %c0_i32 = arith.constant 0 : i32
    %c0_i32_0 = arith.constant 0 : i32
    return %arg0, %c0_i32 : i32, i32
  }
  func.func @transform_2(%arg0: i32) -> (i32, i32, i32) {
    %c0_i32 = arith.constant 0 : i32
    %c0_i32_0 = arith.constant 0 : i32
    %c0_i32_1 = arith.constant 0 : i32
    return %c0_i32, %arg0, %c0_i32_0 : i32, i32, i32
  }
  func.func @transform_3(%arg0: i32) -> (i32, i32) {
    %c0_i32 = arith.constant 0 : i32
    %c0_i32_0 = arith.constant 0 : i32
    %c0_i32_1 = arith.constant 0 : i32
    return %c0_i32, %c0_i32_0 : i32, i32
  }
  func.func @transform_4(%arg0: i32) -> (i32, i32) {
    %c0_i32 = arith.constant 0 : i32
    %c0_i32_0 = arith.constant 0 : i32
    %c0_i32_1 = arith.constant 0 : i32
    return %c0_i32, %c0_i32_0 : i32, i32
  }
  func.func @transform_5(%arg0: i32) -> (i32, i32) {
    %c0_i32 = arith.constant 0 : i32
    %c0_i32_0 = arith.constant 0 : i32
    return %arg0, %c0_i32 : i32, i32
  }
}

module attributes {stable_mosaic.version = 14 : i64} {
  func.func @_tc3_body(%arg0: i32, %arg1: memref<2x1024x64xf32, #tpu.memory_space<vmem>>, %arg2: memref<1024x64xf32, #tpu.memory_space<vmem>>, %arg3: memref<2x1024x16xf32, #tpu.memory_space<vmem>>, %arg4: memref<1x64xf32, #tpu.memory_space<vmem>>, %arg5: memref<64x32xf32, #tpu.memory_space<vmem>>, %arg6: memref<1x32xf32, #tpu.memory_space<vmem>>, %arg7: memref<1x32xf32, #tpu.memory_space<vmem>>, %arg8: memref<1x1xf32, #tpu.memory_space<vmem>>, %arg9: memref<1024x1xf32, #tpu.memory_space<vmem>>) attributes {dimension_semantics = [#tpu.dimension_semantics<arbitrary>], iteration_bounds = array<i64: 10>, scalar_prefetch = 0 : i64, scratch_operands = 0 : i64, tpu.core_type = #tpu.core_type<tc>, window_params = [{transform_indices = @transform_0, window_bounds = array<i64: 2, 1024, 64>}, {transform_indices = @transform_1, window_bounds = array<i64: 1024, 64>}, {transform_indices = @transform_2, window_bounds = array<i64: 2, 1024, 16>}, {pipeline_mode = #tpu.pipeline_mode<synchronous>, transform_indices = @transform_3, window_bounds = array<i64: 1, 64>}, {pipeline_mode = #tpu.pipeline_mode<synchronous>, transform_indices = @transform_4, window_bounds = array<i64: 64, 32>}, {pipeline_mode = #tpu.pipeline_mode<synchronous>, transform_indices = @transform_5, window_bounds = array<i64: 1, 32>}, {pipeline_mode = #tpu.pipeline_mode<synchronous>, transform_indices = @transform_6, window_bounds = array<i64: 1, 32>}, {pipeline_mode = #tpu.pipeline_mode<synchronous>, transform_indices = @transform_7, window_bounds = array<i64: 1, 1>}, {transform_indices = @transform_8, window_bounds = array<i64: 1024, 1>}]} {
    %get3A = arith.constant 0 : index
    %get3A_0 = arith.constant 0 : index
    %get3A_1 = arith.constant 0 : index
    %get3A_2 = vector.load %arg3[%get3A, %get3A_0, %get3A_1] : memref<2x1024x16xf32, #tpu.memory_space<vmem>>, vector<1x1024x1xf32>
    %get3A_3 = vector.shape_cast %get3A_2 : vector<1x1024x1xf32> to vector<1024x1xf32>
    %get3A_4 = arith.constant 1 : index
    %get3A_5 = arith.constant 0 : index
    %get3A_6 = arith.constant 0 : index
    %get3A_7 = vector.load %arg3[%get3A_4, %get3A_5, %get3A_6] : memref<2x1024x16xf32, #tpu.memory_space<vmem>>, vector<1x1024x1xf32>
    %get3A_8 = vector.shape_cast %get3A_7 : vector<1x1024x1xf32> to vector<1024x1xf32>
    %add3A = arith.addf %get3A_3, %get3A_8 : vector<1024x1xf32>
    %add3A_9 = arith.constant 1.000000e+00 : f32
    %add3A_10 = vector.broadcast %add3A_9 : f32 to vector<1024x1xf32>
    %add3A_11 = arith.addf %add3A, %add3A_10 : vector<1024x1xf32>
    %rsqrt3A = math.rsqrt %add3A_11 : vector<1024x1xf32>
    %get3A_12 = arith.constant 0 : index
    %get3A_13 = arith.constant 0 : index
    %get3A_14 = arith.constant 0 : index
    %get3A_15 = vector.load %arg1[%get3A_12, %get3A_13, %get3A_14] : memref<2x1024x64xf32, #tpu.memory_space<vmem>>, vector<1x1024x64xf32>
    %get3A_16 = vector.shape_cast %get3A_15 : vector<1x1024x64xf32> to vector<1024x64xf32>
    %get3A_17 = arith.constant 1 : index
    %get3A_18 = arith.constant 0 : index
    %get3A_19 = arith.constant 0 : index
    %get3A_20 = vector.load %arg1[%get3A_17, %get3A_18, %get3A_19] : memref<2x1024x64xf32, #tpu.memory_space<vmem>>, vector<1x1024x64xf32>
    %get3A_21 = vector.shape_cast %get3A_20 : vector<1x1024x64xf32> to vector<1024x64xf32>
    %add3A_22 = arith.addf %get3A_16, %get3A_21 : vector<1024x64xf32>
    %get3A_23 = arith.constant 0 : index
    %get3A_24 = arith.constant 0 : index
    %get3A_25 = vector.load %arg2[%get3A_23, %get3A_24] : memref<1024x64xf32, #tpu.memory_space<vmem>>, vector<1024x64xf32>
    %add3A_26 = arith.addf %add3A_22, %get3A_25 : vector<1024x64xf32>
    %mul3A = vector.broadcast %rsqrt3A : vector<1024x1xf32> to vector<1024x64xf32>
    %mul3A_27 = arith.mulf %add3A_26, %mul3A : vector<1024x64xf32>
    %get3A_28 = arith.constant 0 : index
    %get3A_29 = arith.constant 0 : index
    %get3A_30 = vector.load %arg4[%get3A_28, %get3A_29] : memref<1x64xf32, #tpu.memory_space<vmem>>, vector<1x64xf32>
    %add3A_31 = vector.broadcast %get3A_30 : vector<1x64xf32> to vector<1024x64xf32>
    %add3A_32 = arith.addf %mul3A_27, %add3A_31 : vector<1024x64xf32>
    %max3A = arith.constant 0.000000e+00 : f32
    %max3A_33 = vector.broadcast %max3A : f32 to vector<1024x64xf32>
    %max3A_34 = arith.maximumf %add3A_32, %max3A_33 : vector<1024x64xf32>
    %get3A_35 = arith.constant 0 : index
    %get3A_36 = arith.constant 0 : index
    %get3A_37 = vector.load %arg5[%get3A_35, %get3A_36] : memref<64x32xf32, #tpu.memory_space<vmem>>, vector<64x32xf32>
    %dot_general3A = arith.constant dense<0.000000e+00> : vector<1024x32xf32>
    %dot_general3A_38 = tpu.matmul %max3A_34, %get3A_37, %dot_general3A {dimension_numbers = #tpu.dot_dimension_numbers<[1], [0], [0], [1], [0, 0, 1, 1], [], []>, transpose_lhs_hint = false} : vector<1024x64xf32>, vector<64x32xf32>, vector<1024x32xf32> -> vector<1024x32xf32>
    %get3A_39 = arith.constant 0 : index
    %get3A_40 = arith.constant 0 : index
    %get3A_41 = vector.load %arg6[%get3A_39, %get3A_40] : memref<1x32xf32, #tpu.memory_space<vmem>>, vector<1x32xf32>
    %add3A_42 = vector.broadcast %get3A_41 : vector<1x32xf32> to vector<1024x32xf32>
    %add3A_43 = arith.addf %dot_general3A_38, %add3A_42 : vector<1024x32xf32>
    %max3A_44 = arith.constant 0.000000e+00 : f32
    %max3A_45 = vector.broadcast %max3A_44 : f32 to vector<1024x32xf32>
    %max3A_46 = arith.maximumf %add3A_43, %max3A_45 : vector<1024x32xf32>
    %get3A_47 = arith.constant 0 : index
    %get3A_48 = arith.constant 0 : index
    %get3A_49 = vector.load %arg7[%get3A_47, %get3A_48] : memref<1x32xf32, #tpu.memory_space<vmem>>, vector<1x32xf32>
    %mul3A_50 = vector.broadcast %get3A_49 : vector<1x32xf32> to vector<1024x32xf32>
    %mul3A_51 = arith.mulf %max3A_46, %mul3A_50 : vector<1024x32xf32>
    %reduce_sum3A = arith.constant dense<0.000000e+00> : vector<1024xf32>
    %reduce_sum3A_52 = vector.multi_reduction <add>, %mul3A_51, %reduce_sum3A [1] : vector<1024x32xf32> to vector<1024xf32>
    %broadcast_in_dim3A = vector.shape_cast %reduce_sum3A_52 : vector<1024xf32> to vector<1024x1xf32>
    %get3A_53 = arith.constant 0 : index
    %get3A_54 = arith.constant 0 : index
    %get3A_55 = vector.load %arg8[%get3A_53, %get3A_54] : memref<1x1xf32, #tpu.memory_space<vmem>>, vector<1x1xf32>
    %add3A_56 = vector.broadcast %get3A_55 : vector<1x1xf32> to vector<1024x1xf32>
    %add3A_57 = arith.addf %broadcast_in_dim3A, %add3A_56 : vector<1024x1xf32>
    %swap3A = arith.constant 0 : index
    %swap3A_58 = arith.constant 0 : index
    %swap3A_59 = vector.load %arg9[%swap3A, %swap3A_58] : memref<1024x1xf32, #tpu.memory_space<vmem>>, vector<1024x1xf32>
    tpu.vector_store %arg9[%swap3A, %swap3A_58], %add3A_57 {strides = array<i32>} : memref<1024x1xf32, #tpu.memory_space<vmem>>, vector<1024x1xf32>,
    return
  }
  func.func @transform_0(%arg0: i32) -> (i32, i32, i32) {
    %c0_i32 = arith.constant 0 : i32
    %c0_i32_0 = arith.constant 0 : i32
    %c0_i32_1 = arith.constant 0 : i32
    return %c0_i32, %arg0, %c0_i32_0 : i32, i32, i32
  }
  func.func @transform_1(%arg0: i32) -> (i32, i32) {
    %c0_i32 = arith.constant 0 : i32
    %c0_i32_0 = arith.constant 0 : i32
    return %arg0, %c0_i32 : i32, i32
  }
  func.func @transform_2(%arg0: i32) -> (i32, i32, i32) {
    %c0_i32 = arith.constant 0 : i32
    %c0_i32_0 = arith.constant 0 : i32
    %c0_i32_1 = arith.constant 0 : i32
    return %c0_i32, %arg0, %c0_i32_0 : i32, i32, i32
  }
  func.func @transform_3(%arg0: i32) -> (i32, i32) {
    %c0_i32 = arith.constant 0 : i32
    %c0_i32_0 = arith.constant 0 : i32
    %c0_i32_1 = arith.constant 0 : i32
    return %c0_i32, %c0_i32_0 : i32, i32
  }
  func.func @transform_4(%arg0: i32) -> (i32, i32) {
    %c0_i32 = arith.constant 0 : i32
    %c0_i32_0 = arith.constant 0 : i32
    %c0_i32_1 = arith.constant 0 : i32
    return %c0_i32, %c0_i32_0 : i32, i32
  }
  func.func @transform_5(%arg0: i32) -> (i32, i32) {
    %c0_i32 = arith.constant 0 : i32
    %c0_i32_0 = arith.constant 0 : i32
    %c0_i32_1 = arith.constant 0 : i32
    return %c0_i32, %c0_i32_0 : i32, i32
  }
  func.func @transform_6(%arg0: i32) -> (i32, i32) {
    %c0_i32 = arith.constant 0 : i32
    %c0_i32_0 = arith.constant 0 : i32
    %c0_i32_1 = arith.constant 0 : i32
    return %c0_i32, %c0_i32_0 : i32, i32
  }
  func.func @transform_7(%arg0: i32) -> (i32, i32) {
    %c0_i32 = arith.constant 0 : i32
    %c0_i32_0 = arith.constant 0 : i32
    %c0_i32_1 = arith.constant 0 : i32
    return %c0_i32, %c0_i32_0 : i32, i32
  }
  func.func @transform_8(%arg0: i32) -> (i32, i32) {
    %c0_i32 = arith.constant 0 : i32
    %c0_i32_0 = arith.constant 0 : i32
    return %arg0, %c0_i32 : i32, i32
  }
}

</mosaic_0001>

<sc_bundles>
// kernel: kernel.12.cloned.1.call-start
scs
__scs_entry_jumppad:
0x0: {  	(pc) =	sbr.rel $0x88, $3  }
0x1: {  	(tag) =	ssettag $0x0;
	lr =	simm.s32 $0x1  }
0x2: {  	[smem:$0x3F97] =	sst lr;
	_ =	strace $0xD0000000  }
0x3: {  	_ = 	snop  }
0x4: {  	_ = 	snop  }
0x5: {  	_ = 	snop  }
0x6: {  	_ = 	snop  }
0x7: {  	_ = 	snop  }
__scs_overlays_trampoline_lowered:
0x8: {  	[smem:$0x3FA6] =	sst s0  }
0x9: {  	[smem:$0x3FA7] =	sst s1  }
0xa: {  	[smem:$0x3FA8] =	sst s2  }
0xb: {  	[smem:$0x3FA9] =	sst s3  }
0xc: {  	[smem:$0x3FAA] =	sst s4  }
0xd: {  	[smem:$0x3FAB] =	sst s5  }
0xe: {  	[smem:$0x3FAC] =	sst s6  }
0xf: {  	[smem:$0x3FAD] =	sst s7  }
0x10: {  	[smem:$0x3FAE] =	sst s8  }
0x11: {  	[smem:$0x3FAF] =	sst s9;
	s0 =	simm.s32 @!p0 $0x0  }
0x12: {  	s1 =	sld [smem:$0x3F95];
	s0 =	simm.s32 @p0 $0x1  }
0x13: {  	[smem:$0x3FB0] =	sst s0;
	s0 =	simm.s32 @!p1 $0x0  }
0x14: {  	s2 =	sld [smem:$0x3F94];
	s0 =	simm.s32 @p1 $0x1  }
0x15: {  	[smem:$0x3FB1] =	sst s0;
	s0 =	simm.s32 @!p2 $0x0  }
0x16: {  	s3 =	sld [smem:$0x3FDB];
	s0 =	simm.s32 @p2 $0x1  }
0x17: {  	s4 =	simm.s32 $0x1BF5;
	[smem:$0x3FB3] =	sst s0  }
0x18: {  	s0 =	sld [smem:$0x3F96];
	_ =	swait.ge [sflag:s4], $0x0  }
0x19: {  	s7 =	sld [smem:$0x3F97]  }
0x1a: {  	s8 =	sadd.s32 $0xFFFFE003, lr  }
0x1b: {  	s9 =	sadd.s32 $0xFFFFFEF7, lr;
	s5 =	simm.s32 $0xFFFFFFFF;
	p2 =	slt.u32 s8, $0xFFFFF086  }
0x1c: {  	p1 =	slt.u32 s9, $0xF7A;
	s5 =	simm.s32 @!p2 $0x0  }
0x1d: {  	s5 =	simm.s32 @p1 $0x1;
	p0 =	seq.s32 s7, s2  }
0x1e: {  	s7 =	smul.u32 @!p0 $0xF7A, s2;
	p2 =	seq.s32 @!p0 s5, $0x0  }
0x1f: {  	s9 =	smul.u32 $0xF7A, s1;
	s8 =	simm.s32 @!p0 $0x1BF5;
	p2 =	por !p2, p0  }
0x20: {  	[sflag:s8] =	ssyncset.s32 @!p0 $0xFFFFF086;
	s6 =	sadd.s32 @!p0 s3, s7;
	s7 =	simm.s32 @!p0 $0x108  }
0x21: {  	s3 =	sadd.s32 s3, s9;
	s6 =	sadd.s32 @!p0 $0x88, s6;
	s7 =	simm.s32 @p2 $0x1082  }
0x22: {  	[simem:s7], [sflag:s8] =	dma.local @!p0 [hbm:s6], $0xF7A  }
0x23: {  	s9 =	sor.u32 $0xD0000000, s2;
	s6 =	simm.s32 $0x108;
	_ =	swait.ge @!p0 [sflag:s8], $0x0  }
0x24: {  	s3 =	sadd.s32 $0x88, s3;
	s6 =	simm.s32 @!p1 $0x1082;
	[sflag:s4] =	ssyncset.s32 $0xFFFFF086  }
0x25: {  	[simem:s6], [sflag:s4] =	dma.local [hbm:s3], $0xF7A  }
0x26: {  	[smem:$0x3F97] =	sst s1;
	(tag) =	ssettag s2;
	_ =	strace s9  }
0x27: {  	s1 =	sld [smem:$0x3FA7]  }
0x28: {  	s2 =	sld [smem:$0x3FA8]  }
0x29: {  	s4 =	sld [smem:$0x3FAA]  }
0x2a: {  	p0 =	seq.s32 s5, $0x0;
	s5 =	sld [smem:$0x3FAB]  }
0x2b: {  	s6 =	sld [smem:$0x3FAC]  }
0x2c: {  	s7 =	sld [smem:$0x3FAD]  }
0x2d: {  	s3 =	simm.s32 $0x108;
	s8 =	sld [smem:$0x3FAE]  }
0x2e: {  	s3 =	simm.s32 @!p0 $0x1082;
	s9 =	sld [smem:$0x3FAF]  }
0x2f: {  	lr =	sadd.s32 s0, s3;
	s0 =	sld [smem:$0x3FA6]  }
0x30: {  	s3 =	sld [smem:$0x3FA9]  }
0x31: {  	[smem:$0x3FB2] =	sst s10  }
0x32: {  	s10 =	sld [smem:$0x3FB0];
	_ =	sdelay $0x3  }
0x33: {  	p0 =	seq.s32 s10, $0x1;
	s10 =	sld [smem:$0x3FB2];
	_ =	sdelay $0x3  }
0x34: {  	[smem:$0x3FB2] =	sst s10  }
0x35: {  	s10 =	sld [smem:$0x3FB1];
	_ =	sdelay $0x3  }
0x36: {  	p1 =	seq.s32 s10, $0x1;
	s10 =	sld [smem:$0x3FB2];
	_ =	sdelay $0x3  }
0x37: {  	[smem:$0x3FB2] =	sst s10  }
0x38: {  	s10 =	sld [smem:$0x3FB3]  }
0x39: {  	_ = 	snop;
	(pc) =	sbr.ind lr, $3  }
0x3a: {  	_ = 	snop  }
0x3b: {  	_ = 	snop  }
0x3c: {  	p2 =	seq.s32 s10, $0x1;
	s10 =	sld [smem:$0x3FB2]  }
0x3d: {  	_ =	shalt  }
0x3e: {  	_ =	shalt  }
0x3f: {  	_ =	shalt  }
0x40: {  	_ =	shalt  }
0x41: {  	_ =	shalt  }
0x42: {  	_ =	shalt  }
0x43: {  	_ =	shalt  }
0x44: {  	_ =	shalt  }
0x45: {  	_ =	shalt  }
0x46: {  	_ =	shalt  }
0x47: {  	_ =	shalt  }
0x48: {  	_ =	shalt  }
0x49: {  	_ =	shalt  }
0x4a: {  	_ =	shalt  }
0x4b: {  	_ =	shalt  }
0x4c: {  	_ =	shalt  }
0x4d: {  	_ =	shalt  }
0x4e: {  	_ =	shalt  }
0x4f: {  	_ =	shalt  }
0x50: {  	_ =	shalt  }
0x51: {  	_ =	shalt  }
0x52: {  	_ =	shalt  }
0x53: {  	_ =	shalt  }
0x54: {  	_ =	shalt  }
0x55: {  	_ =	shalt  }
0x56: {  	_ =	shalt  }
0x57: {  	_ =	shalt  }
0x58: {  	_ =	shalt  }
0x59: {  	_ =	shalt  }
0x5a: {  	_ =	shalt  }
0x5b: {  	_ =	shalt  }
0x5c: {  	_ =	shalt  }
0x5d: {  	_ =	shalt  }
0x5e: {  	_ =	shalt  }
0x5f: {  	_ =	shalt  }
0x60: {  	_ =	shalt  }
0x61: {  	_ =	shalt  }
0x62: {  	_ =	shalt  }
0x63: {  	_ =	shalt  }
0x64: {  	_ =	shalt  }
0x65: {  	_ =	shalt  }
0x66: {  	_ =	shalt  }
0x67: {  	_ =	shalt  }
0x68: {  	_ =	shalt  }
0x69: {  	_ =	shalt  }
0x6a: {  	_ =	shalt  }
0x6b: {  	_ =	shalt  }
0x6c: {  	_ =	shalt  }
0x6d: {  	_ =	shalt  }
0x6e: {  	_ =	shalt  }
0x6f: {  	_ =	shalt  }
0x70: {  	_ =	shalt  }
0x71: {  	_ =	shalt  }
0x72: {  	_ =	shalt  }
0x73: {  	_ =	shalt  }
0x74: {  	_ =	shalt  }
0x75: {  	_ =	shalt  }
0x76: {  	_ =	shalt  }
0x77: {  	_ =	shalt  }
0x78: {  	_ =	shalt  }
0x79: {  	_ =	shalt  }
0x7a: {  	_ =	shalt  }
0x7b: {  	_ =	shalt  }
0x7c: {  	_ =	shalt  }
0x7d: {  	_ =	shalt  }
0x7e: {  	_ =	shalt  }
0x7f: {  	_ =	shalt  }
0x80: {  	_ =	shalt  }
0x81: {  	_ =	shalt  }
0x82: {  	_ =	shalt  }
0x83: {  	_ =	shalt  }
0x84: {  	_ =	shalt  }
0x85: {  	_ =	shalt  }
0x86: {  	_ =	shalt  }
0x87: {  	_ =	shalt  }
.Lfunc_end0:
.L_simem_size_0:
called_computation.1_lowered:
.L_overlay_start_0:
0x88: {  	s2 =	sld [smem:$0x3FD9]  }
0x89: {  	s3 =	sld [smem:$0x3FFE];
	_ =	sdelay $0x1  }
0x8a: {  	s1 =	srdreg.scid  }
0x8b: {  	s0 =	sand.u32 $0x1, s1  }
0x8c: {  	s16 =	sshll.u32 s0, $0xA;
	s2 =	sadd.s32 s3, s2  }
0x8d: {  	s2 =	sadd.s32 s2, s16  }
0x8e: {  	[smem:$0x3FBE] =	sst s2  }
0x8f: {  	_ = 	snop  }
0x90: {  	(tm) =	ssettm $0x1  }
0x91: {  	s17 =	sld [smem:$0x3FFB];
	_ =	sdelay $0x3  }
0x92: {  	_ =	strace s17  }
0x93: {  	s2 =	sld [smem:$0x3FFC];
	_ =	sdelay $0x3  }
0x94: {  	_ =	strace s2  }
0x95: {  	s2 =	sld [smem:$0x3FFD];
	_ =	sdelay $0x3  }
0x96: {  	_ =	strace s2  }
0x97: {  	_ =	strace $0x8FFFFFFF  }
0x98: {  	s18 =	sld [smem:$0x3FDB];
	_ =	sdelay $0x1  }
0x99: {  	s19 =	simm.s32 $_scs_section_size  }
0x9a: {  	s4 =	simm.s32 $_size__tile_overlayer_lowered;
	s5 =	simm.s32 $_tile_overlayer_lowered  }
0x9b: {  	s22 =	simm.s32 $0x1BFF;
	s21 =	sshll.u32 s5, $0x1;
	s2 =	sadd.s32 s19, s18  }
0x9c: {  	s6 =	simm.s32 $0x0;
	s20 =	sshll.u32 s4, $0x1;
	s4 =	sadd.s32 s21, s2  }
0x9d: {  	[timem:s6], [sflag:s22] =	dma.local [hbm:s4], s20  }
0x9e: {  	_ =	swait.ge [sflag:s22], s20  }
0x9f: {  	s3 =	ssub.s32 $0x0, s20;
	[sflag:s22] =	ssyncset.done $0x0  }
0xa0: {  	[sflag:s22] =	ssyncadd.s32 s3;
	_ =	sdelay $0x1  }
0xa1: {  	s23 =	simm.s32 $0x1B8B  }
0xa2: {  	_ =	swait.ge [sflag:s23], $0x1  }
0xa3: {  	[sflag:s23] =	ssyncset.done $0x0  }
0xa4: {  	s25 =	simm.s32 $0x1B8E;
	s24 =	sld [smem:$0x3FFE];
	[sflag:s23] =	ssyncadd.s32 $0xFFFFFFFF  }
0xa5: {  	s26 =	simm.s32 $execute0_lowered;
	[smem:$0x3FD2] =	sst s25  }
0xa6: {  	s4 =	sshll.u32 s26, $0x1;
	_ =	strace $0x80000049;
	[dreg:$0x1] =	wrdreg $0xFFFFFFFF  }
0xa7: {  	s28 =	simm.s32 $_size_execute0_lowered;
	s2 =	sadd.s32 s2, s4;
	[dreg:$0x0] =	wrdreg $0x0  }
0xa8: {  	s4 =	sshll.u32 s28, $0x1;
	[dreg:$0x2] =	wrdreg s2  }
0xa9: {  	[dreg:$0x3] =	wrdreg s4  }
0xaa: {  	[dreg:$0x4] =	wrdreg $0xC0  }
0xab: {  	_ =	task [dreg:s6], $0x5FFFF  }
0xac: {  	[dreg:$0x1] =	wrdreg $0xFFFFFFFF  }
0xad: {  	[dreg:$0x0] =	wrdreg $0x60  }
0xae: {  	[dreg:$0x2] =	wrdreg s24  }
0xaf: {  	[dreg:$0x3] =	wrdreg $0x128000  }
0xb0: {  	[dreg:$0x4] =	wrdreg $0x88000  }
0xb1: {  	[dreg:$0x5] =	wrdreg $0x9  }
0xb2: {  	_ =	task.clear_ibuf [dreg:s6], $0x6FFFF;
	_ =	strace $0x90000049  }
0xb3: {  	s29 =	simm.s32 $0x9;
	_ =	strace $0x8000004B  }
0xb4: {  	_ =	swait.ge [sflag:s29], $0x1  }
0xb5: {  	[sflag:s29] =	ssyncadd.s32 $0xFFFFFFFF  }
0xb6: {  	_ =	strace $0x9000004B  }
0xb7: {  	_ =	sfence  }
0xb8: {  	s30 =	sld [smem:$0x0];
	_ =	sdelay $0x2  }
0xb9: {  	s31 =	sshll.u32 s1, $0xD;
	s1 =	sshrl.u32 s1, $0x2  }
0xba: {  	s3 =	sand.u32 $0x4000, s31;
	s1 =	sadd.s32 s1, s30  }
0xbb: {  	s0 =	sor.u32 s3, s0;
	s1 =	sshll.u32 s1, $0x11  }
0xbc: {  	s0 =	sor.u32 s1, s0  }
0xbd: {  	s0 =	sadd.s32 $0x8F2B, s0  }
0xbe: {  	[sflag:s0] =	ssyncadd.remote.s32 $0x1  }
0xbf: {  	_ =	sfence.sel $0xFFFF  }
0xc0: {  	[dreg:$0x0] =	wrdreg $0xFFFFFFFF;
	(pc) =	sbr.abs _section_cstart, $3  }
0xc1: {  	[dreg:$0x1] =	wrdreg $0xFFFFFFFF  }
0xc2: {  	_ =	task.clear_ibuf [dreg:s6], $0x2FFFF;
	_ =	strace $0x9FFFFFFF  }
0xc3: {  	(tm) =	ssettm $0x7FFFFFFF  }
tec
execute0_lowered:
.L_overlay_start_1:
0x0: {  	(tag) =	ssettag $0x1  }
0x1: {  	s0 =	rddreg [dreg:$0x0]  }
0x2: {  	s2 =	rddreg [dreg:$0x1]  }
0x3: {  	s3 =	rddreg [dreg:$0x2];
	s16 =	stileid.u32;
	s4 =	simm.s32 $0x0  }
0x4: {  	s5 =	srdreg.scid;
	s28 =	simm.s32 $0xA;
	s29 =	simm.s32 $0x80  }
0x5: {  	s30 =	simm.s32 $0x800;
	s31 =	simm.s32 $0x2800;
	s1 =	smul.u32 $0x9C80, s16  }
0x6: {  	[smem:$0x7FF] =	sst s4;
	s7 =	smul.u32 $0xA000, s16;
	s5 =	sand.u32 $0x1, s5  }
0x7: {  	s8 =	sadd.s32 $0x29A00, s0;
	s9 =	sadd.s32 $0x24200, s0;
	s15 =	smul.u32 $0x2C00, s16  }
0x8: {  	s10 =	sadd.s32 $0x1B200, s0;
	s12 =	sadd.s32 $0x1FA00, s0;
	s21 =	smul.u32 $0x2400, s16  }
0x9: {  	s19 =	sshll.u32 s16, $0x6;
	s17 =	smul.u32 $0x580, s16;
	_ =	strace $0x8000004A  }
0xa: {  	s6 =	smul.u32 $0xA0000, s5;
	s14 =	ssub.s32 $0x2, s5;
	p0 =	seq.s32 s5, $0x1  }
0xb: {  	s11 =	sshrl.u32 s1, $0x3;
	s13 =	sshrl.u32 s7, $0x3;
	s18 =	sshrl.u32 s14, $0x1  }
0xc: {  	s1 =	sadd.s32 s1, s2;
	s20 =	sshrl.u32 s15, $0x3;
	s25 =	sshrl.u32 s21, $0x3  }
0xd: {  	s21 =	sadd.s32 s17, s9;
	s11 =	sadd.s32 s11, s0;
	s6 =	sadd.s32 s7, s6  }
0xe: {  	s13 =	sadd.s32 s13, s0;
	s14 =	ssub.s32 s14, s18;
	s7 =	sadd.s32 s7, s3  }
0xf: {  	s22 =	sadd.s32 s8, s20;
	s23 =	sadd.s32 s9, s20;
	s24 =	sor.u32 $0x40, s20  }
0x10: {  	s15 =	sor.u32 $0x40, s25;
	s6 =	sshrl.u32 s6, $0x3;
	[dreg:$0x5] =	wrdreg s7  }
0x11: {  	s11 =	sadd.s32 $0x2200, s11;
	s13 =	sadd.s32 $0x7F200, s13;
	[dreg:$0x7] =	wrdreg s22  }
0x12: {  	[dreg:$0x8] =	wrdreg s23;
	s26 =	sadd.s32 s8, s24;
	s5 =	sadd.s32 s9, s24  }
0x13: {  	s18 =	sadd.s32 s10, s15;
	s20 =	smax.u32 s14, $0x1;
	[dreg:$0x4] =	wrdreg s11  }
0x14: {  	s22 =	sadd.s32 s17, s8;
	s14 =	simm.s32 $0x2;
	[dreg:$0x6] =	wrdreg s13  }
0x15: {  	s9 =	simm.s32 $0x6;
	s7 =	simm.s32 $0x0;
	[dreg:$0x9] =	wrdreg s26  }
0x16: {  	s0 =	sadd.s32 s6, s0;
	s6 =	sor.u32 $0x1C0B, s19;
	[dreg:$0xa] =	wrdreg s5  }
0x17: {  	s11 =	sadd.s32 s10, s25;
	s13 =	sadd.s32 s12, s25;
	[dreg:$0xd] =	wrdreg s18  }
0x18: {  	s5 =	sadd.s32 s12, s15;
	s19 =	smul.u32 $0x480, s16;
	[dreg:$0x10] =	wrdreg s20  }
0x19: {  	s26 =	sshrl.u32 s1, $0x3;
	s18 =	simm.s32 $0x400;
	[dreg:$0xb] =	wrdreg s11  }
0x1a: {  	s1 =	simm.s32 $0x4800;
	s15 =	simm.s32 $0x3;
	[dreg:$0xc] =	wrdreg s13  }
0x1b: {  	s16 =	simm.s32 $0x4;
	[dreg:$0xe] =	wrdreg s5;
	s0 =	sadd.s32 $0x93200, s0  }
0x1c: {  	[dreg:$0x15] =	wrdreg s26;
	s26 =	simm.s32 $0x9;
	s13 =	simm.s32 $0x1  }
0x1d: {  	s11 =	simm.s32 $0x7;
	s5 =	simm.s32 $0x8;
	[dreg:$0xf] =	wrdreg s0  }
.Ltmp0:
0x1e: {  	s0 =	sadd.s32 $0x80, s21;
	s23 =	sadd.s32 s19, s12;
	(pc) =	sbr.rel .LBB2_1-.Ltmp0, $4  }
0x1f: {  	s25 =	sadd.s32 s19, s10;
	[dreg:$0x11] =	wrdreg s0;
	s0 =	sadd.s32 $0x80, s22  }
0x20: {  	s10 =	simm.s32 $0x6800;
	s24 =	sadd.s32 $0x80, s23;
	[dreg:$0x12] =	wrdreg s0  }
0x21: {  	s19 =	simm.s32 $0x600;
	[dreg:$0x13] =	wrdreg s24;
	s0 =	sadd.s32 $0x80, s25  }
0x22: {  	s24 =	simm.s32 $0xB;
	[dreg:$0x14] =	wrdreg s0;
	s0 =	simm.s32 $0x5  }
.LBB2_7:
0x23: {  	[tilespmem:s18], [sflag:$0xA] =	stream.linear.gather [hbm4b:s22+s4], $0x200, $0x38;
	[tilespmem:$0x1C480] =	vst v63  }
0x24: {  	_ =	swait.ge [sflag:s13], $0x2000  }
0x25: {  	[sflag:s13] =	ssyncset.done $0x0  }
0x26: {  	s18 =	simm.s32 $0x400;
	[sflag:s13] =	ssyncadd.s32 $0xFFFFE000  }
0x27: {  	[spmem:s3] =	stream.indirect.scatter.add.f32 [tilespmem:s30], [sflag:$0x5], $0x40, s18, s29, $0xb8;
	[tilespmem:$0x1C480] =	vst v63  }
0x28: {  	_ =	swait.ge [sflag:s14], $0x2000  }
0x29: {  	[sflag:s14] =	ssyncset.done $0x0  }
0x2a: {  	s12 =	simm.s32 $0x480;
	[sflag:s14] =	ssyncadd.s32 $0xFFFFE000  }
0x2b: {  	[spmem:s3] =	stream.indirect.scatter.add.f32 [tilespmem:s31], [sflag:$0x6], $0x40, s12, s29, $0xb8;
	[tilespmem:$0x1C480] =	vst v63  }
0x2c: {  	_ =	swait.ge [sflag:s15], $0x2000  }
0x2d: {  	[sflag:s15] =	ssyncset.done $0x0  }
0x2e: {  	s20 =	simm.s32 $0x500;
	[sflag:s15] =	ssyncadd.s32 $0xFFFFE000  }
0x2f: {  	[spmem:s3] =	stream.indirect.scatter.add.f32 [tilespmem:s1], [sflag:$0x7], $0x40, s20, s29, $0xb8;
	[tilespmem:$0x1C480] =	vst v63  }
0x30: {  	_ =	swait.ge [sflag:s16], $0x2000  }
0x31: {  	[sflag:s16] =	ssyncset.done $0x0  }
0x32: {  	s21 =	simm.s32 $0x580;
	[sflag:s16] =	ssyncadd.s32 $0xFFFFE000  }
0x33: {  	[spmem:s3] =	stream.indirect.scatter.add.f32 [tilespmem:s10], [sflag:$0x8], $0x40, s21, s29, $0xb8;
	[tilespmem:$0x1C480] =	vst v63  }
0x34: {  	_ =	swait.ge [sflag:s0], $0x2000  }
0x35: {  	[sflag:s0] =	ssyncset.done $0x0  }
0x36: {  	[sflag:s0] =	ssyncadd.s32 $0xFFFFE000  }
0x37: {  	_ =	swait.ge [sflag:s9], $0x2000  }
0x38: {  	[sflag:s9] =	ssyncset.done $0x0  }
0x39: {  	[sflag:s9] =	ssyncadd.s32 $0xFFFFE000  }
0x3a: {  	_ =	swait.ge [sflag:s11], $0x2000  }
0x3b: {  	[sflag:s11] =	ssyncset.done $0x0  }
0x3c: {  	[sflag:s11] =	ssyncadd.s32 $0xFFFFE000  }
0x3d: {  	_ =	swait.ge [sflag:s5], $0x2000  }
0x3e: {  	[sflag:s5] =	ssyncset.done $0x0  }
0x3f: {  	[sflag:s5] =	ssyncadd.s32 $0xFFFFE000  }
0x40: {  	_ =	swait.ge [sflag:s26], $0x200  }
0x41: {  	[sflag:s26] =	ssyncset.done $0x0  }
0x42: {  	[sflag:s26] =	ssyncadd.s32 $0xFFFFFE00  }
0x43: {  	_ =	swait.ge [sflag:s28], $0x200  }
0x44: {  	s22 =	sshrl.u32 s17, $0x2;
	[sflag:s28] =	ssyncset.done $0x0  }
0x45: {  	s12 =	sand.u32 $0x200, s22;
	[sflag:s28] =	ssyncadd.s32 $0xFFFFFE00  }
0x46: {  	[tilespmem:s30], [sflag:$0x1] =	stream.indirect.gather [spmem:s2], $0x40, s12, s29, $0xb8;
	[tilespmem:$0x1C480] =	vst v63  }
0x47: {  	s23 =	sor.u32 $0x80, s12  }
0x48: {  	[tilespmem:s31], [sflag:$0x2] =	stream.indirect.gather [spmem:s2], $0x40, s23, s29, $0xb8;
	[tilespmem:$0x1C480] =	vst v63  }
0x49: {  	s25 =	sor.u32 $0x100, s12  }
0x4a: {  	[tilespmem:s1], [sflag:$0x3] =	stream.indirect.gather [spmem:s2], $0x40, s25, s29, $0xb8;
	[tilespmem:$0x1C480] =	vst v63  }
0x4b: {  	s19 =	simm.s32 $0x600;
	s12 =	sor.u32 $0x180, s12  }
0x4c: {  	[tilespmem:s10], [sflag:$0x4] =	stream.indirect.gather [spmem:s2], $0x40, s12, s29, $0xb8;
	[tilespmem:$0x1C480] =	vst v63  }
.LBB2_8:
0x4d: {  	_ =	swait.ge [sflag:s13], $0x2000  }
0x4e: {  	[sflag:s13] =	ssyncset.done $0x0  }
0x4f: {  	[sflag:s13] =	ssyncadd.s32 $0xFFFFE000  }
0x50: {  	[spmem:s3] =	stream.indirect.scatter.add.f32 [tilespmem:s30], [sflag:$0x5], $0x40, s19, s29, $0xb8;
	[tilespmem:$0x1C480] =	vst v63  }
0x51: {  	_ =	swait.ge [sflag:s14], $0x2000  }
0x52: {  	[sflag:s14] =	ssyncset.done $0x0  }
0x53: {  	s12 =	simm.s32 $0x680;
	[sflag:s14] =	ssyncadd.s32 $0xFFFFE000  }
0x54: {  	[spmem:s3] =	stream.indirect.scatter.add.f32 [tilespmem:s31], [sflag:$0x6], $0x40, s12, s29, $0xb8;
	[tilespmem:$0x1C480] =	vst v63  }
0x55: {  	_ =	swait.ge [sflag:s15], $0x2000  }
0x56: {  	[sflag:s15] =	ssyncset.done $0x0  }
0x57: {  	s21 =	simm.s32 $0x700;
	[sflag:s15] =	ssyncadd.s32 $0xFFFFE000  }
0x58: {  	[spmem:s3] =	stream.indirect.scatter.add.f32 [tilespmem:s1], [sflag:$0x7], $0x40, s21, s29, $0xb8;
	[tilespmem:$0x1C480] =	vst v63  }
0x59: {  	_ =	swait.ge [sflag:s16], $0x2000  }
0x5a: {  	[sflag:s16] =	ssyncset.done $0x0  }
0x5b: {  	s22 =	simm.s32 $0x780;
	[sflag:s16] =	ssyncadd.s32 $0xFFFFE000  }
0x5c: {  	[spmem:s3] =	stream.indirect.scatter.add.f32 [tilespmem:s10], [sflag:$0x8], $0x40, s22, s29, $0xb8;
	[tilespmem:$0x1C480] =	vst v63  }
0x5d: {  	_ =	swait.ge [sflag:s0], $0x2000  }
0x5e: {  	[sflag:s0] =	ssyncset.done $0x0  }
0x5f: {  	[sflag:s0] =	ssyncadd.s32 $0xFFFFE000  }
0x60: {  	_ =	swait.ge [sflag:s9], $0x2000  }
0x61: {  	[sflag:s9] =	ssyncset.done $0x0  }
0x62: {  	[sflag:s9] =	ssyncadd.s32 $0xFFFFE000  }
0x63: {  	_ =	swait.ge [sflag:s11], $0x2000  }
0x64: {  	[sflag:s11] =	ssyncset.done $0x0  }
0x65: {  	[sflag:s11] =	ssyncadd.s32 $0xFFFFE000  }
0x66: {  	_ =	swait.ge [sflag:s5], $0x2000  }
0x67: {  	[sflag:s5] =	ssyncset.done $0x0  }
0x68: {  	[sflag:s5] =	ssyncadd.s32 $0xFFFFE000  }
0x69: {  	[bflag:$0x0] =	sbarrier.arrive $0xFFFF  }
0x6a: {  	s23 =	rddreg [dreg:$0xf]  }
0x6b: {  	[hbm:s23], [sflag:s6] =	dma.local [spmem:s8], $0x1400  }
0x6c: {  	_ =	swait.ge [sflag:s24], $0x1400  }
0x6d: {  	s7 =	sadd.s32 $0x1, s7;
	s25 =	rddreg [dreg:$0x10]  }
0x6e: {  	p1 =	sne.s32 s7, s25  }
.Ltmp1:
0x6f: {  	_ = 	snop;
	(pc) =	sbr.rel @!p1 .LBB2_9-.Ltmp1, $3  }
0x70: {  	_ =	sdelay $0x1  }
0x71: {  	[sflag:s24] =	ssyncset.done $0x0  }
0x72: {  	[sflag:s24] =	ssyncadd.s32 $0xFFFFEC00  }
.LBB2_1:
0x73: {  	s8 =	rddreg [dreg:$0x4]  }
0x74: {  	s12 =	rddreg [dreg:$0x15]  }
0x75: {  	[spmem:s12], [sflag:s6] =	dma.local [hbm:s8], $0x1390  }
0x76: {  	_ =	swait.ge [sflag:s24], $0x1390  }
0x77: {  	[sflag:s24] =	ssyncset.done $0x0;
	s23 =	rddreg [dreg:$0x5]  }
0x78: {  	s25 =	rddreg [dreg:$0x6];
	[sflag:s24] =	ssyncadd.s32 $0xFFFFEC70;
	s8 =	sshrl.u32 s23, $0x3  }
0x79: {  	[spmem:s8], [sflag:s6] =	dma.local [hbm:s25], $0x1400  }
.Ltmp2:
0x7a: {  	_ =	swait.ge [sflag:s24], $0x1400;
	(pc) =	sbr.rel @!p0 .LBB2_2-.Ltmp2, $3  }
0x7b: {  	[sflag:s24] =	ssyncset.done $0x0  }
0x7c: {  	[sflag:s24] =	ssyncadd.s32 $0xFFFFEC00  }
0x7d: {  	[bflag:$0x0] =	sbarrier.arrive $0xFFFF;
	_ =	sdelay $0x1  }
0x7e: {  	s12 =	simm.s32 $0x0;
	s17 =	rddreg [dreg:$0xb]  }
0x7f: {  	[tilespmem:s12], [sflag:$0x9] =	stream.linear.gather [hbm4b:s17+s12], $0x200, $0x38;
	[tilespmem:$0x1C480] =	vst v63  }
0x80: {  	s22 =	rddreg [dreg:$0xc]  }
0x81: {  	[tilespmem:s18], [sflag:$0xA] =	stream.linear.gather [hbm4b:s22+s12], $0x200, $0x38;
	[tilespmem:$0x1C480] =	vst v63  }
0x82: {  	_ =	swait.ge [sflag:s26], $0x200  }
0x83: {  	[sflag:s26] =	ssyncset.done $0x0  }
0x84: {  	[sflag:s26] =	ssyncadd.s32 $0xFFFFFE00  }
0x85: {  	_ =	swait.ge [sflag:s28], $0x200  }
0x86: {  	[sflag:s28] =	ssyncset.done $0x0  }
0x87: {  	[sflag:s28] =	ssyncadd.s32 $0xFFFFFE00  }
0x88: {  	[tilespmem:s30], [sflag:$0x1] =	stream.indirect.gather [spmem:s2], $0x40, s12, s29, $0xb8;
	[tilespmem:$0x1C480] =	vst v63  }
0x89: {  	_ = 	snop  }
0x8a: {  	[tilespmem:s31], [sflag:$0x2] =	stream.indirect.gather [spmem:s2], $0x40, s29, s29, $0xb8;
	[tilespmem:$0x1C480] =	vst v63  }
0x8b: {  	s23 =	simm.s32 $0x100  }
0x8c: {  	[tilespmem:s1], [sflag:$0x3] =	stream.indirect.gather [spmem:s2], $0x40, s23, s29, $0xb8;
	[tilespmem:$0x1C480] =	vst v63  }
0x8d: {  	s25 =	simm.s32 $0x180  }
0x8e: {  	[tilespmem:s10], [sflag:$0x4] =	stream.indirect.gather [spmem:s2], $0x40, s25, s29, $0xb8;
	[tilespmem:$0x1C480] =	vst v63  }
0x8f: {  	s20 =	simm.s32 $0x200;
	s18 =	rddreg [dreg:$0xd]  }
0x90: {  	[tilespmem:s20], [sflag:$0x9] =	stream.linear.gather [hbm4b:s18+s12], $0x200, $0x38;
	[tilespmem:$0x1C480] =	vst v63  }
0x91: {  	s21 =	rddreg [dreg:$0xe]  }
0x92: {  	[tilespmem:s19], [sflag:$0xA] =	stream.linear.gather [hbm4b:s21+s12], $0x200, $0x38;
	[tilespmem:$0x1C480] =	vst v63  }
0x93: {  	s22 =	simm.s32 $0x0;
	_ =	swait.ge [sflag:s13], $0x2000  }
0x94: {  	s12 =	sand.u32 $0x200, s22;
	[sflag:s13] =	ssyncset.done $0x0  }
0x95: {  	s18 =	sor.u32 $0x400, s12;
	[sflag:s13] =	ssyncadd.s32 $0xFFFFE000  }
0x96: {  	[spmem:s3] =	stream.indirect.scatter.add.f32 [tilespmem:s30], [sflag:$0x5], $0x40, s18, s29, $0xb8;
	[tilespmem:$0x1C480] =	vst v63  }
0x97: {  	_ =	swait.ge [sflag:s14], $0x2000  }
0x98: {  	[sflag:s14] =	ssyncset.done $0x0  }
0x99: {  	s23 =	sor.u32 $0x480, s12;
	[sflag:s14] =	ssyncadd.s32 $0xFFFFE000  }
0x9a: {  	[spmem:s3] =	stream.indirect.scatter.add.f32 [tilespmem:s31], [sflag:$0x6], $0x40, s23, s29, $0xb8;
	[tilespmem:$0x1C480] =	vst v63  }
0x9b: {  	_ =	swait.ge [sflag:s15], $0x2000  }
0x9c: {  	[sflag:s15] =	ssyncset.done $0x0  }
0x9d: {  	s25 =	sor.u32 $0x500, s12;
	[sflag:s15] =	ssyncadd.s32 $0xFFFFE000  }
0x9e: {  	[spmem:s3] =	stream.indirect.scatter.add.f32 [tilespmem:s1], [sflag:$0x7], $0x40, s25, s29, $0xb8;
	[tilespmem:$0x1C480] =	vst v63  }
0x9f: {  	_ =	swait.ge [sflag:s16], $0x2000  }
0xa0: {  	[sflag:s16] =	ssyncset.done $0x0  }
0xa1: {  	s19 =	sor.u32 $0x580, s12;
	[sflag:s16] =	ssyncadd.s32 $0xFFFFE000  }
0xa2: {  	[spmem:s3] =	stream.indirect.scatter.add.f32 [tilespmem:s10], [sflag:$0x8], $0x40, s19, s29, $0xb8;
	[tilespmem:$0x1C480] =	vst v63  }
0xa3: {  	_ =	swait.ge [sflag:s0], $0x2000  }
0xa4: {  	[sflag:s0] =	ssyncset.done $0x0  }
0xa5: {  	[sflag:s0] =	ssyncadd.s32 $0xFFFFE000  }
0xa6: {  	_ =	swait.ge [sflag:s9], $0x2000  }
0xa7: {  	[sflag:s9] =	ssyncset.done $0x0  }
0xa8: {  	[sflag:s9] =	ssyncadd.s32 $0xFFFFE000  }
0xa9: {  	_ =	swait.ge [sflag:s11], $0x2000  }
0xaa: {  	[sflag:s11] =	ssyncset.done $0x0  }
0xab: {  	[sflag:s11] =	ssyncadd.s32 $0xFFFFE000  }
0xac: {  	_ =	swait.ge [sflag:s5], $0x2000  }
0xad: {  	[sflag:s5] =	ssyncset.done $0x0  }
0xae: {  	[sflag:s5] =	ssyncadd.s32 $0xFFFFE000  }
0xaf: {  	_ =	swait.ge [sflag:s26], $0x200  }
0xb0: {  	[sflag:s26] =	ssyncset.done $0x0  }
0xb1: {  	[sflag:s26] =	ssyncadd.s32 $0xFFFFFE00  }
0xb2: {  	s20 =	simm.s32 $0x800;
	_ =	swait.ge [sflag:s28], $0x200  }
0xb3: {  	s17 =	sand.u32 $0x800, s20;
	[sflag:s28] =	ssyncset.done $0x0  }
0xb4: {  	s17 =	sshrl.u32 s17, $0x2;
	[sflag:s28] =	ssyncadd.s32 $0xFFFFFE00  }
0xb5: {  	[tilespmem:s30], [sflag:$0x1] =	stream.indirect.gather [spmem:s2], $0x40, s17, s29, $0xb8;
	[tilespmem:$0x1C480] =	vst v63  }
0xb6: {  	s21 =	sor.u32 $0x80, s17  }
0xb7: {  	[tilespmem:s31], [sflag:$0x2] =	stream.indirect.gather [spmem:s2], $0x40, s21, s29, $0xb8;
	[tilespmem:$0x1C480] =	vst v63  }
0xb8: {  	s22 =	sor.u32 $0x100, s17;
	s23 =	rddreg [dreg:$0x14]  }
0xb9: {  	[tilespmem:s1], [sflag:$0x3] =	stream.indirect.gather [spmem:s2], $0x40, s22, s29, $0xb8;
	[tilespmem:$0x1C480] =	vst v63  }
0xba: {  	s25 =	simm.s32 $0x1;
	s17 =	sor.u32 $0x180, s17;
	s22 =	rddreg [dreg:$0x13]  }
0xbb: {  	[tilespmem:s10], [sflag:$0x4] =	stream.indirect.gather [spmem:s2], $0x40, s17, s29, $0xb8;
	[tilespmem:$0x1C480] =	vst v63  }
0xbc: {  	s19 =	sadd.s32 $0x40, s23;
	s20 =	sadd.s32 $0x40, s22;
	s17 =	simm.s32 $0x0  }
0xbd: {  	[tilespmem:s12], [sflag:$0x9] =	stream.linear.gather [hbm4b:s23+s4], $0x200, $0x38;
	[tilespmem:$0x1C480] =	vst v63  }
.LBB2_6:
0xbe: {  	[tilespmem:s18], [sflag:$0xA] =	stream.linear.gather [hbm4b:s22+s4], $0x200, $0x38;
	[tilespmem:$0x1C480] =	vst v63  }
0xbf: {  	s21 =	smov.u32 s17;
	s22 =	smov.u32 s20  }
0xc0: {  	s12 =	sshll.u32 s25, $0x9;
	s17 =	sadd.s32 $0x800, s17;
	_ =	swait.ge [sflag:s13], $0x2000  }
0xc1: {  	s23 =	sand.u32 $0x200, s12;
	p1 =	sne.s32 s17, $0x7800;
	[sflag:s13] =	ssyncset.done $0x0  }
0xc2: {  	s18 =	sor.u32 $0x400, s23;
	[sflag:s13] =	ssyncadd.s32 $0xFFFFE000  }
0xc3: {  	[spmem:s3] =	stream.indirect.scatter.add.f32 [tilespmem:s30], [sflag:$0x5], $0x40, s18, s29, $0xb8;
	[tilespmem:$0x1C480] =	vst v63  }
0xc4: {  	_ =	swait.ge [sflag:s14], $0x2000  }
0xc5: {  	[sflag:s14] =	ssyncset.done $0x0  }
0xc6: {  	s12 =	sor.u32 $0x480, s23;
	[sflag:s14] =	ssyncadd.s32 $0xFFFFE000  }
0xc7: {  	[spmem:s3] =	stream.indirect.scatter.add.f32 [tilespmem:s31], [sflag:$0x6], $0x40, s12, s29, $0xb8;
	[tilespmem:$0x1C480] =	vst v63  }
0xc8: {  	_ =	swait.ge [sflag:s15], $0x2000  }
0xc9: {  	[sflag:s15] =	ssyncset.done $0x0  }
0xca: {  	s12 =	sor.u32 $0x500, s23;
	[sflag:s15] =	ssyncadd.s32 $0xFFFFE000  }
0xcb: {  	[spmem:s3] =	stream.indirect.scatter.add.f32 [tilespmem:s1], [sflag:$0x7], $0x40, s12, s29, $0xb8;
	[tilespmem:$0x1C480] =	vst v63  }
0xcc: {  	_ =	swait.ge [sflag:s16], $0x2000  }
0xcd: {  	[sflag:s16] =	ssyncset.done $0x0  }
0xce: {  	s12 =	sor.u32 $0x580, s23;
	[sflag:s16] =	ssyncadd.s32 $0xFFFFE000  }
0xcf: {  	[spmem:s3] =	stream.indirect.scatter.add.f32 [tilespmem:s10], [sflag:$0x8], $0x40, s12, s29, $0xb8;
	[tilespmem:$0x1C480] =	vst v63  }
0xd0: {  	_ =	swait.ge [sflag:s0], $0x2000  }
0xd1: {  	[sflag:s0] =	ssyncset.done $0x0  }
0xd2: {  	[sflag:s0] =	ssyncadd.s32 $0xFFFFE000  }
0xd3: {  	_ =	swait.ge [sflag:s9], $0x2000  }
0xd4: {  	[sflag:s9] =	ssyncset.done $0x0  }
0xd5: {  	[sflag:s9] =	ssyncadd.s32 $0xFFFFE000  }
0xd6: {  	_ =	swait.ge [sflag:s11], $0x2000  }
0xd7: {  	[sflag:s11] =	ssyncset.done $0x0  }
0xd8: {  	[sflag:s11] =	ssyncadd.s32 $0xFFFFE000  }
0xd9: {  	_ =	swait.ge [sflag:s5], $0x2000  }
0xda: {  	[sflag:s5] =	ssyncset.done $0x0  }
0xdb: {  	[sflag:s5] =	ssyncadd.s32 $0xFFFFE000  }
0xdc: {  	_ =	swait.ge [sflag:s26], $0x200  }
0xdd: {  	[sflag:s26] =	ssyncset.done $0x0  }
0xde: {  	[sflag:s26] =	ssyncadd.s32 $0xFFFFFE00  }
0xdf: {  	s12 =	sadd.s32 $0x1000, s21;
	_ =	swait.ge [sflag:s28], $0x200  }
0xe0: {  	s12 =	sand.u32 $0x800, s12;
	[sflag:s28] =	ssyncset.done $0x0  }
0xe1: {  	s12 =	sshrl.u32 s12, $0x2;
	[sflag:s28] =	ssyncadd.s32 $0xFFFFFE00  }
0xe2: {  	[tilespmem:s30], [sflag:$0x1] =	stream.indirect.gather [spmem:s2], $0x40, s12, s29, $0xb8;
	[tilespmem:$0x1C480] =	vst v63  }
0xe3: {  	s21 =	sor.u32 $0x80, s12  }
0xe4: {  	[tilespmem:s31], [sflag:$0x2] =	stream.indirect.gather [spmem:s2], $0x40, s21, s29, $0xb8;
	[tilespmem:$0x1C480] =	vst v63  }
0xe5: {  	s21 =	sor.u32 $0x100, s12  }
0xe6: {  	[tilespmem:s1], [sflag:$0x3] =	stream.indirect.gather [spmem:s2], $0x40, s21, s29, $0xb8;
	[tilespmem:$0x1C480] =	vst v63  }
.Ltmp3:
0xe7: {  	s12 =	sor.u32 $0x180, s12;
	(pc) =	sbr.rel @p1 .LBB2_6-.Ltmp3, $4  }
0xe8: {  	[tilespmem:s10], [sflag:$0x4] =	stream.indirect.gather [spmem:s2], $0x40, s12, s29, $0xb8;
	[tilespmem:$0x1C480] =	vst v63  }
0xe9: {  	_ = 	snop  }
0xea: {  	[tilespmem:s23], [sflag:$0x9] =	stream.linear.gather [hbm4b:s19+s4], $0x200, $0x38;
	[tilespmem:$0x1C480] =	vst v63  }
0xeb: {  	s25 =	sadd.s32 $0x1, s25;
	s20 =	sadd.s32 $0x40, s20;
	s19 =	sadd.s32 $0x40, s19  }
.Ltmp4:
0xec: {  	_ = 	snop;
	(pc) =	sbr.rel .LBB2_7-.Ltmp4, $1  }
0xed: {  	_ =	sdelay $0x3  }
.LBB2_2:
0xee: {  	s17 =	simm.s32 $0x0;
	s12 =	rddreg [dreg:$0x7]  }
0xef: {  	[tilespmem:s17], [sflag:$0x9] =	stream.linear.gather [hbm4b:s12+s17], $0x200, $0x38;
	[tilespmem:$0x1C480] =	vst v63  }
0xf0: {  	s23 =	rddreg [dreg:$0x8]  }
0xf1: {  	[tilespmem:s18], [sflag:$0xA] =	stream.linear.gather [hbm4b:s23+s17], $0x200, $0x38;
	[tilespmem:$0x1C480] =	vst v63  }
0xf2: {  	_ =	swait.ge [sflag:s26], $0x200  }
0xf3: {  	[sflag:s26] =	ssyncset.done $0x0  }
0xf4: {  	[sflag:s26] =	ssyncadd.s32 $0xFFFFFE00  }
0xf5: {  	_ =	swait.ge [sflag:s28], $0x200  }
0xf6: {  	[sflag:s28] =	ssyncset.done $0x0  }
0xf7: {  	[sflag:s28] =	ssyncadd.s32 $0xFFFFFE00  }
0xf8: {  	[tilespmem:s30], [sflag:$0x1] =	stream.indirect.gather [spmem:s2], $0x40, s17, s29, $0xb8;
	[tilespmem:$0x1C480] =	vst v63  }
0xf9: {  	_ = 	snop  }
0xfa: {  	[tilespmem:s31], [sflag:$0x2] =	stream.indirect.gather [spmem:s2], $0x40, s29, s29, $0xb8;
	[tilespmem:$0x1C480] =	vst v63  }
0xfb: {  	s25 =	simm.s32 $0x100  }
0xfc: {  	[tilespmem:s1], [sflag:$0x3] =	stream.indirect.gather [spmem:s2], $0x40, s25, s29, $0xb8;
	[tilespmem:$0x1C480] =	vst v63  }
0xfd: {  	s18 =	simm.s32 $0x180  }
0xfe: {  	[tilespmem:s10], [sflag:$0x4] =	stream.indirect.gather [spmem:s2], $0x40, s18, s29, $0xb8;
	[tilespmem:$0x1C480] =	vst v63  }
0xff: {  	s21 =	simm.s32 $0x200;
	s20 =	rddreg [dreg:$0x9]  }
0x100: {  	[tilespmem:s21], [sflag:$0x9] =	stream.linear.gather [hbm4b:s20+s17], $0x200, $0x38;
	[tilespmem:$0x1C480] =	vst v63  }
0x101: {  	s22 =	rddreg [dreg:$0xa]  }
0x102: {  	[tilespmem:s19], [sflag:$0xA] =	stream.linear.gather [hbm4b:s22+s17], $0x200, $0x38;
	[tilespmem:$0x1C480] =	vst v63  }
0x103: {  	s23 =	simm.s32 $0x0;
	_ =	swait.ge [sflag:s13], $0x2000  }
0x104: {  	s17 =	sand.u32 $0x200, s23;
	[sflag:s13] =	ssyncset.done $0x0  }
0x105: {  	s18 =	sor.u32 $0x400, s17;
	[sflag:s13] =	ssyncadd.s32 $0xFFFFE000  }
0x106: {  	[spmem:s3] =	stream.indirect.scatter.add.f32 [tilespmem:s30], [sflag:$0x5], $0x40, s18, s29, $0xb8;
	[tilespmem:$0x1C480] =	vst v63  }
0x107: {  	_ =	swait.ge [sflag:s14], $0x2000  }
0x108: {  	[sflag:s14] =	ssyncset.done $0x0  }
0x109: {  	s25 =	sor.u32 $0x480, s17;
	[sflag:s14] =	ssyncadd.s32 $0xFFFFE000  }
0x10a: {  	[spmem:s3] =	stream.indirect.scatter.add.f32 [tilespmem:s31], [sflag:$0x6], $0x40, s25, s29, $0xb8;
	[tilespmem:$0x1C480] =	vst v63  }
0x10b: {  	_ =	swait.ge [sflag:s15], $0x2000  }
0x10c: {  	[sflag:s15] =	ssyncset.done $0x0  }
0x10d: {  	s12 =	sor.u32 $0x500, s17;
	[sflag:s15] =	ssyncadd.s32 $0xFFFFE000  }
0x10e: {  	[spmem:s3] =	stream.indirect.scatter.add.f32 [tilespmem:s1], [sflag:$0x7], $0x40, s12, s29, $0xb8;
	[tilespmem:$0x1C480] =	vst v63  }
0x10f: {  	_ =	swait.ge [sflag:s16], $0x2000  }
0x110: {  	[sflag:s16] =	ssyncset.done $0x0  }
0x111: {  	s20 =	sor.u32 $0x580, s17;
	[sflag:s16] =	ssyncadd.s32 $0xFFFFE000  }
0x112: {  	[spmem:s3] =	stream.indirect.scatter.add.f32 [tilespmem:s10], [sflag:$0x8], $0x40, s20, s29, $0xb8;
	[tilespmem:$0x1C480] =	vst v63  }
0x113: {  	_ =	swait.ge [sflag:s0], $0x2000  }
0x114: {  	[sflag:s0] =	ssyncset.done $0x0  }
0x115: {  	[sflag:s0] =	ssyncadd.s32 $0xFFFFE000  }
0x116: {  	_ =	swait.ge [sflag:s9], $0x2000  }
0x117: {  	[sflag:s9] =	ssyncset.done $0x0  }
0x118: {  	[sflag:s9] =	ssyncadd.s32 $0xFFFFE000  }
0x119: {  	_ =	swait.ge [sflag:s11], $0x2000  }
0x11a: {  	[sflag:s11] =	ssyncset.done $0x0  }
0x11b: {  	[sflag:s11] =	ssyncadd.s32 $0xFFFFE000  }
0x11c: {  	_ =	swait.ge [sflag:s5], $0x2000  }
0x11d: {  	[sflag:s5] =	ssyncset.done $0x0  }
0x11e: {  	[sflag:s5] =	ssyncadd.s32 $0xFFFFE000  }
0x11f: {  	_ =	swait.ge [sflag:s26], $0x200  }
0x120: {  	[sflag:s26] =	ssyncset.done $0x0  }
0x121: {  	[sflag:s26] =	ssyncadd.s32 $0xFFFFFE00  }
0x122: {  	s21 =	simm.s32 $0x800;
	_ =	swait.ge [sflag:s28], $0x200  }
0x123: {  	s19 =	sand.u32 $0x800, s21;
	[sflag:s28] =	ssyncset.done $0x0  }
0x124: {  	s19 =	sshrl.u32 s19, $0x2;
	[sflag:s28] =	ssyncadd.s32 $0xFFFFFE00  }
0x125: {  	[tilespmem:s30], [sflag:$0x1] =	stream.indirect.gather [spmem:s2], $0x40, s19, s29, $0xb8;
	[tilespmem:$0x1C480] =	vst v63  }
0x126: {  	s20 =	sor.u32 $0x80, s19  }
0x127: {  	[tilespmem:s31], [sflag:$0x2] =	stream.indirect.gather [spmem:s2], $0x40, s20, s29, $0xb8;
	[tilespmem:$0x1C480] =	vst v63  }
0x128: {  	s22 =	sor.u32 $0x100, s19  }
0x129: {  	[tilespmem:s1], [sflag:$0x3] =	stream.indirect.gather [spmem:s2], $0x40, s22, s29, $0xb8;
	[tilespmem:$0x1C480] =	vst v63  }
0x12a: {  	s23 =	rddreg [dreg:$0x12];
	s19 =	sor.u32 $0x180, s19  }
0x12b: {  	[tilespmem:s10], [sflag:$0x4] =	stream.indirect.gather [spmem:s2], $0x40, s19, s29, $0xb8;
	[tilespmem:$0x1C480] =	vst v63  }
0x12c: {  	s25 =	simm.s32 $0x1;
	s22 =	rddreg [dreg:$0x11]  }
0x12d: {  	[tilespmem:s17], [sflag:$0x9] =	stream.linear.gather [hbm4b:s23+s4], $0x200, $0x38;
	[tilespmem:$0x1C480] =	vst v63  }
0x12e: {  	s20 =	sadd.s32 $0x40, s22;
	s19 =	sadd.s32 $0x40, s23;
	s17 =	simm.s32 $0x0  }
.LBB2_3:
0x12f: {  	[tilespmem:s18], [sflag:$0xA] =	stream.linear.gather [hbm4b:s22+s4], $0x200, $0x38;
	[tilespmem:$0x1C480] =	vst v63  }
0x130: {  	s21 =	smov.u32 s17;
	s22 =	smov.u32 s20  }
0x131: {  	s18 =	sshll.u32 s25, $0x9;
	s17 =	sadd.s32 $0x800, s17;
	_ =	swait.ge [sflag:s13], $0x2000  }
0x132: {  	s23 =	sand.u32 $0x200, s18;
	p1 =	seq.s32 s17, $0x9800;
	[sflag:s13] =	ssyncset.done $0x0  }
0x133: {  	s18 =	sor.u32 $0x400, s23;
	[sflag:s13] =	ssyncadd.s32 $0xFFFFE000  }
0x134: {  	[spmem:s3] =	stream.indirect.scatter.add.f32 [tilespmem:s30], [sflag:$0x5], $0x40, s18, s29, $0xb8;
	[tilespmem:$0x1C480] =	vst v63  }
0x135: {  	_ =	swait.ge [sflag:s14], $0x2000  }
0x136: {  	[sflag:s14] =	ssyncset.done $0x0  }
0x137: {  	s12 =	sor.u32 $0x480, s23;
	[sflag:s14] =	ssyncadd.s32 $0xFFFFE000  }
0x138: {  	[spmem:s3] =	stream.indirect.scatter.add.f32 [tilespmem:s31], [sflag:$0x6], $0x40, s12, s29, $0xb8;
	[tilespmem:$0x1C480] =	vst v63  }
0x139: {  	_ =	swait.ge [sflag:s15], $0x2000  }
0x13a: {  	[sflag:s15] =	ssyncset.done $0x0  }
0x13b: {  	s12 =	sor.u32 $0x500, s23;
	[sflag:s15] =	ssyncadd.s32 $0xFFFFE000  }
0x13c: {  	[spmem:s3] =	stream.indirect.scatter.add.f32 [tilespmem:s1], [sflag:$0x7], $0x40, s12, s29, $0xb8;
	[tilespmem:$0x1C480] =	vst v63  }
0x13d: {  	_ =	swait.ge [sflag:s16], $0x2000  }
0x13e: {  	[sflag:s16] =	ssyncset.done $0x0  }
0x13f: {  	s12 =	sor.u32 $0x580, s23;
	[sflag:s16] =	ssyncadd.s32 $0xFFFFE000  }
0x140: {  	[spmem:s3] =	stream.indirect.scatter.add.f32 [tilespmem:s10], [sflag:$0x8], $0x40, s12, s29, $0xb8;
	[tilespmem:$0x1C480] =	vst v63  }
0x141: {  	_ =	swait.ge [sflag:s0], $0x2000  }
0x142: {  	[sflag:s0] =	ssyncset.done $0x0  }
0x143: {  	[sflag:s0] =	ssyncadd.s32 $0xFFFFE000  }
0x144: {  	_ =	swait.ge [sflag:s9], $0x2000  }
0x145: {  	[sflag:s9] =	ssyncset.done $0x0  }
0x146: {  	[sflag:s9] =	ssyncadd.s32 $0xFFFFE000  }
0x147: {  	_ =	swait.ge [sflag:s11], $0x2000  }
0x148: {  	[sflag:s11] =	ssyncset.done $0x0  }
0x149: {  	[sflag:s11] =	ssyncadd.s32 $0xFFFFE000  }
0x14a: {  	_ =	swait.ge [sflag:s5], $0x2000  }
0x14b: {  	[sflag:s5] =	ssyncset.done $0x0  }
0x14c: {  	[sflag:s5] =	ssyncadd.s32 $0xFFFFE000  }
0x14d: {  	_ =	swait.ge [sflag:s26], $0x200  }
0x14e: {  	[sflag:s26] =	ssyncset.done $0x0  }
0x14f: {  	[sflag:s26] =	ssyncadd.s32 $0xFFFFFE00  }
0x150: {  	s12 =	sadd.s32 $0x1000, s21;
	_ =	swait.ge [sflag:s28], $0x200  }
0x151: {  	s12 =	sand.u32 $0x800, s12;
	[sflag:s28] =	ssyncset.done $0x0  }
0x152: {  	s12 =	sshrl.u32 s12, $0x2;
	[sflag:s28] =	ssyncadd.s32 $0xFFFFFE00  }
0x153: {  	[tilespmem:s30], [sflag:$0x1] =	stream.indirect.gather [spmem:s2], $0x40, s12, s29, $0xb8;
	[tilespmem:$0x1C480] =	vst v63  }
0x154: {  	s21 =	sor.u32 $0x80, s12  }
0x155: {  	[tilespmem:s31], [sflag:$0x2] =	stream.indirect.gather [spmem:s2], $0x40, s21, s29, $0xb8;
	[tilespmem:$0x1C480] =	vst v63  }
0x156: {  	s21 =	sor.u32 $0x100, s12  }
0x157: {  	[tilespmem:s1], [sflag:$0x3] =	stream.indirect.gather [spmem:s2], $0x40, s21, s29, $0xb8;
	[tilespmem:$0x1C480] =	vst v63  }
.Ltmp5:
0x158: {  	s12 =	sor.u32 $0x180, s12;
	(pc) =	sbr.rel @!p1 .LBB2_3-.Ltmp5, $4  }
0x159: {  	[tilespmem:s10], [sflag:$0x4] =	stream.indirect.gather [spmem:s2], $0x40, s12, s29, $0xb8;
	[tilespmem:$0x1C480] =	vst v63  }
0x15a: {  	_ = 	snop  }
0x15b: {  	[tilespmem:s23], [sflag:$0x9] =	stream.linear.gather [hbm4b:s19+s4], $0x200, $0x38;
	[tilespmem:$0x1C480] =	vst v63  }
0x15c: {  	s25 =	sadd.s32 $0x1, s25;
	s20 =	sadd.s32 $0x40, s20;
	s19 =	sadd.s32 $0x40, s19  }
0x15d: {  	[tilespmem:s18], [sflag:$0xA] =	stream.linear.gather [hbm4b:s22+s4], $0x200, $0x38;
	[tilespmem:$0x1C480] =	vst v63  }
0x15e: {  	_ =	swait.ge [sflag:s13], $0x2000  }
0x15f: {  	[sflag:s13] =	ssyncset.done $0x0  }
0x160: {  	s18 =	simm.s32 $0x400;
	[sflag:s13] =	ssyncadd.s32 $0xFFFFE000  }
0x161: {  	[spmem:s3] =	stream.indirect.scatter.add.f32 [tilespmem:s30], [sflag:$0x5], $0x40, s18, s29, $0xb8;
	[tilespmem:$0x1C480] =	vst v63  }
0x162: {  	_ =	swait.ge [sflag:s14], $0x2000  }
0x163: {  	[sflag:s14] =	ssyncset.done $0x0  }
0x164: {  	s12 =	simm.s32 $0x480;
	[sflag:s14] =	ssyncadd.s32 $0xFFFFE000  }
0x165: {  	[spmem:s3] =	stream.indirect.scatter.add.f32 [tilespmem:s31], [sflag:$0x6], $0x40, s12, s29, $0xb8;
	[tilespmem:$0x1C480] =	vst v63  }
0x166: {  	_ =	swait.ge [sflag:s15], $0x2000  }
0x167: {  	[sflag:s15] =	ssyncset.done $0x0  }
0x168: {  	s20 =	simm.s32 $0x500;
	[sflag:s15] =	ssyncadd.s32 $0xFFFFE000  }
0x169: {  	[spmem:s3] =	stream.indirect.scatter.add.f32 [tilespmem:s1], [sflag:$0x7], $0x40, s20, s29, $0xb8;
	[tilespmem:$0x1C480] =	vst v63  }
0x16a: {  	_ =	swait.ge [sflag:s16], $0x2000  }
0x16b: {  	[sflag:s16] =	ssyncset.done $0x0  }
0x16c: {  	s21 =	simm.s32 $0x580;
	[sflag:s16] =	ssyncadd.s32 $0xFFFFE000  }
0x16d: {  	[spmem:s3] =	stream.indirect.scatter.add.f32 [tilespmem:s10], [sflag:$0x8], $0x40, s21, s29, $0xb8;
	[tilespmem:$0x1C480] =	vst v63  }
0x16e: {  	_ =	swait.ge [sflag:s0], $0x2000  }
0x16f: {  	[sflag:s0] =	ssyncset.done $0x0  }
0x170: {  	[sflag:s0] =	ssyncadd.s32 $0xFFFFE000  }
0x171: {  	_ =	swait.ge [sflag:s9], $0x2000  }
0x172: {  	[sflag:s9] =	ssyncset.done $0x0  }
0x173: {  	[sflag:s9] =	ssyncadd.s32 $0xFFFFE000  }
0x174: {  	_ =	swait.ge [sflag:s11], $0x2000  }
0x175: {  	[sflag:s11] =	ssyncset.done $0x0  }
0x176: {  	[sflag:s11] =	ssyncadd.s32 $0xFFFFE000  }
0x177: {  	_ =	swait.ge [sflag:s5], $0x2000  }
0x178: {  	[sflag:s5] =	ssyncset.done $0x0  }
0x179: {  	[sflag:s5] =	ssyncadd.s32 $0xFFFFE000  }
0x17a: {  	_ =	swait.ge [sflag:s26], $0x200  }
0x17b: {  	[sflag:s26] =	ssyncset.done $0x0  }
0x17c: {  	[sflag:s26] =	ssyncadd.s32 $0xFFFFFE00  }
0x17d: {  	_ =	swait.ge [sflag:s28], $0x200  }
0x17e: {  	s22 =	sshrl.u32 s17, $0x2;
	[sflag:s28] =	ssyncset.done $0x0  }
0x17f: {  	s12 =	sand.u32 $0x200, s22;
	[sflag:s28] =	ssyncadd.s32 $0xFFFFFE00  }
0x180: {  	[tilespmem:s30], [sflag:$0x1] =	stream.indirect.gather [spmem:s2], $0x40, s12, s29, $0xb8;
	[tilespmem:$0x1C480] =	vst v63  }
0x181: {  	s23 =	sor.u32 $0x80, s12  }
0x182: {  	[tilespmem:s31], [sflag:$0x2] =	stream.indirect.gather [spmem:s2], $0x40, s23, s29, $0xb8;
	[tilespmem:$0x1C480] =	vst v63  }
.Ltmp6:
0x183: {  	_ = 	snop;
	(pc) =	sbr.rel .LBB2_8-.Ltmp6, $4  }
0x184: {  	s25 =	sor.u32 $0x100, s12  }
0x185: {  	[tilespmem:s1], [sflag:$0x3] =	stream.indirect.gather [spmem:s2], $0x40, s25, s29, $0xb8;
	[tilespmem:$0x1C480] =	vst v63  }
0x186: {  	s19 =	simm.s32 $0x600;
	s12 =	sor.u32 $0x180, s12  }
0x187: {  	[tilespmem:s10], [sflag:$0x4] =	stream.indirect.gather [spmem:s2], $0x40, s12, s29, $0xb8;
	[tilespmem:$0x1C480] =	vst v63  }
.LBB2_9:
0x188: {  	_ =	sfence.sel $0x180000  }
0x189: {  	[bflag:$0x0] =	sbarrier.arrive $0xFFFF  }
0x18a: {  	_ =	strace $0x9000004A  }
0x18b: {  	s0 =	stileid.u32;
	[bflag:$0x2] =	sbarrier.arrive $0xFFFF  }
0x18c: {  	p0 =	sne.s32 s0, $0x0;
	s0 =	rddreg [dreg:$0x3]  }
0x18d: {  	s0 =	sadd.s32 @!p0 $0x100000, s0  }
0x18e: {  	[sflag:s0] =	ssyncadd.tile.s32 @!p0 $0x1;
	_ =	shalt  }
.Lfunc_end2:
_tile_overlayer_lowered:
.L_overlay_start_2:
0x18f: {  	(tag) =	ssettag $0x2  }
0x190: {  	s0 =	rddreg [dreg:$0x0];
	s2 =	stileid.u32  }
0x191: {  	s1 =	rddreg [dreg:$0x1];
	p0 =	sne.s32 s2, $0x0  }
0x192: {  	s3 =	rddreg [dreg:$0x2];
	[bflag:$0x3] =	sbarrier.arrive $0xFFFF;
	s2 =	simm.s32 @!p0 $0x1C0B  }
0x193: {  	[timem:s3], [sflag:s2] =	dma.local @!p0 [hbm:s0], s1  }
0x194: {  	s0 =	simm.s32 @!p0 $0xB  }
0x195: {  	_ =	swait.ge @!p0 [sflag:s0], s1  }
0x196: {  	s1 =	ssub.s32 @!p0 $0x0, s1;
	[sflag:s0] =	ssyncset.done @!p0 $0x0  }
0x197: {  	[sflag:s0] =	ssyncadd.s32 @!p0 s1  }
0x198: {  	[bflag:$0x3] =	sbarrier.arrive $0xFFFF  }
0x199: {  	_ =	shalt  }

// kernel: kernel.15.cloned.1.call-start
scs
__scs_entry_jumppad:
0x0: {  	(pc) =	sbr.rel $0x88, $3  }
0x1: {  	(tag) =	ssettag $0x0;
	lr =	simm.s32 $0x1  }
0x2: {  	[smem:$0x3F97] =	sst lr;
	_ =	strace $0xD0000000  }
0x3: {  	_ = 	snop  }
0x4: {  	_ = 	snop  }
0x5: {  	_ = 	snop  }
0x6: {  	_ = 	snop  }
0x7: {  	_ = 	snop  }
__scs_overlays_trampoline_lowered:
0x8: {  	[smem:$0x3FA6] =	sst s0  }
0x9: {  	[smem:$0x3FA7] =	sst s1  }
0xa: {  	[smem:$0x3FA8] =	sst s2  }
0xb: {  	[smem:$0x3FA9] =	sst s3  }
0xc: {  	[smem:$0x3FAA] =	sst s4  }
0xd: {  	[smem:$0x3FAB] =	sst s5  }
0xe: {  	[smem:$0x3FAC] =	sst s6  }
0xf: {  	[smem:$0x3FAD] =	sst s7  }
0x10: {  	[smem:$0x3FAE] =	sst s8  }
0x11: {  	[smem:$0x3FAF] =	sst s9;
	s0 =	simm.s32 @!p0 $0x0  }
0x12: {  	s1 =	sld [smem:$0x3F95];
	s0 =	simm.s32 @p0 $0x1  }
0x13: {  	[smem:$0x3FB0] =	sst s0;
	s0 =	simm.s32 @!p1 $0x0  }
0x14: {  	s2 =	sld [smem:$0x3F94];
	s0 =	simm.s32 @p1 $0x1  }
0x15: {  	[smem:$0x3FB1] =	sst s0;
	s0 =	simm.s32 @!p2 $0x0  }
0x16: {  	s3 =	sld [smem:$0x3FDB];
	s0 =	simm.s32 @p2 $0x1  }
0x17: {  	s4 =	simm.s32 $0x1BF5;
	[smem:$0x3FB3] =	sst s0  }
0x18: {  	s0 =	sld [smem:$0x3F96];
	_ =	swait.ge [sflag:s4], $0x0  }
0x19: {  	s7 =	sld [smem:$0x3F97]  }
0x1a: {  	s8 =	sadd.s32 $0xFFFFE003, lr  }
0x1b: {  	s9 =	sadd.s32 $0xFFFFFEF7, lr;
	s5 =	simm.s32 $0xFFFFFFFF;
	p2 =	slt.u32 s8, $0xFFFFF086  }
0x1c: {  	p1 =	slt.u32 s9, $0xF7A;
	s5 =	simm.s32 @!p2 $0x0  }
0x1d: {  	s5 =	simm.s32 @p1 $0x1;
	p0 =	seq.s32 s7, s2  }
0x1e: {  	s7 =	smul.u32 @!p0 $0xF7A, s2;
	p2 =	seq.s32 @!p0 s5, $0x0  }
0x1f: {  	s9 =	smul.u32 $0xF7A, s1;
	s8 =	simm.s32 @!p0 $0x1BF5;
	p2 =	por !p2, p0  }
0x20: {  	[sflag:s8] =	ssyncset.s32 @!p0 $0xFFFFF086;
	s6 =	sadd.s32 @!p0 s3, s7;
	s7 =	simm.s32 @!p0 $0x108  }
0x21: {  	s3 =	sadd.s32 s3, s9;
	s6 =	sadd.s32 @!p0 $0x88, s6;
	s7 =	simm.s32 @p2 $0x1082  }
0x22: {  	[simem:s7], [sflag:s8] =	dma.local @!p0 [hbm:s6], $0xF7A  }
0x23: {  	s9 =	sor.u32 $0xD0000000, s2;
	s6 =	simm.s32 $0x108;
	_ =	swait.ge @!p0 [sflag:s8], $0x0  }
0x24: {  	s3 =	sadd.s32 $0x88, s3;
	s6 =	simm.s32 @!p1 $0x1082;
	[sflag:s4] =	ssyncset.s32 $0xFFFFF086  }
0x25: {  	[simem:s6], [sflag:s4] =	dma.local [hbm:s3], $0xF7A  }
0x26: {  	[smem:$0x3F97] =	sst s1;
	(tag) =	ssettag s2;
	_ =	strace s9  }
0x27: {  	s1 =	sld [smem:$0x3FA7]  }
0x28: {  	s2 =	sld [smem:$0x3FA8]  }
0x29: {  	s4 =	sld [smem:$0x3FAA]  }
0x2a: {  	p0 =	seq.s32 s5, $0x0;
	s5 =	sld [smem:$0x3FAB]  }
0x2b: {  	s6 =	sld [smem:$0x3FAC]  }
0x2c: {  	s7 =	sld [smem:$0x3FAD]  }
0x2d: {  	s3 =	simm.s32 $0x108;
	s8 =	sld [smem:$0x3FAE]  }
0x2e: {  	s3 =	simm.s32 @!p0 $0x1082;
	s9 =	sld [smem:$0x3FAF]  }
0x2f: {  	lr =	sadd.s32 s0, s3;
	s0 =	sld [smem:$0x3FA6]  }
0x30: {  	s3 =	sld [smem:$0x3FA9]  }
0x31: {  	[smem:$0x3FB2] =	sst s10  }
0x32: {  	s10 =	sld [smem:$0x3FB0];
	_ =	sdelay $0x3  }
0x33: {  	p0 =	seq.s32 s10, $0x1;
	s10 =	sld [smem:$0x3FB2];
	_ =	sdelay $0x3  }
0x34: {  	[smem:$0x3FB2] =	sst s10  }
0x35: {  	s10 =	sld [smem:$0x3FB1];
	_ =	sdelay $0x3  }
0x36: {  	p1 =	seq.s32 s10, $0x1;
	s10 =	sld [smem:$0x3FB2];
	_ =	sdelay $0x3  }
0x37: {  	[smem:$0x3FB2] =	sst s10  }
0x38: {  	s10 =	sld [smem:$0x3FB3]  }
0x39: {  	_ = 	snop;
	(pc) =	sbr.ind lr, $3  }
0x3a: {  	_ = 	snop  }
0x3b: {  	_ = 	snop  }
0x3c: {  	p2 =	seq.s32 s10, $0x1;
	s10 =	sld [smem:$0x3FB2]  }
0x3d: {  	_ =	shalt  }
0x3e: {  	_ =	shalt  }
0x3f: {  	_ =	shalt  }
0x40: {  	_ =	shalt  }
0x41: {  	_ =	shalt  }
0x42: {  	_ =	shalt  }
0x43: {  	_ =	shalt  }
0x44: {  	_ =	shalt  }
0x45: {  	_ =	shalt  }
0x46: {  	_ =	shalt  }
0x47: {  	_ =	shalt  }
0x48: {  	_ =	shalt  }
0x49: {  	_ =	shalt  }
0x4a: {  	_ =	shalt  }
0x4b: {  	_ =	shalt  }
0x4c: {  	_ =	shalt  }
0x4d: {  	_ =	shalt  }
0x4e: {  	_ =	shalt  }
0x4f: {  	_ =	shalt  }
0x50: {  	_ =	shalt  }
0x51: {  	_ =	shalt  }
0x52: {  	_ =	shalt  }
0x53: {  	_ =	shalt  }
0x54: {  	_ =	shalt  }
0x55: {  	_ =	shalt  }
0x56: {  	_ =	shalt  }
0x57: {  	_ =	shalt  }
0x58: {  	_ =	shalt  }
0x59: {  	_ =	shalt  }
0x5a: {  	_ =	shalt  }
0x5b: {  	_ =	shalt  }
0x5c: {  	_ =	shalt  }
0x5d: {  	_ =	shalt  }
0x5e: {  	_ =	shalt  }
0x5f: {  	_ =	shalt  }
0x60: {  	_ =	shalt  }
0x61: {  	_ =	shalt  }
0x62: {  	_ =	shalt  }
0x63: {  	_ =	shalt  }
0x64: {  	_ =	shalt  }
0x65: {  	_ =	shalt  }
0x66: {  	_ =	shalt  }
0x67: {  	_ =	shalt  }
0x68: {  	_ =	shalt  }
0x69: {  	_ =	shalt  }
0x6a: {  	_ =	shalt  }
0x6b: {  	_ =	shalt  }
0x6c: {  	_ =	shalt  }
0x6d: {  	_ =	shalt  }
0x6e: {  	_ =	shalt  }
0x6f: {  	_ =	shalt  }
0x70: {  	_ =	shalt  }
0x71: {  	_ =	shalt  }
0x72: {  	_ =	shalt  }
0x73: {  	_ =	shalt  }
0x74: {  	_ =	shalt  }
0x75: {  	_ =	shalt  }
0x76: {  	_ =	shalt  }
0x77: {  	_ =	shalt  }
0x78: {  	_ =	shalt  }
0x79: {  	_ =	shalt  }
0x7a: {  	_ =	shalt  }
0x7b: {  	_ =	shalt  }
0x7c: {  	_ =	shalt  }
0x7d: {  	_ =	shalt  }
0x7e: {  	_ =	shalt  }
0x7f: {  	_ =	shalt  }
0x80: {  	_ =	shalt  }
0x81: {  	_ =	shalt  }
0x82: {  	_ =	shalt  }
0x83: {  	_ =	shalt  }
0x84: {  	_ =	shalt  }
0x85: {  	_ =	shalt  }
0x86: {  	_ =	shalt  }
0x87: {  	_ =	shalt  }
.Lfunc_end0:
.L_simem_size_0:
called_computation.2_lowered:
.L_overlay_start_0:
0x88: {  	s2 =	sld [smem:$0x3FD9]  }
0x89: {  	s3 =	sld [smem:$0x3FFE];
	_ =	sdelay $0x1  }
0x8a: {  	s1 =	srdreg.scid  }
0x8b: {  	s0 =	sand.u32 $0x1, s1  }
0x8c: {  	s16 =	sshll.u32 s0, $0xA;
	s2 =	sadd.s32 s3, s2  }
0x8d: {  	s2 =	sadd.s32 s2, s16  }
0x8e: {  	[smem:$0x3FBE] =	sst s2  }
0x8f: {  	_ = 	snop  }
0x90: {  	(tm) =	ssettm $0x1  }
0x91: {  	s17 =	sld [smem:$0x3FFB];
	_ =	sdelay $0x3  }
0x92: {  	_ =	strace s17  }
0x93: {  	s2 =	sld [smem:$0x3FFC];
	_ =	sdelay $0x3  }
0x94: {  	_ =	strace s2  }
0x95: {  	s2 =	sld [smem:$0x3FFD];
	_ =	sdelay $0x3  }
0x96: {  	_ =	strace s2  }
0x97: {  	_ =	strace $0x8FFFFFFF  }
0x98: {  	s18 =	sld [smem:$0x3FDB];
	_ =	sdelay $0x1  }
0x99: {  	s19 =	simm.s32 $_scs_section_size  }
0x9a: {  	s4 =	simm.s32 $_size__tile_overlayer_lowered;
	s5 =	simm.s32 $_tile_overlayer_lowered  }
0x9b: {  	s22 =	simm.s32 $0x1BFF;
	s21 =	sshll.u32 s5, $0x1;
	s2 =	sadd.s32 s19, s18  }
0x9c: {  	s6 =	simm.s32 $0x0;
	s20 =	sshll.u32 s4, $0x1;
	s4 =	sadd.s32 s21, s2  }
0x9d: {  	[timem:s6], [sflag:s22] =	dma.local [hbm:s4], s20  }
0x9e: {  	_ =	swait.ge [sflag:s22], s20  }
0x9f: {  	s3 =	ssub.s32 $0x0, s20;
	[sflag:s22] =	ssyncset.done $0x0  }
0xa0: {  	[sflag:s22] =	ssyncadd.s32 s3;
	_ =	sdelay $0x1  }
0xa1: {  	s23 =	simm.s32 $0x1B8B  }
0xa2: {  	_ =	swait.ge [sflag:s23], $0x1  }
0xa3: {  	[sflag:s23] =	ssyncset.done $0x0  }
0xa4: {  	s25 =	simm.s32 $0x1B8E;
	s24 =	sld [smem:$0x3FFE];
	[sflag:s23] =	ssyncadd.s32 $0xFFFFFFFF  }
0xa5: {  	s26 =	simm.s32 $execute0_lowered;
	[smem:$0x3FD2] =	sst s25  }
0xa6: {  	s4 =	sshll.u32 s26, $0x1;
	_ =	strace $0x8000004C;
	[dreg:$0x1] =	wrdreg $0xFFFFFFFF  }
0xa7: {  	s28 =	simm.s32 $_size_execute0_lowered;
	s2 =	sadd.s32 s2, s4;
	[dreg:$0x0] =	wrdreg $0x0  }
0xa8: {  	s4 =	sshll.u32 s28, $0x1;
	[dreg:$0x2] =	wrdreg s2  }
0xa9: {  	[dreg:$0x3] =	wrdreg s4  }
0xaa: {  	[dreg:$0x4] =	wrdreg $0xC0  }
0xab: {  	_ =	task [dreg:s6], $0x5FFFF  }
0xac: {  	[dreg:$0x1] =	wrdreg $0xFFFFFFFF  }
0xad: {  	[dreg:$0x0] =	wrdreg $0x60  }
0xae: {  	[dreg:$0x2] =	wrdreg s24  }
0xaf: {  	[dreg:$0x3] =	wrdreg $0x128000  }
0xb0: {  	[dreg:$0x4] =	wrdreg $0x88000  }
0xb1: {  	[dreg:$0x5] =	wrdreg $0x9  }
0xb2: {  	_ =	task.clear_ibuf [dreg:s6], $0x6FFFF;
	_ =	strace $0x9000004C  }
0xb3: {  	s29 =	simm.s32 $0x9;
	_ =	strace $0x8000004E  }
0xb4: {  	_ =	swait.ge [sflag:s29], $0x1  }
0xb5: {  	[sflag:s29] =	ssyncadd.s32 $0xFFFFFFFF  }
0xb6: {  	_ =	strace $0x9000004E  }
0xb7: {  	_ =	sfence  }
0xb8: {  	s30 =	sld [smem:$0x0];
	_ =	sdelay $0x2  }
0xb9: {  	s31 =	sshll.u32 s1, $0xD;
	s1 =	sshrl.u32 s1, $0x2  }
0xba: {  	s3 =	sand.u32 $0x4000, s31;
	s1 =	sadd.s32 s1, s30  }
0xbb: {  	s0 =	sor.u32 s3, s0;
	s1 =	sshll.u32 s1, $0x11  }
0xbc: {  	s0 =	sor.u32 s1, s0  }
0xbd: {  	s0 =	sadd.s32 $0x8F2B, s0  }
0xbe: {  	[sflag:s0] =	ssyncadd.remote.s32 $0x1  }
0xbf: {  	_ =	sfence.sel $0xFFFF  }
0xc0: {  	[dreg:$0x0] =	wrdreg $0xFFFFFFFF;
	(pc) =	sbr.abs _section_cstart, $3  }
0xc1: {  	[dreg:$0x1] =	wrdreg $0xFFFFFFFF  }
0xc2: {  	_ =	task.clear_ibuf [dreg:s6], $0x2FFFF;
	_ =	strace $0x9FFFFFFF  }
0xc3: {  	(tm) =	ssettm $0x7FFFFFFF  }
tec
execute0_lowered:
.L_overlay_start_1:
0x0: {  	(tag) =	ssettag $0x1  }
0x1: {  	s0 =	rddreg [dreg:$0x0]  }
0x2: {  	s2 =	rddreg [dreg:$0x1]  }
0x3: {  	s3 =	rddreg [dreg:$0x2];
	s16 =	stileid.u32;
	s4 =	simm.s32 $0x0  }
0x4: {  	s5 =	srdreg.scid;
	s28 =	simm.s32 $0xA;
	s29 =	simm.s32 $0x80  }
0x5: {  	s30 =	simm.s32 $0x800;
	s31 =	simm.s32 $0x2800;
	s1 =	smul.u32 $0x9C80, s16  }
0x6: {  	[smem:$0x7FF] =	sst s4;
	s7 =	smul.u32 $0xA000, s16;
	s5 =	sand.u32 $0x1, s5  }
0x7: {  	s8 =	sadd.s32 $0x29A00, s0;
	s9 =	sadd.s32 $0x24200, s0;
	s15 =	smul.u32 $0x2C00, s16  }
0x8: {  	s10 =	sadd.s32 $0x1B200, s0;
	s12 =	sadd.s32 $0x1FA00, s0;
	s21 =	smul.u32 $0x2400, s16  }
0x9: {  	s19 =	sshll.u32 s16, $0x6;
	s17 =	smul.u32 $0x580, s16;
	_ =	strace $0x8000004D  }
0xa: {  	s6 =	smul.u32 $0xA0000, s5;
	s14 =	ssub.s32 $0x2, s5;
	p0 =	seq.s32 s5, $0x1  }
0xb: {  	s11 =	sshrl.u32 s1, $0x3;
	s13 =	sshrl.u32 s7, $0x3;
	s18 =	sshrl.u32 s14, $0x1  }
0xc: {  	s1 =	sadd.s32 s1, s2;
	s20 =	sshrl.u32 s15, $0x3;
	s25 =	sshrl.u32 s21, $0x3  }
0xd: {  	s21 =	sadd.s32 s17, s9;
	s11 =	sadd.s32 s11, s0;
	s6 =	sadd.s32 s7, s6  }
0xe: {  	s13 =	sadd.s32 s13, s0;
	s14 =	ssub.s32 s14, s18;
	s7 =	sadd.s32 s7, s3  }
0xf: {  	s22 =	sadd.s32 s8, s20;
	s23 =	sadd.s32 s9, s20;
	s24 =	sor.u32 $0x40, s20  }
0x10: {  	s15 =	sor.u32 $0x40, s25;
	s6 =	sshrl.u32 s6, $0x3;
	[dreg:$0x5] =	wrdreg s7  }
0x11: {  	s11 =	sadd.s32 $0x2200, s11;
	s13 =	sadd.s32 $0x7F200, s13;
	[dreg:$0x7] =	wrdreg s22  }
0x12: {  	[dreg:$0x8] =	wrdreg s23;
	s26 =	sadd.s32 s8, s24;
	s5 =	sadd.s32 s9, s24  }
0x13: {  	s18 =	sadd.s32 s10, s15;
	s20 =	smax.u32 s14, $0x1;
	[dreg:$0x4] =	wrdreg s11  }
0x14: {  	s22 =	sadd.s32 s17, s8;
	s14 =	simm.s32 $0x2;
	[dreg:$0x6] =	wrdreg s13  }
0x15: {  	s9 =	simm.s32 $0x6;
	s7 =	simm.s32 $0x0;
	[dreg:$0x9] =	wrdreg s26  }
0x16: {  	s0 =	sadd.s32 s6, s0;
	s6 =	sor.u32 $0x1C0B, s19;
	[dreg:$0xa] =	wrdreg s5  }
0x17: {  	s11 =	sadd.s32 s10, s25;
	s13 =	sadd.s32 s12, s25;
	[dreg:$0xd] =	wrdreg s18  }
0x18: {  	s5 =	sadd.s32 s12, s15;
	s19 =	smul.u32 $0x480, s16;
	[dreg:$0x10] =	wrdreg s20  }
0x19: {  	s26 =	sshrl.u32 s1, $0x3;
	s18 =	simm.s32 $0x400;
	[dreg:$0xb] =	wrdreg s11  }
0x1a: {  	s1 =	simm.s32 $0x4800;
	s15 =	simm.s32 $0x3;
	[dreg:$0xc] =	wrdreg s13  }
0x1b: {  	s16 =	simm.s32 $0x4;
	[dreg:$0xe] =	wrdreg s5;
	s0 =	sadd.s32 $0x93200, s0  }
0x1c: {  	[dreg:$0x15] =	wrdreg s26;
	s26 =	simm.s32 $0x9;
	s13 =	simm.s32 $0x1  }
0x1d: {  	s11 =	simm.s32 $0x7;
	s5 =	simm.s32 $0x8;
	[dreg:$0xf] =	wrdreg s0  }
.Ltmp0:
0x1e: {  	s0 =	sadd.s32 $0x80, s21;
	s23 =	sadd.s32 s19, s12;
	(pc) =	sbr.rel .LBB2_1-.Ltmp0, $4  }
0x1f: {  	s25 =	sadd.s32 s19, s10;
	[dreg:$0x11] =	wrdreg s0;
	s0 =	sadd.s32 $0x80, s22  }
0x20: {  	s10 =	simm.s32 $0x6800;
	s24 =	sadd.s32 $0x80, s23;
	[dreg:$0x12] =	wrdreg s0  }
0x21: {  	s19 =	simm.s32 $0x600;
	[dreg:$0x13] =	wrdreg s24;
	s0 =	sadd.s32 $0x80, s25  }
0x22: {  	s24 =	simm.s32 $0xB;
	[dreg:$0x14] =	wrdreg s0;
	s0 =	simm.s32 $0x5  }
.LBB2_7:
0x23: {  	[tilespmem:s18], [sflag:$0xA] =	stream.linear.gather [hbm4b:s22+s4], $0x200, $0x38;
	[tilespmem:$0x1C480] =	vst v63  }
0x24: {  	_ =	swait.ge [sflag:s13], $0x2000  }
0x25: {  	[sflag:s13] =	ssyncset.done $0x0  }
0x26: {  	s18 =	simm.s32 $0x400;
	[sflag:s13] =	ssyncadd.s32 $0xFFFFE000  }
0x27: {  	[spmem:s3] =	stream.indirect.scatter.add.f32 [tilespmem:s30], [sflag:$0x5], $0x40, s18, s29, $0xb8;
	[tilespmem:$0x1C480] =	vst v63  }
0x28: {  	_ =	swait.ge [sflag:s14], $0x2000  }
0x29: {  	[sflag:s14] =	ssyncset.done $0x0  }
0x2a: {  	s12 =	simm.s32 $0x480;
	[sflag:s14] =	ssyncadd.s32 $0xFFFFE000  }
0x2b: {  	[spmem:s3] =	stream.indirect.scatter.add.f32 [tilespmem:s31], [sflag:$0x6], $0x40, s12, s29, $0xb8;
	[tilespmem:$0x1C480] =	vst v63  }
0x2c: {  	_ =	swait.ge [sflag:s15], $0x2000  }
0x2d: {  	[sflag:s15] =	ssyncset.done $0x0  }
0x2e: {  	s20 =	simm.s32 $0x500;
	[sflag:s15] =	ssyncadd.s32 $0xFFFFE000  }
0x2f: {  	[spmem:s3] =	stream.indirect.scatter.add.f32 [tilespmem:s1], [sflag:$0x7], $0x40, s20, s29, $0xb8;
	[tilespmem:$0x1C480] =	vst v63  }
0x30: {  	_ =	swait.ge [sflag:s16], $0x2000  }
0x31: {  	[sflag:s16] =	ssyncset.done $0x0  }
0x32: {  	s21 =	simm.s32 $0x580;
	[sflag:s16] =	ssyncadd.s32 $0xFFFFE000  }
0x33: {  	[spmem:s3] =	stream.indirect.scatter.add.f32 [tilespmem:s10], [sflag:$0x8], $0x40, s21, s29, $0xb8;
	[tilespmem:$0x1C480] =	vst v63  }
0x34: {  	_ =	swait.ge [sflag:s0], $0x2000  }
0x35: {  	[sflag:s0] =	ssyncset.done $0x0  }
0x36: {  	[sflag:s0] =	ssyncadd.s32 $0xFFFFE000  }
0x37: {  	_ =	swait.ge [sflag:s9], $0x2000  }
0x38: {  	[sflag:s9] =	ssyncset.done $0x0  }
0x39: {  	[sflag:s9] =	ssyncadd.s32 $0xFFFFE000  }
0x3a: {  	_ =	swait.ge [sflag:s11], $0x2000  }
0x3b: {  	[sflag:s11] =	ssyncset.done $0x0  }
0x3c: {  	[sflag:s11] =	ssyncadd.s32 $0xFFFFE000  }
0x3d: {  	_ =	swait.ge [sflag:s5], $0x2000  }
0x3e: {  	[sflag:s5] =	ssyncset.done $0x0  }
0x3f: {  	[sflag:s5] =	ssyncadd.s32 $0xFFFFE000  }
0x40: {  	_ =	swait.ge [sflag:s26], $0x200  }
0x41: {  	[sflag:s26] =	ssyncset.done $0x0  }
0x42: {  	[sflag:s26] =	ssyncadd.s32 $0xFFFFFE00  }
0x43: {  	_ =	swait.ge [sflag:s28], $0x200  }
0x44: {  	s22 =	sshrl.u32 s17, $0x2;
	[sflag:s28] =	ssyncset.done $0x0  }
0x45: {  	s12 =	sand.u32 $0x200, s22;
	[sflag:s28] =	ssyncadd.s32 $0xFFFFFE00  }
0x46: {  	[tilespmem:s30], [sflag:$0x1] =	stream.indirect.gather [spmem:s2], $0x40, s12, s29, $0xb8;
	[tilespmem:$0x1C480] =	vst v63  }
0x47: {  	s23 =	sor.u32 $0x80, s12  }
0x48: {  	[tilespmem:s31], [sflag:$0x2] =	stream.indirect.gather [spmem:s2], $0x40, s23, s29, $0xb8;
	[tilespmem:$0x1C480] =	vst v63  }
0x49: {  	s25 =	sor.u32 $0x100, s12  }
0x4a: {  	[tilespmem:s1], [sflag:$0x3] =	stream.indirect.gather [spmem:s2], $0x40, s25, s29, $0xb8;
	[tilespmem:$0x1C480] =	vst v63  }
0x4b: {  	s19 =	simm.s32 $0x600;
	s12 =	sor.u32 $0x180, s12  }
0x4c: {  	[tilespmem:s10], [sflag:$0x4] =	stream.indirect.gather [spmem:s2], $0x40, s12, s29, $0xb8;
	[tilespmem:$0x1C480] =	vst v63  }
.LBB2_8:
0x4d: {  	_ =	swait.ge [sflag:s13], $0x2000  }
0x4e: {  	[sflag:s13] =	ssyncset.done $0x0  }
0x4f: {  	[sflag:s13] =	ssyncadd.s32 $0xFFFFE000  }
0x50: {  	[spmem:s3] =	stream.indirect.scatter.add.f32 [tilespmem:s30], [sflag:$0x5], $0x40, s19, s29, $0xb8;
	[tilespmem:$0x1C480] =	vst v63  }
0x51: {  	_ =	swait.ge [sflag:s14], $0x2000  }
0x52: {  	[sflag:s14] =	ssyncset.done $0x0  }
0x53: {  	s12 =	simm.s32 $0x680;
	[sflag:s14] =	ssyncadd.s32 $0xFFFFE000  }
0x54: {  	[spmem:s3] =	stream.indirect.scatter.add.f32 [tilespmem:s31], [sflag:$0x6], $0x40, s12, s29, $0xb8;
	[tilespmem:$0x1C480] =	vst v63  }
0x55: {  	_ =	swait.ge [sflag:s15], $0x2000  }
0x56: {  	[sflag:s15] =	ssyncset.done $0x0  }
0x57: {  	s21 =	simm.s32 $0x700;
	[sflag:s15] =	ssyncadd.s32 $0xFFFFE000  }
0x58: {  	[spmem:s3] =	stream.indirect.scatter.add.f32 [tilespmem:s1], [sflag:$0x7], $0x40, s21, s29, $0xb8;
	[tilespmem:$0x1C480] =	vst v63  }
0x59: {  	_ =	swait.ge [sflag:s16], $0x2000  }
0x5a: {  	[sflag:s16] =	ssyncset.done $0x0  }
0x5b: {  	s22 =	simm.s32 $0x780;
	[sflag:s16] =	ssyncadd.s32 $0xFFFFE000  }
0x5c: {  	[spmem:s3] =	stream.indirect.scatter.add.f32 [tilespmem:s10], [sflag:$0x8], $0x40, s22, s29, $0xb8;
	[tilespmem:$0x1C480] =	vst v63  }
0x5d: {  	_ =	swait.ge [sflag:s0], $0x2000  }
0x5e: {  	[sflag:s0] =	ssyncset.done $0x0  }
0x5f: {  	[sflag:s0] =	ssyncadd.s32 $0xFFFFE000  }
0x60: {  	_ =	swait.ge [sflag:s9], $0x2000  }
0x61: {  	[sflag:s9] =	ssyncset.done $0x0  }
0x62: {  	[sflag:s9] =	ssyncadd.s32 $0xFFFFE000  }
0x63: {  	_ =	swait.ge [sflag:s11], $0x2000  }
0x64: {  	[sflag:s11] =	ssyncset.done $0x0  }
0x65: {  	[sflag:s11] =	ssyncadd.s32 $0xFFFFE000  }
0x66: {  	_ =	swait.ge [sflag:s5], $0x2000  }
0x67: {  	[sflag:s5] =	ssyncset.done $0x0  }
0x68: {  	[sflag:s5] =	ssyncadd.s32 $0xFFFFE000  }
0x69: {  	[bflag:$0x0] =	sbarrier.arrive $0xFFFF  }
0x6a: {  	s23 =	rddreg [dreg:$0xf]  }
0x6b: {  	[hbm:s23], [sflag:s6] =	dma.local [spmem:s8], $0x1400  }
0x6c: {  	_ =	swait.ge [sflag:s24], $0x1400  }
0x6d: {  	s7 =	sadd.s32 $0x1, s7;
	s25 =	rddreg [dreg:$0x10]  }
0x6e: {  	p1 =	sne.s32 s7, s25  }
.Ltmp1:
0x6f: {  	_ = 	snop;
	(pc) =	sbr.rel @!p1 .LBB2_9-.Ltmp1, $3  }
0x70: {  	_ =	sdelay $0x1  }
0x71: {  	[sflag:s24] =	ssyncset.done $0x0  }
0x72: {  	[sflag:s24] =	ssyncadd.s32 $0xFFFFEC00  }
.LBB2_1:
0x73: {  	s8 =	rddreg [dreg:$0x4]  }
0x74: {  	s12 =	rddreg [dreg:$0x15]  }
0x75: {  	[spmem:s12], [sflag:s6] =	dma.local [hbm:s8], $0x1390  }
0x76: {  	_ =	swait.ge [sflag:s24], $0x1390  }
0x77: {  	[sflag:s24] =	ssyncset.done $0x0;
	s23 =	rddreg [dreg:$0x5]  }
0x78: {  	s25 =	rddreg [dreg:$0x6];
	[sflag:s24] =	ssyncadd.s32 $0xFFFFEC70;
	s8 =	sshrl.u32 s23, $0x3  }
0x79: {  	[spmem:s8], [sflag:s6] =	dma.local [hbm:s25], $0x1400  }
.Ltmp2:
0x7a: {  	_ =	swait.ge [sflag:s24], $0x1400;
	(pc) =	sbr.rel @!p0 .LBB2_2-.Ltmp2, $3  }
0x7b: {  	[sflag:s24] =	ssyncset.done $0x0  }
0x7c: {  	[sflag:s24] =	ssyncadd.s32 $0xFFFFEC00  }
0x7d: {  	[bflag:$0x0] =	sbarrier.arrive $0xFFFF;
	_ =	sdelay $0x1  }
0x7e: {  	s12 =	simm.s32 $0x0;
	s17 =	rddreg [dreg:$0xb]  }
0x7f: {  	[tilespmem:s12], [sflag:$0x9] =	stream.linear.gather [hbm4b:s17+s12], $0x200, $0x38;
	[tilespmem:$0x1C480] =	vst v63  }
0x80: {  	s22 =	rddreg [dreg:$0xc]  }
0x81: {  	[tilespmem:s18], [sflag:$0xA] =	stream.linear.gather [hbm4b:s22+s12], $0x200, $0x38;
	[tilespmem:$0x1C480] =	vst v63  }
0x82: {  	_ =	swait.ge [sflag:s26], $0x200  }
0x83: {  	[sflag:s26] =	ssyncset.done $0x0  }
0x84: {  	[sflag:s26] =	ssyncadd.s32 $0xFFFFFE00  }
0x85: {  	_ =	swait.ge [sflag:s28], $0x200  }
0x86: {  	[sflag:s28] =	ssyncset.done $0x0  }
0x87: {  	[sflag:s28] =	ssyncadd.s32 $0xFFFFFE00  }
0x88: {  	[tilespmem:s30], [sflag:$0x1] =	stream.indirect.gather [spmem:s2], $0x40, s12, s29, $0xb8;
	[tilespmem:$0x1C480] =	vst v63  }
0x89: {  	_ = 	snop  }
0x8a: {  	[tilespmem:s31], [sflag:$0x2] =	stream.indirect.gather [spmem:s2], $0x40, s29, s29, $0xb8;
	[tilespmem:$0x1C480] =	vst v63  }
0x8b: {  	s23 =	simm.s32 $0x100  }
0x8c: {  	[tilespmem:s1], [sflag:$0x3] =	stream.indirect.gather [spmem:s2], $0x40, s23, s29, $0xb8;
	[tilespmem:$0x1C480] =	vst v63  }
0x8d: {  	s25 =	simm.s32 $0x180  }
0x8e: {  	[tilespmem:s10], [sflag:$0x4] =	stream.indirect.gather [spmem:s2], $0x40, s25, s29, $0xb8;
	[tilespmem:$0x1C480] =	vst v63  }
0x8f: {  	s20 =	simm.s32 $0x200;
	s18 =	rddreg [dreg:$0xd]  }
0x90: {  	[tilespmem:s20], [sflag:$0x9] =	stream.linear.gather [hbm4b:s18+s12], $0x200, $0x38;
	[tilespmem:$0x1C480] =	vst v63  }
0x91: {  	s21 =	rddreg [dreg:$0xe]  }
0x92: {  	[tilespmem:s19], [sflag:$0xA] =	stream.linear.gather [hbm4b:s21+s12], $0x200, $0x38;
	[tilespmem:$0x1C480] =	vst v63  }
0x93: {  	s22 =	simm.s32 $0x0;
	_ =	swait.ge [sflag:s13], $0x2000  }
0x94: {  	s12 =	sand.u32 $0x200, s22;
	[sflag:s13] =	ssyncset.done $0x0  }
0x95: {  	s18 =	sor.u32 $0x400, s12;
	[sflag:s13] =	ssyncadd.s32 $0xFFFFE000  }
0x96: {  	[spmem:s3] =	stream.indirect.scatter.add.f32 [tilespmem:s30], [sflag:$0x5], $0x40, s18, s29, $0xb8;
	[tilespmem:$0x1C480] =	vst v63  }
0x97: {  	_ =	swait.ge [sflag:s14], $0x2000  }
0x98: {  	[sflag:s14] =	ssyncset.done $0x0  }
0x99: {  	s23 =	sor.u32 $0x480, s12;
	[sflag:s14] =	ssyncadd.s32 $0xFFFFE000  }
0x9a: {  	[spmem:s3] =	stream.indirect.scatter.add.f32 [tilespmem:s31], [sflag:$0x6], $0x40, s23, s29, $0xb8;
	[tilespmem:$0x1C480] =	vst v63  }
0x9b: {  	_ =	swait.ge [sflag:s15], $0x2000  }
0x9c: {  	[sflag:s15] =	ssyncset.done $0x0  }
0x9d: {  	s25 =	sor.u32 $0x500, s12;
	[sflag:s15] =	ssyncadd.s32 $0xFFFFE000  }
0x9e: {  	[spmem:s3] =	stream.indirect.scatter.add.f32 [tilespmem:s1], [sflag:$0x7], $0x40, s25, s29, $0xb8;
	[tilespmem:$0x1C480] =	vst v63  }
0x9f: {  	_ =	swait.ge [sflag:s16], $0x2000  }
0xa0: {  	[sflag:s16] =	ssyncset.done $0x0  }
0xa1: {  	s19 =	sor.u32 $0x580, s12;
	[sflag:s16] =	ssyncadd.s32 $0xFFFFE000  }
0xa2: {  	[spmem:s3] =	stream.indirect.scatter.add.f32 [tilespmem:s10], [sflag:$0x8], $0x40, s19, s29, $0xb8;
	[tilespmem:$0x1C480] =	vst v63  }
0xa3: {  	_ =	swait.ge [sflag:s0], $0x2000  }
0xa4: {  	[sflag:s0] =	ssyncset.done $0x0  }
0xa5: {  	[sflag:s0] =	ssyncadd.s32 $0xFFFFE000  }
0xa6: {  	_ =	swait.ge [sflag:s9], $0x2000  }
0xa7: {  	[sflag:s9] =	ssyncset.done $0x0  }
0xa8: {  	[sflag:s9] =	ssyncadd.s32 $0xFFFFE000  }
0xa9: {  	_ =	swait.ge [sflag:s11], $0x2000  }
0xaa: {  	[sflag:s11] =	ssyncset.done $0x0  }
0xab: {  	[sflag:s11] =	ssyncadd.s32 $0xFFFFE000  }
0xac: {  	_ =	swait.ge [sflag:s5], $0x2000  }
0xad: {  	[sflag:s5] =	ssyncset.done $0x0  }
0xae: {  	[sflag:s5] =	ssyncadd.s32 $0xFFFFE000  }
0xaf: {  	_ =	swait.ge [sflag:s26], $0x200  }
0xb0: {  	[sflag:s26] =	ssyncset.done $0x0  }
0xb1: {  	[sflag:s26] =	ssyncadd.s32 $0xFFFFFE00  }
0xb2: {  	s20 =	simm.s32 $0x800;
	_ =	swait.ge [sflag:s28], $0x200  }
0xb3: {  	s17 =	sand.u32 $0x800, s20;
	[sflag:s28] =	ssyncset.done $0x0  }
0xb4: {  	s17 =	sshrl.u32 s17, $0x2;
	[sflag:s28] =	ssyncadd.s32 $0xFFFFFE00  }
0xb5: {  	[tilespmem:s30], [sflag:$0x1] =	stream.indirect.gather [spmem:s2], $0x40, s17, s29, $0xb8;
	[tilespmem:$0x1C480] =	vst v63  }
0xb6: {  	s21 =	sor.u32 $0x80, s17  }
0xb7: {  	[tilespmem:s31], [sflag:$0x2] =	stream.indirect.gather [spmem:s2], $0x40, s21, s29, $0xb8;
	[tilespmem:$0x1C480] =	vst v63  }
0xb8: {  	s22 =	sor.u32 $0x100, s17;
	s23 =	rddreg [dreg:$0x14]  }
0xb9: {  	[tilespmem:s1], [sflag:$0x3] =	stream.indirect.gather [spmem:s2], $0x40, s22, s29, $0xb8;
	[tilespmem:$0x1C480] =	vst v63  }
0xba: {  	s25 =	simm.s32 $0x1;
	s17 =	sor.u32 $0x180, s17;
	s22 =	rddreg [dreg:$0x13]  }
0xbb: {  	[tilespmem:s10], [sflag:$0x4] =	stream.indirect.gather [spmem:s2], $0x40, s17, s29, $0xb8;
	[tilespmem:$0x1C480] =	vst v63  }
0xbc: {  	s19 =	sadd.s32 $0x40, s23;
	s20 =	sadd.s32 $0x40, s22;
	s17 =	simm.s32 $0x0  }
0xbd: {  	[tilespmem:s12], [sflag:$0x9] =	stream.linear.gather [hbm4b:s23+s4], $0x200, $0x38;
	[tilespmem:$0x1C480] =	vst v63  }
.LBB2_6:
0xbe: {  	[tilespmem:s18], [sflag:$0xA] =	stream.linear.gather [hbm4b:s22+s4], $0x200, $0x38;
	[tilespmem:$0x1C480] =	vst v63  }
0xbf: {  	s21 =	smov.u32 s17;
	s22 =	smov.u32 s20  }
0xc0: {  	s12 =	sshll.u32 s25, $0x9;
	s17 =	sadd.s32 $0x800, s17;
	_ =	swait.ge [sflag:s13], $0x2000  }
0xc1: {  	s23 =	sand.u32 $0x200, s12;
	p1 =	sne.s32 s17, $0x7800;
	[sflag:s13] =	ssyncset.done $0x0  }
0xc2: {  	s18 =	sor.u32 $0x400, s23;
	[sflag:s13] =	ssyncadd.s32 $0xFFFFE000  }
0xc3: {  	[spmem:s3] =	stream.indirect.scatter.add.f32 [tilespmem:s30], [sflag:$0x5], $0x40, s18, s29, $0xb8;
	[tilespmem:$0x1C480] =	vst v63  }
0xc4: {  	_ =	swait.ge [sflag:s14], $0x2000  }
0xc5: {  	[sflag:s14] =	ssyncset.done $0x0  }
0xc6: {  	s12 =	sor.u32 $0x480, s23;
	[sflag:s14] =	ssyncadd.s32 $0xFFFFE000  }
0xc7: {  	[spmem:s3] =	stream.indirect.scatter.add.f32 [tilespmem:s31], [sflag:$0x6], $0x40, s12, s29, $0xb8;
	[tilespmem:$0x1C480] =	vst v63  }
0xc8: {  	_ =	swait.ge [sflag:s15], $0x2000  }
0xc9: {  	[sflag:s15] =	ssyncset.done $0x0  }
0xca: {  	s12 =	sor.u32 $0x500, s23;
	[sflag:s15] =	ssyncadd.s32 $0xFFFFE000  }
0xcb: {  	[spmem:s3] =	stream.indirect.scatter.add.f32 [tilespmem:s1], [sflag:$0x7], $0x40, s12, s29, $0xb8;
	[tilespmem:$0x1C480] =	vst v63  }
0xcc: {  	_ =	swait.ge [sflag:s16], $0x2000  }
0xcd: {  	[sflag:s16] =	ssyncset.done $0x0  }
0xce: {  	s12 =	sor.u32 $0x580, s23;
	[sflag:s16] =	ssyncadd.s32 $0xFFFFE000  }
0xcf: {  	[spmem:s3] =	stream.indirect.scatter.add.f32 [tilespmem:s10], [sflag:$0x8], $0x40, s12, s29, $0xb8;
	[tilespmem:$0x1C480] =	vst v63  }
0xd0: {  	_ =	swait.ge [sflag:s0], $0x2000  }
0xd1: {  	[sflag:s0] =	ssyncset.done $0x0  }
0xd2: {  	[sflag:s0] =	ssyncadd.s32 $0xFFFFE000  }
0xd3: {  	_ =	swait.ge [sflag:s9], $0x2000  }
0xd4: {  	[sflag:s9] =	ssyncset.done $0x0  }
0xd5: {  	[sflag:s9] =	ssyncadd.s32 $0xFFFFE000  }
0xd6: {  	_ =	swait.ge [sflag:s11], $0x2000  }
0xd7: {  	[sflag:s11] =	ssyncset.done $0x0  }
0xd8: {  	[sflag:s11] =	ssyncadd.s32 $0xFFFFE000  }
0xd9: {  	_ =	swait.ge [sflag:s5], $0x2000  }
0xda: {  	[sflag:s5] =	ssyncset.done $0x0  }
0xdb: {  	[sflag:s5] =	ssyncadd.s32 $0xFFFFE000  }
0xdc: {  	_ =	swait.ge [sflag:s26], $0x200  }
0xdd: {  	[sflag:s26] =	ssyncset.done $0x0  }
0xde: {  	[sflag:s26] =	ssyncadd.s32 $0xFFFFFE00  }
0xdf: {  	s12 =	sadd.s32 $0x1000, s21;
	_ =	swait.ge [sflag:s28], $0x200  }
0xe0: {  	s12 =	sand.u32 $0x800, s12;
	[sflag:s28] =	ssyncset.done $0x0  }
0xe1: {  	s12 =	sshrl.u32 s12, $0x2;
	[sflag:s28] =	ssyncadd.s32 $0xFFFFFE00  }
0xe2: {  	[tilespmem:s30], [sflag:$0x1] =	stream.indirect.gather [spmem:s2], $0x40, s12, s29, $0xb8;
	[tilespmem:$0x1C480] =	vst v63  }
0xe3: {  	s21 =	sor.u32 $0x80, s12  }
0xe4: {  	[tilespmem:s31], [sflag:$0x2] =	stream.indirect.gather [spmem:s2], $0x40, s21, s29, $0xb8;
	[tilespmem:$0x1C480] =	vst v63  }
0xe5: {  	s21 =	sor.u32 $0x100, s12  }
0xe6: {  	[tilespmem:s1], [sflag:$0x3] =	stream.indirect.gather [spmem:s2], $0x40, s21, s29, $0xb8;
	[tilespmem:$0x1C480] =	vst v63  }
.Ltmp3:
0xe7: {  	s12 =	sor.u32 $0x180, s12;
	(pc) =	sbr.rel @p1 .LBB2_6-.Ltmp3, $4  }
0xe8: {  	[tilespmem:s10], [sflag:$0x4] =	stream.indirect.gather [spmem:s2], $0x40, s12, s29, $0xb8;
	[tilespmem:$0x1C480] =	vst v63  }
0xe9: {  	_ = 	snop  }
0xea: {  	[tilespmem:s23], [sflag:$0x9] =	stream.linear.gather [hbm4b:s19+s4], $0x200, $0x38;
	[tilespmem:$0x1C480] =	vst v63  }
0xeb: {  	s25 =	sadd.s32 $0x1, s25;
	s20 =	sadd.s32 $0x40, s20;
	s19 =	sadd.s32 $0x40, s19  }
.Ltmp4:
0xec: {  	_ = 	snop;
	(pc) =	sbr.rel .LBB2_7-.Ltmp4, $1  }
0xed: {  	_ =	sdelay $0x3  }
.LBB2_2:
0xee: {  	s17 =	simm.s32 $0x0;
	s12 =	rddreg [dreg:$0x7]  }
0xef: {  	[tilespmem:s17], [sflag:$0x9] =	stream.linear.gather [hbm4b:s12+s17], $0x200, $0x38;
	[tilespmem:$0x1C480] =	vst v63  }
0xf0: {  	s23 =	rddreg [dreg:$0x8]  }
0xf1: {  	[tilespmem:s18], [sflag:$0xA] =	stream.linear.gather [hbm4b:s23+s17], $0x200, $0x38;
	[tilespmem:$0x1C480] =	vst v63  }
0xf2: {  	_ =	swait.ge [sflag:s26], $0x200  }
0xf3: {  	[sflag:s26] =	ssyncset.done $0x0  }
0xf4: {  	[sflag:s26] =	ssyncadd.s32 $0xFFFFFE00  }
0xf5: {  	_ =	swait.ge [sflag:s28], $0x200  }
0xf6: {  	[sflag:s28] =	ssyncset.done $0x0  }
0xf7: {  	[sflag:s28] =	ssyncadd.s32 $0xFFFFFE00  }
0xf8: {  	[tilespmem:s30], [sflag:$0x1] =	stream.indirect.gather [spmem:s2], $0x40, s17, s29, $0xb8;
	[tilespmem:$0x1C480] =	vst v63  }
0xf9: {  	_ = 	snop  }
0xfa: {  	[tilespmem:s31], [sflag:$0x2] =	stream.indirect.gather [spmem:s2], $0x40, s29, s29, $0xb8;
	[tilespmem:$0x1C480] =	vst v63  }
0xfb: {  	s25 =	simm.s32 $0x100  }
0xfc: {  	[tilespmem:s1], [sflag:$0x3] =	stream.indirect.gather [spmem:s2], $0x40, s25, s29, $0xb8;
	[tilespmem:$0x1C480] =	vst v63  }
0xfd: {  	s18 =	simm.s32 $0x180  }
0xfe: {  	[tilespmem:s10], [sflag:$0x4] =	stream.indirect.gather [spmem:s2], $0x40, s18, s29, $0xb8;
	[tilespmem:$0x1C480] =	vst v63  }
0xff: {  	s21 =	simm.s32 $0x200;
	s20 =	rddreg [dreg:$0x9]  }
0x100: {  	[tilespmem:s21], [sflag:$0x9] =	stream.linear.gather [hbm4b:s20+s17], $0x200, $0x38;
	[tilespmem:$0x1C480] =	vst v63  }
0x101: {  	s22 =	rddreg [dreg:$0xa]  }
0x102: {  	[tilespmem:s19], [sflag:$0xA] =	stream.linear.gather [hbm4b:s22+s17], $0x200, $0x38;
	[tilespmem:$0x1C480] =	vst v63  }
0x103: {  	s23 =	simm.s32 $0x0;
	_ =	swait.ge [sflag:s13], $0x2000  }
0x104: {  	s17 =	sand.u32 $0x200, s23;
	[sflag:s13] =	ssyncset.done $0x0  }
0x105: {  	s18 =	sor.u32 $0x400, s17;
	[sflag:s13] =	ssyncadd.s32 $0xFFFFE000  }
0x106: {  	[spmem:s3] =	stream.indirect.scatter.add.f32 [tilespmem:s30], [sflag:$0x5], $0x40, s18, s29, $0xb8;
	[tilespmem:$0x1C480] =	vst v63  }
0x107: {  	_ =	swait.ge [sflag:s14], $0x2000  }
0x108: {  	[sflag:s14] =	ssyncset.done $0x0  }
0x109: {  	s25 =	sor.u32 $0x480, s17;
	[sflag:s14] =	ssyncadd.s32 $0xFFFFE000  }
0x10a: {  	[spmem:s3] =	stream.indirect.scatter.add.f32 [tilespmem:s31], [sflag:$0x6], $0x40, s25, s29, $0xb8;
	[tilespmem:$0x1C480] =	vst v63  }
0x10b: {  	_ =	swait.ge [sflag:s15], $0x2000  }
0x10c: {  	[sflag:s15] =	ssyncset.done $0x0  }
0x10d: {  	s12 =	sor.u32 $0x500, s17;
	[sflag:s15] =	ssyncadd.s32 $0xFFFFE000  }
0x10e: {  	[spmem:s3] =	stream.indirect.scatter.add.f32 [tilespmem:s1], [sflag:$0x7], $0x40, s12, s29, $0xb8;
	[tilespmem:$0x1C480] =	vst v63  }
0x10f: {  	_ =	swait.ge [sflag:s16], $0x2000  }
0x110: {  	[sflag:s16] =	ssyncset.done $0x0  }
0x111: {  	s20 =	sor.u32 $0x580, s17;
	[sflag:s16] =	ssyncadd.s32 $0xFFFFE000  }
0x112: {  	[spmem:s3] =	stream.indirect.scatter.add.f32 [tilespmem:s10], [sflag:$0x8], $0x40, s20, s29, $0xb8;
	[tilespmem:$0x1C480] =	vst v63  }
0x113: {  	_ =	swait.ge [sflag:s0], $0x2000  }
0x114: {  	[sflag:s0] =	ssyncset.done $0x0  }
0x115: {  	[sflag:s0] =	ssyncadd.s32 $0xFFFFE000  }
0x116: {  	_ =	swait.ge [sflag:s9], $0x2000  }
0x117: {  	[sflag:s9] =	ssyncset.done $0x0  }
0x118: {  	[sflag:s9] =	ssyncadd.s32 $0xFFFFE000  }
0x119: {  	_ =	swait.ge [sflag:s11], $0x2000  }
0x11a: {  	[sflag:s11] =	ssyncset.done $0x0  }
0x11b: {  	[sflag:s11] =	ssyncadd.s32 $0xFFFFE000  }
0x11c: {  	_ =	swait.ge [sflag:s5], $0x2000  }
0x11d: {  	[sflag:s5] =	ssyncset.done $0x0  }
0x11e: {  	[sflag:s5] =	ssyncadd.s32 $0xFFFFE000  }
0x11f: {  	_ =	swait.ge [sflag:s26], $0x200  }
0x120: {  	[sflag:s26] =	ssyncset.done $0x0  }
0x121: {  	[sflag:s26] =	ssyncadd.s32 $0xFFFFFE00  }
0x122: {  	s21 =	simm.s32 $0x800;
	_ =	swait.ge [sflag:s28], $0x200  }
0x123: {  	s19 =	sand.u32 $0x800, s21;
	[sflag:s28] =	ssyncset.done $0x0  }
0x124: {  	s19 =	sshrl.u32 s19, $0x2;
	[sflag:s28] =	ssyncadd.s32 $0xFFFFFE00  }
0x125: {  	[tilespmem:s30], [sflag:$0x1] =	stream.indirect.gather [spmem:s2], $0x40, s19, s29, $0xb8;
	[tilespmem:$0x1C480] =	vst v63  }
0x126: {  	s20 =	sor.u32 $0x80, s19  }
0x127: {  	[tilespmem:s31], [sflag:$0x2] =	stream.indirect.gather [spmem:s2], $0x40, s20, s29, $0xb8;
	[tilespmem:$0x1C480] =	vst v63  }
0x128: {  	s22 =	sor.u32 $0x100, s19  }
0x129: {  	[tilespmem:s1], [sflag:$0x3] =	stream.indirect.gather [spmem:s2], $0x40, s22, s29, $0xb8;
	[tilespmem:$0x1C480] =	vst v63  }
0x12a: {  	s23 =	rddreg [dreg:$0x12];
	s19 =	sor.u32 $0x180, s19  }
0x12b: {  	[tilespmem:s10], [sflag:$0x4] =	stream.indirect.gather [spmem:s2], $0x40, s19, s29, $0xb8;
	[tilespmem:$0x1C480] =	vst v63  }
0x12c: {  	s25 =	simm.s32 $0x1;
	s22 =	rddreg [dreg:$0x11]  }
0x12d: {  	[tilespmem:s17], [sflag:$0x9] =	stream.linear.gather [hbm4b:s23+s4], $0x200, $0x38;
	[tilespmem:$0x1C480] =	vst v63  }
0x12e: {  	s20 =	sadd.s32 $0x40, s22;
	s19 =	sadd.s32 $0x40, s23;
	s17 =	simm.s32 $0x0  }
.LBB2_3:
0x12f: {  	[tilespmem:s18], [sflag:$0xA] =	stream.linear.gather [hbm4b:s22+s4], $0x200, $0x38;
	[tilespmem:$0x1C480] =	vst v63  }
0x130: {  	s21 =	smov.u32 s17;
	s22 =	smov.u32 s20  }
0x131: {  	s18 =	sshll.u32 s25, $0x9;
	s17 =	sadd.s32 $0x800, s17;
	_ =	swait.ge [sflag:s13], $0x2000  }
0x132: {  	s23 =	sand.u32 $0x200, s18;
	p1 =	seq.s32 s17, $0x9800;
	[sflag:s13] =	ssyncset.done $0x0  }
0x133: {  	s18 =	sor.u32 $0x400, s23;
	[sflag:s13] =	ssyncadd.s32 $0xFFFFE000  }
0x134: {  	[spmem:s3] =	stream.indirect.scatter.add.f32 [tilespmem:s30], [sflag:$0x5], $0x40, s18, s29, $0xb8;
	[tilespmem:$0x1C480] =	vst v63  }
0x135: {  	_ =	swait.ge [sflag:s14], $0x2000  }
0x136: {  	[sflag:s14] =	ssyncset.done $0x0  }
0x137: {  	s12 =	sor.u32 $0x480, s23;
	[sflag:s14] =	ssyncadd.s32 $0xFFFFE000  }
0x138: {  	[spmem:s3] =	stream.indirect.scatter.add.f32 [tilespmem:s31], [sflag:$0x6], $0x40, s12, s29, $0xb8;
	[tilespmem:$0x1C480] =	vst v63  }
0x139: {  	_ =	swait.ge [sflag:s15], $0x2000  }
0x13a: {  	[sflag:s15] =	ssyncset.done $0x0  }
0x13b: {  	s12 =	sor.u32 $0x500, s23;
	[sflag:s15] =	ssyncadd.s32 $0xFFFFE000  }
0x13c: {  	[spmem:s3] =	stream.indirect.scatter.add.f32 [tilespmem:s1], [sflag:$0x7], $0x40, s12, s29, $0xb8;
	[tilespmem:$0x1C480] =	vst v63  }
0x13d: {  	_ =	swait.ge [sflag:s16], $0x2000  }
0x13e: {  	[sflag:s16] =	ssyncset.done $0x0  }
0x13f: {  	s12 =	sor.u32 $0x580, s23;
	[sflag:s16] =	ssyncadd.s32 $0xFFFFE000  }
0x140: {  	[spmem:s3] =	stream.indirect.scatter.add.f32 [tilespmem:s10], [sflag:$0x8], $0x40, s12, s29, $0xb8;
	[tilespmem:$0x1C480] =	vst v63  }
0x141: {  	_ =	swait.ge [sflag:s0], $0x2000  }
0x142: {  	[sflag:s0] =	ssyncset.done $0x0  }
0x143: {  	[sflag:s0] =	ssyncadd.s32 $0xFFFFE000  }
0x144: {  	_ =	swait.ge [sflag:s9], $0x2000  }
0x145: {  	[sflag:s9] =	ssyncset.done $0x0  }
0x146: {  	[sflag:s9] =	ssyncadd.s32 $0xFFFFE000  }
0x147: {  	_ =	swait.ge [sflag:s11], $0x2000  }
0x148: {  	[sflag:s11] =	ssyncset.done $0x0  }
0x149: {  	[sflag:s11] =	ssyncadd.s32 $0xFFFFE000  }
0x14a: {  	_ =	swait.ge [sflag:s5], $0x2000  }
0x14b: {  	[sflag:s5] =	ssyncset.done $0x0  }
0x14c: {  	[sflag:s5] =	ssyncadd.s32 $0xFFFFE000  }
0x14d: {  	_ =	swait.ge [sflag:s26], $0x200  }
0x14e: {  	[sflag:s26] =	ssyncset.done $0x0  }
0x14f: {  	[sflag:s26] =	ssyncadd.s32 $0xFFFFFE00  }
0x150: {  	s12 =	sadd.s32 $0x1000, s21;
	_ =	swait.ge [sflag:s28], $0x200  }
0x151: {  	s12 =	sand.u32 $0x800, s12;
	[sflag:s28] =	ssyncset.done $0x0  }
0x152: {  	s12 =	sshrl.u32 s12, $0x2;
	[sflag:s28] =	ssyncadd.s32 $0xFFFFFE00  }
0x153: {  	[tilespmem:s30], [sflag:$0x1] =	stream.indirect.gather [spmem:s2], $0x40, s12, s29, $0xb8;
	[tilespmem:$0x1C480] =	vst v63  }
0x154: {  	s21 =	sor.u32 $0x80, s12  }
0x155: {  	[tilespmem:s31], [sflag:$0x2] =	stream.indirect.gather [spmem:s2], $0x40, s21, s29, $0xb8;
	[tilespmem:$0x1C480] =	vst v63  }
0x156: {  	s21 =	sor.u32 $0x100, s12  }
0x157: {  	[tilespmem:s1], [sflag:$0x3] =	stream.indirect.gather [spmem:s2], $0x40, s21, s29, $0xb8;
	[tilespmem:$0x1C480] =	vst v63  }
.Ltmp5:
0x158: {  	s12 =	sor.u32 $0x180, s12;
	(pc) =	sbr.rel @!p1 .LBB2_3-.Ltmp5, $4  }
0x159: {  	[tilespmem:s10], [sflag:$0x4] =	stream.indirect.gather [spmem:s2], $0x40, s12, s29, $0xb8;
	[tilespmem:$0x1C480] =	vst v63  }
0x15a: {  	_ = 	snop  }
0x15b: {  	[tilespmem:s23], [sflag:$0x9] =	stream.linear.gather [hbm4b:s19+s4], $0x200, $0x38;
	[tilespmem:$0x1C480] =	vst v63  }
0x15c: {  	s25 =	sadd.s32 $0x1, s25;
	s20 =	sadd.s32 $0x40, s20;
	s19 =	sadd.s32 $0x40, s19  }
0x15d: {  	[tilespmem:s18], [sflag:$0xA] =	stream.linear.gather [hbm4b:s22+s4], $0x200, $0x38;
	[tilespmem:$0x1C480] =	vst v63  }
0x15e: {  	_ =	swait.ge [sflag:s13], $0x2000  }
0x15f: {  	[sflag:s13] =	ssyncset.done $0x0  }
0x160: {  	s18 =	simm.s32 $0x400;
	[sflag:s13] =	ssyncadd.s32 $0xFFFFE000  }
0x161: {  	[spmem:s3] =	stream.indirect.scatter.add.f32 [tilespmem:s30], [sflag:$0x5], $0x40, s18, s29, $0xb8;
	[tilespmem:$0x1C480] =	vst v63  }
0x162: {  	_ =	swait.ge [sflag:s14], $0x2000  }
0x163: {  	[sflag:s14] =	ssyncset.done $0x0  }
0x164: {  	s12 =	simm.s32 $0x480;
	[sflag:s14] =	ssyncadd.s32 $0xFFFFE000  }
0x165: {  	[spmem:s3] =	stream.indirect.scatter.add.f32 [tilespmem:s31], [sflag:$0x6], $0x40, s12, s29, $0xb8;
	[tilespmem:$0x1C480] =	vst v63  }
0x166: {  	_ =	swait.ge [sflag:s15], $0x2000  }
0x167: {  	[sflag:s15] =	ssyncset.done $0x0  }
0x168: {  	s20 =	simm.s32 $0x500;
	[sflag:s15] =	ssyncadd.s32 $0xFFFFE000  }
0x169: {  	[spmem:s3] =	stream.indirect.scatter.add.f32 [tilespmem:s1], [sflag:$0x7], $0x40, s20, s29, $0xb8;
	[tilespmem:$0x1C480] =	vst v63  }
0x16a: {  	_ =	swait.ge [sflag:s16], $0x2000  }
0x16b: {  	[sflag:s16] =	ssyncset.done $0x0  }
0x16c: {  	s21 =	simm.s32 $0x580;
	[sflag:s16] =	ssyncadd.s32 $0xFFFFE000  }
0x16d: {  	[spmem:s3] =	stream.indirect.scatter.add.f32 [tilespmem:s10], [sflag:$0x8], $0x40, s21, s29, $0xb8;
	[tilespmem:$0x1C480] =	vst v63  }
0x16e: {  	_ =	swait.ge [sflag:s0], $0x2000  }
0x16f: {  	[sflag:s0] =	ssyncset.done $0x0  }
0x170: {  	[sflag:s0] =	ssyncadd.s32 $0xFFFFE000  }
0x171: {  	_ =	swait.ge [sflag:s9], $0x2000  }
0x172: {  	[sflag:s9] =	ssyncset.done $0x0  }
0x173: {  	[sflag:s9] =	ssyncadd.s32 $0xFFFFE000  }
0x174: {  	_ =	swait.ge [sflag:s11], $0x2000  }
0x175: {  	[sflag:s11] =	ssyncset.done $0x0  }
0x176: {  	[sflag:s11] =	ssyncadd.s32 $0xFFFFE000  }
0x177: {  	_ =	swait.ge [sflag:s5], $0x2000  }
0x178: {  	[sflag:s5] =	ssyncset.done $0x0  }
0x179: {  	[sflag:s5] =	ssyncadd.s32 $0xFFFFE000  }
0x17a: {  	_ =	swait.ge [sflag:s26], $0x200  }
0x17b: {  	[sflag:s26] =	ssyncset.done $0x0  }
0x17c: {  	[sflag:s26] =	ssyncadd.s32 $0xFFFFFE00  }
0x17d: {  	_ =	swait.ge [sflag:s28], $0x200  }
0x17e: {  	s22 =	sshrl.u32 s17, $0x2;
	[sflag:s28] =	ssyncset.done $0x0  }
0x17f: {  	s12 =	sand.u32 $0x200, s22;
	[sflag:s28] =	ssyncadd.s32 $0xFFFFFE00  }
0x180: {  	[tilespmem:s30], [sflag:$0x1] =	stream.indirect.gather [spmem:s2], $0x40, s12, s29, $0xb8;
	[tilespmem:$0x1C480] =	vst v63  }
0x181: {  	s23 =	sor.u32 $0x80, s12  }
0x182: {  	[tilespmem:s31], [sflag:$0x2] =	stream.indirect.gather [spmem:s2], $0x40, s23, s29, $0xb8;
	[tilespmem:$0x1C480] =	vst v63  }
.Ltmp6:
0x183: {  	_ = 	snop;
	(pc) =	sbr.rel .LBB2_8-.Ltmp6, $4  }
0x184: {  	s25 =	sor.u32 $0x100, s12  }
0x185: {  	[tilespmem:s1], [sflag:$0x3] =	stream.indirect.gather [spmem:s2], $0x40, s25, s29, $0xb8;
	[tilespmem:$0x1C480] =	vst v63  }
0x186: {  	s19 =	simm.s32 $0x600;
	s12 =	sor.u32 $0x180, s12  }
0x187: {  	[tilespmem:s10], [sflag:$0x4] =	stream.indirect.gather [spmem:s2], $0x40, s12, s29, $0xb8;
	[tilespmem:$0x1C480] =	vst v63  }
.LBB2_9:
0x188: {  	_ =	sfence.sel $0x180000  }
0x189: {  	[bflag:$0x0] =	sbarrier.arrive $0xFFFF  }
0x18a: {  	_ =	strace $0x9000004D  }
0x18b: {  	s0 =	stileid.u32;
	[bflag:$0x2] =	sbarrier.arrive $0xFFFF  }
0x18c: {  	p0 =	sne.s32 s0, $0x0;
	s0 =	rddreg [dreg:$0x3]  }
0x18d: {  	s0 =	sadd.s32 @!p0 $0x100000, s0  }
0x18e: {  	[sflag:s0] =	ssyncadd.tile.s32 @!p0 $0x1;
	_ =	shalt  }
.Lfunc_end2:
_tile_overlayer_lowered:
.L_overlay_start_2:
0x18f: {  	(tag) =	ssettag $0x2  }
0x190: {  	s0 =	rddreg [dreg:$0x0];
	s2 =	stileid.u32  }
0x191: {  	s1 =	rddreg [dreg:$0x1];
	p0 =	sne.s32 s2, $0x0  }
0x192: {  	s3 =	rddreg [dreg:$0x2];
	[bflag:$0x3] =	sbarrier.arrive $0xFFFF;
	s2 =	simm.s32 @!p0 $0x1C0B  }
0x193: {  	[timem:s3], [sflag:s2] =	dma.local @!p0 [hbm:s0], s1  }
0x194: {  	s0 =	simm.s32 @!p0 $0xB  }
0x195: {  	_ =	swait.ge @!p0 [sflag:s0], s1  }
0x196: {  	s1 =	ssub.s32 @!p0 $0x0, s1;
	[sflag:s0] =	ssyncset.done @!p0 $0x0  }
0x197: {  	[sflag:s0] =	ssyncadd.s32 @!p0 s1  }
0x198: {  	[bflag:$0x3] =	sbarrier.arrive $0xFFFF  }
0x199: {  	_ =	shalt  }

// kernel: kernel.9.cloned.1.call-start
scs
__scs_entry_jumppad:
0x0: {  	(pc) =	sbr.rel $0x88, $3  }
0x1: {  	(tag) =	ssettag $0x0;
	lr =	simm.s32 $0x1  }
0x2: {  	[smem:$0x3F97] =	sst lr;
	_ =	strace $0xD0000000  }
0x3: {  	_ = 	snop  }
0x4: {  	_ = 	snop  }
0x5: {  	_ = 	snop  }
0x6: {  	_ = 	snop  }
0x7: {  	_ = 	snop  }
__scs_overlays_trampoline_lowered:
0x8: {  	[smem:$0x3FA6] =	sst s0  }
0x9: {  	[smem:$0x3FA7] =	sst s1  }
0xa: {  	[smem:$0x3FA8] =	sst s2  }
0xb: {  	[smem:$0x3FA9] =	sst s3  }
0xc: {  	[smem:$0x3FAA] =	sst s4  }
0xd: {  	[smem:$0x3FAB] =	sst s5  }
0xe: {  	[smem:$0x3FAC] =	sst s6  }
0xf: {  	[smem:$0x3FAD] =	sst s7  }
0x10: {  	[smem:$0x3FAE] =	sst s8  }
0x11: {  	[smem:$0x3FAF] =	sst s9;
	s0 =	simm.s32 @!p0 $0x0  }
0x12: {  	s1 =	sld [smem:$0x3F95];
	s0 =	simm.s32 @p0 $0x1  }
0x13: {  	[smem:$0x3FB0] =	sst s0;
	s0 =	simm.s32 @!p1 $0x0  }
0x14: {  	s2 =	sld [smem:$0x3F94];
	s0 =	simm.s32 @p1 $0x1  }
0x15: {  	[smem:$0x3FB1] =	sst s0;
	s0 =	simm.s32 @!p2 $0x0  }
0x16: {  	s3 =	sld [smem:$0x3FDB];
	s0 =	simm.s32 @p2 $0x1  }
0x17: {  	s4 =	simm.s32 $0x1BF5;
	[smem:$0x3FB3] =	sst s0  }
0x18: {  	s0 =	sld [smem:$0x3F96];
	_ =	swait.ge [sflag:s4], $0x0  }
0x19: {  	s7 =	sld [smem:$0x3F97]  }
0x1a: {  	s8 =	sadd.s32 $0xFFFFE003, lr  }
0x1b: {  	s9 =	sadd.s32 $0xFFFFFEF7, lr;
	s5 =	simm.s32 $0xFFFFFFFF;
	p2 =	slt.u32 s8, $0xFFFFF086  }
0x1c: {  	p1 =	slt.u32 s9, $0xF7A;
	s5 =	simm.s32 @!p2 $0x0  }
0x1d: {  	s5 =	simm.s32 @p1 $0x1;
	p0 =	seq.s32 s7, s2  }
0x1e: {  	s7 =	smul.u32 @!p0 $0xF7A, s2;
	p2 =	seq.s32 @!p0 s5, $0x0  }
0x1f: {  	s9 =	smul.u32 $0xF7A, s1;
	s8 =	simm.s32 @!p0 $0x1BF5;
	p2 =	por !p2, p0  }
0x20: {  	[sflag:s8] =	ssyncset.s32 @!p0 $0xFFFFF086;
	s6 =	sadd.s32 @!p0 s3, s7;
	s7 =	simm.s32 @!p0 $0x108  }
0x21: {  	s3 =	sadd.s32 s3, s9;
	s6 =	sadd.s32 @!p0 $0x88, s6;
	s7 =	simm.s32 @p2 $0x1082  }
0x22: {  	[simem:s7], [sflag:s8] =	dma.local @!p0 [hbm:s6], $0xF7A  }
0x23: {  	s9 =	sor.u32 $0xD0000000, s2;
	s6 =	simm.s32 $0x108;
	_ =	swait.ge @!p0 [sflag:s8], $0x0  }
0x24: {  	s3 =	sadd.s32 $0x88, s3;
	s6 =	simm.s32 @!p1 $0x1082;
	[sflag:s4] =	ssyncset.s32 $0xFFFFF086  }
0x25: {  	[simem:s6], [sflag:s4] =	dma.local [hbm:s3], $0xF7A  }
0x26: {  	[smem:$0x3F97] =	sst s1;
	(tag) =	ssettag s2;
	_ =	strace s9  }
0x27: {  	s1 =	sld [smem:$0x3FA7]  }
0x28: {  	s2 =	sld [smem:$0x3FA8]  }
0x29: {  	s4 =	sld [smem:$0x3FAA]  }
0x2a: {  	p0 =	seq.s32 s5, $0x0;
	s5 =	sld [smem:$0x3FAB]  }
0x2b: {  	s6 =	sld [smem:$0x3FAC]  }
0x2c: {  	s7 =	sld [smem:$0x3FAD]  }
0x2d: {  	s3 =	simm.s32 $0x108;
	s8 =	sld [smem:$0x3FAE]  }
0x2e: {  	s3 =	simm.s32 @!p0 $0x1082;
	s9 =	sld [smem:$0x3FAF]  }
0x2f: {  	lr =	sadd.s32 s0, s3;
	s0 =	sld [smem:$0x3FA6]  }
0x30: {  	s3 =	sld [smem:$0x3FA9]  }
0x31: {  	[smem:$0x3FB2] =	sst s10  }
0x32: {  	s10 =	sld [smem:$0x3FB0];
	_ =	sdelay $0x3  }
0x33: {  	p0 =	seq.s32 s10, $0x1;
	s10 =	sld [smem:$0x3FB2];
	_ =	sdelay $0x3  }
0x34: {  	[smem:$0x3FB2] =	sst s10  }
0x35: {  	s10 =	sld [smem:$0x3FB1];
	_ =	sdelay $0x3  }
0x36: {  	p1 =	seq.s32 s10, $0x1;
	s10 =	sld [smem:$0x3FB2];
	_ =	sdelay $0x3  }
0x37: {  	[smem:$0x3FB2] =	sst s10  }
0x38: {  	s10 =	sld [smem:$0x3FB3]  }
0x39: {  	_ = 	snop;
	(pc) =	sbr.ind lr, $3  }
0x3a: {  	_ = 	snop  }
0x3b: {  	_ = 	snop  }
0x3c: {  	p2 =	seq.s32 s10, $0x1;
	s10 =	sld [smem:$0x3FB2]  }
0x3d: {  	_ =	shalt  }
0x3e: {  	_ =	shalt  }
0x3f: {  	_ =	shalt  }
0x40: {  	_ =	shalt  }
0x41: {  	_ =	shalt  }
0x42: {  	_ =	shalt  }
0x43: {  	_ =	shalt  }
0x44: {  	_ =	shalt  }
0x45: {  	_ =	shalt  }
0x46: {  	_ =	shalt  }
0x47: {  	_ =	shalt  }
0x48: {  	_ =	shalt  }
0x49: {  	_ =	shalt  }
0x4a: {  	_ =	shalt  }
0x4b: {  	_ =	shalt  }
0x4c: {  	_ =	shalt  }
0x4d: {  	_ =	shalt  }
0x4e: {  	_ =	shalt  }
0x4f: {  	_ =	shalt  }
0x50: {  	_ =	shalt  }
0x51: {  	_ =	shalt  }
0x52: {  	_ =	shalt  }
0x53: {  	_ =	shalt  }
0x54: {  	_ =	shalt  }
0x55: {  	_ =	shalt  }
0x56: {  	_ =	shalt  }
0x57: {  	_ =	shalt  }
0x58: {  	_ =	shalt  }
0x59: {  	_ =	shalt  }
0x5a: {  	_ =	shalt  }
0x5b: {  	_ =	shalt  }
0x5c: {  	_ =	shalt  }
0x5d: {  	_ =	shalt  }
0x5e: {  	_ =	shalt  }
0x5f: {  	_ =	shalt  }
0x60: {  	_ =	shalt  }
0x61: {  	_ =	shalt  }
0x62: {  	_ =	shalt  }
0x63: {  	_ =	shalt  }
0x64: {  	_ =	shalt  }
0x65: {  	_ =	shalt  }
0x66: {  	_ =	shalt  }
0x67: {  	_ =	shalt  }
0x68: {  	_ =	shalt  }
0x69: {  	_ =	shalt  }
0x6a: {  	_ =	shalt  }
0x6b: {  	_ =	shalt  }
0x6c: {  	_ =	shalt  }
0x6d: {  	_ =	shalt  }
0x6e: {  	_ =	shalt  }
0x6f: {  	_ =	shalt  }
0x70: {  	_ =	shalt  }
0x71: {  	_ =	shalt  }
0x72: {  	_ =	shalt  }
0x73: {  	_ =	shalt  }
0x74: {  	_ =	shalt  }
0x75: {  	_ =	shalt  }
0x76: {  	_ =	shalt  }
0x77: {  	_ =	shalt  }
0x78: {  	_ =	shalt  }
0x79: {  	_ =	shalt  }
0x7a: {  	_ =	shalt  }
0x7b: {  	_ =	shalt  }
0x7c: {  	_ =	shalt  }
0x7d: {  	_ =	shalt  }
0x7e: {  	_ =	shalt  }
0x7f: {  	_ =	shalt  }
0x80: {  	_ =	shalt  }
0x81: {  	_ =	shalt  }
0x82: {  	_ =	shalt  }
0x83: {  	_ =	shalt  }
0x84: {  	_ =	shalt  }
0x85: {  	_ =	shalt  }
0x86: {  	_ =	shalt  }
0x87: {  	_ =	shalt  }
.Lfunc_end0:
.L_simem_size_0:
called_computation_lowered:
.L_overlay_start_0:
0x88: {  	s2 =	sld [smem:$0x3FD9]  }
0x89: {  	s3 =	sld [smem:$0x3FFE];
	_ =	sdelay $0x1  }
0x8a: {  	s1 =	srdreg.scid  }
0x8b: {  	s0 =	sand.u32 $0x1, s1  }
0x8c: {  	s17 =	sshll.u32 s0, $0xA;
	s2 =	sadd.s32 s3, s2  }
0x8d: {  	s2 =	sadd.s32 s2, s17  }
0x8e: {  	[smem:$0x3FBE] =	sst s2  }
0x8f: {  	_ = 	snop  }
0x90: {  	s2 =	sld [smem:$0x3FD0];
	(tm) =	ssettm $0x1  }
0x91: {  	s18 =	sld [smem:$0x3FFB];
	_ =	sdelay $0x3  }
0x92: {  	_ =	strace s18  }
0x93: {  	s3 =	sld [smem:$0x3FFC];
	_ =	sdelay $0x3  }
0x94: {  	_ =	strace s3  }
0x95: {  	s3 =	sld [smem:$0x3FFD];
	_ =	sdelay $0x3  }
0x96: {  	_ =	strace s3  }
0x97: {  	_ =	strace $0x8FFFFFFF  }
0x98: {  	s19 =	sld [smem:$0x3FDB];
	_ =	sdelay $0x1  }
0x99: {  	s4 =	simm.s32 $_scs_section_size  }
0x9a: {  	s5 =	simm.s32 $_size__tile_overlayer_lowered;
	s6 =	simm.s32 $_tile_overlayer_lowered  }
0x9b: {  	s22 =	simm.s32 $0x1BFF;
	s21 =	sshll.u32 s6, $0x1;
	s3 =	sadd.s32 s4, s19  }
0x9c: {  	s7 =	simm.s32 $0x0;
	s20 =	sshll.u32 s5, $0x1;
	s5 =	sadd.s32 s21, s3  }
0x9d: {  	[timem:s7], [sflag:s22] =	dma.local [hbm:s5], s20  }
0x9e: {  	_ =	swait.ge [sflag:s22], s20  }
0x9f: {  	s4 =	ssub.s32 $0x0, s20;
	[sflag:s22] =	ssyncset.done $0x0  }
0xa0: {  	[sflag:s22] =	ssyncadd.s32 s4;
	_ =	sdelay $0x1  }
0xa1: {  	s23 =	simm.s32 $0x1B8B  }
0xa2: {  	_ =	swait.ge [sflag:s23], $0x1  }
0xa3: {  	[sflag:s23] =	ssyncset.done $0x0  }
0xa4: {  	s25 =	simm.s32 $0x1B8E;
	s24 =	sld [smem:$0x3FFE];
	[sflag:s23] =	ssyncadd.s32 $0xFFFFFFFF  }
0xa5: {  	s26 =	simm.s32 $execute0_lowered;
	[smem:$0x3FD2] =	sst s25  }
0xa6: {  	s5 =	sshll.u32 s26, $0x1;
	_ =	strace $0x80000046;
	[dreg:$0x1] =	wrdreg $0xFFFFFFFF  }
0xa7: {  	s28 =	simm.s32 $_size_execute0_lowered;
	s3 =	sadd.s32 s3, s5;
	[dreg:$0x0] =	wrdreg $0x0  }
0xa8: {  	s5 =	sshll.u32 s28, $0x1;
	[dreg:$0x2] =	wrdreg s3  }
0xa9: {  	[dreg:$0x3] =	wrdreg s5  }
0xaa: {  	[dreg:$0x4] =	wrdreg $0xC0  }
0xab: {  	_ =	task [dreg:s7], $0x5FFFF  }
0xac: {  	[dreg:$0x1] =	wrdreg $0xFFFFFFFF  }
0xad: {  	[dreg:$0x0] =	wrdreg $0x60  }
0xae: {  	[dreg:$0x2] =	wrdreg s24  }
0xaf: {  	[dreg:$0x3] =	wrdreg s2  }
0xb0: {  	[dreg:$0x4] =	wrdreg $0x30000  }
0xb1: {  	[dreg:$0x5] =	wrdreg $0x9  }
0xb2: {  	_ =	task.clear_ibuf [dreg:s7], $0x6FFFF;
	_ =	strace $0x90000046  }
0xb3: {  	s29 =	simm.s32 $0x9;
	_ =	strace $0x80000048  }
0xb4: {  	_ =	swait.ge [sflag:s29], $0x1  }
0xb5: {  	[sflag:s29] =	ssyncadd.s32 $0xFFFFFFFF  }
0xb6: {  	_ =	strace $0x90000048  }
0xb7: {  	_ =	sfence  }
0xb8: {  	s30 =	sld [smem:$0x0];
	_ =	sdelay $0x2  }
0xb9: {  	s31 =	sshll.u32 s1, $0xD;
	s1 =	sshrl.u32 s1, $0x2  }
0xba: {  	s3 =	sand.u32 $0x4000, s31;
	s1 =	sadd.s32 s1, s30  }
0xbb: {  	s0 =	sor.u32 s3, s0;
	s1 =	sshll.u32 s1, $0x11  }
0xbc: {  	s0 =	sor.u32 s1, s0  }
0xbd: {  	s0 =	sadd.s32 $0x8F2B, s0  }
0xbe: {  	[sflag:s0] =	ssyncadd.remote.s32 $0x1  }
0xbf: {  	_ =	sfence.sel $0xFFFF  }
0xc0: {  	[dreg:$0x0] =	wrdreg $0xFFFFFFFF;
	(pc) =	sbr.abs _section_cstart, $3  }
0xc1: {  	[dreg:$0x1] =	wrdreg $0xFFFFFFFF  }
0xc2: {  	_ =	task.clear_ibuf [dreg:s7], $0x2FFFF;
	_ =	strace $0x9FFFFFFF  }
0xc3: {  	(tm) =	ssettm $0x7FFFFFFF  }
tec
execute0_lowered:
.L_overlay_start_1:
0x0: {  	(tag) =	ssettag $0x1  }
0x1: {  	s6 =	rddreg [dreg:$0x0]  }
0x2: {  	s0 =	srdreg.scid;
	s2 =	rddreg [dreg:$0x1]  }
0x3: {  	s3 =	rddreg [dreg:$0x2];
	s4 =	simm.s32 $0x0;
	s13 =	simm.s32 $0x80  }
0x4: {  	s14 =	simm.s32 $0x0;
	s5 =	sand.u32 $0x1, s0;
	s0 =	stileid.u32  }
0x5: {  	[smem:$0x7FF] =	sst s4;
	s1 =	sshll.u32 s5, $0x4;
	s8 =	smul.u32 $0x2800, s0  }
0x6: {  	s9 =	smul.u32 $0x28000, s5;
	s5 =	ssub.s32 $0x2, s5;
	s1 =	sor.u32 s0, s1  }
0x7: {  	s31 =	sshll.u32 s0, $0x6;
	s11 =	sshrl.u32 s5, $0x1;
	s7 =	smul.u32 $0x500, s1  }
0x8: {  	s1 =	rddreg [dreg:$0x3];
	_ =	strace $0x80000047;
	s9 =	sadd.s32 s8, s9  }
0x9: {  	s10 =	sshrl.u32 s8, $0x3;
	s11 =	ssub.s32 s5, s11;
	s12 =	sadd.s32 s8, s3  }
0xa: {  	s9 =	sshrl.u32 s9, $0x3;
	s10 =	sadd.s32 s10, s6;
	s8 =	smax.u32 s11, $0x1  }
0xb: {  	s11 =	sor.u32 $0x1C01, s31;
	s12 =	sshrl.u32 s12, $0x3;
	s7 =	sadd.s32 s7, s6  }
0xc: {  	s9 =	sadd.s32 s9, s6;
	s6 =	sadd.s32 $0xC200, s10;
	s10 =	simm.s32 $0x2800  }
0xd: {  	s5 =	sadd.s32 $0x2200, s7;
	s7 =	sadd.s32 $0x11200, s9;
	s9 =	simm.s32 $0x1  }
.LBB2_1:
0xe: {  	[tilespmem:s4], [sflag:$0x1] =	stream.linear.gather [hbm4b:s5+s4], $0x2800, $0x38;
	[tilespmem:$0x5800] =	vst v63  }
0xf: {  	_ =	swait.ge [sflag:s9], $0x2800  }
0x10: {  	[sflag:s9] =	ssyncset.done $0x0  }
0x11: {  	[sflag:s9] =	ssyncadd.s32 $0xFFFFD800  }
0x12: {  	[tilespmem:s10], [sflag:$0x1] =	stream.linear.gather [hbm4b:s2+s4], $0x800, $0x38;
	[tilespmem:$0x5800] =	vst v63  }
0x13: {  	_ =	swait.ge [sflag:s9], $0x800  }
0x14: {  	[sflag:s9] =	ssyncset.done $0x0  }
0x15: {  	[sflag:s9] =	ssyncadd.s32 $0xFFFFF800  }
0x16: {  	[spmem:s12], [sflag:s11] =	dma.local [hbm:s6], $0x500  }
0x17: {  	_ =	swait.ge [sflag:s9], $0x500  }
0x18: {  	[sflag:s9] =	ssyncset.done $0x0  }
0x19: {  	[sflag:s9] =	ssyncadd.s32 $0xFFFFFB00  }
0x1a: {  	s15 =	simm.s32 $0x0;
	[bflag:$0x0] =	sbarrier.arrive $0xFFFF  }
0x1b: {  	[spmem:s3] =	stream.indirect.scatter.add.f32 [tilespmem:s10], [sflag:$0x1], $0x10, s15, s13, $0xb8;
	[tilespmem:$0x5800] =	vst v63  }
0x1c: {  	_ =	swait.ge [sflag:s9], $0x800  }
0x1d: {  	s15 =	simm.s32 $0x200;
	[sflag:s9] =	ssyncset.done $0x0  }
.LBB2_2:
0x1e: {  	s16 =	sshra.s32 s15, $0x2;
	[sflag:s9] =	ssyncadd.s32 $0xFFFFF800;
	p0 =	sne.s32 s15, $0x9E00  }
0x1f: {  	[spmem:s3] =	stream.indirect.scatter.add.f32 [tilespmem:s10], [sflag:$0x1], $0x10, s16, s13, $0xb8;
	[tilespmem:$0x5800] =	vst v63  }
.Ltmp0:
0x20: {  	_ = 	snop;
	(pc) =	sbr.rel @p0 .LBB2_2-.Ltmp0, $4  }
0x21: {  	_ = 	snop  }
0x22: {  	s15 =	sadd.s32 $0x200, s15  }
0x23: {  	_ =	swait.ge [sflag:s9], $0x800  }
0x24: {  	[sflag:s9] =	ssyncset.done $0x0  }
0x25: {  	s14 =	sadd.s32 $0x1, s14  }
0x26: {  	[sflag:s9] =	ssyncadd.s32 $0xFFFFF800;
	p0 =	sne.s32 s14, s8  }
.Ltmp1:
0x27: {  	[bflag:$0x0] =	sbarrier.arrive $0xFFFF;
	(pc) =	sbr.rel @p0 .LBB2_1-.Ltmp1, $4  }
0x28: {  	[hbm:s7], [sflag:s11] =	dma.local [spmem:s12], $0x500  }
0x29: {  	_ =	swait.ge [sflag:s9], $0x500  }
0x2a: {  	[sflag:s9] =	ssyncset.done $0x0  }
0x2b: {  	[sflag:s9] =	ssyncadd.s32 $0xFFFFFB00  }
0x2c: {  	_ =	sfence.sel $0x180000  }
0x2d: {  	[bflag:$0x0] =	sbarrier.arrive $0xFFFF  }
0x2e: {  	p0 =	sne.s32 s0, $0x0;
	_ =	strace $0x90000047  }
0x2f: {  	s0 =	sadd.s32 @!p0 $0x100000, s1;
	[bflag:$0x2] =	sbarrier.arrive $0xFFFF  }
0x30: {  	[sflag:s0] =	ssyncadd.tile.s32 @!p0 $0x1;
	_ =	shalt  }
.Lfunc_end2:
_tile_overlayer_lowered:
.L_overlay_start_2:
0x31: {  	(tag) =	ssettag $0x2  }
0x32: {  	s0 =	rddreg [dreg:$0x0];
	s2 =	stileid.u32  }
0x33: {  	s1 =	rddreg [dreg:$0x1];
	p0 =	sne.s32 s2, $0x0  }
0x34: {  	s3 =	rddreg [dreg:$0x2];
	[bflag:$0x3] =	sbarrier.arrive $0xFFFF;
	s2 =	simm.s32 @!p0 $0x1C01  }
0x35: {  	[timem:s3], [sflag:s2] =	dma.local @!p0 [hbm:s0], s1  }
0x36: {  	s0 =	simm.s32 @!p0 $0x1  }
0x37: {  	_ =	swait.ge @!p0 [sflag:s0], s1  }
0x38: {  	s1 =	ssub.s32 @!p0 $0x0, s1;
	[sflag:s0] =	ssyncset.done @!p0 $0x0  }
0x39: {  	[sflag:s0] =	ssyncadd.s32 @!p0 s1  }
0x3a: {  	[bflag:$0x3] =	sbarrier.arrive $0xFFFF  }
0x3b: {  	_ =	shalt  }

</sc_bundles>
